<compile_context>
chip_gen: v7x
topology: tpu7x:2x2x1
jax: 0.10.2.dev20260603
libtpu: 0.0.44.dev20260713+nightly
codegen_flags: <defaults>
</compile_context>

<pallas_src>
import functools
import math

import jax
import jax.numpy as jnp
import numpy as np
from jax import lax
from jax.experimental import pallas as pl
from jax.experimental.pallas import tpu as pltpu
from jax.experimental.pallas import tpu_sc as plsc

VOCAB_N = 100000
D_MODEL_N = 768
BATCH_N = 4
SEQ_N = 2048
SCALE = float(np.sqrt(np.float32(D_MODEL_N), dtype=np.float32))


def _positional_encoding(length, depth):
    depth = depth / 2
    positions = np.arange(length)[:, np.newaxis].astype(np.float64)
    depths = np.arange(depth)[np.newaxis, :] / depth
    with np.errstate(divide="ignore", invalid="ignore"):
        angle_rates = 1.0 / (10000 * depths)
        angle_rads = positions * angle_rates
    return np.concatenate(
        [np.sin(angle_rads), np.cos(angle_rads)], axis=-1
    ).astype(np.float32)


_POS_ENC = _positional_encoding(SEQ_N, D_MODEL_N)

_NC = 2
_NS = 16
_NW = _NC * _NS
_L = 16
_S_PER_W = SEQ_N // _NW
_CH_PER_ROW = D_MODEL_N // _L


def _sc_body(x_hbm, table_hbm, pos_hbm, out_hbm, idx_v, pbuf, rbuf, sem):
    wid = lax.axis_index("s") * _NC + lax.axis_index("c")
    s_off = wid * _S_PER_W
    pltpu.sync_copy(pos_hbm.at[pl.ds(s_off, _S_PER_W)], pbuf)
    for b in range(BATCH_N):
        pltpu.sync_copy(x_hbm.at[b, pl.ds(s_off, _S_PER_W)], idx_v)
        pltpu.async_copy(table_hbm.at[idx_v], rbuf, sem).wait()

        def body(r, carry):
            for c in range(_CH_PER_ROW):
                sl = pl.ds(c * _L, _L)
                rbuf[r, sl] = rbuf[r, sl] * SCALE + pbuf[r, sl]
            return carry

        lax.fori_loop(0, _S_PER_W, body, 0)
        pltpu.sync_copy(rbuf, out_hbm.at[b, pl.ds(s_off, _S_PER_W)])


def kernel(x, table):
    if x.dtype != jnp.int32:
        x = x.astype(jnp.int32)
    pos = jnp.asarray(_POS_ENC)
    mesh = plsc.VectorSubcoreMesh(core_axis_name="c", subcore_axis_name="s")
    run = pl.kernel(
        _sc_body,
        out_type=jax.ShapeDtypeStruct((BATCH_N, SEQ_N, D_MODEL_N), jnp.float32),
        mesh=mesh,
        scratch_types=[
            pltpu.VMEM((_S_PER_W,), jnp.int32),
            pltpu.VMEM((_S_PER_W, D_MODEL_N), jnp.float32),
            pltpu.VMEM((_S_PER_W, D_MODEL_N), jnp.float32),
            pltpu.SemaphoreType.DMA,
        ],
    )
    return run(x, table, pos)

# --- scband reference (transcript-rebuilt; emitter-appended) ---
"""Pipeline reference for scband-positional-embedding-1958505087020 (READ-ONLY COPY).

The authoritative reference and input builder live on the scoring server;
editing this copy changes nothing except your own understanding.
"""

import jax, jax.numpy as jnp
import numpy as np

VOCAB = 100000
D_MODEL = 768
BATCH = 4
SEQ = 2048

def positional_encoding(length, depth):
    depth = depth / 2
    positions = np.arange(length)[:, np.newaxis].astype(np.float64)
    depths = np.arange(depth)[np.newaxis, :] / depth
    with np.errstate(divide='ignore', invalid='ignore'):
        angle_rates = 1.0 / (10000 * depths)
        angle_rads = positions * angle_rates
    pos_encoding = np.concatenate([np.sin(angle_rads), np.cos(angle_rads)], axis=-1)
    return jnp.asarray(pos_encoding, dtype=jnp.float32)

POS_ENC = positional_encoding(2048, D_MODEL)

def setup_inputs(seed: int = 0) -> dict:
    key = jax.random.key(seed)
    k1, k2 = jax.random.split(key)
    x = jax.random.randint(k1, (BATCH, SEQ), 0, VOCAB, dtype=jnp.int64) if jax.config.jax_enable_x64 else jax.random.randint(k1, (BATCH, SEQ), 0, VOCAB, dtype=jnp.int32)
    table = jax.random.normal(k2, (VOCAB, D_MODEL), dtype=jnp.float32)
    return {"x": x, "table": table}

def reference(x, table):
    emb = jnp.take(table, x, axis=0)
    length = x.shape[1]
    emb = emb * jnp.sqrt(jnp.asarray(D_MODEL, dtype=jnp.float32))
    out = emb + POS_ENC[jnp.newaxis, :length, :]
    return out

if __name__ == "__main__":
    import jax
    _d = setup_inputs()
    print(jax.jit(kernel)(*tuple(_d.values())))

</pallas_src>

<mosaic_0001>
#map = affine_map<(d0, d1) -> (0, 0)>
#map1 = affine_map<(d0, d1) -> (0, 0, 0)>
module attributes {stable_mosaic.version = 14 : i64} {
  func.func @_sc_body(%arg0: i32, %arg1: i32, %arg2: memref<4x2048xi32, #tpu.memory_space<hbm>>, %arg3: memref<100000x768xf32, #tpu.memory_space<hbm>>, %arg4: memref<2048x768xf32, #tpu.memory_space<hbm>>, %arg5: memref<4x2048x768xf32, #tpu.memory_space<hbm>>, %arg6: memref<64xi32, #tpu.memory_space<vmem>>, %arg7: memref<64x768xf32, #tpu.memory_space<vmem>>, %arg8: memref<64x768xf32, #tpu.memory_space<vmem>>, %arg9: memref<!tpu.dma_semaphore, #tpu.memory_space<semaphore_mem>>) attributes {dimension_semantics = [#tpu.dimension_semantics<core_parallel>, #tpu.dimension_semantics<subcore_parallel>], iteration_bounds = array<i64: 2, 16>, scalar_prefetch = 0 : i64, scratch_operands = 4 : i64, tpu.core_type = #tpu.core_type<sc_vector_subcore>, window_params = [{transform_indices = #map}, {transform_indices = #map}, {transform_indices = #map}, {transform_indices = #map1}]} {
    %mul3A = arith.constant 2 : i32
    %mul3A_0 = arith.muli %arg1, %mul3A : i32
    %add3A = arith.addi %mul3A_0, %arg0 : i32
    %mul3A_1 = arith.constant 64 : i32
    %mul3A_2 = arith.muli %add3A, %mul3A_1 : i32
    "tpu.region"() ({
      %run_scoped3A_55 = tpu.sem_alloc : memref<!tpu.dma_semaphore, #tpu.memory_space<semaphore_mem>>
      %dma_start3A_56 = arith.constant 0 : i32
      %dma_start3A_57 = tpu.memref_slice %arg4[%mul3A_2, %dma_start3A_56] : memref<2048x768xf32, #tpu.memory_space<hbm>> -> memref<64x768xf32, #tpu.memory_space<hbm>>
      %dma_start3A_58 = arith.constant 0 : i32
      %dma_start3A_59 = tpu.memref_slice %arg4[%mul3A_2, %dma_start3A_58] : memref<2048x768xf32, #tpu.memory_space<hbm>> -> memref<64x768xf32, #tpu.memory_space<hbm>>
      tpu.enqueue_dma source(%dma_start3A_59 : memref<64x768xf32, #tpu.memory_space<hbm>>) target(%arg7 : memref<64x768xf32, #tpu.memory_space<vmem>>) target_semaphore(%run_scoped3A_55 : memref<!tpu.dma_semaphore, #tpu.memory_space<semaphore_mem>>)
      %dma_wait3A_60 = arith.constant 0 : i32
      %dma_wait3A_61 = tpu.memref_slice %arg4[%mul3A_2, %dma_wait3A_60] : memref<2048x768xf32, #tpu.memory_space<hbm>> -> memref<64x768xf32, #tpu.memory_space<hbm>>
      %dma_wait3A_62 = arith.constant 0 : i32
      %dma_wait3A_63 = tpu.memref_slice %arg4[%mul3A_2, %dma_wait3A_62] : memref<2048x768xf32, #tpu.memory_space<hbm>> -> memref<64x768xf32, #tpu.memory_space<hbm>>
      tpu.wait_dma2 semaphore(%run_scoped3A_55 : memref<!tpu.dma_semaphore, #tpu.memory_space<semaphore_mem>>) src(%dma_wait3A_63 : memref<64x768xf32, #tpu.memory_space<hbm>>) dst(%arg7 : memref<64x768xf32, #tpu.memory_space<vmem>>)
      tpu.yield
    }) : () -> ()
    %run_scoped3A = arith.constant 0 : i32
    "tpu.region"() ({
      %run_scoped3A_55 = tpu.sem_alloc : memref<!tpu.dma_semaphore, #tpu.memory_space<semaphore_mem>>
      %dma_start3A_56 = tpu.memref_slice %arg2[%run_scoped3A, %mul3A_2] : memref<4x2048xi32, #tpu.memory_space<hbm>> -> memref<1x64xi32, #tpu.memory_space<hbm>>
      %dma_start3A_57 = tpu.memref_squeeze %dma_start3A_56 : memref<1x64xi32, #tpu.memory_space<hbm>> -> memref<64xi32, #tpu.memory_space<hbm>>
      %dma_start3A_58 = tpu.memref_slice %arg2[%run_scoped3A, %mul3A_2] : memref<4x2048xi32, #tpu.memory_space<hbm>> -> memref<1x64xi32, #tpu.memory_space<hbm>>
      %dma_start3A_59 = tpu.memref_squeeze %dma_start3A_58 : memref<1x64xi32, #tpu.memory_space<hbm>> -> memref<64xi32, #tpu.memory_space<hbm>>
      tpu.enqueue_dma source(%dma_start3A_59 : memref<64xi32, #tpu.memory_space<hbm>>) target(%arg6 : memref<64xi32, #tpu.memory_space<vmem>>) target_semaphore(%run_scoped3A_55 : memref<!tpu.dma_semaphore, #tpu.memory_space<semaphore_mem>>)
      %dma_wait3A_60 = tpu.memref_slice %arg2[%run_scoped3A, %mul3A_2] : memref<4x2048xi32, #tpu.memory_space<hbm>> -> memref<1x64xi32, #tpu.memory_space<hbm>>
      %dma_wait3A_61 = tpu.memref_squeeze %dma_wait3A_60 : memref<1x64xi32, #tpu.memory_space<hbm>> -> memref<64xi32, #tpu.memory_space<hbm>>
      %dma_wait3A_62 = tpu.memref_slice %arg2[%run_scoped3A, %mul3A_2] : memref<4x2048xi32, #tpu.memory_space<hbm>> -> memref<1x64xi32, #tpu.memory_space<hbm>>
      %dma_wait3A_63 = tpu.memref_squeeze %dma_wait3A_62 : memref<1x64xi32, #tpu.memory_space<hbm>> -> memref<64xi32, #tpu.memory_space<hbm>>
      tpu.wait_dma2 semaphore(%run_scoped3A_55 : memref<!tpu.dma_semaphore, #tpu.memory_space<semaphore_mem>>) src(%dma_wait3A_63 : memref<64xi32, #tpu.memory_space<hbm>>) dst(%arg6 : memref<64xi32, #tpu.memory_space<vmem>>)
      tpu.yield
    }) : () -> ()
    %dma_start3A = arith.constant 0 : i32
    %dma_start3A_3 = arith.constant 0 : i32
    %dma_start3A_4 = tpu.memref_slice %arg3[%dma_start3A, %dma_start3A_3] : memref<100000x768xf32, #tpu.memory_space<hbm>> -> memref<100000x768xf32, #tpu.memory_space<hbm>>
    tpu.enqueue_indirect_dma source(%dma_start3A_4 : memref<100000x768xf32, #tpu.memory_space<hbm>>) target(%arg8 : memref<64x768xf32, #tpu.memory_space<vmem>>) offsets(%arg6 : memref<64xi32, #tpu.memory_space<vmem>>) semaphore(%arg9 : memref<!tpu.dma_semaphore, #tpu.memory_space<semaphore_mem>>)
    %dma_wait3A = arith.constant 0 : i32
    %dma_wait3A_5 = arith.constant 0 : i32
    %dma_wait3A_6 = tpu.memref_slice %arg3[%dma_wait3A, %dma_wait3A_5] : memref<100000x768xf32, #tpu.memory_space<hbm>> -> memref<100000x768xf32, #tpu.memory_space<hbm>>
    tpu.wait_indirect_dma semaphore(%arg9 : memref<!tpu.dma_semaphore, #tpu.memory_space<semaphore_mem>>) src(%dma_wait3A_6 : memref<100000x768xf32, #tpu.memory_space<hbm>>) dst(%arg8 : memref<64x768xf32, #tpu.memory_space<vmem>>)
    %scan3A = arith.constant 0 : i32
    %scan3A_7 = arith.constant 0 : i32
    %scan3A_8 = arith.constant 64 : i32
    %scan3A_9 = arith.addi %scan3A_7, %scan3A_8 : i32
    %scan3A_10 = arith.constant 1 : i32
    scf.for %scan3A_55 = %scan3A_7 to %scan3A_9 step %scan3A_10  : i32 {
      %get3A = arith.index_cast %scan3A_55 : i32 to index
      %get3A_56 = arith.constant 0 : index
      %get3A_57 = tpu.vector_load %arg8[%get3A, %get3A_56] {strides = array<i32>} : memref<64x768xf32, #tpu.memory_space<vmem>>, vector<1x16xf32>,
      %get3A_58 = vector.shape_cast %get3A_57 : vector<1x16xf32> to vector<16xf32>
      %mul3A_59 = arith.constant 27.7128124 : f32
      %mul3A_60 = vector.broadcast %mul3A_59 : f32 to vector<16xf32>
      %mul3A_61 = arith.mulf %get3A_58, %mul3A_60 : vector<16xf32>
      %get3A_62 = arith.index_cast %scan3A_55 : i32 to index
      %get3A_63 = arith.constant 0 : index
      %get3A_64 = tpu.vector_load %arg7[%get3A_62, %get3A_63] {strides = array<i32>} : memref<64x768xf32, #tpu.memory_space<vmem>>, vector<1x16xf32>,
      %get3A_65 = vector.shape_cast %get3A_64 : vector<1x16xf32> to vector<16xf32>
      %add3A_66 = arith.addf %mul3A_61, %get3A_65 : vector<16xf32>
      %swap3A = arith.index_cast %scan3A_55 : i32 to index
      %swap3A_67 = arith.constant 0 : index
      %swap3A_68 = tpu.vector_load %arg8[%swap3A, %swap3A_67] {strides = array<i32>} : memref<64x768xf32, #tpu.memory_space<vmem>>, vector<1x16xf32>,
      %swap3A_69 = vector.shape_cast %swap3A_68 : vector<1x16xf32> to vector<16xf32>
      %swap3A_70 = vector.shape_cast %add3A_66 : vector<16xf32> to vector<1x16xf32>
      tpu.vector_store %arg8[%swap3A, %swap3A_67], %swap3A_70 {strides = array<i32>} : memref<64x768xf32, #tpu.memory_space<vmem>>, vector<1x16xf32>,
      %get3A_71 = arith.index_cast %scan3A_55 : i32 to index
      %get3A_72 = arith.constant 16 : index
      %get3A_73 = tpu.vector_load %arg8[%get3A_71, %get3A_72] {strides = array<i32>} : memref<64x768xf32, #tpu.memory_space<vmem>>, vector<1x16xf32>,
      %get3A_74 = vector.shape_cast %get3A_73 : vector<1x16xf32> to vector<16xf32>
      %mul3A_75 = arith.constant 27.7128124 : f32
      %mul3A_76 = vector.broadcast %mul3A_75 : f32 to vector<16xf32>
      %mul3A_77 = arith.mulf %get3A_74, %mul3A_76 : vector<16xf32>
      %get3A_78 = arith.index_cast %scan3A_55 : i32 to index
      %get3A_79 = arith.constant 16 : index
      %get3A_80 = tpu.vector_load %arg7[%get3A_78, %get3A_79] {strides = array<i32>} : memref<64x768xf32, #tpu.memory_space<vmem>>, vector<1x16xf32>,
      %get3A_81 = vector.shape_cast %get3A_80 : vector<1x16xf32> to vector<16xf32>
      %add3A_82 = arith.addf %mul3A_77, %get3A_81 : vector<16xf32>
      %swap3A_83 = arith.index_cast %scan3A_55 : i32 to index
      %swap3A_84 = arith.constant 16 : index
      %swap3A_85 = tpu.vector_load %arg8[%swap3A_83, %swap3A_84] {strides = array<i32>} : memref<64x768xf32, #tpu.memory_space<vmem>>, vector<1x16xf32>,
      %swap3A_86 = vector.shape_cast %swap3A_85 : vector<1x16xf32> to vector<16xf32>
      %swap3A_87 = vector.shape_cast %add3A_82 : vector<16xf32> to vector<1x16xf32>
      tpu.vector_store %arg8[%swap3A_83, %swap3A_84], %swap3A_87 {strides = array<i32>} : memref<64x768xf32, #tpu.memory_space<vmem>>, vector<1x16xf32>,
      %get3A_88 = arith.index_cast %scan3A_55 : i32 to index
      %get3A_89 = arith.constant 32 : index
      %get3A_90 = tpu.vector_load %arg8[%get3A_88, %get3A_89] {strides = array<i32>} : memref<64x768xf32, #tpu.memory_space<vmem>>, vector<1x16xf32>,
      %get3A_91 = vector.shape_cast %get3A_90 : vector<1x16xf32> to vector<16xf32>
      %mul3A_92 = arith.constant 27.7128124 : f32
      %mul3A_93 = vector.broadcast %mul3A_92 : f32 to vector<16xf32>
      %mul3A_94 = arith.mulf %get3A_91, %mul3A_93 : vector<16xf32>
      %get3A_95 = arith.index_cast %scan3A_55 : i32 to index
      %get3A_96 = arith.constant 32 : index
      %get3A_97 = tpu.vector_load %arg7[%get3A_95, %get3A_96] {strides = array<i32>} : memref<64x768xf32, #tpu.memory_space<vmem>>, vector<1x16xf32>,
      %get3A_98 = vector.shape_cast %get3A_97 : vector<1x16xf32> to vector<16xf32>
      %add3A_99 = arith.addf %mul3A_94, %get3A_98 : vector<16xf32>
      %swap3A_100 = arith.index_cast %scan3A_55 : i32 to index
      %swap3A_101 = arith.constant 32 : index
      %swap3A_102 = tpu.vector_load %arg8[%swap3A_100, %swap3A_101] {strides = array<i32>} : memref<64x768xf32, #tpu.memory_space<vmem>>, vector<1x16xf32>,
      %swap3A_103 = vector.shape_cast %swap3A_102 : vector<1x16xf32> to vector<16xf32>
      %swap3A_104 = vector.shape_cast %add3A_99 : vector<16xf32> to vector<1x16xf32>
      tpu.vector_store %arg8[%swap3A_100, %swap3A_101], %swap3A_104 {strides = array<i32>} : memref<64x768xf32, #tpu.memory_space<vmem>>, vector<1x16xf32>,
      %get3A_105 = arith.index_cast %scan3A_55 : i32 to index
      %get3A_106 = arith.constant 48 : index
      %get3A_107 = tpu.vector_load %arg8[%get3A_105, %get3A_106] {strides = array<i32>} : memref<64x768xf32, #tpu.memory_space<vmem>>, vector<1x16xf32>,
      %get3A_108 = vector.shape_cast %get3A_107 : vector<1x16xf32> to vector<16xf32>
      %mul3A_109 = arith.constant 27.7128124 : f32
      %mul3A_110 = vector.broadcast %mul3A_109 : f32 to vector<16xf32>
      %mul3A_111 = arith.mulf %get3A_108, %mul3A_110 : vector<16xf32>
      %get3A_112 = arith.index_cast %scan3A_55 : i32 to index
      %get3A_113 = arith.constant 48 : index
      %get3A_114 = tpu.vector_load %arg7[%get3A_112, %get3A_113] {strides = array<i32>} : memref<64x768xf32, #tpu.memory_space<vmem>>, vector<1x16xf32>,
      %get3A_115 = vector.shape_cast %get3A_114 : vector<1x16xf32> to vector<16xf32>
      %add3A_116 = arith.addf %mul3A_111, %get3A_115 : vector<16xf32>
      %swap3A_117 = arith.index_cast %scan3A_55 : i32 to index
      %swap3A_118 = arith.constant 48 : index
      %swap3A_119 = tpu.vector_load %arg8[%swap3A_117, %swap3A_118] {strides = array<i32>} : memref<64x768xf32, #tpu.memory_space<vmem>>, vector<1x16xf32>,
      %swap3A_120 = vector.shape_cast %swap3A_119 : vector<1x16xf32> to vector<16xf32>
      %swap3A_121 = vector.shape_cast %add3A_116 : vector<16xf32> to vector<1x16xf32>
      tpu.vector_store %arg8[%swap3A_117, %swap3A_118], %swap3A_121 {strides = array<i32>} : memref<64x768xf32, #tpu.memory_space<vmem>>, vector<1x16xf32>,
      %get3A_122 = arith.index_cast %scan3A_55 : i32 to index
      %get3A_123 = arith.constant 64 : index
      %get3A_124 = tpu.vector_load %arg8[%get3A_122, %get3A_123] {strides = array<i32>} : memref<64x768xf32, #tpu.memory_space<vmem>>, vector<1x16xf32>,
      %get3A_125 = vector.shape_cast %get3A_124 : vector<1x16xf32> to vector<16xf32>
      %mul3A_126 = arith.constant 27.7128124 : f32
      %mul3A_127 = vector.broadcast %mul3A_126 : f32 to vector<16xf32>
      %mul3A_128 = arith.mulf %get3A_125, %mul3A_127 : vector<16xf32>
      %get3A_129 = arith.index_cast %scan3A_55 : i32 to index
      %get3A_130 = arith.constant 64 : index
      %get3A_131 = tpu.vector_load %arg7[%get3A_129, %get3A_130] {strides = array<i32>} : memref<64x768xf32, #tpu.memory_space<vmem>>, vector<1x16xf32>,
      %get3A_132 = vector.shape_cast %get3A_131 : vector<1x16xf32> to vector<16xf32>
      %add3A_133 = arith.addf %mul3A_128, %get3A_132 : vector<16xf32>
      %swap3A_134 = arith.index_cast %scan3A_55 : i32 to index
      %swap3A_135 = arith.constant 64 : index
      %swap3A_136 = tpu.vector_load %arg8[%swap3A_134, %swap3A_135] {strides = array<i32>} : memref<64x768xf32, #tpu.memory_space<vmem>>, vector<1x16xf32>,
      %swap3A_137 = vector.shape_cast %swap3A_136 : vector<1x16xf32> to vector<16xf32>
      %swap3A_138 = vector.shape_cast %add3A_133 : vector<16xf32> to vector<1x16xf32>
      tpu.vector_store %arg8[%swap3A_134, %swap3A_135], %swap3A_138 {strides = array<i32>} : memref<64x768xf32, #tpu.memory_space<vmem>>, vector<1x16xf32>,
      %get3A_139 = arith.index_cast %scan3A_55 : i32 to index
      %get3A_140 = arith.constant 80 : index
      %get3A_141 = tpu.vector_load %arg8[%get3A_139, %get3A_140] {strides = array<i32>} : memref<64x768xf32, #tpu.memory_space<vmem>>, vector<1x16xf32>,
      %get3A_142 = vector.shape_cast %get3A_141 : vector<1x16xf32> to vector<16xf32>
      %mul3A_143 = arith.constant 27.7128124 : f32
      %mul3A_144 = vector.broadcast %mul3A_143 : f32 to vector<16xf32>
      %mul3A_145 = arith.mulf %get3A_142, %mul3A_144 : vector<16xf32>
      %get3A_146 = arith.index_cast %scan3A_55 : i32 to index
      %get3A_147 = arith.constant 80 : index
      %get3A_148 = tpu.vector_load %arg7[%get3A_146, %get3A_147] {strides = array<i32>} : memref<64x768xf32, #tpu.memory_space<vmem>>, vector<1x16xf32>,
      %get3A_149 = vector.shape_cast %get3A_148 : vector<1x16xf32> to vector<16xf32>
      %add3A_150 = arith.addf %mul3A_145, %get3A_149 : vector<16xf32>
      %swap3A_151 = arith.index_cast %scan3A_55 : i32 to index
      %swap3A_152 = arith.constant 80 : index
      %swap3A_153 = tpu.vector_load %arg8[%swap3A_151, %swap3A_152] {strides = array<i32>} : memref<64x768xf32, #tpu.memory_space<vmem>>, vector<1x16xf32>,
      %swap3A_154 = vector.shape_cast %swap3A_153 : vector<1x16xf32> to vector<16xf32>
      %swap3A_155 = vector.shape_cast %add3A_150 : vector<16xf32> to vector<1x16xf32>
      tpu.vector_store %arg8[%swap3A_151, %swap3A_152], %swap3A_155 {strides = array<i32>} : memref<64x768xf32, #tpu.memory_space<vmem>>, vector<1x16xf32>,
      %get3A_156 = arith.index_cast %scan3A_55 : i32 to index
      %get3A_157 = arith.constant 96 : index
      %get3A_158 = tpu.vector_load %arg8[%get3A_156, %get3A_157] {strides = array<i32>} : memref<64x768xf32, #tpu.memory_space<vmem>>, vector<1x16xf32>,
      %get3A_159 = vector.shape_cast %get3A_158 : vector<1x16xf32> to vector<16xf32>
      %mul3A_160 = arith.constant 27.7128124 : f32
      %mul3A_161 = vector.broadcast %mul3A_160 : f32 to vector<16xf32>
      %mul3A_162 = arith.mulf %get3A_159, %mul3A_161 : vector<16xf32>
      %get3A_163 = arith.index_cast %scan3A_55 : i32 to index
      %get3A_164 = arith.constant 96 : index
      %get3A_165 = tpu.vector_load %arg7[%get3A_163, %get3A_164] {strides = array<i32>} : memref<64x768xf32, #tpu.memory_space<vmem>>, vector<1x16xf32>,
      %get3A_166 = vector.shape_cast %get3A_165 : vector<1x16xf32> to vector<16xf32>
      %add3A_167 = arith.addf %mul3A_162, %get3A_166 : vector<16xf32>
      %swap3A_168 = arith.index_cast %scan3A_55 : i32 to index
      %swap3A_169 = arith.constant 96 : index
      %swap3A_170 = tpu.vector_load %arg8[%swap3A_168, %swap3A_169] {strides = array<i32>} : memref<64x768xf32, #tpu.memory_space<vmem>>, vector<1x16xf32>,
      %swap3A_171 = vector.shape_cast %swap3A_170 : vector<1x16xf32> to vector<16xf32>
      %swap3A_172 = vector.shape_cast %add3A_167 : vector<16xf32> to vector<1x16xf32>
      tpu.vector_store %arg8[%swap3A_168, %swap3A_169], %swap3A_172 {strides = array<i32>} : memref<64x768xf32, #tpu.memory_space<vmem>>, vector<1x16xf32>,
      %get3A_173 = arith.index_cast %scan3A_55 : i32 to index
      %get3A_174 = arith.constant 112 : index
      %get3A_175 = tpu.vector_load %arg8[%get3A_173, %get3A_174] {strides = array<i32>} : memref<64x768xf32, #tpu.memory_space<vmem>>, vector<1x16xf32>,
      %get3A_176 = vector.shape_cast %get3A_175 : vector<1x16xf32> to vector<16xf32>
      %mul3A_177 = arith.constant 27.7128124 : f32
      %mul3A_178 = vector.broadcast %mul3A_177 : f32 to vector<16xf32>
      %mul3A_179 = arith.mulf %get3A_176, %mul3A_178 : vector<16xf32>
      %get3A_180 = arith.index_cast %scan3A_55 : i32 to index
      %get3A_181 = arith.constant 112 : index
      %get3A_182 = tpu.vector_load %arg7[%get3A_180, %get3A_181] {strides = array<i32>} : memref<64x768xf32, #tpu.memory_space<vmem>>, vector<1x16xf32>,
      %get3A_183 = vector.shape_cast %get3A_182 : vector<1x16xf32> to vector<16xf32>
      %add3A_184 = arith.addf %mul3A_179, %get3A_183 : vector<16xf32>
      %swap3A_185 = arith.index_cast %scan3A_55 : i32 to index
      %swap3A_186 = arith.constant 112 : index
      %swap3A_187 = tpu.vector_load %arg8[%swap3A_185, %swap3A_186] {strides = array<i32>} : memref<64x768xf32, #tpu.memory_space<vmem>>, vector<1x16xf32>,
      %swap3A_188 = vector.shape_cast %swap3A_187 : vector<1x16xf32> to vector<16xf32>
      %swap3A_189 = vector.shape_cast %add3A_184 : vector<16xf32> to vector<1x16xf32>
      tpu.vector_store %arg8[%swap3A_185, %swap3A_186], %swap3A_189 {strides = array<i32>} : memref<64x768xf32, #tpu.memory_space<vmem>>, vector<1x16xf32>,
      %get3A_190 = arith.index_cast %scan3A_55 : i32 to index
      %get3A_191 = arith.constant 128 : index
      %get3A_192 = tpu.vector_load %arg8[%get3A_190, %get3A_191] {strides = array<i32>} : memref<64x768xf32, #tpu.memory_space<vmem>>, vector<1x16xf32>,
      %get3A_193 = vector.shape_cast %get3A_192 : vector<1x16xf32> to vector<16xf32>
      %mul3A_194 = arith.constant 27.7128124 : f32
      %mul3A_195 = vector.broadcast %mul3A_194 : f32 to vector<16xf32>
      %mul3A_196 = arith.mulf %get3A_193, %mul3A_195 : vector<16xf32>
      %get3A_197 = arith.index_cast %scan3A_55 : i32 to index
      %get3A_198 = arith.constant 128 : index
      %get3A_199 = tpu.vector_load %arg7[%get3A_197, %get3A_198] {strides = array<i32>} : memref<64x768xf32, #tpu.memory_space<vmem>>, vector<1x16xf32>,
      %get3A_200 = vector.shape_cast %get3A_199 : vector<1x16xf32> to vector<16xf32>
      %add3A_201 = arith.addf %mul3A_196, %get3A_200 : vector<16xf32>
      %swap3A_202 = arith.index_cast %scan3A_55 : i32 to index
      %swap3A_203 = arith.constant 128 : index
      %swap3A_204 = tpu.vector_load %arg8[%swap3A_202, %swap3A_203] {strides = array<i32>} : memref<64x768xf32, #tpu.memory_space<vmem>>, vector<1x16xf32>,
      %swap3A_205 = vector.shape_cast %swap3A_204 : vector<1x16xf32> to vector<16xf32>
      %swap3A_206 = vector.shape_cast %add3A_201 : vector<16xf32> to vector<1x16xf32>
      tpu.vector_store %arg8[%swap3A_202, %swap3A_203], %swap3A_206 {strides = array<i32>} : memref<64x768xf32, #tpu.memory_space<vmem>>, vector<1x16xf32>,
      %get3A_207 = arith.index_cast %scan3A_55 : i32 to index
      %get3A_208 = arith.constant 144 : index
      %get3A_209 = tpu.vector_load %arg8[%get3A_207, %get3A_208] {strides = array<i32>} : memref<64x768xf32, #tpu.memory_space<vmem>>, vector<1x16xf32>,
      %get3A_210 = vector.shape_cast %get3A_209 : vector<1x16xf32> to vector<16xf32>
      %mul3A_211 = arith.constant 27.7128124 : f32
      %mul3A_212 = vector.broadcast %mul3A_211 : f32 to vector<16xf32>
      %mul3A_213 = arith.mulf %get3A_210, %mul3A_212 : vector<16xf32>
      %get3A_214 = arith.index_cast %scan3A_55 : i32 to index
      %get3A_215 = arith.constant 144 : index
      %get3A_216 = tpu.vector_load %arg7[%get3A_214, %get3A_215] {strides = array<i32>} : memref<64x768xf32, #tpu.memory_space<vmem>>, vector<1x16xf32>,
      %get3A_217 = vector.shape_cast %get3A_216 : vector<1x16xf32> to vector<16xf32>
      %add3A_218 = arith.addf %mul3A_213, %get3A_217 : vector<16xf32>
      %swap3A_219 = arith.index_cast %scan3A_55 : i32 to index
      %swap3A_220 = arith.constant 144 : index
      %swap3A_221 = tpu.vector_load %arg8[%swap3A_219, %swap3A_220] {strides = array<i32>} : memref<64x768xf32, #tpu.memory_space<vmem>>, vector<1x16xf32>,
      %swap3A_222 = vector.shape_cast %swap3A_221 : vector<1x16xf32> to vector<16xf32>
      %swap3A_223 = vector.shape_cast %add3A_218 : vector<16xf32> to vector<1x16xf32>
      tpu.vector_store %arg8[%swap3A_219, %swap3A_220], %swap3A_223 {strides = array<i32>} : memref<64x768xf32, #tpu.memory_space<vmem>>, vector<1x16xf32>,
      %get3A_224 = arith.index_cast %scan3A_55 : i32 to index
      %get3A_225 = arith.constant 160 : index
      %get3A_226 = tpu.vector_load %arg8[%get3A_224, %get3A_225] {strides = array<i32>} : memref<64x768xf32, #tpu.memory_space<vmem>>, vector<1x16xf32>,
      %get3A_227 = vector.shape_cast %get3A_226 : vector<1x16xf32> to vector<16xf32>
      %mul3A_228 = arith.constant 27.7128124 : f32
      %mul3A_229 = vector.broadcast %mul3A_228 : f32 to vector<16xf32>
      %mul3A_230 = arith.mulf %get3A_227, %mul3A_229 : vector<16xf32>
      %get3A_231 = arith.index_cast %scan3A_55 : i32 to index
      %get3A_232 = arith.constant 160 : index
      %get3A_233 = tpu.vector_load %arg7[%get3A_231, %get3A_232] {strides = array<i32>} : memref<64x768xf32, #tpu.memory_space<vmem>>, vector<1x16xf32>,
      %get3A_234 = vector.shape_cast %get3A_233 : vector<1x16xf32> to vector<16xf32>
      %add3A_235 = arith.addf %mul3A_230, %get3A_234 : vector<16xf32>
      %swap3A_236 = arith.index_cast %scan3A_55 : i32 to index
      %swap3A_237 = arith.constant 160 : index
      %swap3A_238 = tpu.vector_load %arg8[%swap3A_236, %swap3A_237] {strides = array<i32>} : memref<64x768xf32, #tpu.memory_space<vmem>>, vector<1x16xf32>,
      %swap3A_239 = vector.shape_cast %swap3A_238 : vector<1x16xf32> to vector<16xf32>
      %swap3A_240 = vector.shape_cast %add3A_235 : vector<16xf32> to vector<1x16xf32>
      tpu.vector_store %arg8[%swap3A_236, %swap3A_237], %swap3A_240 {strides = array<i32>} : memref<64x768xf32, #tpu.memory_space<vmem>>, vector<1x16xf32>,
      %get3A_241 = arith.index_cast %scan3A_55 : i32 to index
      %get3A_242 = arith.constant 176 : index
      %get3A_243 = tpu.vector_load %arg8[%get3A_241, %get3A_242] {strides = array<i32>} : memref<64x768xf32, #tpu.memory_space<vmem>>, vector<1x16xf32>,
      %get3A_244 = vector.shape_cast %get3A_243 : vector<1x16xf32> to vector<16xf32>
      %mul3A_245 = arith.constant 27.7128124 : f32
      %mul3A_246 = vector.broadcast %mul3A_245 : f32 to vector<16xf32>
      %mul3A_247 = arith.mulf %get3A_244, %mul3A_246 : vector<16xf32>
      %get3A_248 = arith.index_cast %scan3A_55 : i32 to index
      %get3A_249 = arith.constant 176 : index
      %get3A_250 = tpu.vector_load %arg7[%get3A_248, %get3A_249] {strides = array<i32>} : memref<64x768xf32, #tpu.memory_space<vmem>>, vector<1x16xf32>,
      %get3A_251 = vector.shape_cast %get3A_250 : vector<1x16xf32> to vector<16xf32>
      %add3A_252 = arith.addf %mul3A_247, %get3A_251 : vector<16xf32>
      %swap3A_253 = arith.index_cast %scan3A_55 : i32 to index
      %swap3A_254 = arith.constant 176 : index
      %swap3A_255 = tpu.vector_load %arg8[%swap3A_253, %swap3A_254] {strides = array<i32>} : memref<64x768xf32, #tpu.memory_space<vmem>>, vector<1x16xf32>,
      %swap3A_256 = vector.shape_cast %swap3A_255 : vector<1x16xf32> to vector<16xf32>
      %swap3A_257 = vector.shape_cast %add3A_252 : vector<16xf32> to vector<1x16xf32>
      tpu.vector_store %arg8[%swap3A_253, %swap3A_254], %swap3A_257 {strides = array<i32>} : memref<64x768xf32, #tpu.memory_space<vmem>>, vector<1x16xf32>,
      %get3A_258 = arith.index_cast %scan3A_55 : i32 to index
      %get3A_259 = arith.constant 192 : index
      %get3A_260 = tpu.vector_load %arg8[%get3A_258, %get3A_259] {strides = array<i32>} : memref<64x768xf32, #tpu.memory_space<vmem>>, vector<1x16xf32>,
      %get3A_261 = vector.shape_cast %get3A_260 : vector<1x16xf32> to vector<16xf32>
      %mul3A_262 = arith.constant 27.7128124 : f32
      %mul3A_263 = vector.broadcast %mul3A_262 : f32 to vector<16xf32>
      %mul3A_264 = arith.mulf %get3A_261, %mul3A_263 : vector<16xf32>
      %get3A_265 = arith.index_cast %scan3A_55 : i32 to index
      %get3A_266 = arith.constant 192 : index
      %get3A_267 = tpu.vector_load %arg7[%get3A_265, %get3A_266] {strides = array<i32>} : memref<64x768xf32, #tpu.memory_space<vmem>>, vector<1x16xf32>,
      %get3A_268 = vector.shape_cast %get3A_267 : vector<1x16xf32> to vector<16xf32>
      %add3A_269 = arith.addf %mul3A_264, %get3A_268 : vector<16xf32>
      %swap3A_270 = arith.index_cast %scan3A_55 : i32 to index
      %swap3A_271 = arith.constant 192 : index
      %swap3A_272 = tpu.vector_load %arg8[%swap3A_270, %swap3A_271] {strides = array<i32>} : memref<64x768xf32, #tpu.memory_space<vmem>>, vector<1x16xf32>,
      %swap3A_273 = vector.shape_cast %swap3A_272 : vector<1x16xf32> to vector<16xf32>
      %swap3A_274 = vector.shape_cast %add3A_269 : vector<16xf32> to vector<1x16xf32>
      tpu.vector_store %arg8[%swap3A_270, %swap3A_271], %swap3A_274 {strides = array<i32>} : memref<64x768xf32, #tpu.memory_space<vmem>>, vector<1x16xf32>,
      %get3A_275 = arith.index_cast %scan3A_55 : i32 to index
      %get3A_276 = arith.constant 208 : index
      %get3A_277 = tpu.vector_load %arg8[%get3A_275, %get3A_276] {strides = array<i32>} : memref<64x768xf32, #tpu.memory_space<vmem>>, vector<1x16xf32>,
      %get3A_278 = vector.shape_cast %get3A_277 : vector<1x16xf32> to vector<16xf32>
      %mul3A_279 = arith.constant 27.7128124 : f32
      %mul3A_280 = vector.broadcast %mul3A_279 : f32 to vector<16xf32>
      %mul3A_281 = arith.mulf %get3A_278, %mul3A_280 : vector<16xf32>
      %get3A_282 = arith.index_cast %scan3A_55 : i32 to index
      %get3A_283 = arith.constant 208 : index
      %get3A_284 = tpu.vector_load %arg7[%get3A_282, %get3A_283] {strides = array<i32>} : memref<64x768xf32, #tpu.memory_space<vmem>>, vector<1x16xf32>,
      %get3A_285 = vector.shape_cast %get3A_284 : vector<1x16xf32> to vector<16xf32>
      %add3A_286 = arith.addf %mul3A_281, %get3A_285 : vector<16xf32>
      %swap3A_287 = arith.index_cast %scan3A_55 : i32 to index
      %swap3A_288 = arith.constant 208 : index
      %swap3A_289 = tpu.vector_load %arg8[%swap3A_287, %swap3A_288] {strides = array<i32>} : memref<64x768xf32, #tpu.memory_space<vmem>>, vector<1x16xf32>,
      %swap3A_290 = vector.shape_cast %swap3A_289 : vector<1x16xf32> to vector<16xf32>
      %swap3A_291 = vector.shape_cast %add3A_286 : vector<16xf32> to vector<1x16xf32>
      tpu.vector_store %arg8[%swap3A_287, %swap3A_288], %swap3A_291 {strides = array<i32>} : memref<64x768xf32, #tpu.memory_space<vmem>>, vector<1x16xf32>,
      %get3A_292 = arith.index_cast %scan3A_55 : i32 to index
      %get3A_293 = arith.constant 224 : index
      %get3A_294 = tpu.vector_load %arg8[%get3A_292, %get3A_293] {strides = array<i32>} : memref<64x768xf32, #tpu.memory_space<vmem>>, vector<1x16xf32>,
      %get3A_295 = vector.shape_cast %get3A_294 : vector<1x16xf32> to vector<16xf32>
      %mul3A_296 = arith.constant 27.7128124 : f32
      %mul3A_297 = vector.broadcast %mul3A_296 : f32 to vector<16xf32>
      %mul3A_298 = arith.mulf %get3A_295, %mul3A_297 : vector<16xf32>
      %get3A_299 = arith.index_cast %scan3A_55 : i32 to index
      %get3A_300 = arith.constant 224 : index
      %get3A_301 = tpu.vector_load %arg7[%get3A_299, %get3A_300] {strides = array<i32>} : memref<64x768xf32, #tpu.memory_space<vmem>>, vector<1x16xf32>,
      %get3A_302 = vector.shape_cast %get3A_301 : vector<1x16xf32> to vector<16xf32>
      %add3A_303 = arith.addf %mul3A_298, %get3A_302 : vector<16xf32>
      %swap3A_304 = arith.index_cast %scan3A_55 : i32 to index
      %swap3A_305 = arith.constant 224 : index
      %swap3A_306 = tpu.vector_load %arg8[%swap3A_304, %swap3A_305] {strides = array<i32>} : memref<64x768xf32, #tpu.memory_space<vmem>>, vector<1x16xf32>,
      %swap3A_307 = vector.shape_cast %swap3A_306 : vector<1x16xf32> to vector<16xf32>
      %swap3A_308 = vector.shape_cast %add3A_303 : vector<16xf32> to vector<1x16xf32>
      tpu.vector_store %arg8[%swap3A_304, %swap3A_305], %swap3A_308 {strides = array<i32>} : memref<64x768xf32, #tpu.memory_space<vmem>>, vector<1x16xf32>,
      %get3A_309 = arith.index_cast %scan3A_55 : i32 to index
      %get3A_310 = arith.constant 240 : index
      %get3A_311 = tpu.vector_load %arg8[%get3A_309, %get3A_310] {strides = array<i32>} : memref<64x768xf32, #tpu.memory_space<vmem>>, vector<1x16xf32>,
      %get3A_312 = vector.shape_cast %get3A_311 : vector<1x16xf32> to vector<16xf32>
      %mul3A_313 = arith.constant 27.7128124 : f32
      %mul3A_314 = vector.broadcast %mul3A_313 : f32 to vector<16xf32>
      %mul3A_315 = arith.mulf %get3A_312, %mul3A_314 : vector<16xf32>
      %get3A_316 = arith.index_cast %scan3A_55 : i32 to index
      %get3A_317 = arith.constant 240 : index
      %get3A_318 = tpu.vector_load %arg7[%get3A_316, %get3A_317] {strides = array<i32>} : memref<64x768xf32, #tpu.memory_space<vmem>>, vector<1x16xf32>,
      %get3A_319 = vector.shape_cast %get3A_318 : vector<1x16xf32> to vector<16xf32>
      %add3A_320 = arith.addf %mul3A_315, %get3A_319 : vector<16xf32>
      %swap3A_321 = arith.index_cast %scan3A_55 : i32 to index
      %swap3A_322 = arith.constant 240 : index
      %swap3A_323 = tpu.vector_load %arg8[%swap3A_321, %swap3A_322] {strides = array<i32>} : memref<64x768xf32, #tpu.memory_space<vmem>>, vector<1x16xf32>,
      %swap3A_324 = vector.shape_cast %swap3A_323 : vector<1x16xf32> to vector<16xf32>
      %swap3A_325 = vector.shape_cast %add3A_320 : vector<16xf32> to vector<1x16xf32>
      tpu.vector_store %arg8[%swap3A_321, %swap3A_322], %swap3A_325 {strides = array<i32>} : memref<64x768xf32, #tpu.memory_space<vmem>>, vector<1x16xf32>,
      %get3A_326 = arith.index_cast %scan3A_55 : i32 to index
      %get3A_327 = arith.constant 256 : index
      %get3A_328 = tpu.vector_load %arg8[%get3A_326, %get3A_327] {strides = array<i32>} : memref<64x768xf32, #tpu.memory_space<vmem>>, vector<1x16xf32>,
      %get3A_329 = vector.shape_cast %get3A_328 : vector<1x16xf32> to vector<16xf32>
      %mul3A_330 = arith.constant 27.7128124 : f32
      %mul3A_331 = vector.broadcast %mul3A_330 : f32 to vector<16xf32>
      %mul3A_332 = arith.mulf %get3A_329, %mul3A_331 : vector<16xf32>
      %get3A_333 = arith.index_cast %scan3A_55 : i32 to index
      %get3A_334 = arith.constant 256 : index
      %get3A_335 = tpu.vector_load %arg7[%get3A_333, %get3A_334] {strides = array<i32>} : memref<64x768xf32, #tpu.memory_space<vmem>>, vector<1x16xf32>,
      %get3A_336 = vector.shape_cast %get3A_335 : vector<1x16xf32> to vector<16xf32>
      %add3A_337 = arith.addf %mul3A_332, %get3A_336 : vector<16xf32>
      %swap3A_338 = arith.index_cast %scan3A_55 : i32 to index
      %swap3A_339 = arith.constant 256 : index
      %swap3A_340 = tpu.vector_load %arg8[%swap3A_338, %swap3A_339] {strides = array<i32>} : memref<64x768xf32, #tpu.memory_space<vmem>>, vector<1x16xf32>,
      %swap3A_341 = vector.shape_cast %swap3A_340 : vector<1x16xf32> to vector<16xf32>
      %swap3A_342 = vector.shape_cast %add3A_337 : vector<16xf32> to vector<1x16xf32>
      tpu.vector_store %arg8[%swap3A_338, %swap3A_339], %swap3A_342 {strides = array<i32>} : memref<64x768xf32, #tpu.memory_space<vmem>>, vector<1x16xf32>,
      %get3A_343 = arith.index_cast %scan3A_55 : i32 to index
      %get3A_344 = arith.constant 272 : index
      %get3A_345 = tpu.vector_load %arg8[%get3A_343, %get3A_344] {strides = array<i32>} : memref<64x768xf32, #tpu.memory_space<vmem>>, vector<1x16xf32>,
      %get3A_346 = vector.shape_cast %get3A_345 : vector<1x16xf32> to vector<16xf32>
      %mul3A_347 = arith.constant 27.7128124 : f32
      %mul3A_348 = vector.broadcast %mul3A_347 : f32 to vector<16xf32>
      %mul3A_349 = arith.mulf %get3A_346, %mul3A_348 : vector<16xf32>
      %get3A_350 = arith.index_cast %scan3A_55 : i32 to index
      %get3A_351 = arith.constant 272 : index
      %get3A_352 = tpu.vector_load %arg7[%get3A_350, %get3A_351] {strides = array<i32>} : memref<64x768xf32, #tpu.memory_space<vmem>>, vector<1x16xf32>,
      %get3A_353 = vector.shape_cast %get3A_352 : vector<1x16xf32> to vector<16xf32>
      %add3A_354 = arith.addf %mul3A_349, %get3A_353 : vector<16xf32>
      %swap3A_355 = arith.index_cast %scan3A_55 : i32 to index
      %swap3A_356 = arith.constant 272 : index
      %swap3A_357 = tpu.vector_load %arg8[%swap3A_355, %swap3A_356] {strides = array<i32>} : memref<64x768xf32, #tpu.memory_space<vmem>>, vector<1x16xf32>,
      %swap3A_358 = vector.shape_cast %swap3A_357 : vector<1x16xf32> to vector<16xf32>
      %swap3A_359 = vector.shape_cast %add3A_354 : vector<16xf32> to vector<1x16xf32>
      tpu.vector_store %arg8[%swap3A_355, %swap3A_356], %swap3A_359 {strides = array<i32>} : memref<64x768xf32, #tpu.memory_space<vmem>>, vector<1x16xf32>,
      %get3A_360 = arith.index_cast %scan3A_55 : i32 to index
      %get3A_361 = arith.constant 288 : index
      %get3A_362 = tpu.vector_load %arg8[%get3A_360, %get3A_361] {strides = array<i32>} : memref<64x768xf32, #tpu.memory_space<vmem>>, vector<1x16xf32>,
      %get3A_363 = vector.shape_cast %get3A_362 : vector<1x16xf32> to vector<16xf32>
      %mul3A_364 = arith.constant 27.7128124 : f32
      %mul3A_365 = vector.broadcast %mul3A_364 : f32 to vector<16xf32>
      %mul3A_366 = arith.mulf %get3A_363, %mul3A_365 : vector<16xf32>
      %get3A_367 = arith.index_cast %scan3A_55 : i32 to index
      %get3A_368 = arith.constant 288 : index
      %get3A_369 = tpu.vector_load %arg7[%get3A_367, %get3A_368] {strides = array<i32>} : memref<64x768xf32, #tpu.memory_space<vmem>>, vector<1x16xf32>,
      %get3A_370 = vector.shape_cast %get3A_369 : vector<1x16xf32> to vector<16xf32>
      %add3A_371 = arith.addf %mul3A_366, %get3A_370 : vector<16xf32>
      %swap3A_372 = arith.index_cast %scan3A_55 : i32 to index
      %swap3A_373 = arith.constant 288 : index
      %swap3A_374 = tpu.vector_load %arg8[%swap3A_372, %swap3A_373] {strides = array<i32>} : memref<64x768xf32, #tpu.memory_space<vmem>>, vector<1x16xf32>,
      %swap3A_375 = vector.shape_cast %swap3A_374 : vector<1x16xf32> to vector<16xf32>
      %swap3A_376 = vector.shape_cast %add3A_371 : vector<16xf32> to vector<1x16xf32>
      tpu.vector_store %arg8[%swap3A_372, %swap3A_373], %swap3A_376 {strides = array<i32>} : memref<64x768xf32, #tpu.memory_space<vmem>>, vector<1x16xf32>,
      %get3A_377 = arith.index_cast %scan3A_55 : i32 to index
      %get3A_378 = arith.constant 304 : index
      %get3A_379 = tpu.vector_load %arg8[%get3A_377, %get3A_378] {strides = array<i32>} : memref<64x768xf32, #tpu.memory_space<vmem>>, vector<1x16xf32>,
      %get3A_380 = vector.shape_cast %get3A_379 : vector<1x16xf32> to vector<16xf32>
      %mul3A_381 = arith.constant 27.7128124 : f32
      %mul3A_382 = vector.broadcast %mul3A_381 : f32 to vector<16xf32>
      %mul3A_383 = arith.mulf %get3A_380, %mul3A_382 : vector<16xf32>
      %get3A_384 = arith.index_cast %scan3A_55 : i32 to index
      %get3A_385 = arith.constant 304 : index
      %get3A_386 = tpu.vector_load %arg7[%get3A_384, %get3A_385] {strides = array<i32>} : memref<64x768xf32, #tpu.memory_space<vmem>>, vector<1x16xf32>,
      %get3A_387 = vector.shape_cast %get3A_386 : vector<1x16xf32> to vector<16xf32>
      %add3A_388 = arith.addf %mul3A_383, %get3A_387 : vector<16xf32>
      %swap3A_389 = arith.index_cast %scan3A_55 : i32 to index
      %swap3A_390 = arith.constant 304 : index
      %swap3A_391 = tpu.vector_load %arg8[%swap3A_389, %swap3A_390] {strides = array<i32>} : memref<64x768xf32, #tpu.memory_space<vmem>>, vector<1x16xf32>,
      %swap3A_392 = vector.shape_cast %swap3A_391 : vector<1x16xf32> to vector<16xf32>
      %swap3A_393 = vector.shape_cast %add3A_388 : vector<16xf32> to vector<1x16xf32>
      tpu.vector_store %arg8[%swap3A_389, %swap3A_390], %swap3A_393 {strides = array<i32>} : memref<64x768xf32, #tpu.memory_space<vmem>>, vector<1x16xf32>,
      %get3A_394 = arith.index_cast %scan3A_55 : i32 to index
      %get3A_395 = arith.constant 320 : index
      %get3A_396 = tpu.vector_load %arg8[%get3A_394, %get3A_395] {strides = array<i32>} : memref<64x768xf32, #tpu.memory_space<vmem>>, vector<1x16xf32>,
      %get3A_397 = vector.shape_cast %get3A_396 : vector<1x16xf32> to vector<16xf32>
      %mul3A_398 = arith.constant 27.7128124 : f32
      %mul3A_399 = vector.broadcast %mul3A_398 : f32 to vector<16xf32>
      %mul3A_400 = arith.mulf %get3A_397, %mul3A_399 : vector<16xf32>
      %get3A_401 = arith.index_cast %scan3A_55 : i32 to index
      %get3A_402 = arith.constant 320 : index
      %get3A_403 = tpu.vector_load %arg7[%get3A_401, %get3A_402] {strides = array<i32>} : memref<64x768xf32, #tpu.memory_space<vmem>>, vector<1x16xf32>,
      %get3A_404 = vector.shape_cast %get3A_403 : vector<1x16xf32> to vector<16xf32>
      %add3A_405 = arith.addf %mul3A_400, %get3A_404 : vector<16xf32>
      %swap3A_406 = arith.index_cast %scan3A_55 : i32 to index
      %swap3A_407 = arith.constant 320 : index
      %swap3A_408 = tpu.vector_load %arg8[%swap3A_406, %swap3A_407] {strides = array<i32>} : memref<64x768xf32, #tpu.memory_space<vmem>>, vector<1x16xf32>,
      %swap3A_409 = vector.shape_cast %swap3A_408 : vector<1x16xf32> to vector<16xf32>
      %swap3A_410 = vector.shape_cast %add3A_405 : vector<16xf32> to vector<1x16xf32>
      tpu.vector_store %arg8[%swap3A_406, %swap3A_407], %swap3A_410 {strides = array<i32>} : memref<64x768xf32, #tpu.memory_space<vmem>>, vector<1x16xf32>,
      %get3A_411 = arith.index_cast %scan3A_55 : i32 to index
      %get3A_412 = arith.constant 336 : index
      %get3A_413 = tpu.vector_load %arg8[%get3A_411, %get3A_412] {strides = array<i32>} : memref<64x768xf32, #tpu.memory_space<vmem>>, vector<1x16xf32>,
      %get3A_414 = vector.shape_cast %get3A_413 : vector<1x16xf32> to vector<16xf32>
      %mul3A_415 = arith.constant 27.7128124 : f32
      %mul3A_416 = vector.broadcast %mul3A_415 : f32 to vector<16xf32>
      %mul3A_417 = arith.mulf %get3A_414, %mul3A_416 : vector<16xf32>
      %get3A_418 = arith.index_cast %scan3A_55 : i32 to index
      %get3A_419 = arith.constant 336 : index
      %get3A_420 = tpu.vector_load %arg7[%get3A_418, %get3A_419] {strides = array<i32>} : memref<64x768xf32, #tpu.memory_space<vmem>>, vector<1x16xf32>,
      %get3A_421 = vector.shape_cast %get3A_420 : vector<1x16xf32> to vector<16xf32>
      %add3A_422 = arith.addf %mul3A_417, %get3A_421 : vector<16xf32>
      %swap3A_423 = arith.index_cast %scan3A_55 : i32 to index
      %swap3A_424 = arith.constant 336 : index
      %swap3A_425 = tpu.vector_load %arg8[%swap3A_423, %swap3A_424] {strides = array<i32>} : memref<64x768xf32, #tpu.memory_space<vmem>>, vector<1x16xf32>,
      %swap3A_426 = vector.shape_cast %swap3A_425 : vector<1x16xf32> to vector<16xf32>
      %swap3A_427 = vector.shape_cast %add3A_422 : vector<16xf32> to vector<1x16xf32>
      tpu.vector_store %arg8[%swap3A_423, %swap3A_424], %swap3A_427 {strides = array<i32>} : memref<64x768xf32, #tpu.memory_space<vmem>>, vector<1x16xf32>,
      %get3A_428 = arith.index_cast %scan3A_55 : i32 to index
      %get3A_429 = arith.constant 352 : index
      %get3A_430 = tpu.vector_load %arg8[%get3A_428, %get3A_429] {strides = array<i32>} : memref<64x768xf32, #tpu.memory_space<vmem>>, vector<1x16xf32>,
      %get3A_431 = vector.shape_cast %get3A_430 : vector<1x16xf32> to vector<16xf32>
      %mul3A_432 = arith.constant 27.7128124 : f32
      %mul3A_433 = vector.broadcast %mul3A_432 : f32 to vector<16xf32>
      %mul3A_434 = arith.mulf %get3A_431, %mul3A_433 : vector<16xf32>
      %get3A_435 = arith.index_cast %scan3A_55 : i32 to index
      %get3A_436 = arith.constant 352 : index
      %get3A_437 = tpu.vector_load %arg7[%get3A_435, %get3A_436] {strides = array<i32>} : memref<64x768xf32, #tpu.memory_space<vmem>>, vector<1x16xf32>,
      %get3A_438 = vector.shape_cast %get3A_437 : vector<1x16xf32> to vector<16xf32>
      %add3A_439 = arith.addf %mul3A_434, %get3A_438 : vector<16xf32>
      %swap3A_440 = arith.index_cast %scan3A_55 : i32 to index
      %swap3A_441 = arith.constant 352 : index
      %swap3A_442 = tpu.vector_load %arg8[%swap3A_440, %swap3A_441] {strides = array<i32>} : memref<64x768xf32, #tpu.memory_space<vmem>>, vector<1x16xf32>,
      %swap3A_443 = vector.shape_cast %swap3A_442 : vector<1x16xf32> to vector<16xf32>
      %swap3A_444 = vector.shape_cast %add3A_439 : vector<16xf32> to vector<1x16xf32>
      tpu.vector_store %arg8[%swap3A_440, %swap3A_441], %swap3A_444 {strides = array<i32>} : memref<64x768xf32, #tpu.memory_space<vmem>>, vector<1x16xf32>,
      %get3A_445 = arith.index_cast %scan3A_55 : i32 to index
      %get3A_446 = arith.constant 368 : index
      %get3A_447 = tpu.vector_load %arg8[%get3A_445, %get3A_446] {strides = array<i32>} : memref<64x768xf32, #tpu.memory_space<vmem>>, vector<1x16xf32>,
      %get3A_448 = vector.shape_cast %get3A_447 : vector<1x16xf32> to vector<16xf32>
      %mul3A_449 = arith.constant 27.7128124 : f32
      %mul3A_450 = vector.broadcast %mul3A_449 : f32 to vector<16xf32>
      %mul3A_451 = arith.mulf %get3A_448, %mul3A_450 : vector<16xf32>
      %get3A_452 = arith.index_cast %scan3A_55 : i32 to index
      %get3A_453 = arith.constant 368 : index
      %get3A_454 = tpu.vector_load %arg7[%get3A_452, %get3A_453] {strides = array<i32>} : memref<64x768xf32, #tpu.memory_space<vmem>>, vector<1x16xf32>,
      %get3A_455 = vector.shape_cast %get3A_454 : vector<1x16xf32> to vector<16xf32>
      %add3A_456 = arith.addf %mul3A_451, %get3A_455 : vector<16xf32>
      %swap3A_457 = arith.index_cast %scan3A_55 : i32 to index
      %swap3A_458 = arith.constant 368 : index
      %swap3A_459 = tpu.vector_load %arg8[%swap3A_457, %swap3A_458] {strides = array<i32>} : memref<64x768xf32, #tpu.memory_space<vmem>>, vector<1x16xf32>,
      %swap3A_460 = vector.shape_cast %swap3A_459 : vector<1x16xf32> to vector<16xf32>
      %swap3A_461 = vector.shape_cast %add3A_456 : vector<16xf32> to vector<1x16xf32>
      tpu.vector_store %arg8[%swap3A_457, %swap3A_458], %swap3A_461 {strides = array<i32>} : memref<64x768xf32, #tpu.memory_space<vmem>>, vector<1x16xf32>,
      %get3A_462 = arith.index_cast %scan3A_55 : i32 to index
      %get3A_463 = arith.constant 384 : index
      %get3A_464 = tpu.vector_load %arg8[%get3A_462, %get3A_463] {strides = array<i32>} : memref<64x768xf32, #tpu.memory_space<vmem>>, vector<1x16xf32>,
      %get3A_465 = vector.shape_cast %get3A_464 : vector<1x16xf32> to vector<16xf32>
      %mul3A_466 = arith.constant 27.7128124 : f32
      %mul3A_467 = vector.broadcast %mul3A_466 : f32 to vector<16xf32>
      %mul3A_468 = arith.mulf %get3A_465, %mul3A_467 : vector<16xf32>
      %get3A_469 = arith.index_cast %scan3A_55 : i32 to index
      %get3A_470 = arith.constant 384 : index
      %get3A_471 = tpu.vector_load %arg7[%get3A_469, %get3A_470] {strides = array<i32>} : memref<64x768xf32, #tpu.memory_space<vmem>>, vector<1x16xf32>,
      %get3A_472 = vector.shape_cast %get3A_471 : vector<1x16xf32> to vector<16xf32>
      %add3A_473 = arith.addf %mul3A_468, %get3A_472 : vector<16xf32>
      %swap3A_474 = arith.index_cast %scan3A_55 : i32 to index
      %swap3A_475 = arith.constant 384 : index
      %swap3A_476 = tpu.vector_load %arg8[%swap3A_474, %swap3A_475] {strides = array<i32>} : memref<64x768xf32, #tpu.memory_space<vmem>>, vector<1x16xf32>,
      %swap3A_477 = vector.shape_cast %swap3A_476 : vector<1x16xf32> to vector<16xf32>
      %swap3A_478 = vector.shape_cast %add3A_473 : vector<16xf32> to vector<1x16xf32>
      tpu.vector_store %arg8[%swap3A_474, %swap3A_475], %swap3A_478 {strides = array<i32>} : memref<64x768xf32, #tpu.memory_space<vmem>>, vector<1x16xf32>,
      %get3A_479 = arith.index_cast %scan3A_55 : i32 to index
      %get3A_480 = arith.constant 400 : index
      %get3A_481 = tpu.vector_load %arg8[%get3A_479, %get3A_480] {strides = array<i32>} : memref<64x768xf32, #tpu.memory_space<vmem>>, vector<1x16xf32>,
      %get3A_482 = vector.shape_cast %get3A_481 : vector<1x16xf32> to vector<16xf32>
      %mul3A_483 = arith.constant 27.7128124 : f32
      %mul3A_484 = vector.broadcast %mul3A_483 : f32 to vector<16xf32>
      %mul3A_485 = arith.mulf %get3A_482, %mul3A_484 : vector<16xf32>
      %get3A_486 = arith.index_cast %scan3A_55 : i32 to index
      %get3A_487 = arith.constant 400 : index
      %get3A_488 = tpu.vector_load %arg7[%get3A_486, %get3A_487] {strides = array<i32>} : memref<64x768xf32, #tpu.memory_space<vmem>>, vector<1x16xf32>,
      %get3A_489 = vector.shape_cast %get3A_488 : vector<1x16xf32> to vector<16xf32>
      %add3A_490 = arith.addf %mul3A_485, %get3A_489 : vector<16xf32>
      %swap3A_491 = arith.index_cast %scan3A_55 : i32 to index
      %swap3A_492 = arith.constant 400 : index
      %swap3A_493 = tpu.vector_load %arg8[%swap3A_491, %swap3A_492] {strides = array<i32>} : memref<64x768xf32, #tpu.memory_space<vmem>>, vector<1x16xf32>,
      %swap3A_494 = vector.shape_cast %swap3A_493 : vector<1x16xf32> to vector<16xf32>
      %swap3A_495 = vector.shape_cast %add3A_490 : vector<16xf32> to vector<1x16xf32>
      tpu.vector_store %arg8[%swap3A_491, %swap3A_492], %swap3A_495 {strides = array<i32>} : memref<64x768xf32, #tpu.memory_space<vmem>>, vector<1x16xf32>,
      %get3A_496 = arith.index_cast %scan3A_55 : i32 to index
      %get3A_497 = arith.constant 416 : index
      %get3A_498 = tpu.vector_load %arg8[%get3A_496, %get3A_497] {strides = array<i32>} : memref<64x768xf32, #tpu.memory_space<vmem>>, vector<1x16xf32>,
      %get3A_499 = vector.shape_cast %get3A_498 : vector<1x16xf32> to vector<16xf32>
      %mul3A_500 = arith.constant 27.7128124 : f32
      %mul3A_501 = vector.broadcast %mul3A_500 : f32 to vector<16xf32>
      %mul3A_502 = arith.mulf %get3A_499, %mul3A_501 : vector<16xf32>
      %get3A_503 = arith.index_cast %scan3A_55 : i32 to index
      %get3A_504 = arith.constant 416 : index
      %get3A_505 = tpu.vector_load %arg7[%get3A_503, %get3A_504] {strides = array<i32>} : memref<64x768xf32, #tpu.memory_space<vmem>>, vector<1x16xf32>,
      %get3A_506 = vector.shape_cast %get3A_505 : vector<1x16xf32> to vector<16xf32>
      %add3A_507 = arith.addf %mul3A_502, %get3A_506 : vector<16xf32>
      %swap3A_508 = arith.index_cast %scan3A_55 : i32 to index
      %swap3A_509 = arith.constant 416 : index
      %swap3A_510 = tpu.vector_load %arg8[%swap3A_508, %swap3A_509] {strides = array<i32>} : memref<64x768xf32, #tpu.memory_space<vmem>>, vector<1x16xf32>,
      %swap3A_511 = vector.shape_cast %swap3A_510 : vector<1x16xf32> to vector<16xf32>
      %swap3A_512 = vector.shape_cast %add3A_507 : vector<16xf32> to vector<1x16xf32>
      tpu.vector_store %arg8[%swap3A_508, %swap3A_509], %swap3A_512 {strides = array<i32>} : memref<64x768xf32, #tpu.memory_space<vmem>>, vector<1x16xf32>,
      %get3A_513 = arith.index_cast %scan3A_55 : i32 to index
      %get3A_514 = arith.constant 432 : index
      %get3A_515 = tpu.vector_load %arg8[%get3A_513, %get3A_514] {strides = array<i32>} : memref<64x768xf32, #tpu.memory_space<vmem>>, vector<1x16xf32>,
      %get3A_516 = vector.shape_cast %get3A_515 : vector<1x16xf32> to vector<16xf32>
      %mul3A_517 = arith.constant 27.7128124 : f32
      %mul3A_518 = vector.broadcast %mul3A_517 : f32 to vector<16xf32>
      %mul3A_519 = arith.mulf %get3A_516, %mul3A_518 : vector<16xf32>
      %get3A_520 = arith.index_cast %scan3A_55 : i32 to index
      %get3A_521 = arith.constant 432 : index
      %get3A_522 = tpu.vector_load %arg7[%get3A_520, %get3A_521] {strides = array<i32>} : memref<64x768xf32, #tpu.memory_space<vmem>>, vector<1x16xf32>,
      %get3A_523 = vector.shape_cast %get3A_522 : vector<1x16xf32> to vector<16xf32>
      %add3A_524 = arith.addf %mul3A_519, %get3A_523 : vector<16xf32>
      %swap3A_525 = arith.index_cast %scan3A_55 : i32 to index
      %swap3A_526 = arith.constant 432 : index
      %swap3A_527 = tpu.vector_load %arg8[%swap3A_525, %swap3A_526] {strides = array<i32>} : memref<64x768xf32, #tpu.memory_space<vmem>>, vector<1x16xf32>,
      %swap3A_528 = vector.shape_cast %swap3A_527 : vector<1x16xf32> to vector<16xf32>
      %swap3A_529 = vector.shape_cast %add3A_524 : vector<16xf32> to vector<1x16xf32>
      tpu.vector_store %arg8[%swap3A_525, %swap3A_526], %swap3A_529 {strides = array<i32>} : memref<64x768xf32, #tpu.memory_space<vmem>>, vector<1x16xf32>,
      %get3A_530 = arith.index_cast %scan3A_55 : i32 to index
      %get3A_531 = arith.constant 448 : index
      %get3A_532 = tpu.vector_load %arg8[%get3A_530, %get3A_531] {strides = array<i32>} : memref<64x768xf32, #tpu.memory_space<vmem>>, vector<1x16xf32>,
      %get3A_533 = vector.shape_cast %get3A_532 : vector<1x16xf32> to vector<16xf32>
      %mul3A_534 = arith.constant 27.7128124 : f32
      %mul3A_535 = vector.broadcast %mul3A_534 : f32 to vector<16xf32>
      %mul3A_536 = arith.mulf %get3A_533, %mul3A_535 : vector<16xf32>
      %get3A_537 = arith.index_cast %scan3A_55 : i32 to index
      %get3A_538 = arith.constant 448 : index
      %get3A_539 = tpu.vector_load %arg7[%get3A_537, %get3A_538] {strides = array<i32>} : memref<64x768xf32, #tpu.memory_space<vmem>>, vector<1x16xf32>,
      %get3A_540 = vector.shape_cast %get3A_539 : vector<1x16xf32> to vector<16xf32>
      %add3A_541 = arith.addf %mul3A_536, %get3A_540 : vector<16xf32>
      %swap3A_542 = arith.index_cast %scan3A_55 : i32 to index
      %swap3A_543 = arith.constant 448 : index
      %swap3A_544 = tpu.vector_load %arg8[%swap3A_542, %swap3A_543] {strides = array<i32>} : memref<64x768xf32, #tpu.memory_space<vmem>>, vector<1x16xf32>,
      %swap3A_545 = vector.shape_cast %swap3A_544 : vector<1x16xf32> to vector<16xf32>
      %swap3A_546 = vector.shape_cast %add3A_541 : vector<16xf32> to vector<1x16xf32>
      tpu.vector_store %arg8[%swap3A_542, %swap3A_543], %swap3A_546 {strides = array<i32>} : memref<64x768xf32, #tpu.memory_space<vmem>>, vector<1x16xf32>,
      %get3A_547 = arith.index_cast %scan3A_55 : i32 to index
      %get3A_548 = arith.constant 464 : index
      %get3A_549 = tpu.vector_load %arg8[%get3A_547, %get3A_548] {strides = array<i32>} : memref<64x768xf32, #tpu.memory_space<vmem>>, vector<1x16xf32>,
      %get3A_550 = vector.shape_cast %get3A_549 : vector<1x16xf32> to vector<16xf32>
      %mul3A_551 = arith.constant 27.7128124 : f32
      %mul3A_552 = vector.broadcast %mul3A_551 : f32 to vector<16xf32>
      %mul3A_553 = arith.mulf %get3A_550, %mul3A_552 : vector<16xf32>
      %get3A_554 = arith.index_cast %scan3A_55 : i32 to index
      %get3A_555 = arith.constant 464 : index
      %get3A_556 = tpu.vector_load %arg7[%get3A_554, %get3A_555] {strides = array<i32>} : memref<64x768xf32, #tpu.memory_space<vmem>>, vector<1x16xf32>,
      %get3A_557 = vector.shape_cast %get3A_556 : vector<1x16xf32> to vector<16xf32>
      %add3A_558 = arith.addf %mul3A_553, %get3A_557 : vector<16xf32>
      %swap3A_559 = arith.index_cast %scan3A_55 : i32 to index
      %swap3A_560 = arith.constant 464 : index
      %swap3A_561 = tpu.vector_load %arg8[%swap3A_559, %swap3A_560] {strides = array<i32>} : memref<64x768xf32, #tpu.memory_space<vmem>>, vector<1x16xf32>,
      %swap3A_562 = vector.shape_cast %swap3A_561 : vector<1x16xf32> to vector<16xf32>
      %swap3A_563 = vector.shape_cast %add3A_558 : vector<16xf32> to vector<1x16xf32>
      tpu.vector_store %arg8[%swap3A_559, %swap3A_560], %swap3A_563 {strides = array<i32>} : memref<64x768xf32, #tpu.memory_space<vmem>>, vector<1x16xf32>,
      %get3A_564 = arith.index_cast %scan3A_55 : i32 to index
      %get3A_565 = arith.constant 480 : index
      %get3A_566 = tpu.vector_load %arg8[%get3A_564, %get3A_565] {strides = array<i32>} : memref<64x768xf32, #tpu.memory_space<vmem>>, vector<1x16xf32>,
      %get3A_567 = vector.shape_cast %get3A_566 : vector<1x16xf32> to vector<16xf32>
      %mul3A_568 = arith.constant 27.7128124 : f32
      %mul3A_569 = vector.broadcast %mul3A_568 : f32 to vector<16xf32>
      %mul3A_570 = arith.mulf %get3A_567, %mul3A_569 : vector<16xf32>
      %get3A_571 = arith.index_cast %scan3A_55 : i32 to index
      %get3A_572 = arith.constant 480 : index
      %get3A_573 = tpu.vector_load %arg7[%get3A_571, %get3A_572] {strides = array<i32>} : memref<64x768xf32, #tpu.memory_space<vmem>>, vector<1x16xf32>,
      %get3A_574 = vector.shape_cast %get3A_573 : vector<1x16xf32> to vector<16xf32>
      %add3A_575 = arith.addf %mul3A_570, %get3A_574 : vector<16xf32>
      %swap3A_576 = arith.index_cast %scan3A_55 : i32 to index
      %swap3A_577 = arith.constant 480 : index
      %swap3A_578 = tpu.vector_load %arg8[%swap3A_576, %swap3A_577] {strides = array<i32>} : memref<64x768xf32, #tpu.memory_space<vmem>>, vector<1x16xf32>,
      %swap3A_579 = vector.shape_cast %swap3A_578 : vector<1x16xf32> to vector<16xf32>
      %swap3A_580 = vector.shape_cast %add3A_575 : vector<16xf32> to vector<1x16xf32>
      tpu.vector_store %arg8[%swap3A_576, %swap3A_577], %swap3A_580 {strides = array<i32>} : memref<64x768xf32, #tpu.memory_space<vmem>>, vector<1x16xf32>,
      %get3A_581 = arith.index_cast %scan3A_55 : i32 to index
      %get3A_582 = arith.constant 496 : index
      %get3A_583 = tpu.vector_load %arg8[%get3A_581, %get3A_582] {strides = array<i32>} : memref<64x768xf32, #tpu.memory_space<vmem>>, vector<1x16xf32>,
      %get3A_584 = vector.shape_cast %get3A_583 : vector<1x16xf32> to vector<16xf32>
      %mul3A_585 = arith.constant 27.7128124 : f32
      %mul3A_586 = vector.broadcast %mul3A_585 : f32 to vector<16xf32>
      %mul3A_587 = arith.mulf %get3A_584, %mul3A_586 : vector<16xf32>
      %get3A_588 = arith.index_cast %scan3A_55 : i32 to index
      %get3A_589 = arith.constant 496 : index
      %get3A_590 = tpu.vector_load %arg7[%get3A_588, %get3A_589] {strides = array<i32>} : memref<64x768xf32, #tpu.memory_space<vmem>>, vector<1x16xf32>,
      %get3A_591 = vector.shape_cast %get3A_590 : vector<1x16xf32> to vector<16xf32>
      %add3A_592 = arith.addf %mul3A_587, %get3A_591 : vector<16xf32>
      %swap3A_593 = arith.index_cast %scan3A_55 : i32 to index
      %swap3A_594 = arith.constant 496 : index
      %swap3A_595 = tpu.vector_load %arg8[%swap3A_593, %swap3A_594] {strides = array<i32>} : memref<64x768xf32, #tpu.memory_space<vmem>>, vector<1x16xf32>,
      %swap3A_596 = vector.shape_cast %swap3A_595 : vector<1x16xf32> to vector<16xf32>
      %swap3A_597 = vector.shape_cast %add3A_592 : vector<16xf32> to vector<1x16xf32>
      tpu.vector_store %arg8[%swap3A_593, %swap3A_594], %swap3A_597 {strides = array<i32>} : memref<64x768xf32, #tpu.memory_space<vmem>>, vector<1x16xf32>,
      %get3A_598 = arith.index_cast %scan3A_55 : i32 to index
      %get3A_599 = arith.constant 512 : index
      %get3A_600 = tpu.vector_load %arg8[%get3A_598, %get3A_599] {strides = array<i32>} : memref<64x768xf32, #tpu.memory_space<vmem>>, vector<1x16xf32>,
      %get3A_601 = vector.shape_cast %get3A_600 : vector<1x16xf32> to vector<16xf32>
      %mul3A_602 = arith.constant 27.7128124 : f32
      %mul3A_603 = vector.broadcast %mul3A_602 : f32 to vector<16xf32>
      %mul3A_604 = arith.mulf %get3A_601, %mul3A_603 : vector<16xf32>
      %get3A_605 = arith.index_cast %scan3A_55 : i32 to index
      %get3A_606 = arith.constant 512 : index
      %get3A_607 = tpu.vector_load %arg7[%get3A_605, %get3A_606] {strides = array<i32>} : memref<64x768xf32, #tpu.memory_space<vmem>>, vector<1x16xf32>,
      %get3A_608 = vector.shape_cast %get3A_607 : vector<1x16xf32> to vector<16xf32>
      %add3A_609 = arith.addf %mul3A_604, %get3A_608 : vector<16xf32>
      %swap3A_610 = arith.index_cast %scan3A_55 : i32 to index
      %swap3A_611 = arith.constant 512 : index
      %swap3A_612 = tpu.vector_load %arg8[%swap3A_610, %swap3A_611] {strides = array<i32>} : memref<64x768xf32, #tpu.memory_space<vmem>>, vector<1x16xf32>,
      %swap3A_613 = vector.shape_cast %swap3A_612 : vector<1x16xf32> to vector<16xf32>
      %swap3A_614 = vector.shape_cast %add3A_609 : vector<16xf32> to vector<1x16xf32>
      tpu.vector_store %arg8[%swap3A_610, %swap3A_611], %swap3A_614 {strides = array<i32>} : memref<64x768xf32, #tpu.memory_space<vmem>>, vector<1x16xf32>,
      %get3A_615 = arith.index_cast %scan3A_55 : i32 to index
      %get3A_616 = arith.constant 528 : index
      %get3A_617 = tpu.vector_load %arg8[%get3A_615, %get3A_616] {strides = array<i32>} : memref<64x768xf32, #tpu.memory_space<vmem>>, vector<1x16xf32>,
      %get3A_618 = vector.shape_cast %get3A_617 : vector<1x16xf32> to vector<16xf32>
      %mul3A_619 = arith.constant 27.7128124 : f32
      %mul3A_620 = vector.broadcast %mul3A_619 : f32 to vector<16xf32>
      %mul3A_621 = arith.mulf %get3A_618, %mul3A_620 : vector<16xf32>
      %get3A_622 = arith.index_cast %scan3A_55 : i32 to index
      %get3A_623 = arith.constant 528 : index
      %get3A_624 = tpu.vector_load %arg7[%get3A_622, %get3A_623] {strides = array<i32>} : memref<64x768xf32, #tpu.memory_space<vmem>>, vector<1x16xf32>,
      %get3A_625 = vector.shape_cast %get3A_624 : vector<1x16xf32> to vector<16xf32>
      %add3A_626 = arith.addf %mul3A_621, %get3A_625 : vector<16xf32>
      %swap3A_627 = arith.index_cast %scan3A_55 : i32 to index
      %swap3A_628 = arith.constant 528 : index
      %swap3A_629 = tpu.vector_load %arg8[%swap3A_627, %swap3A_628] {strides = array<i32>} : memref<64x768xf32, #tpu.memory_space<vmem>>, vector<1x16xf32>,
      %swap3A_630 = vector.shape_cast %swap3A_629 : vector<1x16xf32> to vector<16xf32>
      %swap3A_631 = vector.shape_cast %add3A_626 : vector<16xf32> to vector<1x16xf32>
      tpu.vector_store %arg8[%swap3A_627, %swap3A_628], %swap3A_631 {strides = array<i32>} : memref<64x768xf32, #tpu.memory_space<vmem>>, vector<1x16xf32>,
      %get3A_632 = arith.index_cast %scan3A_55 : i32 to index
      %get3A_633 = arith.constant 544 : index
      %get3A_634 = tpu.vector_load %arg8[%get3A_632, %get3A_633] {strides = array<i32>} : memref<64x768xf32, #tpu.memory_space<vmem>>, vector<1x16xf32>,
      %get3A_635 = vector.shape_cast %get3A_634 : vector<1x16xf32> to vector<16xf32>
      %mul3A_636 = arith.constant 27.7128124 : f32
      %mul3A_637 = vector.broadcast %mul3A_636 : f32 to vector<16xf32>
      %mul3A_638 = arith.mulf %get3A_635, %mul3A_637 : vector<16xf32>
      %get3A_639 = arith.index_cast %scan3A_55 : i32 to index
      %get3A_640 = arith.constant 544 : index
      %get3A_641 = tpu.vector_load %arg7[%get3A_639, %get3A_640] {strides = array<i32>} : memref<64x768xf32, #tpu.memory_space<vmem>>, vector<1x16xf32>,
      %get3A_642 = vector.shape_cast %get3A_641 : vector<1x16xf32> to vector<16xf32>
      %add3A_643 = arith.addf %mul3A_638, %get3A_642 : vector<16xf32>
      %swap3A_644 = arith.index_cast %scan3A_55 : i32 to index
      %swap3A_645 = arith.constant 544 : index
      %swap3A_646 = tpu.vector_load %arg8[%swap3A_644, %swap3A_645] {strides = array<i32>} : memref<64x768xf32, #tpu.memory_space<vmem>>, vector<1x16xf32>,
      %swap3A_647 = vector.shape_cast %swap3A_646 : vector<1x16xf32> to vector<16xf32>
      %swap3A_648 = vector.shape_cast %add3A_643 : vector<16xf32> to vector<1x16xf32>
      tpu.vector_store %arg8[%swap3A_644, %swap3A_645], %swap3A_648 {strides = array<i32>} : memref<64x768xf32, #tpu.memory_space<vmem>>, vector<1x16xf32>,
      %get3A_649 = arith.index_cast %scan3A_55 : i32 to index
      %get3A_650 = arith.constant 560 : index
      %get3A_651 = tpu.vector_load %arg8[%get3A_649, %get3A_650] {strides = array<i32>} : memref<64x768xf32, #tpu.memory_space<vmem>>, vector<1x16xf32>,
      %get3A_652 = vector.shape_cast %get3A_651 : vector<1x16xf32> to vector<16xf32>
      %mul3A_653 = arith.constant 27.7128124 : f32
      %mul3A_654 = vector.broadcast %mul3A_653 : f32 to vector<16xf32>
      %mul3A_655 = arith.mulf %get3A_652, %mul3A_654 : vector<16xf32>
      %get3A_656 = arith.index_cast %scan3A_55 : i32 to index
      %get3A_657 = arith.constant 560 : index
      %get3A_658 = tpu.vector_load %arg7[%get3A_656, %get3A_657] {strides = array<i32>} : memref<64x768xf32, #tpu.memory_space<vmem>>, vector<1x16xf32>,
      %get3A_659 = vector.shape_cast %get3A_658 : vector<1x16xf32> to vector<16xf32>
      %add3A_660 = arith.addf %mul3A_655, %get3A_659 : vector<16xf32>
      %swap3A_661 = arith.index_cast %scan3A_55 : i32 to index
      %swap3A_662 = arith.constant 560 : index
      %swap3A_663 = tpu.vector_load %arg8[%swap3A_661, %swap3A_662] {strides = array<i32>} : memref<64x768xf32, #tpu.memory_space<vmem>>, vector<1x16xf32>,
      %swap3A_664 = vector.shape_cast %swap3A_663 : vector<1x16xf32> to vector<16xf32>
      %swap3A_665 = vector.shape_cast %add3A_660 : vector<16xf32> to vector<1x16xf32>
      tpu.vector_store %arg8[%swap3A_661, %swap3A_662], %swap3A_665 {strides = array<i32>} : memref<64x768xf32, #tpu.memory_space<vmem>>, vector<1x16xf32>,
      %get3A_666 = arith.index_cast %scan3A_55 : i32 to index
      %get3A_667 = arith.constant 576 : index
      %get3A_668 = tpu.vector_load %arg8[%get3A_666, %get3A_667] {strides = array<i32>} : memref<64x768xf32, #tpu.memory_space<vmem>>, vector<1x16xf32>,
      %get3A_669 = vector.shape_cast %get3A_668 : vector<1x16xf32> to vector<16xf32>
      %mul3A_670 = arith.constant 27.7128124 : f32
      %mul3A_671 = vector.broadcast %mul3A_670 : f32 to vector<16xf32>
      %mul3A_672 = arith.mulf %get3A_669, %mul3A_671 : vector<16xf32>
      %get3A_673 = arith.index_cast %scan3A_55 : i32 to index
      %get3A_674 = arith.constant 576 : index
      %get3A_675 = tpu.vector_load %arg7[%get3A_673, %get3A_674] {strides = array<i32>} : memref<64x768xf32, #tpu.memory_space<vmem>>, vector<1x16xf32>,
      %get3A_676 = vector.shape_cast %get3A_675 : vector<1x16xf32> to vector<16xf32>
      %add3A_677 = arith.addf %mul3A_672, %get3A_676 : vector<16xf32>
      %swap3A_678 = arith.index_cast %scan3A_55 : i32 to index
      %swap3A_679 = arith.constant 576 : index
      %swap3A_680 = tpu.vector_load %arg8[%swap3A_678, %swap3A_679] {strides = array<i32>} : memref<64x768xf32, #tpu.memory_space<vmem>>, vector<1x16xf32>,
      %swap3A_681 = vector.shape_cast %swap3A_680 : vector<1x16xf32> to vector<16xf32>
      %swap3A_682 = vector.shape_cast %add3A_677 : vector<16xf32> to vector<1x16xf32>
      tpu.vector_store %arg8[%swap3A_678, %swap3A_679], %swap3A_682 {strides = array<i32>} : memref<64x768xf32, #tpu.memory_space<vmem>>, vector<1x16xf32>,
      %get3A_683 = arith.index_cast %scan3A_55 : i32 to index
      %get3A_684 = arith.constant 592 : index
      %get3A_685 = tpu.vector_load %arg8[%get3A_683, %get3A_684] {strides = array<i32>} : memref<64x768xf32, #tpu.memory_space<vmem>>, vector<1x16xf32>,
      %get3A_686 = vector.shape_cast %get3A_685 : vector<1x16xf32> to vector<16xf32>
      %mul3A_687 = arith.constant 27.7128124 : f32
      %mul3A_688 = vector.broadcast %mul3A_687 : f32 to vector<16xf32>
      %mul3A_689 = arith.mulf %get3A_686, %mul3A_688 : vector<16xf32>
      %get3A_690 = arith.index_cast %scan3A_55 : i32 to index
      %get3A_691 = arith.constant 592 : index
      %get3A_692 = tpu.vector_load %arg7[%get3A_690, %get3A_691] {strides = array<i32>} : memref<64x768xf32, #tpu.memory_space<vmem>>, vector<1x16xf32>,
      %get3A_693 = vector.shape_cast %get3A_692 : vector<1x16xf32> to vector<16xf32>
      %add3A_694 = arith.addf %mul3A_689, %get3A_693 : vector<16xf32>
      %swap3A_695 = arith.index_cast %scan3A_55 : i32 to index
      %swap3A_696 = arith.constant 592 : index
      %swap3A_697 = tpu.vector_load %arg8[%swap3A_695, %swap3A_696] {strides = array<i32>} : memref<64x768xf32, #tpu.memory_space<vmem>>, vector<1x16xf32>,
      %swap3A_698 = vector.shape_cast %swap3A_697 : vector<1x16xf32> to vector<16xf32>
      %swap3A_699 = vector.shape_cast %add3A_694 : vector<16xf32> to vector<1x16xf32>
      tpu.vector_store %arg8[%swap3A_695, %swap3A_696], %swap3A_699 {strides = array<i32>} : memref<64x768xf32, #tpu.memory_space<vmem>>, vector<1x16xf32>,
      %get3A_700 = arith.index_cast %scan3A_55 : i32 to index
      %get3A_701 = arith.constant 608 : index
      %get3A_702 = tpu.vector_load %arg8[%get3A_700, %get3A_701] {strides = array<i32>} : memref<64x768xf32, #tpu.memory_space<vmem>>, vector<1x16xf32>,
      %get3A_703 = vector.shape_cast %get3A_702 : vector<1x16xf32> to vector<16xf32>
      %mul3A_704 = arith.constant 27.7128124 : f32
      %mul3A_705 = vector.broadcast %mul3A_704 : f32 to vector<16xf32>
      %mul3A_706 = arith.mulf %get3A_703, %mul3A_705 : vector<16xf32>
      %get3A_707 = arith.index_cast %scan3A_55 : i32 to index
      %get3A_708 = arith.constant 608 : index
      %get3A_709 = tpu.vector_load %arg7[%get3A_707, %get3A_708] {strides = array<i32>} : memref<64x768xf32, #tpu.memory_space<vmem>>, vector<1x16xf32>,
      %get3A_710 = vector.shape_cast %get3A_709 : vector<1x16xf32> to vector<16xf32>
      %add3A_711 = arith.addf %mul3A_706, %get3A_710 : vector<16xf32>
      %swap3A_712 = arith.index_cast %scan3A_55 : i32 to index
      %swap3A_713 = arith.constant 608 : index
      %swap3A_714 = tpu.vector_load %arg8[%swap3A_712, %swap3A_713] {strides = array<i32>} : memref<64x768xf32, #tpu.memory_space<vmem>>, vector<1x16xf32>,
      %swap3A_715 = vector.shape_cast %swap3A_714 : vector<1x16xf32> to vector<16xf32>
      %swap3A_716 = vector.shape_cast %add3A_711 : vector<16xf32> to vector<1x16xf32>
      tpu.vector_store %arg8[%swap3A_712, %swap3A_713], %swap3A_716 {strides = array<i32>} : memref<64x768xf32, #tpu.memory_space<vmem>>, vector<1x16xf32>,
      %get3A_717 = arith.index_cast %scan3A_55 : i32 to index
      %get3A_718 = arith.constant 624 : index
      %get3A_719 = tpu.vector_load %arg8[%get3A_717, %get3A_718] {strides = array<i32>} : memref<64x768xf32, #tpu.memory_space<vmem>>, vector<1x16xf32>,
      %get3A_720 = vector.shape_cast %get3A_719 : vector<1x16xf32> to vector<16xf32>
      %mul3A_721 = arith.constant 27.7128124 : f32
      %mul3A_722 = vector.broadcast %mul3A_721 : f32 to vector<16xf32>
      %mul3A_723 = arith.mulf %get3A_720, %mul3A_722 : vector<16xf32>
      %get3A_724 = arith.index_cast %scan3A_55 : i32 to index
      %get3A_725 = arith.constant 624 : index
      %get3A_726 = tpu.vector_load %arg7[%get3A_724, %get3A_725] {strides = array<i32>} : memref<64x768xf32, #tpu.memory_space<vmem>>, vector<1x16xf32>,
      %get3A_727 = vector.shape_cast %get3A_726 : vector<1x16xf32> to vector<16xf32>
      %add3A_728 = arith.addf %mul3A_723, %get3A_727 : vector<16xf32>
      %swap3A_729 = arith.index_cast %scan3A_55 : i32 to index
      %swap3A_730 = arith.constant 624 : index
      %swap3A_731 = tpu.vector_load %arg8[%swap3A_729, %swap3A_730] {strides = array<i32>} : memref<64x768xf32, #tpu.memory_space<vmem>>, vector<1x16xf32>,
      %swap3A_732 = vector.shape_cast %swap3A_731 : vector<1x16xf32> to vector<16xf32>
      %swap3A_733 = vector.shape_cast %add3A_728 : vector<16xf32> to vector<1x16xf32>
      tpu.vector_store %arg8[%swap3A_729, %swap3A_730], %swap3A_733 {strides = array<i32>} : memref<64x768xf32, #tpu.memory_space<vmem>>, vector<1x16xf32>,
      %get3A_734 = arith.index_cast %scan3A_55 : i32 to index
      %get3A_735 = arith.constant 640 : index
      %get3A_736 = tpu.vector_load %arg8[%get3A_734, %get3A_735] {strides = array<i32>} : memref<64x768xf32, #tpu.memory_space<vmem>>, vector<1x16xf32>,
      %get3A_737 = vector.shape_cast %get3A_736 : vector<1x16xf32> to vector<16xf32>
      %mul3A_738 = arith.constant 27.7128124 : f32
      %mul3A_739 = vector.broadcast %mul3A_738 : f32 to vector<16xf32>
      %mul3A_740 = arith.mulf %get3A_737, %mul3A_739 : vector<16xf32>
      %get3A_741 = arith.index_cast %scan3A_55 : i32 to index
      %get3A_742 = arith.constant 640 : index
      %get3A_743 = tpu.vector_load %arg7[%get3A_741, %get3A_742] {strides = array<i32>} : memref<64x768xf32, #tpu.memory_space<vmem>>, vector<1x16xf32>,
      %get3A_744 = vector.shape_cast %get3A_743 : vector<1x16xf32> to vector<16xf32>
      %add3A_745 = arith.addf %mul3A_740, %get3A_744 : vector<16xf32>
      %swap3A_746 = arith.index_cast %scan3A_55 : i32 to index
      %swap3A_747 = arith.constant 640 : index
      %swap3A_748 = tpu.vector_load %arg8[%swap3A_746, %swap3A_747] {strides = array<i32>} : memref<64x768xf32, #tpu.memory_space<vmem>>, vector<1x16xf32>,
      %swap3A_749 = vector.shape_cast %swap3A_748 : vector<1x16xf32> to vector<16xf32>
      %swap3A_750 = vector.shape_cast %add3A_745 : vector<16xf32> to vector<1x16xf32>
      tpu.vector_store %arg8[%swap3A_746, %swap3A_747], %swap3A_750 {strides = array<i32>} : memref<64x768xf32, #tpu.memory_space<vmem>>, vector<1x16xf32>,
      %get3A_751 = arith.index_cast %scan3A_55 : i32 to index
      %get3A_752 = arith.constant 656 : index
      %get3A_753 = tpu.vector_load %arg8[%get3A_751, %get3A_752] {strides = array<i32>} : memref<64x768xf32, #tpu.memory_space<vmem>>, vector<1x16xf32>,
      %get3A_754 = vector.shape_cast %get3A_753 : vector<1x16xf32> to vector<16xf32>
      %mul3A_755 = arith.constant 27.7128124 : f32
      %mul3A_756 = vector.broadcast %mul3A_755 : f32 to vector<16xf32>
      %mul3A_757 = arith.mulf %get3A_754, %mul3A_756 : vector<16xf32>
      %get3A_758 = arith.index_cast %scan3A_55 : i32 to index
      %get3A_759 = arith.constant 656 : index
      %get3A_760 = tpu.vector_load %arg7[%get3A_758, %get3A_759] {strides = array<i32>} : memref<64x768xf32, #tpu.memory_space<vmem>>, vector<1x16xf32>,
      %get3A_761 = vector.shape_cast %get3A_760 : vector<1x16xf32> to vector<16xf32>
      %add3A_762 = arith.addf %mul3A_757, %get3A_761 : vector<16xf32>
      %swap3A_763 = arith.index_cast %scan3A_55 : i32 to index
      %swap3A_764 = arith.constant 656 : index
      %swap3A_765 = tpu.vector_load %arg8[%swap3A_763, %swap3A_764] {strides = array<i32>} : memref<64x768xf32, #tpu.memory_space<vmem>>, vector<1x16xf32>,
      %swap3A_766 = vector.shape_cast %swap3A_765 : vector<1x16xf32> to vector<16xf32>
      %swap3A_767 = vector.shape_cast %add3A_762 : vector<16xf32> to vector<1x16xf32>
      tpu.vector_store %arg8[%swap3A_763, %swap3A_764], %swap3A_767 {strides = array<i32>} : memref<64x768xf32, #tpu.memory_space<vmem>>, vector<1x16xf32>,
      %get3A_768 = arith.index_cast %scan3A_55 : i32 to index
      %get3A_769 = arith.constant 672 : index
      %get3A_770 = tpu.vector_load %arg8[%get3A_768, %get3A_769] {strides = array<i32>} : memref<64x768xf32, #tpu.memory_space<vmem>>, vector<1x16xf32>,
      %get3A_771 = vector.shape_cast %get3A_770 : vector<1x16xf32> to vector<16xf32>
      %mul3A_772 = arith.constant 27.7128124 : f32
      %mul3A_773 = vector.broadcast %mul3A_772 : f32 to vector<16xf32>
      %mul3A_774 = arith.mulf %get3A_771, %mul3A_773 : vector<16xf32>
      %get3A_775 = arith.index_cast %scan3A_55 : i32 to index
      %get3A_776 = arith.constant 672 : index
      %get3A_777 = tpu.vector_load %arg7[%get3A_775, %get3A_776] {strides = array<i32>} : memref<64x768xf32, #tpu.memory_space<vmem>>, vector<1x16xf32>,
      %get3A_778 = vector.shape_cast %get3A_777 : vector<1x16xf32> to vector<16xf32>
      %add3A_779 = arith.addf %mul3A_774, %get3A_778 : vector<16xf32>
      %swap3A_780 = arith.index_cast %scan3A_55 : i32 to index
      %swap3A_781 = arith.constant 672 : index
      %swap3A_782 = tpu.vector_load %arg8[%swap3A_780, %swap3A_781] {strides = array<i32>} : memref<64x768xf32, #tpu.memory_space<vmem>>, vector<1x16xf32>,
      %swap3A_783 = vector.shape_cast %swap3A_782 : vector<1x16xf32> to vector<16xf32>
      %swap3A_784 = vector.shape_cast %add3A_779 : vector<16xf32> to vector<1x16xf32>
      tpu.vector_store %arg8[%swap3A_780, %swap3A_781], %swap3A_784 {strides = array<i32>} : memref<64x768xf32, #tpu.memory_space<vmem>>, vector<1x16xf32>,
      %get3A_785 = arith.index_cast %scan3A_55 : i32 to index
      %get3A_786 = arith.constant 688 : index
      %get3A_787 = tpu.vector_load %arg8[%get3A_785, %get3A_786] {strides = array<i32>} : memref<64x768xf32, #tpu.memory_space<vmem>>, vector<1x16xf32>,
      %get3A_788 = vector.shape_cast %get3A_787 : vector<1x16xf32> to vector<16xf32>
      %mul3A_789 = arith.constant 27.7128124 : f32
      %mul3A_790 = vector.broadcast %mul3A_789 : f32 to vector<16xf32>
      %mul3A_791 = arith.mulf %get3A_788, %mul3A_790 : vector<16xf32>
      %get3A_792 = arith.index_cast %scan3A_55 : i32 to index
      %get3A_793 = arith.constant 688 : index
      %get3A_794 = tpu.vector_load %arg7[%get3A_792, %get3A_793] {strides = array<i32>} : memref<64x768xf32, #tpu.memory_space<vmem>>, vector<1x16xf32>,
      %get3A_795 = vector.shape_cast %get3A_794 : vector<1x16xf32> to vector<16xf32>
      %add3A_796 = arith.addf %mul3A_791, %get3A_795 : vector<16xf32>
      %swap3A_797 = arith.index_cast %scan3A_55 : i32 to index
      %swap3A_798 = arith.constant 688 : index
      %swap3A_799 = tpu.vector_load %arg8[%swap3A_797, %swap3A_798] {strides = array<i32>} : memref<64x768xf32, #tpu.memory_space<vmem>>, vector<1x16xf32>,
      %swap3A_800 = vector.shape_cast %swap3A_799 : vector<1x16xf32> to vector<16xf32>
      %swap3A_801 = vector.shape_cast %add3A_796 : vector<16xf32> to vector<1x16xf32>
      tpu.vector_store %arg8[%swap3A_797, %swap3A_798], %swap3A_801 {strides = array<i32>} : memref<64x768xf32, #tpu.memory_space<vmem>>, vector<1x16xf32>,
      %get3A_802 = arith.index_cast %scan3A_55 : i32 to index
      %get3A_803 = arith.constant 704 : index
      %get3A_804 = tpu.vector_load %arg8[%get3A_802, %get3A_803] {strides = array<i32>} : memref<64x768xf32, #tpu.memory_space<vmem>>, vector<1x16xf32>,
      %get3A_805 = vector.shape_cast %get3A_804 : vector<1x16xf32> to vector<16xf32>
      %mul3A_806 = arith.constant 27.7128124 : f32
      %mul3A_807 = vector.broadcast %mul3A_806 : f32 to vector<16xf32>
      %mul3A_808 = arith.mulf %get3A_805, %mul3A_807 : vector<16xf32>
      %get3A_809 = arith.index_cast %scan3A_55 : i32 to index
      %get3A_810 = arith.constant 704 : index
      %get3A_811 = tpu.vector_load %arg7[%get3A_809, %get3A_810] {strides = array<i32>} : memref<64x768xf32, #tpu.memory_space<vmem>>, vector<1x16xf32>,
      %get3A_812 = vector.shape_cast %get3A_811 : vector<1x16xf32> to vector<16xf32>
      %add3A_813 = arith.addf %mul3A_808, %get3A_812 : vector<16xf32>
      %swap3A_814 = arith.index_cast %scan3A_55 : i32 to index
      %swap3A_815 = arith.constant 704 : index
      %swap3A_816 = tpu.vector_load %arg8[%swap3A_814, %swap3A_815] {strides = array<i32>} : memref<64x768xf32, #tpu.memory_space<vmem>>, vector<1x16xf32>,
      %swap3A_817 = vector.shape_cast %swap3A_816 : vector<1x16xf32> to vector<16xf32>
      %swap3A_818 = vector.shape_cast %add3A_813 : vector<16xf32> to vector<1x16xf32>
      tpu.vector_store %arg8[%swap3A_814, %swap3A_815], %swap3A_818 {strides = array<i32>} : memref<64x768xf32, #tpu.memory_space<vmem>>, vector<1x16xf32>,
      %get3A_819 = arith.index_cast %scan3A_55 : i32 to index
      %get3A_820 = arith.constant 720 : index
      %get3A_821 = tpu.vector_load %arg8[%get3A_819, %get3A_820] {strides = array<i32>} : memref<64x768xf32, #tpu.memory_space<vmem>>, vector<1x16xf32>,
      %get3A_822 = vector.shape_cast %get3A_821 : vector<1x16xf32> to vector<16xf32>
      %mul3A_823 = arith.constant 27.7128124 : f32
      %mul3A_824 = vector.broadcast %mul3A_823 : f32 to vector<16xf32>
      %mul3A_825 = arith.mulf %get3A_822, %mul3A_824 : vector<16xf32>
      %get3A_826 = arith.index_cast %scan3A_55 : i32 to index
      %get3A_827 = arith.constant 720 : index
      %get3A_828 = tpu.vector_load %arg7[%get3A_826, %get3A_827] {strides = array<i32>} : memref<64x768xf32, #tpu.memory_space<vmem>>, vector<1x16xf32>,
      %get3A_829 = vector.shape_cast %get3A_828 : vector<1x16xf32> to vector<16xf32>
      %add3A_830 = arith.addf %mul3A_825, %get3A_829 : vector<16xf32>
      %swap3A_831 = arith.index_cast %scan3A_55 : i32 to index
      %swap3A_832 = arith.constant 720 : index
      %swap3A_833 = tpu.vector_load %arg8[%swap3A_831, %swap3A_832] {strides = array<i32>} : memref<64x768xf32, #tpu.memory_space<vmem>>, vector<1x16xf32>,
      %swap3A_834 = vector.shape_cast %swap3A_833 : vector<1x16xf32> to vector<16xf32>
      %swap3A_835 = vector.shape_cast %add3A_830 : vector<16xf32> to vector<1x16xf32>
      tpu.vector_store %arg8[%swap3A_831, %swap3A_832], %swap3A_835 {strides = array<i32>} : memref<64x768xf32, #tpu.memory_space<vmem>>, vector<1x16xf32>,
      %get3A_836 = arith.index_cast %scan3A_55 : i32 to index
      %get3A_837 = arith.constant 736 : index
      %get3A_838 = tpu.vector_load %arg8[%get3A_836, %get3A_837] {strides = array<i32>} : memref<64x768xf32, #tpu.memory_space<vmem>>, vector<1x16xf32>,
      %get3A_839 = vector.shape_cast %get3A_838 : vector<1x16xf32> to vector<16xf32>
      %mul3A_840 = arith.constant 27.7128124 : f32
      %mul3A_841 = vector.broadcast %mul3A_840 : f32 to vector<16xf32>
      %mul3A_842 = arith.mulf %get3A_839, %mul3A_841 : vector<16xf32>
      %get3A_843 = arith.index_cast %scan3A_55 : i32 to index
      %get3A_844 = arith.constant 736 : index
      %get3A_845 = tpu.vector_load %arg7[%get3A_843, %get3A_844] {strides = array<i32>} : memref<64x768xf32, #tpu.memory_space<vmem>>, vector<1x16xf32>,
      %get3A_846 = vector.shape_cast %get3A_845 : vector<1x16xf32> to vector<16xf32>
      %add3A_847 = arith.addf %mul3A_842, %get3A_846 : vector<16xf32>
      %swap3A_848 = arith.index_cast %scan3A_55 : i32 to index
      %swap3A_849 = arith.constant 736 : index
      %swap3A_850 = tpu.vector_load %arg8[%swap3A_848, %swap3A_849] {strides = array<i32>} : memref<64x768xf32, #tpu.memory_space<vmem>>, vector<1x16xf32>,
      %swap3A_851 = vector.shape_cast %swap3A_850 : vector<1x16xf32> to vector<16xf32>
      %swap3A_852 = vector.shape_cast %add3A_847 : vector<16xf32> to vector<1x16xf32>
      tpu.vector_store %arg8[%swap3A_848, %swap3A_849], %swap3A_852 {strides = array<i32>} : memref<64x768xf32, #tpu.memory_space<vmem>>, vector<1x16xf32>,
      %get3A_853 = arith.index_cast %scan3A_55 : i32 to index
      %get3A_854 = arith.constant 752 : index
      %get3A_855 = tpu.vector_load %arg8[%get3A_853, %get3A_854] {strides = array<i32>} : memref<64x768xf32, #tpu.memory_space<vmem>>, vector<1x16xf32>,
      %get3A_856 = vector.shape_cast %get3A_855 : vector<1x16xf32> to vector<16xf32>
      %mul3A_857 = arith.constant 27.7128124 : f32
      %mul3A_858 = vector.broadcast %mul3A_857 : f32 to vector<16xf32>
      %mul3A_859 = arith.mulf %get3A_856, %mul3A_858 : vector<16xf32>
      %get3A_860 = arith.index_cast %scan3A_55 : i32 to index
      %get3A_861 = arith.constant 752 : index
      %get3A_862 = tpu.vector_load %arg7[%get3A_860, %get3A_861] {strides = array<i32>} : memref<64x768xf32, #tpu.memory_space<vmem>>, vector<1x16xf32>,
      %get3A_863 = vector.shape_cast %get3A_862 : vector<1x16xf32> to vector<16xf32>
      %add3A_864 = arith.addf %mul3A_859, %get3A_863 : vector<16xf32>
      %swap3A_865 = arith.index_cast %scan3A_55 : i32 to index
      %swap3A_866 = arith.constant 752 : index
      %swap3A_867 = tpu.vector_load %arg8[%swap3A_865, %swap3A_866] {strides = array<i32>} : memref<64x768xf32, #tpu.memory_space<vmem>>, vector<1x16xf32>,
      %swap3A_868 = vector.shape_cast %swap3A_867 : vector<1x16xf32> to vector<16xf32>
      %swap3A_869 = vector.shape_cast %add3A_864 : vector<16xf32> to vector<1x16xf32>
      tpu.vector_store %arg8[%swap3A_865, %swap3A_866], %swap3A_869 {strides = array<i32>} : memref<64x768xf32, #tpu.memory_space<vmem>>, vector<1x16xf32>,
    }
    %scan3A_11 = arith.constant 64 : i32
    %run_scoped3A_12 = arith.constant 0 : i32
    "tpu.region"() ({
      %run_scoped3A_55 = tpu.sem_alloc : memref<!tpu.dma_semaphore, #tpu.memory_space<semaphore_mem>>
      %dma_start3A_56 = arith.constant 0 : i32
      %dma_start3A_57 = tpu.memref_slice %arg5[%run_scoped3A_12, %mul3A_2, %dma_start3A_56] : memref<4x2048x768xf32, #tpu.memory_space<hbm>> -> memref<1x64x768xf32, #tpu.memory_space<hbm>>
      %dma_start3A_58 = tpu.memref_squeeze %dma_start3A_57 : memref<1x64x768xf32, #tpu.memory_space<hbm>> -> memref<64x768xf32, #tpu.memory_space<hbm>>
      %dma_start3A_59 = arith.constant 0 : i32
      %dma_start3A_60 = tpu.memref_slice %arg5[%run_scoped3A_12, %mul3A_2, %dma_start3A_59] : memref<4x2048x768xf32, #tpu.memory_space<hbm>> -> memref<1x64x768xf32, #tpu.memory_space<hbm>>
      %dma_start3A_61 = tpu.memref_squeeze %dma_start3A_60 : memref<1x64x768xf32, #tpu.memory_space<hbm>> -> memref<64x768xf32, #tpu.memory_space<hbm>>
      tpu.enqueue_dma source(%arg8 : memref<64x768xf32, #tpu.memory_space<vmem>>) target(%dma_start3A_61 : memref<64x768xf32, #tpu.memory_space<hbm>>) target_semaphore(%run_scoped3A_55 : memref<!tpu.dma_semaphore, #tpu.memory_space<semaphore_mem>>)
      %dma_wait3A_62 = arith.constant 0 : i32
      %dma_wait3A_63 = tpu.memref_slice %arg5[%run_scoped3A_12, %mul3A_2, %dma_wait3A_62] : memref<4x2048x768xf32, #tpu.memory_space<hbm>> -> memref<1x64x768xf32, #tpu.memory_space<hbm>>
      %dma_wait3A_64 = tpu.memref_squeeze %dma_wait3A_63 : memref<1x64x768xf32, #tpu.memory_space<hbm>> -> memref<64x768xf32, #tpu.memory_space<hbm>>
      %dma_wait3A_65 = arith.constant 0 : i32
      %dma_wait3A_66 = tpu.memref_slice %arg5[%run_scoped3A_12, %mul3A_2, %dma_wait3A_65] : memref<4x2048x768xf32, #tpu.memory_space<hbm>> -> memref<1x64x768xf32, #tpu.memory_space<hbm>>
      %dma_wait3A_67 = tpu.memref_squeeze %dma_wait3A_66 : memref<1x64x768xf32, #tpu.memory_space<hbm>> -> memref<64x768xf32, #tpu.memory_space<hbm>>
      tpu.wait_dma2 semaphore(%run_scoped3A_55 : memref<!tpu.dma_semaphore, #tpu.memory_space<semaphore_mem>>) src(%arg8 : memref<64x768xf32, #tpu.memory_space<vmem>>) dst(%dma_wait3A_67 : memref<64x768xf32, #tpu.memory_space<hbm>>)
      tpu.yield
    }) : () -> ()
    %run_scoped3A_13 = arith.constant 1 : i32
    "tpu.region"() ({
      %run_scoped3A_55 = tpu.sem_alloc : memref<!tpu.dma_semaphore, #tpu.memory_space<semaphore_mem>>
      %dma_start3A_56 = tpu.memref_slice %arg2[%run_scoped3A_13, %mul3A_2] : memref<4x2048xi32, #tpu.memory_space<hbm>> -> memref<1x64xi32, #tpu.memory_space<hbm>>
      %dma_start3A_57 = tpu.memref_squeeze %dma_start3A_56 : memref<1x64xi32, #tpu.memory_space<hbm>> -> memref<64xi32, #tpu.memory_space<hbm>>
      %dma_start3A_58 = tpu.memref_slice %arg2[%run_scoped3A_13, %mul3A_2] : memref<4x2048xi32, #tpu.memory_space<hbm>> -> memref<1x64xi32, #tpu.memory_space<hbm>>
      %dma_start3A_59 = tpu.memref_squeeze %dma_start3A_58 : memref<1x64xi32, #tpu.memory_space<hbm>> -> memref<64xi32, #tpu.memory_space<hbm>>
      tpu.enqueue_dma source(%dma_start3A_59 : memref<64xi32, #tpu.memory_space<hbm>>) target(%arg6 : memref<64xi32, #tpu.memory_space<vmem>>) target_semaphore(%run_scoped3A_55 : memref<!tpu.dma_semaphore, #tpu.memory_space<semaphore_mem>>)
      %dma_wait3A_60 = tpu.memref_slice %arg2[%run_scoped3A_13, %mul3A_2] : memref<4x2048xi32, #tpu.memory_space<hbm>> -> memref<1x64xi32, #tpu.memory_space<hbm>>
      %dma_wait3A_61 = tpu.memref_squeeze %dma_wait3A_60 : memref<1x64xi32, #tpu.memory_space<hbm>> -> memref<64xi32, #tpu.memory_space<hbm>>
      %dma_wait3A_62 = tpu.memref_slice %arg2[%run_scoped3A_13, %mul3A_2] : memref<4x2048xi32, #tpu.memory_space<hbm>> -> memref<1x64xi32, #tpu.memory_space<hbm>>
      %dma_wait3A_63 = tpu.memref_squeeze %dma_wait3A_62 : memref<1x64xi32, #tpu.memory_space<hbm>> -> memref<64xi32, #tpu.memory_space<hbm>>
      tpu.wait_dma2 semaphore(%run_scoped3A_55 : memref<!tpu.dma_semaphore, #tpu.memory_space<semaphore_mem>>) src(%dma_wait3A_63 : memref<64xi32, #tpu.memory_space<hbm>>) dst(%arg6 : memref<64xi32, #tpu.memory_space<vmem>>)
      tpu.yield
    }) : () -> ()
    %dma_start3A_14 = arith.constant 0 : i32
    %dma_start3A_15 = arith.constant 0 : i32
    %dma_start3A_16 = tpu.memref_slice %arg3[%dma_start3A_14, %dma_start3A_15] : memref<100000x768xf32, #tpu.memory_space<hbm>> -> memref<100000x768xf32, #tpu.memory_space<hbm>>
    tpu.enqueue_indirect_dma source(%dma_start3A_16 : memref<100000x768xf32, #tpu.memory_space<hbm>>) target(%arg8 : memref<64x768xf32, #tpu.memory_space<vmem>>) offsets(%arg6 : memref<64xi32, #tpu.memory_space<vmem>>) semaphore(%arg9 : memref<!tpu.dma_semaphore, #tpu.memory_space<semaphore_mem>>)
    %dma_wait3A_17 = arith.constant 0 : i32
    %dma_wait3A_18 = arith.constant 0 : i32
    %dma_wait3A_19 = tpu.memref_slice %arg3[%dma_wait3A_17, %dma_wait3A_18] : memref<100000x768xf32, #tpu.memory_space<hbm>> -> memref<100000x768xf32, #tpu.memory_space<hbm>>
    tpu.wait_indirect_dma semaphore(%arg9 : memref<!tpu.dma_semaphore, #tpu.memory_space<semaphore_mem>>) src(%dma_wait3A_19 : memref<100000x768xf32, #tpu.memory_space<hbm>>) dst(%arg8 : memref<64x768xf32, #tpu.memory_space<vmem>>)
    %scan3A_20 = arith.constant 0 : i32
    %scan3A_21 = arith.constant 0 : i32
    %scan3A_22 = arith.constant 64 : i32
    %scan3A_23 = arith.addi %scan3A_21, %scan3A_22 : i32
    %scan3A_24 = arith.constant 1 : i32
    scf.for %scan3A_55 = %scan3A_21 to %scan3A_23 step %scan3A_24  : i32 {
      %get3A = arith.index_cast %scan3A_55 : i32 to index
      %get3A_56 = arith.constant 0 : index
      %get3A_57 = tpu.vector_load %arg8[%get3A, %get3A_56] {strides = array<i32>} : memref<64x768xf32, #tpu.memory_space<vmem>>, vector<1x16xf32>,
      %get3A_58 = vector.shape_cast %get3A_57 : vector<1x16xf32> to vector<16xf32>
      %mul3A_59 = arith.constant 27.7128124 : f32
      %mul3A_60 = vector.broadcast %mul3A_59 : f32 to vector<16xf32>
      %mul3A_61 = arith.mulf %get3A_58, %mul3A_60 : vector<16xf32>
      %get3A_62 = arith.index_cast %scan3A_55 : i32 to index
      %get3A_63 = arith.constant 0 : index
      %get3A_64 = tpu.vector_load %arg7[%get3A_62, %get3A_63] {strides = array<i32>} : memref<64x768xf32, #tpu.memory_space<vmem>>, vector<1x16xf32>,
      %get3A_65 = vector.shape_cast %get3A_64 : vector<1x16xf32> to vector<16xf32>
      %add3A_66 = arith.addf %mul3A_61, %get3A_65 : vector<16xf32>
      %swap3A = arith.index_cast %scan3A_55 : i32 to index
      %swap3A_67 = arith.constant 0 : index
      %swap3A_68 = tpu.vector_load %arg8[%swap3A, %swap3A_67] {strides = array<i32>} : memref<64x768xf32, #tpu.memory_space<vmem>>, vector<1x16xf32>,
      %swap3A_69 = vector.shape_cast %swap3A_68 : vector<1x16xf32> to vector<16xf32>
      %swap3A_70 = vector.shape_cast %add3A_66 : vector<16xf32> to vector<1x16xf32>
      tpu.vector_store %arg8[%swap3A, %swap3A_67], %swap3A_70 {strides = array<i32>} : memref<64x768xf32, #tpu.memory_space<vmem>>, vector<1x16xf32>,
      %get3A_71 = arith.index_cast %scan3A_55 : i32 to index
      %get3A_72 = arith.constant 16 : index
      %get3A_73 = tpu.vector_load %arg8[%get3A_71, %get3A_72] {strides = array<i32>} : memref<64x768xf32, #tpu.memory_space<vmem>>, vector<1x16xf32>,
      %get3A_74 = vector.shape_cast %get3A_73 : vector<1x16xf32> to vector<16xf32>
      %mul3A_75 = arith.constant 27.7128124 : f32
      %mul3A_76 = vector.broadcast %mul3A_75 : f32 to vector<16xf32>
      %mul3A_77 = arith.mulf %get3A_74, %mul3A_76 : vector<16xf32>
      %get3A_78 = arith.index_cast %scan3A_55 : i32 to index
      %get3A_79 = arith.constant 16 : index
      %get3A_80 = tpu.vector_load %arg7[%get3A_78, %get3A_79] {strides = array<i32>} : memref<64x768xf32, #tpu.memory_space<vmem>>, vector<1x16xf32>,
      %get3A_81 = vector.shape_cast %get3A_80 : vector<1x16xf32> to vector<16xf32>
      %add3A_82 = arith.addf %mul3A_77, %get3A_81 : vector<16xf32>
      %swap3A_83 = arith.index_cast %scan3A_55 : i32 to index
      %swap3A_84 = arith.constant 16 : index
      %swap3A_85 = tpu.vector_load %arg8[%swap3A_83, %swap3A_84] {strides = array<i32>} : memref<64x768xf32, #tpu.memory_space<vmem>>, vector<1x16xf32>,
      %swap3A_86 = vector.shape_cast %swap3A_85 : vector<1x16xf32> to vector<16xf32>
      %swap3A_87 = vector.shape_cast %add3A_82 : vector<16xf32> to vector<1x16xf32>
      tpu.vector_store %arg8[%swap3A_83, %swap3A_84], %swap3A_87 {strides = array<i32>} : memref<64x768xf32, #tpu.memory_space<vmem>>, vector<1x16xf32>,
      %get3A_88 = arith.index_cast %scan3A_55 : i32 to index
      %get3A_89 = arith.constant 32 : index
      %get3A_90 = tpu.vector_load %arg8[%get3A_88, %get3A_89] {strides = array<i32>} : memref<64x768xf32, #tpu.memory_space<vmem>>, vector<1x16xf32>,
      %get3A_91 = vector.shape_cast %get3A_90 : vector<1x16xf32> to vector<16xf32>
      %mul3A_92 = arith.constant 27.7128124 : f32
      %mul3A_93 = vector.broadcast %mul3A_92 : f32 to vector<16xf32>
      %mul3A_94 = arith.mulf %get3A_91, %mul3A_93 : vector<16xf32>
      %get3A_95 = arith.index_cast %scan3A_55 : i32 to index
      %get3A_96 = arith.constant 32 : index
      %get3A_97 = tpu.vector_load %arg7[%get3A_95, %get3A_96] {strides = array<i32>} : memref<64x768xf32, #tpu.memory_space<vmem>>, vector<1x16xf32>,
      %get3A_98 = vector.shape_cast %get3A_97 : vector<1x16xf32> to vector<16xf32>
      %add3A_99 = arith.addf %mul3A_94, %get3A_98 : vector<16xf32>
      %swap3A_100 = arith.index_cast %scan3A_55 : i32 to index
      %swap3A_101 = arith.constant 32 : index
      %swap3A_102 = tpu.vector_load %arg8[%swap3A_100, %swap3A_101] {strides = array<i32>} : memref<64x768xf32, #tpu.memory_space<vmem>>, vector<1x16xf32>,
      %swap3A_103 = vector.shape_cast %swap3A_102 : vector<1x16xf32> to vector<16xf32>
      %swap3A_104 = vector.shape_cast %add3A_99 : vector<16xf32> to vector<1x16xf32>
      tpu.vector_store %arg8[%swap3A_100, %swap3A_101], %swap3A_104 {strides = array<i32>} : memref<64x768xf32, #tpu.memory_space<vmem>>, vector<1x16xf32>,
      %get3A_105 = arith.index_cast %scan3A_55 : i32 to index
      %get3A_106 = arith.constant 48 : index
      %get3A_107 = tpu.vector_load %arg8[%get3A_105, %get3A_106] {strides = array<i32>} : memref<64x768xf32, #tpu.memory_space<vmem>>, vector<1x16xf32>,
      %get3A_108 = vector.shape_cast %get3A_107 : vector<1x16xf32> to vector<16xf32>
      %mul3A_109 = arith.constant 27.7128124 : f32
      %mul3A_110 = vector.broadcast %mul3A_109 : f32 to vector<16xf32>
      %mul3A_111 = arith.mulf %get3A_108, %mul3A_110 : vector<16xf32>
      %get3A_112 = arith.index_cast %scan3A_55 : i32 to index
      %get3A_113 = arith.constant 48 : index
      %get3A_114 = tpu.vector_load %arg7[%get3A_112, %get3A_113] {strides = array<i32>} : memref<64x768xf32, #tpu.memory_space<vmem>>, vector<1x16xf32>,
      %get3A_115 = vector.shape_cast %get3A_114 : vector<1x16xf32> to vector<16xf32>
      %add3A_116 = arith.addf %mul3A_111, %get3A_115 : vector<16xf32>
      %swap3A_117 = arith.index_cast %scan3A_55 : i32 to index
      %swap3A_118 = arith.constant 48 : index
      %swap3A_119 = tpu.vector_load %arg8[%swap3A_117, %swap3A_118] {strides = array<i32>} : memref<64x768xf32, #tpu.memory_space<vmem>>, vector<1x16xf32>,
      %swap3A_120 = vector.shape_cast %swap3A_119 : vector<1x16xf32> to vector<16xf32>
      %swap3A_121 = vector.shape_cast %add3A_116 : vector<16xf32> to vector<1x16xf32>
      tpu.vector_store %arg8[%swap3A_117, %swap3A_118], %swap3A_121 {strides = array<i32>} : memref<64x768xf32, #tpu.memory_space<vmem>>, vector<1x16xf32>,
      %get3A_122 = arith.index_cast %scan3A_55 : i32 to index
      %get3A_123 = arith.constant 64 : index
      %get3A_124 = tpu.vector_load %arg8[%get3A_122, %get3A_123] {strides = array<i32>} : memref<64x768xf32, #tpu.memory_space<vmem>>, vector<1x16xf32>,
      %get3A_125 = vector.shape_cast %get3A_124 : vector<1x16xf32> to vector<16xf32>
      %mul3A_126 = arith.constant 27.7128124 : f32
      %mul3A_127 = vector.broadcast %mul3A_126 : f32 to vector<16xf32>
      %mul3A_128 = arith.mulf %get3A_125, %mul3A_127 : vector<16xf32>
      %get3A_129 = arith.index_cast %scan3A_55 : i32 to index
      %get3A_130 = arith.constant 64 : index
      %get3A_131 = tpu.vector_load %arg7[%get3A_129, %get3A_130] {strides = array<i32>} : memref<64x768xf32, #tpu.memory_space<vmem>>, vector<1x16xf32>,
      %get3A_132 = vector.shape_cast %get3A_131 : vector<1x16xf32> to vector<16xf32>
      %add3A_133 = arith.addf %mul3A_128, %get3A_132 : vector<16xf32>
      %swap3A_134 = arith.index_cast %scan3A_55 : i32 to index
      %swap3A_135 = arith.constant 64 : index
      %swap3A_136 = tpu.vector_load %arg8[%swap3A_134, %swap3A_135] {strides = array<i32>} : memref<64x768xf32, #tpu.memory_space<vmem>>, vector<1x16xf32>,
      %swap3A_137 = vector.shape_cast %swap3A_136 : vector<1x16xf32> to vector<16xf32>
      %swap3A_138 = vector.shape_cast %add3A_133 : vector<16xf32> to vector<1x16xf32>
      tpu.vector_store %arg8[%swap3A_134, %swap3A_135], %swap3A_138 {strides = array<i32>} : memref<64x768xf32, #tpu.memory_space<vmem>>, vector<1x16xf32>,
      %get3A_139 = arith.index_cast %scan3A_55 : i32 to index
      %get3A_140 = arith.constant 80 : index
      %get3A_141 = tpu.vector_load %arg8[%get3A_139, %get3A_140] {strides = array<i32>} : memref<64x768xf32, #tpu.memory_space<vmem>>, vector<1x16xf32>,
      %get3A_142 = vector.shape_cast %get3A_141 : vector<1x16xf32> to vector<16xf32>
      %mul3A_143 = arith.constant 27.7128124 : f32
      %mul3A_144 = vector.broadcast %mul3A_143 : f32 to vector<16xf32>
      %mul3A_145 = arith.mulf %get3A_142, %mul3A_144 : vector<16xf32>
      %get3A_146 = arith.index_cast %scan3A_55 : i32 to index
      %get3A_147 = arith.constant 80 : index
      %get3A_148 = tpu.vector_load %arg7[%get3A_146, %get3A_147] {strides = array<i32>} : memref<64x768xf32, #tpu.memory_space<vmem>>, vector<1x16xf32>,
      %get3A_149 = vector.shape_cast %get3A_148 : vector<1x16xf32> to vector<16xf32>
      %add3A_150 = arith.addf %mul3A_145, %get3A_149 : vector<16xf32>
      %swap3A_151 = arith.index_cast %scan3A_55 : i32 to index
      %swap3A_152 = arith.constant 80 : index
      %swap3A_153 = tpu.vector_load %arg8[%swap3A_151, %swap3A_152] {strides = array<i32>} : memref<64x768xf32, #tpu.memory_space<vmem>>, vector<1x16xf32>,
      %swap3A_154 = vector.shape_cast %swap3A_153 : vector<1x16xf32> to vector<16xf32>
      %swap3A_155 = vector.shape_cast %add3A_150 : vector<16xf32> to vector<1x16xf32>
      tpu.vector_store %arg8[%swap3A_151, %swap3A_152], %swap3A_155 {strides = array<i32>} : memref<64x768xf32, #tpu.memory_space<vmem>>, vector<1x16xf32>,
      %get3A_156 = arith.index_cast %scan3A_55 : i32 to index
      %get3A_157 = arith.constant 96 : index
      %get3A_158 = tpu.vector_load %arg8[%get3A_156, %get3A_157] {strides = array<i32>} : memref<64x768xf32, #tpu.memory_space<vmem>>, vector<1x16xf32>,
      %get3A_159 = vector.shape_cast %get3A_158 : vector<1x16xf32> to vector<16xf32>
      %mul3A_160 = arith.constant 27.7128124 : f32
      %mul3A_161 = vector.broadcast %mul3A_160 : f32 to vector<16xf32>
      %mul3A_162 = arith.mulf %get3A_159, %mul3A_161 : vector<16xf32>
      %get3A_163 = arith.index_cast %scan3A_55 : i32 to index
      %get3A_164 = arith.constant 96 : index
      %get3A_165 = tpu.vector_load %arg7[%get3A_163, %get3A_164] {strides = array<i32>} : memref<64x768xf32, #tpu.memory_space<vmem>>, vector<1x16xf32>,
      %get3A_166 = vector.shape_cast %get3A_165 : vector<1x16xf32> to vector<16xf32>
      %add3A_167 = arith.addf %mul3A_162, %get3A_166 : vector<16xf32>
      %swap3A_168 = arith.index_cast %scan3A_55 : i32 to index
      %swap3A_169 = arith.constant 96 : index
      %swap3A_170 = tpu.vector_load %arg8[%swap3A_168, %swap3A_169] {strides = array<i32>} : memref<64x768xf32, #tpu.memory_space<vmem>>, vector<1x16xf32>,
      %swap3A_171 = vector.shape_cast %swap3A_170 : vector<1x16xf32> to vector<16xf32>
      %swap3A_172 = vector.shape_cast %add3A_167 : vector<16xf32> to vector<1x16xf32>
      tpu.vector_store %arg8[%swap3A_168, %swap3A_169], %swap3A_172 {strides = array<i32>} : memref<64x768xf32, #tpu.memory_space<vmem>>, vector<1x16xf32>,
      %get3A_173 = arith.index_cast %scan3A_55 : i32 to index
      %get3A_174 = arith.constant 112 : index
      %get3A_175 = tpu.vector_load %arg8[%get3A_173, %get3A_174] {strides = array<i32>} : memref<64x768xf32, #tpu.memory_space<vmem>>, vector<1x16xf32>,
      %get3A_176 = vector.shape_cast %get3A_175 : vector<1x16xf32> to vector<16xf32>
      %mul3A_177 = arith.constant 27.7128124 : f32
      %mul3A_178 = vector.broadcast %mul3A_177 : f32 to vector<16xf32>
      %mul3A_179 = arith.mulf %get3A_176, %mul3A_178 : vector<16xf32>
      %get3A_180 = arith.index_cast %scan3A_55 : i32 to index
      %get3A_181 = arith.constant 112 : index
      %get3A_182 = tpu.vector_load %arg7[%get3A_180, %get3A_181] {strides = array<i32>} : memref<64x768xf32, #tpu.memory_space<vmem>>, vector<1x16xf32>,
      %get3A_183 = vector.shape_cast %get3A_182 : vector<1x16xf32> to vector<16xf32>
      %add3A_184 = arith.addf %mul3A_179, %get3A_183 : vector<16xf32>
      %swap3A_185 = arith.index_cast %scan3A_55 : i32 to index
      %swap3A_186 = arith.constant 112 : index
      %swap3A_187 = tpu.vector_load %arg8[%swap3A_185, %swap3A_186] {strides = array<i32>} : memref<64x768xf32, #tpu.memory_space<vmem>>, vector<1x16xf32>,
      %swap3A_188 = vector.shape_cast %swap3A_187 : vector<1x16xf32> to vector<16xf32>
      %swap3A_189 = vector.shape_cast %add3A_184 : vector<16xf32> to vector<1x16xf32>
      tpu.vector_store %arg8[%swap3A_185, %swap3A_186], %swap3A_189 {strides = array<i32>} : memref<64x768xf32, #tpu.memory_space<vmem>>, vector<1x16xf32>,
      %get3A_190 = arith.index_cast %scan3A_55 : i32 to index
      %get3A_191 = arith.constant 128 : index
      %get3A_192 = tpu.vector_load %arg8[%get3A_190, %get3A_191] {strides = array<i32>} : memref<64x768xf32, #tpu.memory_space<vmem>>, vector<1x16xf32>,
      %get3A_193 = vector.shape_cast %get3A_192 : vector<1x16xf32> to vector<16xf32>
      %mul3A_194 = arith.constant 27.7128124 : f32
      %mul3A_195 = vector.broadcast %mul3A_194 : f32 to vector<16xf32>
      %mul3A_196 = arith.mulf %get3A_193, %mul3A_195 : vector<16xf32>
      %get3A_197 = arith.index_cast %scan3A_55 : i32 to index
      %get3A_198 = arith.constant 128 : index
      %get3A_199 = tpu.vector_load %arg7[%get3A_197, %get3A_198] {strides = array<i32>} : memref<64x768xf32, #tpu.memory_space<vmem>>, vector<1x16xf32>,
      %get3A_200 = vector.shape_cast %get3A_199 : vector<1x16xf32> to vector<16xf32>
      %add3A_201 = arith.addf %mul3A_196, %get3A_200 : vector<16xf32>
      %swap3A_202 = arith.index_cast %scan3A_55 : i32 to index
      %swap3A_203 = arith.constant 128 : index
      %swap3A_204 = tpu.vector_load %arg8[%swap3A_202, %swap3A_203] {strides = array<i32>} : memref<64x768xf32, #tpu.memory_space<vmem>>, vector<1x16xf32>,
      %swap3A_205 = vector.shape_cast %swap3A_204 : vector<1x16xf32> to vector<16xf32>
      %swap3A_206 = vector.shape_cast %add3A_201 : vector<16xf32> to vector<1x16xf32>
      tpu.vector_store %arg8[%swap3A_202, %swap3A_203], %swap3A_206 {strides = array<i32>} : memref<64x768xf32, #tpu.memory_space<vmem>>, vector<1x16xf32>,
      %get3A_207 = arith.index_cast %scan3A_55 : i32 to index
      %get3A_208 = arith.constant 144 : index
      %get3A_209 = tpu.vector_load %arg8[%get3A_207, %get3A_208] {strides = array<i32>} : memref<64x768xf32, #tpu.memory_space<vmem>>, vector<1x16xf32>,
      %get3A_210 = vector.shape_cast %get3A_209 : vector<1x16xf32> to vector<16xf32>
      %mul3A_211 = arith.constant 27.7128124 : f32
      %mul3A_212 = vector.broadcast %mul3A_211 : f32 to vector<16xf32>
      %mul3A_213 = arith.mulf %get3A_210, %mul3A_212 : vector<16xf32>
      %get3A_214 = arith.index_cast %scan3A_55 : i32 to index
      %get3A_215 = arith.constant 144 : index
      %get3A_216 = tpu.vector_load %arg7[%get3A_214, %get3A_215] {strides = array<i32>} : memref<64x768xf32, #tpu.memory_space<vmem>>, vector<1x16xf32>,
      %get3A_217 = vector.shape_cast %get3A_216 : vector<1x16xf32> to vector<16xf32>
      %add3A_218 = arith.addf %mul3A_213, %get3A_217 : vector<16xf32>
      %swap3A_219 = arith.index_cast %scan3A_55 : i32 to index
      %swap3A_220 = arith.constant 144 : index
      %swap3A_221 = tpu.vector_load %arg8[%swap3A_219, %swap3A_220] {strides = array<i32>} : memref<64x768xf32, #tpu.memory_space<vmem>>, vector<1x16xf32>,
      %swap3A_222 = vector.shape_cast %swap3A_221 : vector<1x16xf32> to vector<16xf32>
      %swap3A_223 = vector.shape_cast %add3A_218 : vector<16xf32> to vector<1x16xf32>
      tpu.vector_store %arg8[%swap3A_219, %swap3A_220], %swap3A_223 {strides = array<i32>} : memref<64x768xf32, #tpu.memory_space<vmem>>, vector<1x16xf32>,
      %get3A_224 = arith.index_cast %scan3A_55 : i32 to index
      %get3A_225 = arith.constant 160 : index
      %get3A_226 = tpu.vector_load %arg8[%get3A_224, %get3A_225] {strides = array<i32>} : memref<64x768xf32, #tpu.memory_space<vmem>>, vector<1x16xf32>,
      %get3A_227 = vector.shape_cast %get3A_226 : vector<1x16xf32> to vector<16xf32>
      %mul3A_228 = arith.constant 27.7128124 : f32
      %mul3A_229 = vector.broadcast %mul3A_228 : f32 to vector<16xf32>
      %mul3A_230 = arith.mulf %get3A_227, %mul3A_229 : vector<16xf32>
      %get3A_231 = arith.index_cast %scan3A_55 : i32 to index
      %get3A_232 = arith.constant 160 : index
      %get3A_233 = tpu.vector_load %arg7[%get3A_231, %get3A_232] {strides = array<i32>} : memref<64x768xf32, #tpu.memory_space<vmem>>, vector<1x16xf32>,
      %get3A_234 = vector.shape_cast %get3A_233 : vector<1x16xf32> to vector<16xf32>
      %add3A_235 = arith.addf %mul3A_230, %get3A_234 : vector<16xf32>
      %swap3A_236 = arith.index_cast %scan3A_55 : i32 to index
      %swap3A_237 = arith.constant 160 : index
      %swap3A_238 = tpu.vector_load %arg8[%swap3A_236, %swap3A_237] {strides = array<i32>} : memref<64x768xf32, #tpu.memory_space<vmem>>, vector<1x16xf32>,
      %swap3A_239 = vector.shape_cast %swap3A_238 : vector<1x16xf32> to vector<16xf32>
      %swap3A_240 = vector.shape_cast %add3A_235 : vector<16xf32> to vector<1x16xf32>
      tpu.vector_store %arg8[%swap3A_236, %swap3A_237], %swap3A_240 {strides = array<i32>} : memref<64x768xf32, #tpu.memory_space<vmem>>, vector<1x16xf32>,
      %get3A_241 = arith.index_cast %scan3A_55 : i32 to index
      %get3A_242 = arith.constant 176 : index
      %get3A_243 = tpu.vector_load %arg8[%get3A_241, %get3A_242] {strides = array<i32>} : memref<64x768xf32, #tpu.memory_space<vmem>>, vector<1x16xf32>,
      %get3A_244 = vector.shape_cast %get3A_243 : vector<1x16xf32> to vector<16xf32>
      %mul3A_245 = arith.constant 27.7128124 : f32
      %mul3A_246 = vector.broadcast %mul3A_245 : f32 to vector<16xf32>
      %mul3A_247 = arith.mulf %get3A_244, %mul3A_246 : vector<16xf32>
      %get3A_248 = arith.index_cast %scan3A_55 : i32 to index
      %get3A_249 = arith.constant 176 : index
      %get3A_250 = tpu.vector_load %arg7[%get3A_248, %get3A_249] {strides = array<i32>} : memref<64x768xf32, #tpu.memory_space<vmem>>, vector<1x16xf32>,
      %get3A_251 = vector.shape_cast %get3A_250 : vector<1x16xf32> to vector<16xf32>
      %add3A_252 = arith.addf %mul3A_247, %get3A_251 : vector<16xf32>
      %swap3A_253 = arith.index_cast %scan3A_55 : i32 to index
      %swap3A_254 = arith.constant 176 : index
      %swap3A_255 = tpu.vector_load %arg8[%swap3A_253, %swap3A_254] {strides = array<i32>} : memref<64x768xf32, #tpu.memory_space<vmem>>, vector<1x16xf32>,
      %swap3A_256 = vector.shape_cast %swap3A_255 : vector<1x16xf32> to vector<16xf32>
      %swap3A_257 = vector.shape_cast %add3A_252 : vector<16xf32> to vector<1x16xf32>
      tpu.vector_store %arg8[%swap3A_253, %swap3A_254], %swap3A_257 {strides = array<i32>} : memref<64x768xf32, #tpu.memory_space<vmem>>, vector<1x16xf32>,
      %get3A_258 = arith.index_cast %scan3A_55 : i32 to index
      %get3A_259 = arith.constant 192 : index
      %get3A_260 = tpu.vector_load %arg8[%get3A_258, %get3A_259] {strides = array<i32>} : memref<64x768xf32, #tpu.memory_space<vmem>>, vector<1x16xf32>,
      %get3A_261 = vector.shape_cast %get3A_260 : vector<1x16xf32> to vector<16xf32>
      %mul3A_262 = arith.constant 27.7128124 : f32
      %mul3A_263 = vector.broadcast %mul3A_262 : f32 to vector<16xf32>
      %mul3A_264 = arith.mulf %get3A_261, %mul3A_263 : vector<16xf32>
      %get3A_265 = arith.index_cast %scan3A_55 : i32 to index
      %get3A_266 = arith.constant 192 : index
      %get3A_267 = tpu.vector_load %arg7[%get3A_265, %get3A_266] {strides = array<i32>} : memref<64x768xf32, #tpu.memory_space<vmem>>, vector<1x16xf32>,
      %get3A_268 = vector.shape_cast %get3A_267 : vector<1x16xf32> to vector<16xf32>
      %add3A_269 = arith.addf %mul3A_264, %get3A_268 : vector<16xf32>
      %swap3A_270 = arith.index_cast %scan3A_55 : i32 to index
      %swap3A_271 = arith.constant 192 : index
      %swap3A_272 = tpu.vector_load %arg8[%swap3A_270, %swap3A_271] {strides = array<i32>} : memref<64x768xf32, #tpu.memory_space<vmem>>, vector<1x16xf32>,
      %swap3A_273 = vector.shape_cast %swap3A_272 : vector<1x16xf32> to vector<16xf32>
      %swap3A_274 = vector.shape_cast %add3A_269 : vector<16xf32> to vector<1x16xf32>
      tpu.vector_store %arg8[%swap3A_270, %swap3A_271], %swap3A_274 {strides = array<i32>} : memref<64x768xf32, #tpu.memory_space<vmem>>, vector<1x16xf32>,
      %get3A_275 = arith.index_cast %scan3A_55 : i32 to index
      %get3A_276 = arith.constant 208 : index
      %get3A_277 = tpu.vector_load %arg8[%get3A_275, %get3A_276] {strides = array<i32>} : memref<64x768xf32, #tpu.memory_space<vmem>>, vector<1x16xf32>,
      %get3A_278 = vector.shape_cast %get3A_277 : vector<1x16xf32> to vector<16xf32>
      %mul3A_279 = arith.constant 27.7128124 : f32
      %mul3A_280 = vector.broadcast %mul3A_279 : f32 to vector<16xf32>
      %mul3A_281 = arith.mulf %get3A_278, %mul3A_280 : vector<16xf32>
      %get3A_282 = arith.index_cast %scan3A_55 : i32 to index
      %get3A_283 = arith.constant 208 : index
      %get3A_284 = tpu.vector_load %arg7[%get3A_282, %get3A_283] {strides = array<i32>} : memref<64x768xf32, #tpu.memory_space<vmem>>, vector<1x16xf32>,
      %get3A_285 = vector.shape_cast %get3A_284 : vector<1x16xf32> to vector<16xf32>
      %add3A_286 = arith.addf %mul3A_281, %get3A_285 : vector<16xf32>
      %swap3A_287 = arith.index_cast %scan3A_55 : i32 to index
      %swap3A_288 = arith.constant 208 : index
      %swap3A_289 = tpu.vector_load %arg8[%swap3A_287, %swap3A_288] {strides = array<i32>} : memref<64x768xf32, #tpu.memory_space<vmem>>, vector<1x16xf32>,
      %swap3A_290 = vector.shape_cast %swap3A_289 : vector<1x16xf32> to vector<16xf32>
      %swap3A_291 = vector.shape_cast %add3A_286 : vector<16xf32> to vector<1x16xf32>
      tpu.vector_store %arg8[%swap3A_287, %swap3A_288], %swap3A_291 {strides = array<i32>} : memref<64x768xf32, #tpu.memory_space<vmem>>, vector<1x16xf32>,
      %get3A_292 = arith.index_cast %scan3A_55 : i32 to index
      %get3A_293 = arith.constant 224 : index
      %get3A_294 = tpu.vector_load %arg8[%get3A_292, %get3A_293] {strides = array<i32>} : memref<64x768xf32, #tpu.memory_space<vmem>>, vector<1x16xf32>,
      %get3A_295 = vector.shape_cast %get3A_294 : vector<1x16xf32> to vector<16xf32>
      %mul3A_296 = arith.constant 27.7128124 : f32
      %mul3A_297 = vector.broadcast %mul3A_296 : f32 to vector<16xf32>
      %mul3A_298 = arith.mulf %get3A_295, %mul3A_297 : vector<16xf32>
      %get3A_299 = arith.index_cast %scan3A_55 : i32 to index
      %get3A_300 = arith.constant 224 : index
      %get3A_301 = tpu.vector_load %arg7[%get3A_299, %get3A_300] {strides = array<i32>} : memref<64x768xf32, #tpu.memory_space<vmem>>, vector<1x16xf32>,
      %get3A_302 = vector.shape_cast %get3A_301 : vector<1x16xf32> to vector<16xf32>
      %add3A_303 = arith.addf %mul3A_298, %get3A_302 : vector<16xf32>
      %swap3A_304 = arith.index_cast %scan3A_55 : i32 to index
      %swap3A_305 = arith.constant 224 : index
      %swap3A_306 = tpu.vector_load %arg8[%swap3A_304, %swap3A_305] {strides = array<i32>} : memref<64x768xf32, #tpu.memory_space<vmem>>, vector<1x16xf32>,
      %swap3A_307 = vector.shape_cast %swap3A_306 : vector<1x16xf32> to vector<16xf32>
      %swap3A_308 = vector.shape_cast %add3A_303 : vector<16xf32> to vector<1x16xf32>
      tpu.vector_store %arg8[%swap3A_304, %swap3A_305], %swap3A_308 {strides = array<i32>} : memref<64x768xf32, #tpu.memory_space<vmem>>, vector<1x16xf32>,
      %get3A_309 = arith.index_cast %scan3A_55 : i32 to index
      %get3A_310 = arith.constant 240 : index
      %get3A_311 = tpu.vector_load %arg8[%get3A_309, %get3A_310] {strides = array<i32>} : memref<64x768xf32, #tpu.memory_space<vmem>>, vector<1x16xf32>,
      %get3A_312 = vector.shape_cast %get3A_311 : vector<1x16xf32> to vector<16xf32>
      %mul3A_313 = arith.constant 27.7128124 : f32
      %mul3A_314 = vector.broadcast %mul3A_313 : f32 to vector<16xf32>
      %mul3A_315 = arith.mulf %get3A_312, %mul3A_314 : vector<16xf32>
      %get3A_316 = arith.index_cast %scan3A_55 : i32 to index
      %get3A_317 = arith.constant 240 : index
      %get3A_318 = tpu.vector_load %arg7[%get3A_316, %get3A_317] {strides = array<i32>} : memref<64x768xf32, #tpu.memory_space<vmem>>, vector<1x16xf32>,
      %get3A_319 = vector.shape_cast %get3A_318 : vector<1x16xf32> to vector<16xf32>
      %add3A_320 = arith.addf %mul3A_315, %get3A_319 : vector<16xf32>
      %swap3A_321 = arith.index_cast %scan3A_55 : i32 to index
      %swap3A_322 = arith.constant 240 : index
      %swap3A_323 = tpu.vector_load %arg8[%swap3A_321, %swap3A_322] {strides = array<i32>} : memref<64x768xf32, #tpu.memory_space<vmem>>, vector<1x16xf32>,
      %swap3A_324 = vector.shape_cast %swap3A_323 : vector<1x16xf32> to vector<16xf32>
      %swap3A_325 = vector.shape_cast %add3A_320 : vector<16xf32> to vector<1x16xf32>
      tpu.vector_store %arg8[%swap3A_321, %swap3A_322], %swap3A_325 {strides = array<i32>} : memref<64x768xf32, #tpu.memory_space<vmem>>, vector<1x16xf32>,
      %get3A_326 = arith.index_cast %scan3A_55 : i32 to index
      %get3A_327 = arith.constant 256 : index
      %get3A_328 = tpu.vector_load %arg8[%get3A_326, %get3A_327] {strides = array<i32>} : memref<64x768xf32, #tpu.memory_space<vmem>>, vector<1x16xf32>,
      %get3A_329 = vector.shape_cast %get3A_328 : vector<1x16xf32> to vector<16xf32>
      %mul3A_330 = arith.constant 27.7128124 : f32
      %mul3A_331 = vector.broadcast %mul3A_330 : f32 to vector<16xf32>
      %mul3A_332 = arith.mulf %get3A_329, %mul3A_331 : vector<16xf32>
      %get3A_333 = arith.index_cast %scan3A_55 : i32 to index
      %get3A_334 = arith.constant 256 : index
      %get3A_335 = tpu.vector_load %arg7[%get3A_333, %get3A_334] {strides = array<i32>} : memref<64x768xf32, #tpu.memory_space<vmem>>, vector<1x16xf32>,
      %get3A_336 = vector.shape_cast %get3A_335 : vector<1x16xf32> to vector<16xf32>
      %add3A_337 = arith.addf %mul3A_332, %get3A_336 : vector<16xf32>
      %swap3A_338 = arith.index_cast %scan3A_55 : i32 to index
      %swap3A_339 = arith.constant 256 : index
      %swap3A_340 = tpu.vector_load %arg8[%swap3A_338, %swap3A_339] {strides = array<i32>} : memref<64x768xf32, #tpu.memory_space<vmem>>, vector<1x16xf32>,
      %swap3A_341 = vector.shape_cast %swap3A_340 : vector<1x16xf32> to vector<16xf32>
      %swap3A_342 = vector.shape_cast %add3A_337 : vector<16xf32> to vector<1x16xf32>
      tpu.vector_store %arg8[%swap3A_338, %swap3A_339], %swap3A_342 {strides = array<i32>} : memref<64x768xf32, #tpu.memory_space<vmem>>, vector<1x16xf32>,
      %get3A_343 = arith.index_cast %scan3A_55 : i32 to index
      %get3A_344 = arith.constant 272 : index
      %get3A_345 = tpu.vector_load %arg8[%get3A_343, %get3A_344] {strides = array<i32>} : memref<64x768xf32, #tpu.memory_space<vmem>>, vector<1x16xf32>,
      %get3A_346 = vector.shape_cast %get3A_345 : vector<1x16xf32> to vector<16xf32>
      %mul3A_347 = arith.constant 27.7128124 : f32
      %mul3A_348 = vector.broadcast %mul3A_347 : f32 to vector<16xf32>
      %mul3A_349 = arith.mulf %get3A_346, %mul3A_348 : vector<16xf32>
      %get3A_350 = arith.index_cast %scan3A_55 : i32 to index
      %get3A_351 = arith.constant 272 : index
      %get3A_352 = tpu.vector_load %arg7[%get3A_350, %get3A_351] {strides = array<i32>} : memref<64x768xf32, #tpu.memory_space<vmem>>, vector<1x16xf32>,
      %get3A_353 = vector.shape_cast %get3A_352 : vector<1x16xf32> to vector<16xf32>
      %add3A_354 = arith.addf %mul3A_349, %get3A_353 : vector<16xf32>
      %swap3A_355 = arith.index_cast %scan3A_55 : i32 to index
      %swap3A_356 = arith.constant 272 : index
      %swap3A_357 = tpu.vector_load %arg8[%swap3A_355, %swap3A_356] {strides = array<i32>} : memref<64x768xf32, #tpu.memory_space<vmem>>, vector<1x16xf32>,
      %swap3A_358 = vector.shape_cast %swap3A_357 : vector<1x16xf32> to vector<16xf32>
      %swap3A_359 = vector.shape_cast %add3A_354 : vector<16xf32> to vector<1x16xf32>
      tpu.vector_store %arg8[%swap3A_355, %swap3A_356], %swap3A_359 {strides = array<i32>} : memref<64x768xf32, #tpu.memory_space<vmem>>, vector<1x16xf32>,
      %get3A_360 = arith.index_cast %scan3A_55 : i32 to index
      %get3A_361 = arith.constant 288 : index
      %get3A_362 = tpu.vector_load %arg8[%get3A_360, %get3A_361] {strides = array<i32>} : memref<64x768xf32, #tpu.memory_space<vmem>>, vector<1x16xf32>,
      %get3A_363 = vector.shape_cast %get3A_362 : vector<1x16xf32> to vector<16xf32>
      %mul3A_364 = arith.constant 27.7128124 : f32
      %mul3A_365 = vector.broadcast %mul3A_364 : f32 to vector<16xf32>
      %mul3A_366 = arith.mulf %get3A_363, %mul3A_365 : vector<16xf32>
      %get3A_367 = arith.index_cast %scan3A_55 : i32 to index
      %get3A_368 = arith.constant 288 : index
      %get3A_369 = tpu.vector_load %arg7[%get3A_367, %get3A_368] {strides = array<i32>} : memref<64x768xf32, #tpu.memory_space<vmem>>, vector<1x16xf32>,
      %get3A_370 = vector.shape_cast %get3A_369 : vector<1x16xf32> to vector<16xf32>
      %add3A_371 = arith.addf %mul3A_366, %get3A_370 : vector<16xf32>
      %swap3A_372 = arith.index_cast %scan3A_55 : i32 to index
      %swap3A_373 = arith.constant 288 : index
      %swap3A_374 = tpu.vector_load %arg8[%swap3A_372, %swap3A_373] {strides = array<i32>} : memref<64x768xf32, #tpu.memory_space<vmem>>, vector<1x16xf32>,
      %swap3A_375 = vector.shape_cast %swap3A_374 : vector<1x16xf32> to vector<16xf32>
      %swap3A_376 = vector.shape_cast %add3A_371 : vector<16xf32> to vector<1x16xf32>
      tpu.vector_store %arg8[%swap3A_372, %swap3A_373], %swap3A_376 {strides = array<i32>} : memref<64x768xf32, #tpu.memory_space<vmem>>, vector<1x16xf32>,
      %get3A_377 = arith.index_cast %scan3A_55 : i32 to index
      %get3A_378 = arith.constant 304 : index
      %get3A_379 = tpu.vector_load %arg8[%get3A_377, %get3A_378] {strides = array<i32>} : memref<64x768xf32, #tpu.memory_space<vmem>>, vector<1x16xf32>,
      %get3A_380 = vector.shape_cast %get3A_379 : vector<1x16xf32> to vector<16xf32>
      %mul3A_381 = arith.constant 27.7128124 : f32
      %mul3A_382 = vector.broadcast %mul3A_381 : f32 to vector<16xf32>
      %mul3A_383 = arith.mulf %get3A_380, %mul3A_382 : vector<16xf32>
      %get3A_384 = arith.index_cast %scan3A_55 : i32 to index
      %get3A_385 = arith.constant 304 : index
      %get3A_386 = tpu.vector_load %arg7[%get3A_384, %get3A_385] {strides = array<i32>} : memref<64x768xf32, #tpu.memory_space<vmem>>, vector<1x16xf32>,
      %get3A_387 = vector.shape_cast %get3A_386 : vector<1x16xf32> to vector<16xf32>
      %add3A_388 = arith.addf %mul3A_383, %get3A_387 : vector<16xf32>
      %swap3A_389 = arith.index_cast %scan3A_55 : i32 to index
      %swap3A_390 = arith.constant 304 : index
      %swap3A_391 = tpu.vector_load %arg8[%swap3A_389, %swap3A_390] {strides = array<i32>} : memref<64x768xf32, #tpu.memory_space<vmem>>, vector<1x16xf32>,
      %swap3A_392 = vector.shape_cast %swap3A_391 : vector<1x16xf32> to vector<16xf32>
      %swap3A_393 = vector.shape_cast %add3A_388 : vector<16xf32> to vector<1x16xf32>
      tpu.vector_store %arg8[%swap3A_389, %swap3A_390], %swap3A_393 {strides = array<i32>} : memref<64x768xf32, #tpu.memory_space<vmem>>, vector<1x16xf32>,
      %get3A_394 = arith.index_cast %scan3A_55 : i32 to index
      %get3A_395 = arith.constant 320 : index
      %get3A_396 = tpu.vector_load %arg8[%get3A_394, %get3A_395] {strides = array<i32>} : memref<64x768xf32, #tpu.memory_space<vmem>>, vector<1x16xf32>,
      %get3A_397 = vector.shape_cast %get3A_396 : vector<1x16xf32> to vector<16xf32>
      %mul3A_398 = arith.constant 27.7128124 : f32
      %mul3A_399 = vector.broadcast %mul3A_398 : f32 to vector<16xf32>
      %mul3A_400 = arith.mulf %get3A_397, %mul3A_399 : vector<16xf32>
      %get3A_401 = arith.index_cast %scan3A_55 : i32 to index
      %get3A_402 = arith.constant 320 : index
      %get3A_403 = tpu.vector_load %arg7[%get3A_401, %get3A_402] {strides = array<i32>} : memref<64x768xf32, #tpu.memory_space<vmem>>, vector<1x16xf32>,
      %get3A_404 = vector.shape_cast %get3A_403 : vector<1x16xf32> to vector<16xf32>
      %add3A_405 = arith.addf %mul3A_400, %get3A_404 : vector<16xf32>
      %swap3A_406 = arith.index_cast %scan3A_55 : i32 to index
      %swap3A_407 = arith.constant 320 : index
      %swap3A_408 = tpu.vector_load %arg8[%swap3A_406, %swap3A_407] {strides = array<i32>} : memref<64x768xf32, #tpu.memory_space<vmem>>, vector<1x16xf32>,
      %swap3A_409 = vector.shape_cast %swap3A_408 : vector<1x16xf32> to vector<16xf32>
      %swap3A_410 = vector.shape_cast %add3A_405 : vector<16xf32> to vector<1x16xf32>
      tpu.vector_store %arg8[%swap3A_406, %swap3A_407], %swap3A_410 {strides = array<i32>} : memref<64x768xf32, #tpu.memory_space<vmem>>, vector<1x16xf32>,
      %get3A_411 = arith.index_cast %scan3A_55 : i32 to index
      %get3A_412 = arith.constant 336 : index
      %get3A_413 = tpu.vector_load %arg8[%get3A_411, %get3A_412] {strides = array<i32>} : memref<64x768xf32, #tpu.memory_space<vmem>>, vector<1x16xf32>,
      %get3A_414 = vector.shape_cast %get3A_413 : vector<1x16xf32> to vector<16xf32>
      %mul3A_415 = arith.constant 27.7128124 : f32
      %mul3A_416 = vector.broadcast %mul3A_415 : f32 to vector<16xf32>
      %mul3A_417 = arith.mulf %get3A_414, %mul3A_416 : vector<16xf32>
      %get3A_418 = arith.index_cast %scan3A_55 : i32 to index
      %get3A_419 = arith.constant 336 : index
      %get3A_420 = tpu.vector_load %arg7[%get3A_418, %get3A_419] {strides = array<i32>} : memref<64x768xf32, #tpu.memory_space<vmem>>, vector<1x16xf32>,
      %get3A_421 = vector.shape_cast %get3A_420 : vector<1x16xf32> to vector<16xf32>
      %add3A_422 = arith.addf %mul3A_417, %get3A_421 : vector<16xf32>
      %swap3A_423 = arith.index_cast %scan3A_55 : i32 to index
      %swap3A_424 = arith.constant 336 : index
      %swap3A_425 = tpu.vector_load %arg8[%swap3A_423, %swap3A_424] {strides = array<i32>} : memref<64x768xf32, #tpu.memory_space<vmem>>, vector<1x16xf32>,
      %swap3A_426 = vector.shape_cast %swap3A_425 : vector<1x16xf32> to vector<16xf32>
      %swap3A_427 = vector.shape_cast %add3A_422 : vector<16xf32> to vector<1x16xf32>
      tpu.vector_store %arg8[%swap3A_423, %swap3A_424], %swap3A_427 {strides = array<i32>} : memref<64x768xf32, #tpu.memory_space<vmem>>, vector<1x16xf32>,
      %get3A_428 = arith.index_cast %scan3A_55 : i32 to index
      %get3A_429 = arith.constant 352 : index
      %get3A_430 = tpu.vector_load %arg8[%get3A_428, %get3A_429] {strides = array<i32>} : memref<64x768xf32, #tpu.memory_space<vmem>>, vector<1x16xf32>,
      %get3A_431 = vector.shape_cast %get3A_430 : vector<1x16xf32> to vector<16xf32>
      %mul3A_432 = arith.constant 27.7128124 : f32
      %mul3A_433 = vector.broadcast %mul3A_432 : f32 to vector<16xf32>
      %mul3A_434 = arith.mulf %get3A_431, %mul3A_433 : vector<16xf32>
      %get3A_435 = arith.index_cast %scan3A_55 : i32 to index
      %get3A_436 = arith.constant 352 : index
      %get3A_437 = tpu.vector_load %arg7[%get3A_435, %get3A_436] {strides = array<i32>} : memref<64x768xf32, #tpu.memory_space<vmem>>, vector<1x16xf32>,
      %get3A_438 = vector.shape_cast %get3A_437 : vector<1x16xf32> to vector<16xf32>
      %add3A_439 = arith.addf %mul3A_434, %get3A_438 : vector<16xf32>
      %swap3A_440 = arith.index_cast %scan3A_55 : i32 to index
      %swap3A_441 = arith.constant 352 : index
      %swap3A_442 = tpu.vector_load %arg8[%swap3A_440, %swap3A_441] {strides = array<i32>} : memref<64x768xf32, #tpu.memory_space<vmem>>, vector<1x16xf32>,
      %swap3A_443 = vector.shape_cast %swap3A_442 : vector<1x16xf32> to vector<16xf32>
      %swap3A_444 = vector.shape_cast %add3A_439 : vector<16xf32> to vector<1x16xf32>
      tpu.vector_store %arg8[%swap3A_440, %swap3A_441], %swap3A_444 {strides = array<i32>} : memref<64x768xf32, #tpu.memory_space<vmem>>, vector<1x16xf32>,
      %get3A_445 = arith.index_cast %scan3A_55 : i32 to index
      %get3A_446 = arith.constant 368 : index
      %get3A_447 = tpu.vector_load %arg8[%get3A_445, %get3A_446] {strides = array<i32>} : memref<64x768xf32, #tpu.memory_space<vmem>>, vector<1x16xf32>,
      %get3A_448 = vector.shape_cast %get3A_447 : vector<1x16xf32> to vector<16xf32>
      %mul3A_449 = arith.constant 27.7128124 : f32
      %mul3A_450 = vector.broadcast %mul3A_449 : f32 to vector<16xf32>
      %mul3A_451 = arith.mulf %get3A_448, %mul3A_450 : vector<16xf32>
      %get3A_452 = arith.index_cast %scan3A_55 : i32 to index
      %get3A_453 = arith.constant 368 : index
      %get3A_454 = tpu.vector_load %arg7[%get3A_452, %get3A_453] {strides = array<i32>} : memref<64x768xf32, #tpu.memory_space<vmem>>, vector<1x16xf32>,
      %get3A_455 = vector.shape_cast %get3A_454 : vector<1x16xf32> to vector<16xf32>
      %add3A_456 = arith.addf %mul3A_451, %get3A_455 : vector<16xf32>
      %swap3A_457 = arith.index_cast %scan3A_55 : i32 to index
      %swap3A_458 = arith.constant 368 : index
      %swap3A_459 = tpu.vector_load %arg8[%swap3A_457, %swap3A_458] {strides = array<i32>} : memref<64x768xf32, #tpu.memory_space<vmem>>, vector<1x16xf32>,
      %swap3A_460 = vector.shape_cast %swap3A_459 : vector<1x16xf32> to vector<16xf32>
      %swap3A_461 = vector.shape_cast %add3A_456 : vector<16xf32> to vector<1x16xf32>
      tpu.vector_store %arg8[%swap3A_457, %swap3A_458], %swap3A_461 {strides = array<i32>} : memref<64x768xf32, #tpu.memory_space<vmem>>, vector<1x16xf32>,
      %get3A_462 = arith.index_cast %scan3A_55 : i32 to index
      %get3A_463 = arith.constant 384 : index
      %get3A_464 = tpu.vector_load %arg8[%get3A_462, %get3A_463] {strides = array<i32>} : memref<64x768xf32, #tpu.memory_space<vmem>>, vector<1x16xf32>,
      %get3A_465 = vector.shape_cast %get3A_464 : vector<1x16xf32> to vector<16xf32>
      %mul3A_466 = arith.constant 27.7128124 : f32
      %mul3A_467 = vector.broadcast %mul3A_466 : f32 to vector<16xf32>
      %mul3A_468 = arith.mulf %get3A_465, %mul3A_467 : vector<16xf32>
      %get3A_469 = arith.index_cast %scan3A_55 : i32 to index
      %get3A_470 = arith.constant 384 : index
      %get3A_471 = tpu.vector_load %arg7[%get3A_469, %get3A_470] {strides = array<i32>} : memref<64x768xf32, #tpu.memory_space<vmem>>, vector<1x16xf32>,
      %get3A_472 = vector.shape_cast %get3A_471 : vector<1x16xf32> to vector<16xf32>
      %add3A_473 = arith.addf %mul3A_468, %get3A_472 : vector<16xf32>
      %swap3A_474 = arith.index_cast %scan3A_55 : i32 to index
      %swap3A_475 = arith.constant 384 : index
      %swap3A_476 = tpu.vector_load %arg8[%swap3A_474, %swap3A_475] {strides = array<i32>} : memref<64x768xf32, #tpu.memory_space<vmem>>, vector<1x16xf32>,
      %swap3A_477 = vector.shape_cast %swap3A_476 : vector<1x16xf32> to vector<16xf32>
      %swap3A_478 = vector.shape_cast %add3A_473 : vector<16xf32> to vector<1x16xf32>
      tpu.vector_store %arg8[%swap3A_474, %swap3A_475], %swap3A_478 {strides = array<i32>} : memref<64x768xf32, #tpu.memory_space<vmem>>, vector<1x16xf32>,
      %get3A_479 = arith.index_cast %scan3A_55 : i32 to index
      %get3A_480 = arith.constant 400 : index
      %get3A_481 = tpu.vector_load %arg8[%get3A_479, %get3A_480] {strides = array<i32>} : memref<64x768xf32, #tpu.memory_space<vmem>>, vector<1x16xf32>,
      %get3A_482 = vector.shape_cast %get3A_481 : vector<1x16xf32> to vector<16xf32>
      %mul3A_483 = arith.constant 27.7128124 : f32
      %mul3A_484 = vector.broadcast %mul3A_483 : f32 to vector<16xf32>
      %mul3A_485 = arith.mulf %get3A_482, %mul3A_484 : vector<16xf32>
      %get3A_486 = arith.index_cast %scan3A_55 : i32 to index
      %get3A_487 = arith.constant 400 : index
      %get3A_488 = tpu.vector_load %arg7[%get3A_486, %get3A_487] {strides = array<i32>} : memref<64x768xf32, #tpu.memory_space<vmem>>, vector<1x16xf32>,
      %get3A_489 = vector.shape_cast %get3A_488 : vector<1x16xf32> to vector<16xf32>
      %add3A_490 = arith.addf %mul3A_485, %get3A_489 : vector<16xf32>
      %swap3A_491 = arith.index_cast %scan3A_55 : i32 to index
      %swap3A_492 = arith.constant 400 : index
      %swap3A_493 = tpu.vector_load %arg8[%swap3A_491, %swap3A_492] {strides = array<i32>} : memref<64x768xf32, #tpu.memory_space<vmem>>, vector<1x16xf32>,
      %swap3A_494 = vector.shape_cast %swap3A_493 : vector<1x16xf32> to vector<16xf32>
      %swap3A_495 = vector.shape_cast %add3A_490 : vector<16xf32> to vector<1x16xf32>
      tpu.vector_store %arg8[%swap3A_491, %swap3A_492], %swap3A_495 {strides = array<i32>} : memref<64x768xf32, #tpu.memory_space<vmem>>, vector<1x16xf32>,
      %get3A_496 = arith.index_cast %scan3A_55 : i32 to index
      %get3A_497 = arith.constant 416 : index
      %get3A_498 = tpu.vector_load %arg8[%get3A_496, %get3A_497] {strides = array<i32>} : memref<64x768xf32, #tpu.memory_space<vmem>>, vector<1x16xf32>,
      %get3A_499 = vector.shape_cast %get3A_498 : vector<1x16xf32> to vector<16xf32>
      %mul3A_500 = arith.constant 27.7128124 : f32
      %mul3A_501 = vector.broadcast %mul3A_500 : f32 to vector<16xf32>
      %mul3A_502 = arith.mulf %get3A_499, %mul3A_501 : vector<16xf32>
      %get3A_503 = arith.index_cast %scan3A_55 : i32 to index
      %get3A_504 = arith.constant 416 : index
      %get3A_505 = tpu.vector_load %arg7[%get3A_503, %get3A_504] {strides = array<i32>} : memref<64x768xf32, #tpu.memory_space<vmem>>, vector<1x16xf32>,
      %get3A_506 = vector.shape_cast %get3A_505 : vector<1x16xf32> to vector<16xf32>
      %add3A_507 = arith.addf %mul3A_502, %get3A_506 : vector<16xf32>
      %swap3A_508 = arith.index_cast %scan3A_55 : i32 to index
      %swap3A_509 = arith.constant 416 : index
      %swap3A_510 = tpu.vector_load %arg8[%swap3A_508, %swap3A_509] {strides = array<i32>} : memref<64x768xf32, #tpu.memory_space<vmem>>, vector<1x16xf32>,
      %swap3A_511 = vector.shape_cast %swap3A_510 : vector<1x16xf32> to vector<16xf32>
      %swap3A_512 = vector.shape_cast %add3A_507 : vector<16xf32> to vector<1x16xf32>
      tpu.vector_store %arg8[%swap3A_508, %swap3A_509], %swap3A_512 {strides = array<i32>} : memref<64x768xf32, #tpu.memory_space<vmem>>, vector<1x16xf32>,
      %get3A_513 = arith.index_cast %scan3A_55 : i32 to index
      %get3A_514 = arith.constant 432 : index
      %get3A_515 = tpu.vector_load %arg8[%get3A_513, %get3A_514] {strides = array<i32>} : memref<64x768xf32, #tpu.memory_space<vmem>>, vector<1x16xf32>,
      %get3A_516 = vector.shape_cast %get3A_515 : vector<1x16xf32> to vector<16xf32>
      %mul3A_517 = arith.constant 27.7128124 : f32
      %mul3A_518 = vector.broadcast %mul3A_517 : f32 to vector<16xf32>
      %mul3A_519 = arith.mulf %get3A_516, %mul3A_518 : vector<16xf32>
      %get3A_520 = arith.index_cast %scan3A_55 : i32 to index
      %get3A_521 = arith.constant 432 : index
      %get3A_522 = tpu.vector_load %arg7[%get3A_520, %get3A_521] {strides = array<i32>} : memref<64x768xf32, #tpu.memory_space<vmem>>, vector<1x16xf32>,
      %get3A_523 = vector.shape_cast %get3A_522 : vector<1x16xf32> to vector<16xf32>
      %add3A_524 = arith.addf %mul3A_519, %get3A_523 : vector<16xf32>
      %swap3A_525 = arith.index_cast %scan3A_55 : i32 to index
      %swap3A_526 = arith.constant 432 : index
      %swap3A_527 = tpu.vector_load %arg8[%swap3A_525, %swap3A_526] {strides = array<i32>} : memref<64x768xf32, #tpu.memory_space<vmem>>, vector<1x16xf32>,
      %swap3A_528 = vector.shape_cast %swap3A_527 : vector<1x16xf32> to vector<16xf32>
      %swap3A_529 = vector.shape_cast %add3A_524 : vector<16xf32> to vector<1x16xf32>
      tpu.vector_store %arg8[%swap3A_525, %swap3A_526], %swap3A_529 {strides = array<i32>} : memref<64x768xf32, #tpu.memory_space<vmem>>, vector<1x16xf32>,
      %get3A_530 = arith.index_cast %scan3A_55 : i32 to index
      %get3A_531 = arith.constant 448 : index
      %get3A_532 = tpu.vector_load %arg8[%get3A_530, %get3A_531] {strides = array<i32>} : memref<64x768xf32, #tpu.memory_space<vmem>>, vector<1x16xf32>,
      %get3A_533 = vector.shape_cast %get3A_532 : vector<1x16xf32> to vector<16xf32>
      %mul3A_534 = arith.constant 27.7128124 : f32
      %mul3A_535 = vector.broadcast %mul3A_534 : f32 to vector<16xf32>
      %mul3A_536 = arith.mulf %get3A_533, %mul3A_535 : vector<16xf32>
      %get3A_537 = arith.index_cast %scan3A_55 : i32 to index
      %get3A_538 = arith.constant 448 : index
      %get3A_539 = tpu.vector_load %arg7[%get3A_537, %get3A_538] {strides = array<i32>} : memref<64x768xf32, #tpu.memory_space<vmem>>, vector<1x16xf32>,
      %get3A_540 = vector.shape_cast %get3A_539 : vector<1x16xf32> to vector<16xf32>
      %add3A_541 = arith.addf %mul3A_536, %get3A_540 : vector<16xf32>
      %swap3A_542 = arith.index_cast %scan3A_55 : i32 to index
      %swap3A_543 = arith.constant 448 : index
      %swap3A_544 = tpu.vector_load %arg8[%swap3A_542, %swap3A_543] {strides = array<i32>} : memref<64x768xf32, #tpu.memory_space<vmem>>, vector<1x16xf32>,
      %swap3A_545 = vector.shape_cast %swap3A_544 : vector<1x16xf32> to vector<16xf32>
      %swap3A_546 = vector.shape_cast %add3A_541 : vector<16xf32> to vector<1x16xf32>
      tpu.vector_store %arg8[%swap3A_542, %swap3A_543], %swap3A_546 {strides = array<i32>} : memref<64x768xf32, #tpu.memory_space<vmem>>, vector<1x16xf32>,
      %get3A_547 = arith.index_cast %scan3A_55 : i32 to index
      %get3A_548 = arith.constant 464 : index
      %get3A_549 = tpu.vector_load %arg8[%get3A_547, %get3A_548] {strides = array<i32>} : memref<64x768xf32, #tpu.memory_space<vmem>>, vector<1x16xf32>,
      %get3A_550 = vector.shape_cast %get3A_549 : vector<1x16xf32> to vector<16xf32>
      %mul3A_551 = arith.constant 27.7128124 : f32
      %mul3A_552 = vector.broadcast %mul3A_551 : f32 to vector<16xf32>
      %mul3A_553 = arith.mulf %get3A_550, %mul3A_552 : vector<16xf32>
      %get3A_554 = arith.index_cast %scan3A_55 : i32 to index
      %get3A_555 = arith.constant 464 : index
      %get3A_556 = tpu.vector_load %arg7[%get3A_554, %get3A_555] {strides = array<i32>} : memref<64x768xf32, #tpu.memory_space<vmem>>, vector<1x16xf32>,
      %get3A_557 = vector.shape_cast %get3A_556 : vector<1x16xf32> to vector<16xf32>
      %add3A_558 = arith.addf %mul3A_553, %get3A_557 : vector<16xf32>
      %swap3A_559 = arith.index_cast %scan3A_55 : i32 to index
      %swap3A_560 = arith.constant 464 : index
      %swap3A_561 = tpu.vector_load %arg8[%swap3A_559, %swap3A_560] {strides = array<i32>} : memref<64x768xf32, #tpu.memory_space<vmem>>, vector<1x16xf32>,
      %swap3A_562 = vector.shape_cast %swap3A_561 : vector<1x16xf32> to vector<16xf32>
      %swap3A_563 = vector.shape_cast %add3A_558 : vector<16xf32> to vector<1x16xf32>
      tpu.vector_store %arg8[%swap3A_559, %swap3A_560], %swap3A_563 {strides = array<i32>} : memref<64x768xf32, #tpu.memory_space<vmem>>, vector<1x16xf32>,
      %get3A_564 = arith.index_cast %scan3A_55 : i32 to index
      %get3A_565 = arith.constant 480 : index
      %get3A_566 = tpu.vector_load %arg8[%get3A_564, %get3A_565] {strides = array<i32>} : memref<64x768xf32, #tpu.memory_space<vmem>>, vector<1x16xf32>,
      %get3A_567 = vector.shape_cast %get3A_566 : vector<1x16xf32> to vector<16xf32>
      %mul3A_568 = arith.constant 27.7128124 : f32
      %mul3A_569 = vector.broadcast %mul3A_568 : f32 to vector<16xf32>
      %mul3A_570 = arith.mulf %get3A_567, %mul3A_569 : vector<16xf32>
      %get3A_571 = arith.index_cast %scan3A_55 : i32 to index
      %get3A_572 = arith.constant 480 : index
      %get3A_573 = tpu.vector_load %arg7[%get3A_571, %get3A_572] {strides = array<i32>} : memref<64x768xf32, #tpu.memory_space<vmem>>, vector<1x16xf32>,
      %get3A_574 = vector.shape_cast %get3A_573 : vector<1x16xf32> to vector<16xf32>
      %add3A_575 = arith.addf %mul3A_570, %get3A_574 : vector<16xf32>
      %swap3A_576 = arith.index_cast %scan3A_55 : i32 to index
      %swap3A_577 = arith.constant 480 : index
      %swap3A_578 = tpu.vector_load %arg8[%swap3A_576, %swap3A_577] {strides = array<i32>} : memref<64x768xf32, #tpu.memory_space<vmem>>, vector<1x16xf32>,
      %swap3A_579 = vector.shape_cast %swap3A_578 : vector<1x16xf32> to vector<16xf32>
      %swap3A_580 = vector.shape_cast %add3A_575 : vector<16xf32> to vector<1x16xf32>
      tpu.vector_store %arg8[%swap3A_576, %swap3A_577], %swap3A_580 {strides = array<i32>} : memref<64x768xf32, #tpu.memory_space<vmem>>, vector<1x16xf32>,
      %get3A_581 = arith.index_cast %scan3A_55 : i32 to index
      %get3A_582 = arith.constant 496 : index
      %get3A_583 = tpu.vector_load %arg8[%get3A_581, %get3A_582] {strides = array<i32>} : memref<64x768xf32, #tpu.memory_space<vmem>>, vector<1x16xf32>,
      %get3A_584 = vector.shape_cast %get3A_583 : vector<1x16xf32> to vector<16xf32>
      %mul3A_585 = arith.constant 27.7128124 : f32
      %mul3A_586 = vector.broadcast %mul3A_585 : f32 to vector<16xf32>
      %mul3A_587 = arith.mulf %get3A_584, %mul3A_586 : vector<16xf32>
      %get3A_588 = arith.index_cast %scan3A_55 : i32 to index
      %get3A_589 = arith.constant 496 : index
      %get3A_590 = tpu.vector_load %arg7[%get3A_588, %get3A_589] {strides = array<i32>} : memref<64x768xf32, #tpu.memory_space<vmem>>, vector<1x16xf32>,
      %get3A_591 = vector.shape_cast %get3A_590 : vector<1x16xf32> to vector<16xf32>
      %add3A_592 = arith.addf %mul3A_587, %get3A_591 : vector<16xf32>
      %swap3A_593 = arith.index_cast %scan3A_55 : i32 to index
      %swap3A_594 = arith.constant 496 : index
      %swap3A_595 = tpu.vector_load %arg8[%swap3A_593, %swap3A_594] {strides = array<i32>} : memref<64x768xf32, #tpu.memory_space<vmem>>, vector<1x16xf32>,
      %swap3A_596 = vector.shape_cast %swap3A_595 : vector<1x16xf32> to vector<16xf32>
      %swap3A_597 = vector.shape_cast %add3A_592 : vector<16xf32> to vector<1x16xf32>
      tpu.vector_store %arg8[%swap3A_593, %swap3A_594], %swap3A_597 {strides = array<i32>} : memref<64x768xf32, #tpu.memory_space<vmem>>, vector<1x16xf32>,
      %get3A_598 = arith.index_cast %scan3A_55 : i32 to index
      %get3A_599 = arith.constant 512 : index
      %get3A_600 = tpu.vector_load %arg8[%get3A_598, %get3A_599] {strides = array<i32>} : memref<64x768xf32, #tpu.memory_space<vmem>>, vector<1x16xf32>,
      %get3A_601 = vector.shape_cast %get3A_600 : vector<1x16xf32> to vector<16xf32>
      %mul3A_602 = arith.constant 27.7128124 : f32
      %mul3A_603 = vector.broadcast %mul3A_602 : f32 to vector<16xf32>
      %mul3A_604 = arith.mulf %get3A_601, %mul3A_603 : vector<16xf32>
      %get3A_605 = arith.index_cast %scan3A_55 : i32 to index
      %get3A_606 = arith.constant 512 : index
      %get3A_607 = tpu.vector_load %arg7[%get3A_605, %get3A_606] {strides = array<i32>} : memref<64x768xf32, #tpu.memory_space<vmem>>, vector<1x16xf32>,
      %get3A_608 = vector.shape_cast %get3A_607 : vector<1x16xf32> to vector<16xf32>
      %add3A_609 = arith.addf %mul3A_604, %get3A_608 : vector<16xf32>
      %swap3A_610 = arith.index_cast %scan3A_55 : i32 to index
      %swap3A_611 = arith.constant 512 : index
      %swap3A_612 = tpu.vector_load %arg8[%swap3A_610, %swap3A_611] {strides = array<i32>} : memref<64x768xf32, #tpu.memory_space<vmem>>, vector<1x16xf32>,
      %swap3A_613 = vector.shape_cast %swap3A_612 : vector<1x16xf32> to vector<16xf32>
      %swap3A_614 = vector.shape_cast %add3A_609 : vector<16xf32> to vector<1x16xf32>
      tpu.vector_store %arg8[%swap3A_610, %swap3A_611], %swap3A_614 {strides = array<i32>} : memref<64x768xf32, #tpu.memory_space<vmem>>, vector<1x16xf32>,
      %get3A_615 = arith.index_cast %scan3A_55 : i32 to index
      %get3A_616 = arith.constant 528 : index
      %get3A_617 = tpu.vector_load %arg8[%get3A_615, %get3A_616] {strides = array<i32>} : memref<64x768xf32, #tpu.memory_space<vmem>>, vector<1x16xf32>,
      %get3A_618 = vector.shape_cast %get3A_617 : vector<1x16xf32> to vector<16xf32>
      %mul3A_619 = arith.constant 27.7128124 : f32
      %mul3A_620 = vector.broadcast %mul3A_619 : f32 to vector<16xf32>
      %mul3A_621 = arith.mulf %get3A_618, %mul3A_620 : vector<16xf32>
      %get3A_622 = arith.index_cast %scan3A_55 : i32 to index
      %get3A_623 = arith.constant 528 : index
      %get3A_624 = tpu.vector_load %arg7[%get3A_622, %get3A_623] {strides = array<i32>} : memref<64x768xf32, #tpu.memory_space<vmem>>, vector<1x16xf32>,
      %get3A_625 = vector.shape_cast %get3A_624 : vector<1x16xf32> to vector<16xf32>
      %add3A_626 = arith.addf %mul3A_621, %get3A_625 : vector<16xf32>
      %swap3A_627 = arith.index_cast %scan3A_55 : i32 to index
      %swap3A_628 = arith.constant 528 : index
      %swap3A_629 = tpu.vector_load %arg8[%swap3A_627, %swap3A_628] {strides = array<i32>} : memref<64x768xf32, #tpu.memory_space<vmem>>, vector<1x16xf32>,
      %swap3A_630 = vector.shape_cast %swap3A_629 : vector<1x16xf32> to vector<16xf32>
      %swap3A_631 = vector.shape_cast %add3A_626 : vector<16xf32> to vector<1x16xf32>
      tpu.vector_store %arg8[%swap3A_627, %swap3A_628], %swap3A_631 {strides = array<i32>} : memref<64x768xf32, #tpu.memory_space<vmem>>, vector<1x16xf32>,
      %get3A_632 = arith.index_cast %scan3A_55 : i32 to index
      %get3A_633 = arith.constant 544 : index
      %get3A_634 = tpu.vector_load %arg8[%get3A_632, %get3A_633] {strides = array<i32>} : memref<64x768xf32, #tpu.memory_space<vmem>>, vector<1x16xf32>,
      %get3A_635 = vector.shape_cast %get3A_634 : vector<1x16xf32> to vector<16xf32>
      %mul3A_636 = arith.constant 27.7128124 : f32
      %mul3A_637 = vector.broadcast %mul3A_636 : f32 to vector<16xf32>
      %mul3A_638 = arith.mulf %get3A_635, %mul3A_637 : vector<16xf32>
      %get3A_639 = arith.index_cast %scan3A_55 : i32 to index
      %get3A_640 = arith.constant 544 : index
      %get3A_641 = tpu.vector_load %arg7[%get3A_639, %get3A_640] {strides = array<i32>} : memref<64x768xf32, #tpu.memory_space<vmem>>, vector<1x16xf32>,
      %get3A_642 = vector.shape_cast %get3A_641 : vector<1x16xf32> to vector<16xf32>
      %add3A_643 = arith.addf %mul3A_638, %get3A_642 : vector<16xf32>
      %swap3A_644 = arith.index_cast %scan3A_55 : i32 to index
      %swap3A_645 = arith.constant 544 : index
      %swap3A_646 = tpu.vector_load %arg8[%swap3A_644, %swap3A_645] {strides = array<i32>} : memref<64x768xf32, #tpu.memory_space<vmem>>, vector<1x16xf32>,
      %swap3A_647 = vector.shape_cast %swap3A_646 : vector<1x16xf32> to vector<16xf32>
      %swap3A_648 = vector.shape_cast %add3A_643 : vector<16xf32> to vector<1x16xf32>
      tpu.vector_store %arg8[%swap3A_644, %swap3A_645], %swap3A_648 {strides = array<i32>} : memref<64x768xf32, #tpu.memory_space<vmem>>, vector<1x16xf32>,
      %get3A_649 = arith.index_cast %scan3A_55 : i32 to index
      %get3A_650 = arith.constant 560 : index
      %get3A_651 = tpu.vector_load %arg8[%get3A_649, %get3A_650] {strides = array<i32>} : memref<64x768xf32, #tpu.memory_space<vmem>>, vector<1x16xf32>,
      %get3A_652 = vector.shape_cast %get3A_651 : vector<1x16xf32> to vector<16xf32>
      %mul3A_653 = arith.constant 27.7128124 : f32
      %mul3A_654 = vector.broadcast %mul3A_653 : f32 to vector<16xf32>
      %mul3A_655 = arith.mulf %get3A_652, %mul3A_654 : vector<16xf32>
      %get3A_656 = arith.index_cast %scan3A_55 : i32 to index
      %get3A_657 = arith.constant 560 : index
      %get3A_658 = tpu.vector_load %arg7[%get3A_656, %get3A_657] {strides = array<i32>} : memref<64x768xf32, #tpu.memory_space<vmem>>, vector<1x16xf32>,
      %get3A_659 = vector.shape_cast %get3A_658 : vector<1x16xf32> to vector<16xf32>
      %add3A_660 = arith.addf %mul3A_655, %get3A_659 : vector<16xf32>
      %swap3A_661 = arith.index_cast %scan3A_55 : i32 to index
      %swap3A_662 = arith.constant 560 : index
      %swap3A_663 = tpu.vector_load %arg8[%swap3A_661, %swap3A_662] {strides = array<i32>} : memref<64x768xf32, #tpu.memory_space<vmem>>, vector<1x16xf32>,
      %swap3A_664 = vector.shape_cast %swap3A_663 : vector<1x16xf32> to vector<16xf32>
      %swap3A_665 = vector.shape_cast %add3A_660 : vector<16xf32> to vector<1x16xf32>
      tpu.vector_store %arg8[%swap3A_661, %swap3A_662], %swap3A_665 {strides = array<i32>} : memref<64x768xf32, #tpu.memory_space<vmem>>, vector<1x16xf32>,
      %get3A_666 = arith.index_cast %scan3A_55 : i32 to index
      %get3A_667 = arith.constant 576 : index
      %get3A_668 = tpu.vector_load %arg8[%get3A_666, %get3A_667] {strides = array<i32>} : memref<64x768xf32, #tpu.memory_space<vmem>>, vector<1x16xf32>,
      %get3A_669 = vector.shape_cast %get3A_668 : vector<1x16xf32> to vector<16xf32>
      %mul3A_670 = arith.constant 27.7128124 : f32
      %mul3A_671 = vector.broadcast %mul3A_670 : f32 to vector<16xf32>
      %mul3A_672 = arith.mulf %get3A_669, %mul3A_671 : vector<16xf32>
      %get3A_673 = arith.index_cast %scan3A_55 : i32 to index
      %get3A_674 = arith.constant 576 : index
      %get3A_675 = tpu.vector_load %arg7[%get3A_673, %get3A_674] {strides = array<i32>} : memref<64x768xf32, #tpu.memory_space<vmem>>, vector<1x16xf32>,
      %get3A_676 = vector.shape_cast %get3A_675 : vector<1x16xf32> to vector<16xf32>
      %add3A_677 = arith.addf %mul3A_672, %get3A_676 : vector<16xf32>
      %swap3A_678 = arith.index_cast %scan3A_55 : i32 to index
      %swap3A_679 = arith.constant 576 : index
      %swap3A_680 = tpu.vector_load %arg8[%swap3A_678, %swap3A_679] {strides = array<i32>} : memref<64x768xf32, #tpu.memory_space<vmem>>, vector<1x16xf32>,
      %swap3A_681 = vector.shape_cast %swap3A_680 : vector<1x16xf32> to vector<16xf32>
      %swap3A_682 = vector.shape_cast %add3A_677 : vector<16xf32> to vector<1x16xf32>
      tpu.vector_store %arg8[%swap3A_678, %swap3A_679], %swap3A_682 {strides = array<i32>} : memref<64x768xf32, #tpu.memory_space<vmem>>, vector<1x16xf32>,
      %get3A_683 = arith.index_cast %scan3A_55 : i32 to index
      %get3A_684 = arith.constant 592 : index
      %get3A_685 = tpu.vector_load %arg8[%get3A_683, %get3A_684] {strides = array<i32>} : memref<64x768xf32, #tpu.memory_space<vmem>>, vector<1x16xf32>,
      %get3A_686 = vector.shape_cast %get3A_685 : vector<1x16xf32> to vector<16xf32>
      %mul3A_687 = arith.constant 27.7128124 : f32
      %mul3A_688 = vector.broadcast %mul3A_687 : f32 to vector<16xf32>
      %mul3A_689 = arith.mulf %get3A_686, %mul3A_688 : vector<16xf32>
      %get3A_690 = arith.index_cast %scan3A_55 : i32 to index
      %get3A_691 = arith.constant 592 : index
      %get3A_692 = tpu.vector_load %arg7[%get3A_690, %get3A_691] {strides = array<i32>} : memref<64x768xf32, #tpu.memory_space<vmem>>, vector<1x16xf32>,
      %get3A_693 = vector.shape_cast %get3A_692 : vector<1x16xf32> to vector<16xf32>
      %add3A_694 = arith.addf %mul3A_689, %get3A_693 : vector<16xf32>
      %swap3A_695 = arith.index_cast %scan3A_55 : i32 to index
      %swap3A_696 = arith.constant 592 : index
      %swap3A_697 = tpu.vector_load %arg8[%swap3A_695, %swap3A_696] {strides = array<i32>} : memref<64x768xf32, #tpu.memory_space<vmem>>, vector<1x16xf32>,
      %swap3A_698 = vector.shape_cast %swap3A_697 : vector<1x16xf32> to vector<16xf32>
      %swap3A_699 = vector.shape_cast %add3A_694 : vector<16xf32> to vector<1x16xf32>
      tpu.vector_store %arg8[%swap3A_695, %swap3A_696], %swap3A_699 {strides = array<i32>} : memref<64x768xf32, #tpu.memory_space<vmem>>, vector<1x16xf32>,
      %get3A_700 = arith.index_cast %scan3A_55 : i32 to index
      %get3A_701 = arith.constant 608 : index
      %get3A_702 = tpu.vector_load %arg8[%get3A_700, %get3A_701] {strides = array<i32>} : memref<64x768xf32, #tpu.memory_space<vmem>>, vector<1x16xf32>,
      %get3A_703 = vector.shape_cast %get3A_702 : vector<1x16xf32> to vector<16xf32>
      %mul3A_704 = arith.constant 27.7128124 : f32
      %mul3A_705 = vector.broadcast %mul3A_704 : f32 to vector<16xf32>
      %mul3A_706 = arith.mulf %get3A_703, %mul3A_705 : vector<16xf32>
      %get3A_707 = arith.index_cast %scan3A_55 : i32 to index
      %get3A_708 = arith.constant 608 : index
      %get3A_709 = tpu.vector_load %arg7[%get3A_707, %get3A_708] {strides = array<i32>} : memref<64x768xf32, #tpu.memory_space<vmem>>, vector<1x16xf32>,
      %get3A_710 = vector.shape_cast %get3A_709 : vector<1x16xf32> to vector<16xf32>
      %add3A_711 = arith.addf %mul3A_706, %get3A_710 : vector<16xf32>
      %swap3A_712 = arith.index_cast %scan3A_55 : i32 to index
      %swap3A_713 = arith.constant 608 : index
      %swap3A_714 = tpu.vector_load %arg8[%swap3A_712, %swap3A_713] {strides = array<i32>} : memref<64x768xf32, #tpu.memory_space<vmem>>, vector<1x16xf32>,
      %swap3A_715 = vector.shape_cast %swap3A_714 : vector<1x16xf32> to vector<16xf32>
      %swap3A_716 = vector.shape_cast %add3A_711 : vector<16xf32> to vector<1x16xf32>
      tpu.vector_store %arg8[%swap3A_712, %swap3A_713], %swap3A_716 {strides = array<i32>} : memref<64x768xf32, #tpu.memory_space<vmem>>, vector<1x16xf32>,
      %get3A_717 = arith.index_cast %scan3A_55 : i32 to index
      %get3A_718 = arith.constant 624 : index
      %get3A_719 = tpu.vector_load %arg8[%get3A_717, %get3A_718] {strides = array<i32>} : memref<64x768xf32, #tpu.memory_space<vmem>>, vector<1x16xf32>,
      %get3A_720 = vector.shape_cast %get3A_719 : vector<1x16xf32> to vector<16xf32>
      %mul3A_721 = arith.constant 27.7128124 : f32
      %mul3A_722 = vector.broadcast %mul3A_721 : f32 to vector<16xf32>
      %mul3A_723 = arith.mulf %get3A_720, %mul3A_722 : vector<16xf32>
      %get3A_724 = arith.index_cast %scan3A_55 : i32 to index
      %get3A_725 = arith.constant 624 : index
      %get3A_726 = tpu.vector_load %arg7[%get3A_724, %get3A_725] {strides = array<i32>} : memref<64x768xf32, #tpu.memory_space<vmem>>, vector<1x16xf32>,
      %get3A_727 = vector.shape_cast %get3A_726 : vector<1x16xf32> to vector<16xf32>
      %add3A_728 = arith.addf %mul3A_723, %get3A_727 : vector<16xf32>
      %swap3A_729 = arith.index_cast %scan3A_55 : i32 to index
      %swap3A_730 = arith.constant 624 : index
      %swap3A_731 = tpu.vector_load %arg8[%swap3A_729, %swap3A_730] {strides = array<i32>} : memref<64x768xf32, #tpu.memory_space<vmem>>, vector<1x16xf32>,
      %swap3A_732 = vector.shape_cast %swap3A_731 : vector<1x16xf32> to vector<16xf32>
      %swap3A_733 = vector.shape_cast %add3A_728 : vector<16xf32> to vector<1x16xf32>
      tpu.vector_store %arg8[%swap3A_729, %swap3A_730], %swap3A_733 {strides = array<i32>} : memref<64x768xf32, #tpu.memory_space<vmem>>, vector<1x16xf32>,
      %get3A_734 = arith.index_cast %scan3A_55 : i32 to index
      %get3A_735 = arith.constant 640 : index
      %get3A_736 = tpu.vector_load %arg8[%get3A_734, %get3A_735] {strides = array<i32>} : memref<64x768xf32, #tpu.memory_space<vmem>>, vector<1x16xf32>,
      %get3A_737 = vector.shape_cast %get3A_736 : vector<1x16xf32> to vector<16xf32>
      %mul3A_738 = arith.constant 27.7128124 : f32
      %mul3A_739 = vector.broadcast %mul3A_738 : f32 to vector<16xf32>
      %mul3A_740 = arith.mulf %get3A_737, %mul3A_739 : vector<16xf32>
      %get3A_741 = arith.index_cast %scan3A_55 : i32 to index
      %get3A_742 = arith.constant 640 : index
      %get3A_743 = tpu.vector_load %arg7[%get3A_741, %get3A_742] {strides = array<i32>} : memref<64x768xf32, #tpu.memory_space<vmem>>, vector<1x16xf32>,
      %get3A_744 = vector.shape_cast %get3A_743 : vector<1x16xf32> to vector<16xf32>
      %add3A_745 = arith.addf %mul3A_740, %get3A_744 : vector<16xf32>
      %swap3A_746 = arith.index_cast %scan3A_55 : i32 to index
      %swap3A_747 = arith.constant 640 : index
      %swap3A_748 = tpu.vector_load %arg8[%swap3A_746, %swap3A_747] {strides = array<i32>} : memref<64x768xf32, #tpu.memory_space<vmem>>, vector<1x16xf32>,
      %swap3A_749 = vector.shape_cast %swap3A_748 : vector<1x16xf32> to vector<16xf32>
      %swap3A_750 = vector.shape_cast %add3A_745 : vector<16xf32> to vector<1x16xf32>
      tpu.vector_store %arg8[%swap3A_746, %swap3A_747], %swap3A_750 {strides = array<i32>} : memref<64x768xf32, #tpu.memory_space<vmem>>, vector<1x16xf32>,
      %get3A_751 = arith.index_cast %scan3A_55 : i32 to index
      %get3A_752 = arith.constant 656 : index
      %get3A_753 = tpu.vector_load %arg8[%get3A_751, %get3A_752] {strides = array<i32>} : memref<64x768xf32, #tpu.memory_space<vmem>>, vector<1x16xf32>,
      %get3A_754 = vector.shape_cast %get3A_753 : vector<1x16xf32> to vector<16xf32>
      %mul3A_755 = arith.constant 27.7128124 : f32
      %mul3A_756 = vector.broadcast %mul3A_755 : f32 to vector<16xf32>
      %mul3A_757 = arith.mulf %get3A_754, %mul3A_756 : vector<16xf32>
      %get3A_758 = arith.index_cast %scan3A_55 : i32 to index
      %get3A_759 = arith.constant 656 : index
      %get3A_760 = tpu.vector_load %arg7[%get3A_758, %get3A_759] {strides = array<i32>} : memref<64x768xf32, #tpu.memory_space<vmem>>, vector<1x16xf32>,
      %get3A_761 = vector.shape_cast %get3A_760 : vector<1x16xf32> to vector<16xf32>
      %add3A_762 = arith.addf %mul3A_757, %get3A_761 : vector<16xf32>
      %swap3A_763 = arith.index_cast %scan3A_55 : i32 to index
      %swap3A_764 = arith.constant 656 : index
      %swap3A_765 = tpu.vector_load %arg8[%swap3A_763, %swap3A_764] {strides = array<i32>} : memref<64x768xf32, #tpu.memory_space<vmem>>, vector<1x16xf32>,
      %swap3A_766 = vector.shape_cast %swap3A_765 : vector<1x16xf32> to vector<16xf32>
      %swap3A_767 = vector.shape_cast %add3A_762 : vector<16xf32> to vector<1x16xf32>
      tpu.vector_store %arg8[%swap3A_763, %swap3A_764], %swap3A_767 {strides = array<i32>} : memref<64x768xf32, #tpu.memory_space<vmem>>, vector<1x16xf32>,
      %get3A_768 = arith.index_cast %scan3A_55 : i32 to index
      %get3A_769 = arith.constant 672 : index
      %get3A_770 = tpu.vector_load %arg8[%get3A_768, %get3A_769] {strides = array<i32>} : memref<64x768xf32, #tpu.memory_space<vmem>>, vector<1x16xf32>,
      %get3A_771 = vector.shape_cast %get3A_770 : vector<1x16xf32> to vector<16xf32>
      %mul3A_772 = arith.constant 27.7128124 : f32
      %mul3A_773 = vector.broadcast %mul3A_772 : f32 to vector<16xf32>
      %mul3A_774 = arith.mulf %get3A_771, %mul3A_773 : vector<16xf32>
      %get3A_775 = arith.index_cast %scan3A_55 : i32 to index
      %get3A_776 = arith.constant 672 : index
      %get3A_777 = tpu.vector_load %arg7[%get3A_775, %get3A_776] {strides = array<i32>} : memref<64x768xf32, #tpu.memory_space<vmem>>, vector<1x16xf32>,
      %get3A_778 = vector.shape_cast %get3A_777 : vector<1x16xf32> to vector<16xf32>
      %add3A_779 = arith.addf %mul3A_774, %get3A_778 : vector<16xf32>
      %swap3A_780 = arith.index_cast %scan3A_55 : i32 to index
      %swap3A_781 = arith.constant 672 : index
      %swap3A_782 = tpu.vector_load %arg8[%swap3A_780, %swap3A_781] {strides = array<i32>} : memref<64x768xf32, #tpu.memory_space<vmem>>, vector<1x16xf32>,
      %swap3A_783 = vector.shape_cast %swap3A_782 : vector<1x16xf32> to vector<16xf32>
      %swap3A_784 = vector.shape_cast %add3A_779 : vector<16xf32> to vector<1x16xf32>
      tpu.vector_store %arg8[%swap3A_780, %swap3A_781], %swap3A_784 {strides = array<i32>} : memref<64x768xf32, #tpu.memory_space<vmem>>, vector<1x16xf32>,
      %get3A_785 = arith.index_cast %scan3A_55 : i32 to index
      %get3A_786 = arith.constant 688 : index
      %get3A_787 = tpu.vector_load %arg8[%get3A_785, %get3A_786] {strides = array<i32>} : memref<64x768xf32, #tpu.memory_space<vmem>>, vector<1x16xf32>,
      %get3A_788 = vector.shape_cast %get3A_787 : vector<1x16xf32> to vector<16xf32>
      %mul3A_789 = arith.constant 27.7128124 : f32
      %mul3A_790 = vector.broadcast %mul3A_789 : f32 to vector<16xf32>
      %mul3A_791 = arith.mulf %get3A_788, %mul3A_790 : vector<16xf32>
      %get3A_792 = arith.index_cast %scan3A_55 : i32 to index
      %get3A_793 = arith.constant 688 : index
      %get3A_794 = tpu.vector_load %arg7[%get3A_792, %get3A_793] {strides = array<i32>} : memref<64x768xf32, #tpu.memory_space<vmem>>, vector<1x16xf32>,
      %get3A_795 = vector.shape_cast %get3A_794 : vector<1x16xf32> to vector<16xf32>
      %add3A_796 = arith.addf %mul3A_791, %get3A_795 : vector<16xf32>
      %swap3A_797 = arith.index_cast %scan3A_55 : i32 to index
      %swap3A_798 = arith.constant 688 : index
      %swap3A_799 = tpu.vector_load %arg8[%swap3A_797, %swap3A_798] {strides = array<i32>} : memref<64x768xf32, #tpu.memory_space<vmem>>, vector<1x16xf32>,
      %swap3A_800 = vector.shape_cast %swap3A_799 : vector<1x16xf32> to vector<16xf32>
      %swap3A_801 = vector.shape_cast %add3A_796 : vector<16xf32> to vector<1x16xf32>
      tpu.vector_store %arg8[%swap3A_797, %swap3A_798], %swap3A_801 {strides = array<i32>} : memref<64x768xf32, #tpu.memory_space<vmem>>, vector<1x16xf32>,
      %get3A_802 = arith.index_cast %scan3A_55 : i32 to index
      %get3A_803 = arith.constant 704 : index
      %get3A_804 = tpu.vector_load %arg8[%get3A_802, %get3A_803] {strides = array<i32>} : memref<64x768xf32, #tpu.memory_space<vmem>>, vector<1x16xf32>,
      %get3A_805 = vector.shape_cast %get3A_804 : vector<1x16xf32> to vector<16xf32>
      %mul3A_806 = arith.constant 27.7128124 : f32
      %mul3A_807 = vector.broadcast %mul3A_806 : f32 to vector<16xf32>
      %mul3A_808 = arith.mulf %get3A_805, %mul3A_807 : vector<16xf32>
      %get3A_809 = arith.index_cast %scan3A_55 : i32 to index
      %get3A_810 = arith.constant 704 : index
      %get3A_811 = tpu.vector_load %arg7[%get3A_809, %get3A_810] {strides = array<i32>} : memref<64x768xf32, #tpu.memory_space<vmem>>, vector<1x16xf32>,
      %get3A_812 = vector.shape_cast %get3A_811 : vector<1x16xf32> to vector<16xf32>
      %add3A_813 = arith.addf %mul3A_808, %get3A_812 : vector<16xf32>
      %swap3A_814 = arith.index_cast %scan3A_55 : i32 to index
      %swap3A_815 = arith.constant 704 : index
      %swap3A_816 = tpu.vector_load %arg8[%swap3A_814, %swap3A_815] {strides = array<i32>} : memref<64x768xf32, #tpu.memory_space<vmem>>, vector<1x16xf32>,
      %swap3A_817 = vector.shape_cast %swap3A_816 : vector<1x16xf32> to vector<16xf32>
      %swap3A_818 = vector.shape_cast %add3A_813 : vector<16xf32> to vector<1x16xf32>
      tpu.vector_store %arg8[%swap3A_814, %swap3A_815], %swap3A_818 {strides = array<i32>} : memref<64x768xf32, #tpu.memory_space<vmem>>, vector<1x16xf32>,
      %get3A_819 = arith.index_cast %scan3A_55 : i32 to index
      %get3A_820 = arith.constant 720 : index
      %get3A_821 = tpu.vector_load %arg8[%get3A_819, %get3A_820] {strides = array<i32>} : memref<64x768xf32, #tpu.memory_space<vmem>>, vector<1x16xf32>,
      %get3A_822 = vector.shape_cast %get3A_821 : vector<1x16xf32> to vector<16xf32>
      %mul3A_823 = arith.constant 27.7128124 : f32
      %mul3A_824 = vector.broadcast %mul3A_823 : f32 to vector<16xf32>
      %mul3A_825 = arith.mulf %get3A_822, %mul3A_824 : vector<16xf32>
      %get3A_826 = arith.index_cast %scan3A_55 : i32 to index
      %get3A_827 = arith.constant 720 : index
      %get3A_828 = tpu.vector_load %arg7[%get3A_826, %get3A_827] {strides = array<i32>} : memref<64x768xf32, #tpu.memory_space<vmem>>, vector<1x16xf32>,
      %get3A_829 = vector.shape_cast %get3A_828 : vector<1x16xf32> to vector<16xf32>
      %add3A_830 = arith.addf %mul3A_825, %get3A_829 : vector<16xf32>
      %swap3A_831 = arith.index_cast %scan3A_55 : i32 to index
      %swap3A_832 = arith.constant 720 : index
      %swap3A_833 = tpu.vector_load %arg8[%swap3A_831, %swap3A_832] {strides = array<i32>} : memref<64x768xf32, #tpu.memory_space<vmem>>, vector<1x16xf32>,
      %swap3A_834 = vector.shape_cast %swap3A_833 : vector<1x16xf32> to vector<16xf32>
      %swap3A_835 = vector.shape_cast %add3A_830 : vector<16xf32> to vector<1x16xf32>
      tpu.vector_store %arg8[%swap3A_831, %swap3A_832], %swap3A_835 {strides = array<i32>} : memref<64x768xf32, #tpu.memory_space<vmem>>, vector<1x16xf32>,
      %get3A_836 = arith.index_cast %scan3A_55 : i32 to index
      %get3A_837 = arith.constant 736 : index
      %get3A_838 = tpu.vector_load %arg8[%get3A_836, %get3A_837] {strides = array<i32>} : memref<64x768xf32, #tpu.memory_space<vmem>>, vector<1x16xf32>,
      %get3A_839 = vector.shape_cast %get3A_838 : vector<1x16xf32> to vector<16xf32>
      %mul3A_840 = arith.constant 27.7128124 : f32
      %mul3A_841 = vector.broadcast %mul3A_840 : f32 to vector<16xf32>
      %mul3A_842 = arith.mulf %get3A_839, %mul3A_841 : vector<16xf32>
      %get3A_843 = arith.index_cast %scan3A_55 : i32 to index
      %get3A_844 = arith.constant 736 : index
      %get3A_845 = tpu.vector_load %arg7[%get3A_843, %get3A_844] {strides = array<i32>} : memref<64x768xf32, #tpu.memory_space<vmem>>, vector<1x16xf32>,
      %get3A_846 = vector.shape_cast %get3A_845 : vector<1x16xf32> to vector<16xf32>
      %add3A_847 = arith.addf %mul3A_842, %get3A_846 : vector<16xf32>
      %swap3A_848 = arith.index_cast %scan3A_55 : i32 to index
      %swap3A_849 = arith.constant 736 : index
      %swap3A_850 = tpu.vector_load %arg8[%swap3A_848, %swap3A_849] {strides = array<i32>} : memref<64x768xf32, #tpu.memory_space<vmem>>, vector<1x16xf32>,
      %swap3A_851 = vector.shape_cast %swap3A_850 : vector<1x16xf32> to vector<16xf32>
      %swap3A_852 = vector.shape_cast %add3A_847 : vector<16xf32> to vector<1x16xf32>
      tpu.vector_store %arg8[%swap3A_848, %swap3A_849], %swap3A_852 {strides = array<i32>} : memref<64x768xf32, #tpu.memory_space<vmem>>, vector<1x16xf32>,
      %get3A_853 = arith.index_cast %scan3A_55 : i32 to index
      %get3A_854 = arith.constant 752 : index
      %get3A_855 = tpu.vector_load %arg8[%get3A_853, %get3A_854] {strides = array<i32>} : memref<64x768xf32, #tpu.memory_space<vmem>>, vector<1x16xf32>,
      %get3A_856 = vector.shape_cast %get3A_855 : vector<1x16xf32> to vector<16xf32>
      %mul3A_857 = arith.constant 27.7128124 : f32
      %mul3A_858 = vector.broadcast %mul3A_857 : f32 to vector<16xf32>
      %mul3A_859 = arith.mulf %get3A_856, %mul3A_858 : vector<16xf32>
      %get3A_860 = arith.index_cast %scan3A_55 : i32 to index
      %get3A_861 = arith.constant 752 : index
      %get3A_862 = tpu.vector_load %arg7[%get3A_860, %get3A_861] {strides = array<i32>} : memref<64x768xf32, #tpu.memory_space<vmem>>, vector<1x16xf32>,
      %get3A_863 = vector.shape_cast %get3A_862 : vector<1x16xf32> to vector<16xf32>
      %add3A_864 = arith.addf %mul3A_859, %get3A_863 : vector<16xf32>
      %swap3A_865 = arith.index_cast %scan3A_55 : i32 to index
      %swap3A_866 = arith.constant 752 : index
      %swap3A_867 = tpu.vector_load %arg8[%swap3A_865, %swap3A_866] {strides = array<i32>} : memref<64x768xf32, #tpu.memory_space<vmem>>, vector<1x16xf32>,
      %swap3A_868 = vector.shape_cast %swap3A_867 : vector<1x16xf32> to vector<16xf32>
      %swap3A_869 = vector.shape_cast %add3A_864 : vector<16xf32> to vector<1x16xf32>
      tpu.vector_store %arg8[%swap3A_865, %swap3A_866], %swap3A_869 {strides = array<i32>} : memref<64x768xf32, #tpu.memory_space<vmem>>, vector<1x16xf32>,
    }
    %scan3A_25 = arith.constant 64 : i32
    %run_scoped3A_26 = arith.constant 1 : i32
    "tpu.region"() ({
      %run_scoped3A_55 = tpu.sem_alloc : memref<!tpu.dma_semaphore, #tpu.memory_space<semaphore_mem>>
      %dma_start3A_56 = arith.constant 0 : i32
      %dma_start3A_57 = tpu.memref_slice %arg5[%run_scoped3A_26, %mul3A_2, %dma_start3A_56] : memref<4x2048x768xf32, #tpu.memory_space<hbm>> -> memref<1x64x768xf32, #tpu.memory_space<hbm>>
      %dma_start3A_58 = tpu.memref_squeeze %dma_start3A_57 : memref<1x64x768xf32, #tpu.memory_space<hbm>> -> memref<64x768xf32, #tpu.memory_space<hbm>>
      %dma_start3A_59 = arith.constant 0 : i32
      %dma_start3A_60 = tpu.memref_slice %arg5[%run_scoped3A_26, %mul3A_2, %dma_start3A_59] : memref<4x2048x768xf32, #tpu.memory_space<hbm>> -> memref<1x64x768xf32, #tpu.memory_space<hbm>>
      %dma_start3A_61 = tpu.memref_squeeze %dma_start3A_60 : memref<1x64x768xf32, #tpu.memory_space<hbm>> -> memref<64x768xf32, #tpu.memory_space<hbm>>
      tpu.enqueue_dma source(%arg8 : memref<64x768xf32, #tpu.memory_space<vmem>>) target(%dma_start3A_61 : memref<64x768xf32, #tpu.memory_space<hbm>>) target_semaphore(%run_scoped3A_55 : memref<!tpu.dma_semaphore, #tpu.memory_space<semaphore_mem>>)
      %dma_wait3A_62 = arith.constant 0 : i32
      %dma_wait3A_63 = tpu.memref_slice %arg5[%run_scoped3A_26, %mul3A_2, %dma_wait3A_62] : memref<4x2048x768xf32, #tpu.memory_space<hbm>> -> memref<1x64x768xf32, #tpu.memory_space<hbm>>
      %dma_wait3A_64 = tpu.memref_squeeze %dma_wait3A_63 : memref<1x64x768xf32, #tpu.memory_space<hbm>> -> memref<64x768xf32, #tpu.memory_space<hbm>>
      %dma_wait3A_65 = arith.constant 0 : i32
      %dma_wait3A_66 = tpu.memref_slice %arg5[%run_scoped3A_26, %mul3A_2, %dma_wait3A_65] : memref<4x2048x768xf32, #tpu.memory_space<hbm>> -> memref<1x64x768xf32, #tpu.memory_space<hbm>>
      %dma_wait3A_67 = tpu.memref_squeeze %dma_wait3A_66 : memref<1x64x768xf32, #tpu.memory_space<hbm>> -> memref<64x768xf32, #tpu.memory_space<hbm>>
      tpu.wait_dma2 semaphore(%run_scoped3A_55 : memref<!tpu.dma_semaphore, #tpu.memory_space<semaphore_mem>>) src(%arg8 : memref<64x768xf32, #tpu.memory_space<vmem>>) dst(%dma_wait3A_67 : memref<64x768xf32, #tpu.memory_space<hbm>>)
      tpu.yield
    }) : () -> ()
    %run_scoped3A_27 = arith.constant 2 : i32
    "tpu.region"() ({
      %run_scoped3A_55 = tpu.sem_alloc : memref<!tpu.dma_semaphore, #tpu.memory_space<semaphore_mem>>
      %dma_start3A_56 = tpu.memref_slice %arg2[%run_scoped3A_27, %mul3A_2] : memref<4x2048xi32, #tpu.memory_space<hbm>> -> memref<1x64xi32, #tpu.memory_space<hbm>>
      %dma_start3A_57 = tpu.memref_squeeze %dma_start3A_56 : memref<1x64xi32, #tpu.memory_space<hbm>> -> memref<64xi32, #tpu.memory_space<hbm>>
      %dma_start3A_58 = tpu.memref_slice %arg2[%run_scoped3A_27, %mul3A_2] : memref<4x2048xi32, #tpu.memory_space<hbm>> -> memref<1x64xi32, #tpu.memory_space<hbm>>
      %dma_start3A_59 = tpu.memref_squeeze %dma_start3A_58 : memref<1x64xi32, #tpu.memory_space<hbm>> -> memref<64xi32, #tpu.memory_space<hbm>>
      tpu.enqueue_dma source(%dma_start3A_59 : memref<64xi32, #tpu.memory_space<hbm>>) target(%arg6 : memref<64xi32, #tpu.memory_space<vmem>>) target_semaphore(%run_scoped3A_55 : memref<!tpu.dma_semaphore, #tpu.memory_space<semaphore_mem>>)
      %dma_wait3A_60 = tpu.memref_slice %arg2[%run_scoped3A_27, %mul3A_2] : memref<4x2048xi32, #tpu.memory_space<hbm>> -> memref<1x64xi32, #tpu.memory_space<hbm>>
      %dma_wait3A_61 = tpu.memref_squeeze %dma_wait3A_60 : memref<1x64xi32, #tpu.memory_space<hbm>> -> memref<64xi32, #tpu.memory_space<hbm>>
      %dma_wait3A_62 = tpu.memref_slice %arg2[%run_scoped3A_27, %mul3A_2] : memref<4x2048xi32, #tpu.memory_space<hbm>> -> memref<1x64xi32, #tpu.memory_space<hbm>>
      %dma_wait3A_63 = tpu.memref_squeeze %dma_wait3A_62 : memref<1x64xi32, #tpu.memory_space<hbm>> -> memref<64xi32, #tpu.memory_space<hbm>>
      tpu.wait_dma2 semaphore(%run_scoped3A_55 : memref<!tpu.dma_semaphore, #tpu.memory_space<semaphore_mem>>) src(%dma_wait3A_63 : memref<64xi32, #tpu.memory_space<hbm>>) dst(%arg6 : memref<64xi32, #tpu.memory_space<vmem>>)
      tpu.yield
    }) : () -> ()
    %dma_start3A_28 = arith.constant 0 : i32
    %dma_start3A_29 = arith.constant 0 : i32
    %dma_start3A_30 = tpu.memref_slice %arg3[%dma_start3A_28, %dma_start3A_29] : memref<100000x768xf32, #tpu.memory_space<hbm>> -> memref<100000x768xf32, #tpu.memory_space<hbm>>
    tpu.enqueue_indirect_dma source(%dma_start3A_30 : memref<100000x768xf32, #tpu.memory_space<hbm>>) target(%arg8 : memref<64x768xf32, #tpu.memory_space<vmem>>) offsets(%arg6 : memref<64xi32, #tpu.memory_space<vmem>>) semaphore(%arg9 : memref<!tpu.dma_semaphore, #tpu.memory_space<semaphore_mem>>)
    %dma_wait3A_31 = arith.constant 0 : i32
    %dma_wait3A_32 = arith.constant 0 : i32
    %dma_wait3A_33 = tpu.memref_slice %arg3[%dma_wait3A_31, %dma_wait3A_32] : memref<100000x768xf32, #tpu.memory_space<hbm>> -> memref<100000x768xf32, #tpu.memory_space<hbm>>
    tpu.wait_indirect_dma semaphore(%arg9 : memref<!tpu.dma_semaphore, #tpu.memory_space<semaphore_mem>>) src(%dma_wait3A_33 : memref<100000x768xf32, #tpu.memory_space<hbm>>) dst(%arg8 : memref<64x768xf32, #tpu.memory_space<vmem>>)
    %scan3A_34 = arith.constant 0 : i32
    %scan3A_35 = arith.constant 0 : i32
    %scan3A_36 = arith.constant 64 : i32
    %scan3A_37 = arith.addi %scan3A_35, %scan3A_36 : i32
    %scan3A_38 = arith.constant 1 : i32
    scf.for %scan3A_55 = %scan3A_35 to %scan3A_37 step %scan3A_38  : i32 {
      %get3A = arith.index_cast %scan3A_55 : i32 to index
      %get3A_56 = arith.constant 0 : index
      %get3A_57 = tpu.vector_load %arg8[%get3A, %get3A_56] {strides = array<i32>} : memref<64x768xf32, #tpu.memory_space<vmem>>, vector<1x16xf32>,
      %get3A_58 = vector.shape_cast %get3A_57 : vector<1x16xf32> to vector<16xf32>
      %mul3A_59 = arith.constant 27.7128124 : f32
      %mul3A_60 = vector.broadcast %mul3A_59 : f32 to vector<16xf32>
      %mul3A_61 = arith.mulf %get3A_58, %mul3A_60 : vector<16xf32>
      %get3A_62 = arith.index_cast %scan3A_55 : i32 to index
      %get3A_63 = arith.constant 0 : index
      %get3A_64 = tpu.vector_load %arg7[%get3A_62, %get3A_63] {strides = array<i32>} : memref<64x768xf32, #tpu.memory_space<vmem>>, vector<1x16xf32>,
      %get3A_65 = vector.shape_cast %get3A_64 : vector<1x16xf32> to vector<16xf32>
      %add3A_66 = arith.addf %mul3A_61, %get3A_65 : vector<16xf32>
      %swap3A = arith.index_cast %scan3A_55 : i32 to index
      %swap3A_67 = arith.constant 0 : index
      %swap3A_68 = tpu.vector_load %arg8[%swap3A, %swap3A_67] {strides = array<i32>} : memref<64x768xf32, #tpu.memory_space<vmem>>, vector<1x16xf32>,
      %swap3A_69 = vector.shape_cast %swap3A_68 : vector<1x16xf32> to vector<16xf32>
      %swap3A_70 = vector.shape_cast %add3A_66 : vector<16xf32> to vector<1x16xf32>
      tpu.vector_store %arg8[%swap3A, %swap3A_67], %swap3A_70 {strides = array<i32>} : memref<64x768xf32, #tpu.memory_space<vmem>>, vector<1x16xf32>,
      %get3A_71 = arith.index_cast %scan3A_55 : i32 to index
      %get3A_72 = arith.constant 16 : index
      %get3A_73 = tpu.vector_load %arg8[%get3A_71, %get3A_72] {strides = array<i32>} : memref<64x768xf32, #tpu.memory_space<vmem>>, vector<1x16xf32>,
      %get3A_74 = vector.shape_cast %get3A_73 : vector<1x16xf32> to vector<16xf32>
      %mul3A_75 = arith.constant 27.7128124 : f32
      %mul3A_76 = vector.broadcast %mul3A_75 : f32 to vector<16xf32>
      %mul3A_77 = arith.mulf %get3A_74, %mul3A_76 : vector<16xf32>
      %get3A_78 = arith.index_cast %scan3A_55 : i32 to index
      %get3A_79 = arith.constant 16 : index
      %get3A_80 = tpu.vector_load %arg7[%get3A_78, %get3A_79] {strides = array<i32>} : memref<64x768xf32, #tpu.memory_space<vmem>>, vector<1x16xf32>,
      %get3A_81 = vector.shape_cast %get3A_80 : vector<1x16xf32> to vector<16xf32>
      %add3A_82 = arith.addf %mul3A_77, %get3A_81 : vector<16xf32>
      %swap3A_83 = arith.index_cast %scan3A_55 : i32 to index
      %swap3A_84 = arith.constant 16 : index
      %swap3A_85 = tpu.vector_load %arg8[%swap3A_83, %swap3A_84] {strides = array<i32>} : memref<64x768xf32, #tpu.memory_space<vmem>>, vector<1x16xf32>,
      %swap3A_86 = vector.shape_cast %swap3A_85 : vector<1x16xf32> to vector<16xf32>
      %swap3A_87 = vector.shape_cast %add3A_82 : vector<16xf32> to vector<1x16xf32>
      tpu.vector_store %arg8[%swap3A_83, %swap3A_84], %swap3A_87 {strides = array<i32>} : memref<64x768xf32, #tpu.memory_space<vmem>>, vector<1x16xf32>,
      %get3A_88 = arith.index_cast %scan3A_55 : i32 to index
      %get3A_89 = arith.constant 32 : index
      %get3A_90 = tpu.vector_load %arg8[%get3A_88, %get3A_89] {strides = array<i32>} : memref<64x768xf32, #tpu.memory_space<vmem>>, vector<1x16xf32>,
      %get3A_91 = vector.shape_cast %get3A_90 : vector<1x16xf32> to vector<16xf32>
      %mul3A_92 = arith.constant 27.7128124 : f32
      %mul3A_93 = vector.broadcast %mul3A_92 : f32 to vector<16xf32>
      %mul3A_94 = arith.mulf %get3A_91, %mul3A_93 : vector<16xf32>
      %get3A_95 = arith.index_cast %scan3A_55 : i32 to index
      %get3A_96 = arith.constant 32 : index
      %get3A_97 = tpu.vector_load %arg7[%get3A_95, %get3A_96] {strides = array<i32>} : memref<64x768xf32, #tpu.memory_space<vmem>>, vector<1x16xf32>,
      %get3A_98 = vector.shape_cast %get3A_97 : vector<1x16xf32> to vector<16xf32>
      %add3A_99 = arith.addf %mul3A_94, %get3A_98 : vector<16xf32>
      %swap3A_100 = arith.index_cast %scan3A_55 : i32 to index
      %swap3A_101 = arith.constant 32 : index
      %swap3A_102 = tpu.vector_load %arg8[%swap3A_100, %swap3A_101] {strides = array<i32>} : memref<64x768xf32, #tpu.memory_space<vmem>>, vector<1x16xf32>,
      %swap3A_103 = vector.shape_cast %swap3A_102 : vector<1x16xf32> to vector<16xf32>
      %swap3A_104 = vector.shape_cast %add3A_99 : vector<16xf32> to vector<1x16xf32>
      tpu.vector_store %arg8[%swap3A_100, %swap3A_101], %swap3A_104 {strides = array<i32>} : memref<64x768xf32, #tpu.memory_space<vmem>>, vector<1x16xf32>,
      %get3A_105 = arith.index_cast %scan3A_55 : i32 to index
      %get3A_106 = arith.constant 48 : index
      %get3A_107 = tpu.vector_load %arg8[%get3A_105, %get3A_106] {strides = array<i32>} : memref<64x768xf32, #tpu.memory_space<vmem>>, vector<1x16xf32>,
      %get3A_108 = vector.shape_cast %get3A_107 : vector<1x16xf32> to vector<16xf32>
      %mul3A_109 = arith.constant 27.7128124 : f32
      %mul3A_110 = vector.broadcast %mul3A_109 : f32 to vector<16xf32>
      %mul3A_111 = arith.mulf %get3A_108, %mul3A_110 : vector<16xf32>
      %get3A_112 = arith.index_cast %scan3A_55 : i32 to index
      %get3A_113 = arith.constant 48 : index
      %get3A_114 = tpu.vector_load %arg7[%get3A_112, %get3A_113] {strides = array<i32>} : memref<64x768xf32, #tpu.memory_space<vmem>>, vector<1x16xf32>,
      %get3A_115 = vector.shape_cast %get3A_114 : vector<1x16xf32> to vector<16xf32>
      %add3A_116 = arith.addf %mul3A_111, %get3A_115 : vector<16xf32>
      %swap3A_117 = arith.index_cast %scan3A_55 : i32 to index
      %swap3A_118 = arith.constant 48 : index
      %swap3A_119 = tpu.vector_load %arg8[%swap3A_117, %swap3A_118] {strides = array<i32>} : memref<64x768xf32, #tpu.memory_space<vmem>>, vector<1x16xf32>,
      %swap3A_120 = vector.shape_cast %swap3A_119 : vector<1x16xf32> to vector<16xf32>
      %swap3A_121 = vector.shape_cast %add3A_116 : vector<16xf32> to vector<1x16xf32>
      tpu.vector_store %arg8[%swap3A_117, %swap3A_118], %swap3A_121 {strides = array<i32>} : memref<64x768xf32, #tpu.memory_space<vmem>>, vector<1x16xf32>,
      %get3A_122 = arith.index_cast %scan3A_55 : i32 to index
      %get3A_123 = arith.constant 64 : index
      %get3A_124 = tpu.vector_load %arg8[%get3A_122, %get3A_123] {strides = array<i32>} : memref<64x768xf32, #tpu.memory_space<vmem>>, vector<1x16xf32>,
      %get3A_125 = vector.shape_cast %get3A_124 : vector<1x16xf32> to vector<16xf32>
      %mul3A_126 = arith.constant 27.7128124 : f32
      %mul3A_127 = vector.broadcast %mul3A_126 : f32 to vector<16xf32>
      %mul3A_128 = arith.mulf %get3A_125, %mul3A_127 : vector<16xf32>
      %get3A_129 = arith.index_cast %scan3A_55 : i32 to index
      %get3A_130 = arith.constant 64 : index
      %get3A_131 = tpu.vector_load %arg7[%get3A_129, %get3A_130] {strides = array<i32>} : memref<64x768xf32, #tpu.memory_space<vmem>>, vector<1x16xf32>,
      %get3A_132 = vector.shape_cast %get3A_131 : vector<1x16xf32> to vector<16xf32>
      %add3A_133 = arith.addf %mul3A_128, %get3A_132 : vector<16xf32>
      %swap3A_134 = arith.index_cast %scan3A_55 : i32 to index
      %swap3A_135 = arith.constant 64 : index
      %swap3A_136 = tpu.vector_load %arg8[%swap3A_134, %swap3A_135] {strides = array<i32>} : memref<64x768xf32, #tpu.memory_space<vmem>>, vector<1x16xf32>,
      %swap3A_137 = vector.shape_cast %swap3A_136 : vector<1x16xf32> to vector<16xf32>
      %swap3A_138 = vector.shape_cast %add3A_133 : vector<16xf32> to vector<1x16xf32>
      tpu.vector_store %arg8[%swap3A_134, %swap3A_135], %swap3A_138 {strides = array<i32>} : memref<64x768xf32, #tpu.memory_space<vmem>>, vector<1x16xf32>,
      %get3A_139 = arith.index_cast %scan3A_55 : i32 to index
      %get3A_140 = arith.constant 80 : index
      %get3A_141 = tpu.vector_load %arg8[%get3A_139, %get3A_140] {strides = array<i32>} : memref<64x768xf32, #tpu.memory_space<vmem>>, vector<1x16xf32>,
      %get3A_142 = vector.shape_cast %get3A_141 : vector<1x16xf32> to vector<16xf32>
      %mul3A_143 = arith.constant 27.7128124 : f32
      %mul3A_144 = vector.broadcast %mul3A_143 : f32 to vector<16xf32>
      %mul3A_145 = arith.mulf %get3A_142, %mul3A_144 : vector<16xf32>
      %get3A_146 = arith.index_cast %scan3A_55 : i32 to index
      %get3A_147 = arith.constant 80 : index
      %get3A_148 = tpu.vector_load %arg7[%get3A_146, %get3A_147] {strides = array<i32>} : memref<64x768xf32, #tpu.memory_space<vmem>>, vector<1x16xf32>,
      %get3A_149 = vector.shape_cast %get3A_148 : vector<1x16xf32> to vector<16xf32>
      %add3A_150 = arith.addf %mul3A_145, %get3A_149 : vector<16xf32>
      %swap3A_151 = arith.index_cast %scan3A_55 : i32 to index
      %swap3A_152 = arith.constant 80 : index
      %swap3A_153 = tpu.vector_load %arg8[%swap3A_151, %swap3A_152] {strides = array<i32>} : memref<64x768xf32, #tpu.memory_space<vmem>>, vector<1x16xf32>,
      %swap3A_154 = vector.shape_cast %swap3A_153 : vector<1x16xf32> to vector<16xf32>
      %swap3A_155 = vector.shape_cast %add3A_150 : vector<16xf32> to vector<1x16xf32>
      tpu.vector_store %arg8[%swap3A_151, %swap3A_152], %swap3A_155 {strides = array<i32>} : memref<64x768xf32, #tpu.memory_space<vmem>>, vector<1x16xf32>,
      %get3A_156 = arith.index_cast %scan3A_55 : i32 to index
      %get3A_157 = arith.constant 96 : index
      %get3A_158 = tpu.vector_load %arg8[%get3A_156, %get3A_157] {strides = array<i32>} : memref<64x768xf32, #tpu.memory_space<vmem>>, vector<1x16xf32>,
      %get3A_159 = vector.shape_cast %get3A_158 : vector<1x16xf32> to vector<16xf32>
      %mul3A_160 = arith.constant 27.7128124 : f32
      %mul3A_161 = vector.broadcast %mul3A_160 : f32 to vector<16xf32>
      %mul3A_162 = arith.mulf %get3A_159, %mul3A_161 : vector<16xf32>
      %get3A_163 = arith.index_cast %scan3A_55 : i32 to index
      %get3A_164 = arith.constant 96 : index
      %get3A_165 = tpu.vector_load %arg7[%get3A_163, %get3A_164] {strides = array<i32>} : memref<64x768xf32, #tpu.memory_space<vmem>>, vector<1x16xf32>,
      %get3A_166 = vector.shape_cast %get3A_165 : vector<1x16xf32> to vector<16xf32>
      %add3A_167 = arith.addf %mul3A_162, %get3A_166 : vector<16xf32>
      %swap3A_168 = arith.index_cast %scan3A_55 : i32 to index
      %swap3A_169 = arith.constant 96 : index
      %swap3A_170 = tpu.vector_load %arg8[%swap3A_168, %swap3A_169] {strides = array<i32>} : memref<64x768xf32, #tpu.memory_space<vmem>>, vector<1x16xf32>,
      %swap3A_171 = vector.shape_cast %swap3A_170 : vector<1x16xf32> to vector<16xf32>
      %swap3A_172 = vector.shape_cast %add3A_167 : vector<16xf32> to vector<1x16xf32>
      tpu.vector_store %arg8[%swap3A_168, %swap3A_169], %swap3A_172 {strides = array<i32>} : memref<64x768xf32, #tpu.memory_space<vmem>>, vector<1x16xf32>,
      %get3A_173 = arith.index_cast %scan3A_55 : i32 to index
      %get3A_174 = arith.constant 112 : index
      %get3A_175 = tpu.vector_load %arg8[%get3A_173, %get3A_174] {strides = array<i32>} : memref<64x768xf32, #tpu.memory_space<vmem>>, vector<1x16xf32>,
      %get3A_176 = vector.shape_cast %get3A_175 : vector<1x16xf32> to vector<16xf32>
      %mul3A_177 = arith.constant 27.7128124 : f32
      %mul3A_178 = vector.broadcast %mul3A_177 : f32 to vector<16xf32>
      %mul3A_179 = arith.mulf %get3A_176, %mul3A_178 : vector<16xf32>
      %get3A_180 = arith.index_cast %scan3A_55 : i32 to index
      %get3A_181 = arith.constant 112 : index
      %get3A_182 = tpu.vector_load %arg7[%get3A_180, %get3A_181] {strides = array<i32>} : memref<64x768xf32, #tpu.memory_space<vmem>>, vector<1x16xf32>,
      %get3A_183 = vector.shape_cast %get3A_182 : vector<1x16xf32> to vector<16xf32>
      %add3A_184 = arith.addf %mul3A_179, %get3A_183 : vector<16xf32>
      %swap3A_185 = arith.index_cast %scan3A_55 : i32 to index
      %swap3A_186 = arith.constant 112 : index
      %swap3A_187 = tpu.vector_load %arg8[%swap3A_185, %swap3A_186] {strides = array<i32>} : memref<64x768xf32, #tpu.memory_space<vmem>>, vector<1x16xf32>,
      %swap3A_188 = vector.shape_cast %swap3A_187 : vector<1x16xf32> to vector<16xf32>
      %swap3A_189 = vector.shape_cast %add3A_184 : vector<16xf32> to vector<1x16xf32>
      tpu.vector_store %arg8[%swap3A_185, %swap3A_186], %swap3A_189 {strides = array<i32>} : memref<64x768xf32, #tpu.memory_space<vmem>>, vector<1x16xf32>,
      %get3A_190 = arith.index_cast %scan3A_55 : i32 to index
      %get3A_191 = arith.constant 128 : index
      %get3A_192 = tpu.vector_load %arg8[%get3A_190, %get3A_191] {strides = array<i32>} : memref<64x768xf32, #tpu.memory_space<vmem>>, vector<1x16xf32>,
      %get3A_193 = vector.shape_cast %get3A_192 : vector<1x16xf32> to vector<16xf32>
      %mul3A_194 = arith.constant 27.7128124 : f32
      %mul3A_195 = vector.broadcast %mul3A_194 : f32 to vector<16xf32>
      %mul3A_196 = arith.mulf %get3A_193, %mul3A_195 : vector<16xf32>
      %get3A_197 = arith.index_cast %scan3A_55 : i32 to index
      %get3A_198 = arith.constant 128 : index
      %get3A_199 = tpu.vector_load %arg7[%get3A_197, %get3A_198] {strides = array<i32>} : memref<64x768xf32, #tpu.memory_space<vmem>>, vector<1x16xf32>,
      %get3A_200 = vector.shape_cast %get3A_199 : vector<1x16xf32> to vector<16xf32>
      %add3A_201 = arith.addf %mul3A_196, %get3A_200 : vector<16xf32>
      %swap3A_202 = arith.index_cast %scan3A_55 : i32 to index
      %swap3A_203 = arith.constant 128 : index
      %swap3A_204 = tpu.vector_load %arg8[%swap3A_202, %swap3A_203] {strides = array<i32>} : memref<64x768xf32, #tpu.memory_space<vmem>>, vector<1x16xf32>,
      %swap3A_205 = vector.shape_cast %swap3A_204 : vector<1x16xf32> to vector<16xf32>
      %swap3A_206 = vector.shape_cast %add3A_201 : vector<16xf32> to vector<1x16xf32>
      tpu.vector_store %arg8[%swap3A_202, %swap3A_203], %swap3A_206 {strides = array<i32>} : memref<64x768xf32, #tpu.memory_space<vmem>>, vector<1x16xf32>,
      %get3A_207 = arith.index_cast %scan3A_55 : i32 to index
      %get3A_208 = arith.constant 144 : index
      %get3A_209 = tpu.vector_load %arg8[%get3A_207, %get3A_208] {strides = array<i32>} : memref<64x768xf32, #tpu.memory_space<vmem>>, vector<1x16xf32>,
      %get3A_210 = vector.shape_cast %get3A_209 : vector<1x16xf32> to vector<16xf32>
      %mul3A_211 = arith.constant 27.7128124 : f32
      %mul3A_212 = vector.broadcast %mul3A_211 : f32 to vector<16xf32>
      %mul3A_213 = arith.mulf %get3A_210, %mul3A_212 : vector<16xf32>
      %get3A_214 = arith.index_cast %scan3A_55 : i32 to index
      %get3A_215 = arith.constant 144 : index
      %get3A_216 = tpu.vector_load %arg7[%get3A_214, %get3A_215] {strides = array<i32>} : memref<64x768xf32, #tpu.memory_space<vmem>>, vector<1x16xf32>,
      %get3A_217 = vector.shape_cast %get3A_216 : vector<1x16xf32> to vector<16xf32>
      %add3A_218 = arith.addf %mul3A_213, %get3A_217 : vector<16xf32>
      %swap3A_219 = arith.index_cast %scan3A_55 : i32 to index
      %swap3A_220 = arith.constant 144 : index
      %swap3A_221 = tpu.vector_load %arg8[%swap3A_219, %swap3A_220] {strides = array<i32>} : memref<64x768xf32, #tpu.memory_space<vmem>>, vector<1x16xf32>,
      %swap3A_222 = vector.shape_cast %swap3A_221 : vector<1x16xf32> to vector<16xf32>
      %swap3A_223 = vector.shape_cast %add3A_218 : vector<16xf32> to vector<1x16xf32>
      tpu.vector_store %arg8[%swap3A_219, %swap3A_220], %swap3A_223 {strides = array<i32>} : memref<64x768xf32, #tpu.memory_space<vmem>>, vector<1x16xf32>,
      %get3A_224 = arith.index_cast %scan3A_55 : i32 to index
      %get3A_225 = arith.constant 160 : index
      %get3A_226 = tpu.vector_load %arg8[%get3A_224, %get3A_225] {strides = array<i32>} : memref<64x768xf32, #tpu.memory_space<vmem>>, vector<1x16xf32>,
      %get3A_227 = vector.shape_cast %get3A_226 : vector<1x16xf32> to vector<16xf32>
      %mul3A_228 = arith.constant 27.7128124 : f32
      %mul3A_229 = vector.broadcast %mul3A_228 : f32 to vector<16xf32>
      %mul3A_230 = arith.mulf %get3A_227, %mul3A_229 : vector<16xf32>
      %get3A_231 = arith.index_cast %scan3A_55 : i32 to index
      %get3A_232 = arith.constant 160 : index
      %get3A_233 = tpu.vector_load %arg7[%get3A_231, %get3A_232] {strides = array<i32>} : memref<64x768xf32, #tpu.memory_space<vmem>>, vector<1x16xf32>,
      %get3A_234 = vector.shape_cast %get3A_233 : vector<1x16xf32> to vector<16xf32>
      %add3A_235 = arith.addf %mul3A_230, %get3A_234 : vector<16xf32>
      %swap3A_236 = arith.index_cast %scan3A_55 : i32 to index
      %swap3A_237 = arith.constant 160 : index
      %swap3A_238 = tpu.vector_load %arg8[%swap3A_236, %swap3A_237] {strides = array<i32>} : memref<64x768xf32, #tpu.memory_space<vmem>>, vector<1x16xf32>,
      %swap3A_239 = vector.shape_cast %swap3A_238 : vector<1x16xf32> to vector<16xf32>
      %swap3A_240 = vector.shape_cast %add3A_235 : vector<16xf32> to vector<1x16xf32>
      tpu.vector_store %arg8[%swap3A_236, %swap3A_237], %swap3A_240 {strides = array<i32>} : memref<64x768xf32, #tpu.memory_space<vmem>>, vector<1x16xf32>,
      %get3A_241 = arith.index_cast %scan3A_55 : i32 to index
      %get3A_242 = arith.constant 176 : index
      %get3A_243 = tpu.vector_load %arg8[%get3A_241, %get3A_242] {strides = array<i32>} : memref<64x768xf32, #tpu.memory_space<vmem>>, vector<1x16xf32>,
      %get3A_244 = vector.shape_cast %get3A_243 : vector<1x16xf32> to vector<16xf32>
      %mul3A_245 = arith.constant 27.7128124 : f32
      %mul3A_246 = vector.broadcast %mul3A_245 : f32 to vector<16xf32>
      %mul3A_247 = arith.mulf %get3A_244, %mul3A_246 : vector<16xf32>
      %get3A_248 = arith.index_cast %scan3A_55 : i32 to index
      %get3A_249 = arith.constant 176 : index
      %get3A_250 = tpu.vector_load %arg7[%get3A_248, %get3A_249] {strides = array<i32>} : memref<64x768xf32, #tpu.memory_space<vmem>>, vector<1x16xf32>,
      %get3A_251 = vector.shape_cast %get3A_250 : vector<1x16xf32> to vector<16xf32>
      %add3A_252 = arith.addf %mul3A_247, %get3A_251 : vector<16xf32>
      %swap3A_253 = arith.index_cast %scan3A_55 : i32 to index
      %swap3A_254 = arith.constant 176 : index
      %swap3A_255 = tpu.vector_load %arg8[%swap3A_253, %swap3A_254] {strides = array<i32>} : memref<64x768xf32, #tpu.memory_space<vmem>>, vector<1x16xf32>,
      %swap3A_256 = vector.shape_cast %swap3A_255 : vector<1x16xf32> to vector<16xf32>
      %swap3A_257 = vector.shape_cast %add3A_252 : vector<16xf32> to vector<1x16xf32>
      tpu.vector_store %arg8[%swap3A_253, %swap3A_254], %swap3A_257 {strides = array<i32>} : memref<64x768xf32, #tpu.memory_space<vmem>>, vector<1x16xf32>,
      %get3A_258 = arith.index_cast %scan3A_55 : i32 to index
      %get3A_259 = arith.constant 192 : index
      %get3A_260 = tpu.vector_load %arg8[%get3A_258, %get3A_259] {strides = array<i32>} : memref<64x768xf32, #tpu.memory_space<vmem>>, vector<1x16xf32>,
      %get3A_261 = vector.shape_cast %get3A_260 : vector<1x16xf32> to vector<16xf32>
      %mul3A_262 = arith.constant 27.7128124 : f32
      %mul3A_263 = vector.broadcast %mul3A_262 : f32 to vector<16xf32>
      %mul3A_264 = arith.mulf %get3A_261, %mul3A_263 : vector<16xf32>
      %get3A_265 = arith.index_cast %scan3A_55 : i32 to index
      %get3A_266 = arith.constant 192 : index
      %get3A_267 = tpu.vector_load %arg7[%get3A_265, %get3A_266] {strides = array<i32>} : memref<64x768xf32, #tpu.memory_space<vmem>>, vector<1x16xf32>,
      %get3A_268 = vector.shape_cast %get3A_267 : vector<1x16xf32> to vector<16xf32>
      %add3A_269 = arith.addf %mul3A_264, %get3A_268 : vector<16xf32>
      %swap3A_270 = arith.index_cast %scan3A_55 : i32 to index
      %swap3A_271 = arith.constant 192 : index
      %swap3A_272 = tpu.vector_load %arg8[%swap3A_270, %swap3A_271] {strides = array<i32>} : memref<64x768xf32, #tpu.memory_space<vmem>>, vector<1x16xf32>,
      %swap3A_273 = vector.shape_cast %swap3A_272 : vector<1x16xf32> to vector<16xf32>
      %swap3A_274 = vector.shape_cast %add3A_269 : vector<16xf32> to vector<1x16xf32>
      tpu.vector_store %arg8[%swap3A_270, %swap3A_271], %swap3A_274 {strides = array<i32>} : memref<64x768xf32, #tpu.memory_space<vmem>>, vector<1x16xf32>,
      %get3A_275 = arith.index_cast %scan3A_55 : i32 to index
      %get3A_276 = arith.constant 208 : index
      %get3A_277 = tpu.vector_load %arg8[%get3A_275, %get3A_276] {strides = array<i32>} : memref<64x768xf32, #tpu.memory_space<vmem>>, vector<1x16xf32>,
      %get3A_278 = vector.shape_cast %get3A_277 : vector<1x16xf32> to vector<16xf32>
      %mul3A_279 = arith.constant 27.7128124 : f32
      %mul3A_280 = vector.broadcast %mul3A_279 : f32 to vector<16xf32>
      %mul3A_281 = arith.mulf %get3A_278, %mul3A_280 : vector<16xf32>
      %get3A_282 = arith.index_cast %scan3A_55 : i32 to index
      %get3A_283 = arith.constant 208 : index
      %get3A_284 = tpu.vector_load %arg7[%get3A_282, %get3A_283] {strides = array<i32>} : memref<64x768xf32, #tpu.memory_space<vmem>>, vector<1x16xf32>,
      %get3A_285 = vector.shape_cast %get3A_284 : vector<1x16xf32> to vector<16xf32>
      %add3A_286 = arith.addf %mul3A_281, %get3A_285 : vector<16xf32>
      %swap3A_287 = arith.index_cast %scan3A_55 : i32 to index
      %swap3A_288 = arith.constant 208 : index
      %swap3A_289 = tpu.vector_load %arg8[%swap3A_287, %swap3A_288] {strides = array<i32>} : memref<64x768xf32, #tpu.memory_space<vmem>>, vector<1x16xf32>,
      %swap3A_290 = vector.shape_cast %swap3A_289 : vector<1x16xf32> to vector<16xf32>
      %swap3A_291 = vector.shape_cast %add3A_286 : vector<16xf32> to vector<1x16xf32>
      tpu.vector_store %arg8[%swap3A_287, %swap3A_288], %swap3A_291 {strides = array<i32>} : memref<64x768xf32, #tpu.memory_space<vmem>>, vector<1x16xf32>,
      %get3A_292 = arith.index_cast %scan3A_55 : i32 to index
      %get3A_293 = arith.constant 224 : index
      %get3A_294 = tpu.vector_load %arg8[%get3A_292, %get3A_293] {strides = array<i32>} : memref<64x768xf32, #tpu.memory_space<vmem>>, vector<1x16xf32>,
      %get3A_295 = vector.shape_cast %get3A_294 : vector<1x16xf32> to vector<16xf32>
      %mul3A_296 = arith.constant 27.7128124 : f32
      %mul3A_297 = vector.broadcast %mul3A_296 : f32 to vector<16xf32>
      %mul3A_298 = arith.mulf %get3A_295, %mul3A_297 : vector<16xf32>
      %get3A_299 = arith.index_cast %scan3A_55 : i32 to index
      %get3A_300 = arith.constant 224 : index
      %get3A_301 = tpu.vector_load %arg7[%get3A_299, %get3A_300] {strides = array<i32>} : memref<64x768xf32, #tpu.memory_space<vmem>>, vector<1x16xf32>,
      %get3A_302 = vector.shape_cast %get3A_301 : vector<1x16xf32> to vector<16xf32>
      %add3A_303 = arith.addf %mul3A_298, %get3A_302 : vector<16xf32>
      %swap3A_304 = arith.index_cast %scan3A_55 : i32 to index
      %swap3A_305 = arith.constant 224 : index
      %swap3A_306 = tpu.vector_load %arg8[%swap3A_304, %swap3A_305] {strides = array<i32>} : memref<64x768xf32, #tpu.memory_space<vmem>>, vector<1x16xf32>,
      %swap3A_307 = vector.shape_cast %swap3A_306 : vector<1x16xf32> to vector<16xf32>
      %swap3A_308 = vector.shape_cast %add3A_303 : vector<16xf32> to vector<1x16xf32>
      tpu.vector_store %arg8[%swap3A_304, %swap3A_305], %swap3A_308 {strides = array<i32>} : memref<64x768xf32, #tpu.memory_space<vmem>>, vector<1x16xf32>,
      %get3A_309 = arith.index_cast %scan3A_55 : i32 to index
      %get3A_310 = arith.constant 240 : index
      %get3A_311 = tpu.vector_load %arg8[%get3A_309, %get3A_310] {strides = array<i32>} : memref<64x768xf32, #tpu.memory_space<vmem>>, vector<1x16xf32>,
      %get3A_312 = vector.shape_cast %get3A_311 : vector<1x16xf32> to vector<16xf32>
      %mul3A_313 = arith.constant 27.7128124 : f32
      %mul3A_314 = vector.broadcast %mul3A_313 : f32 to vector<16xf32>
      %mul3A_315 = arith.mulf %get3A_312, %mul3A_314 : vector<16xf32>
      %get3A_316 = arith.index_cast %scan3A_55 : i32 to index
      %get3A_317 = arith.constant 240 : index
      %get3A_318 = tpu.vector_load %arg7[%get3A_316, %get3A_317] {strides = array<i32>} : memref<64x768xf32, #tpu.memory_space<vmem>>, vector<1x16xf32>,
      %get3A_319 = vector.shape_cast %get3A_318 : vector<1x16xf32> to vector<16xf32>
      %add3A_320 = arith.addf %mul3A_315, %get3A_319 : vector<16xf32>
      %swap3A_321 = arith.index_cast %scan3A_55 : i32 to index
      %swap3A_322 = arith.constant 240 : index
      %swap3A_323 = tpu.vector_load %arg8[%swap3A_321, %swap3A_322] {strides = array<i32>} : memref<64x768xf32, #tpu.memory_space<vmem>>, vector<1x16xf32>,
      %swap3A_324 = vector.shape_cast %swap3A_323 : vector<1x16xf32> to vector<16xf32>
      %swap3A_325 = vector.shape_cast %add3A_320 : vector<16xf32> to vector<1x16xf32>
      tpu.vector_store %arg8[%swap3A_321, %swap3A_322], %swap3A_325 {strides = array<i32>} : memref<64x768xf32, #tpu.memory_space<vmem>>, vector<1x16xf32>,
      %get3A_326 = arith.index_cast %scan3A_55 : i32 to index
      %get3A_327 = arith.constant 256 : index
      %get3A_328 = tpu.vector_load %arg8[%get3A_326, %get3A_327] {strides = array<i32>} : memref<64x768xf32, #tpu.memory_space<vmem>>, vector<1x16xf32>,
      %get3A_329 = vector.shape_cast %get3A_328 : vector<1x16xf32> to vector<16xf32>
      %mul3A_330 = arith.constant 27.7128124 : f32
      %mul3A_331 = vector.broadcast %mul3A_330 : f32 to vector<16xf32>
      %mul3A_332 = arith.mulf %get3A_329, %mul3A_331 : vector<16xf32>
      %get3A_333 = arith.index_cast %scan3A_55 : i32 to index
      %get3A_334 = arith.constant 256 : index
      %get3A_335 = tpu.vector_load %arg7[%get3A_333, %get3A_334] {strides = array<i32>} : memref<64x768xf32, #tpu.memory_space<vmem>>, vector<1x16xf32>,
      %get3A_336 = vector.shape_cast %get3A_335 : vector<1x16xf32> to vector<16xf32>
      %add3A_337 = arith.addf %mul3A_332, %get3A_336 : vector<16xf32>
      %swap3A_338 = arith.index_cast %scan3A_55 : i32 to index
      %swap3A_339 = arith.constant 256 : index
      %swap3A_340 = tpu.vector_load %arg8[%swap3A_338, %swap3A_339] {strides = array<i32>} : memref<64x768xf32, #tpu.memory_space<vmem>>, vector<1x16xf32>,
      %swap3A_341 = vector.shape_cast %swap3A_340 : vector<1x16xf32> to vector<16xf32>
      %swap3A_342 = vector.shape_cast %add3A_337 : vector<16xf32> to vector<1x16xf32>
      tpu.vector_store %arg8[%swap3A_338, %swap3A_339], %swap3A_342 {strides = array<i32>} : memref<64x768xf32, #tpu.memory_space<vmem>>, vector<1x16xf32>,
      %get3A_343 = arith.index_cast %scan3A_55 : i32 to index
      %get3A_344 = arith.constant 272 : index
      %get3A_345 = tpu.vector_load %arg8[%get3A_343, %get3A_344] {strides = array<i32>} : memref<64x768xf32, #tpu.memory_space<vmem>>, vector<1x16xf32>,
      %get3A_346 = vector.shape_cast %get3A_345 : vector<1x16xf32> to vector<16xf32>
      %mul3A_347 = arith.constant 27.7128124 : f32
      %mul3A_348 = vector.broadcast %mul3A_347 : f32 to vector<16xf32>
      %mul3A_349 = arith.mulf %get3A_346, %mul3A_348 : vector<16xf32>
      %get3A_350 = arith.index_cast %scan3A_55 : i32 to index
      %get3A_351 = arith.constant 272 : index
      %get3A_352 = tpu.vector_load %arg7[%get3A_350, %get3A_351] {strides = array<i32>} : memref<64x768xf32, #tpu.memory_space<vmem>>, vector<1x16xf32>,
      %get3A_353 = vector.shape_cast %get3A_352 : vector<1x16xf32> to vector<16xf32>
      %add3A_354 = arith.addf %mul3A_349, %get3A_353 : vector<16xf32>
      %swap3A_355 = arith.index_cast %scan3A_55 : i32 to index
      %swap3A_356 = arith.constant 272 : index
      %swap3A_357 = tpu.vector_load %arg8[%swap3A_355, %swap3A_356] {strides = array<i32>} : memref<64x768xf32, #tpu.memory_space<vmem>>, vector<1x16xf32>,
      %swap3A_358 = vector.shape_cast %swap3A_357 : vector<1x16xf32> to vector<16xf32>
      %swap3A_359 = vector.shape_cast %add3A_354 : vector<16xf32> to vector<1x16xf32>
      tpu.vector_store %arg8[%swap3A_355, %swap3A_356], %swap3A_359 {strides = array<i32>} : memref<64x768xf32, #tpu.memory_space<vmem>>, vector<1x16xf32>,
      %get3A_360 = arith.index_cast %scan3A_55 : i32 to index
      %get3A_361 = arith.constant 288 : index
      %get3A_362 = tpu.vector_load %arg8[%get3A_360, %get3A_361] {strides = array<i32>} : memref<64x768xf32, #tpu.memory_space<vmem>>, vector<1x16xf32>,
      %get3A_363 = vector.shape_cast %get3A_362 : vector<1x16xf32> to vector<16xf32>
      %mul3A_364 = arith.constant 27.7128124 : f32
      %mul3A_365 = vector.broadcast %mul3A_364 : f32 to vector<16xf32>
      %mul3A_366 = arith.mulf %get3A_363, %mul3A_365 : vector<16xf32>
      %get3A_367 = arith.index_cast %scan3A_55 : i32 to index
      %get3A_368 = arith.constant 288 : index
      %get3A_369 = tpu.vector_load %arg7[%get3A_367, %get3A_368] {strides = array<i32>} : memref<64x768xf32, #tpu.memory_space<vmem>>, vector<1x16xf32>,
      %get3A_370 = vector.shape_cast %get3A_369 : vector<1x16xf32> to vector<16xf32>
      %add3A_371 = arith.addf %mul3A_366, %get3A_370 : vector<16xf32>
      %swap3A_372 = arith.index_cast %scan3A_55 : i32 to index
      %swap3A_373 = arith.constant 288 : index
      %swap3A_374 = tpu.vector_load %arg8[%swap3A_372, %swap3A_373] {strides = array<i32>} : memref<64x768xf32, #tpu.memory_space<vmem>>, vector<1x16xf32>,
      %swap3A_375 = vector.shape_cast %swap3A_374 : vector<1x16xf32> to vector<16xf32>
      %swap3A_376 = vector.shape_cast %add3A_371 : vector<16xf32> to vector<1x16xf32>
      tpu.vector_store %arg8[%swap3A_372, %swap3A_373], %swap3A_376 {strides = array<i32>} : memref<64x768xf32, #tpu.memory_space<vmem>>, vector<1x16xf32>,
      %get3A_377 = arith.index_cast %scan3A_55 : i32 to index
      %get3A_378 = arith.constant 304 : index
      %get3A_379 = tpu.vector_load %arg8[%get3A_377, %get3A_378] {strides = array<i32>} : memref<64x768xf32, #tpu.memory_space<vmem>>, vector<1x16xf32>,
      %get3A_380 = vector.shape_cast %get3A_379 : vector<1x16xf32> to vector<16xf32>
      %mul3A_381 = arith.constant 27.7128124 : f32
      %mul3A_382 = vector.broadcast %mul3A_381 : f32 to vector<16xf32>
      %mul3A_383 = arith.mulf %get3A_380, %mul3A_382 : vector<16xf32>
      %get3A_384 = arith.index_cast %scan3A_55 : i32 to index
      %get3A_385 = arith.constant 304 : index
      %get3A_386 = tpu.vector_load %arg7[%get3A_384, %get3A_385] {strides = array<i32>} : memref<64x768xf32, #tpu.memory_space<vmem>>, vector<1x16xf32>,
      %get3A_387 = vector.shape_cast %get3A_386 : vector<1x16xf32> to vector<16xf32>
      %add3A_388 = arith.addf %mul3A_383, %get3A_387 : vector<16xf32>
      %swap3A_389 = arith.index_cast %scan3A_55 : i32 to index
      %swap3A_390 = arith.constant 304 : index
      %swap3A_391 = tpu.vector_load %arg8[%swap3A_389, %swap3A_390] {strides = array<i32>} : memref<64x768xf32, #tpu.memory_space<vmem>>, vector<1x16xf32>,
      %swap3A_392 = vector.shape_cast %swap3A_391 : vector<1x16xf32> to vector<16xf32>
      %swap3A_393 = vector.shape_cast %add3A_388 : vector<16xf32> to vector<1x16xf32>
      tpu.vector_store %arg8[%swap3A_389, %swap3A_390], %swap3A_393 {strides = array<i32>} : memref<64x768xf32, #tpu.memory_space<vmem>>, vector<1x16xf32>,
      %get3A_394 = arith.index_cast %scan3A_55 : i32 to index
      %get3A_395 = arith.constant 320 : index
      %get3A_396 = tpu.vector_load %arg8[%get3A_394, %get3A_395] {strides = array<i32>} : memref<64x768xf32, #tpu.memory_space<vmem>>, vector<1x16xf32>,
      %get3A_397 = vector.shape_cast %get3A_396 : vector<1x16xf32> to vector<16xf32>
      %mul3A_398 = arith.constant 27.7128124 : f32
      %mul3A_399 = vector.broadcast %mul3A_398 : f32 to vector<16xf32>
      %mul3A_400 = arith.mulf %get3A_397, %mul3A_399 : vector<16xf32>
      %get3A_401 = arith.index_cast %scan3A_55 : i32 to index
      %get3A_402 = arith.constant 320 : index
      %get3A_403 = tpu.vector_load %arg7[%get3A_401, %get3A_402] {strides = array<i32>} : memref<64x768xf32, #tpu.memory_space<vmem>>, vector<1x16xf32>,
      %get3A_404 = vector.shape_cast %get3A_403 : vector<1x16xf32> to vector<16xf32>
      %add3A_405 = arith.addf %mul3A_400, %get3A_404 : vector<16xf32>
      %swap3A_406 = arith.index_cast %scan3A_55 : i32 to index
      %swap3A_407 = arith.constant 320 : index
      %swap3A_408 = tpu.vector_load %arg8[%swap3A_406, %swap3A_407] {strides = array<i32>} : memref<64x768xf32, #tpu.memory_space<vmem>>, vector<1x16xf32>,
      %swap3A_409 = vector.shape_cast %swap3A_408 : vector<1x16xf32> to vector<16xf32>
      %swap3A_410 = vector.shape_cast %add3A_405 : vector<16xf32> to vector<1x16xf32>
      tpu.vector_store %arg8[%swap3A_406, %swap3A_407], %swap3A_410 {strides = array<i32>} : memref<64x768xf32, #tpu.memory_space<vmem>>, vector<1x16xf32>,
      %get3A_411 = arith.index_cast %scan3A_55 : i32 to index
      %get3A_412 = arith.constant 336 : index
      %get3A_413 = tpu.vector_load %arg8[%get3A_411, %get3A_412] {strides = array<i32>} : memref<64x768xf32, #tpu.memory_space<vmem>>, vector<1x16xf32>,
      %get3A_414 = vector.shape_cast %get3A_413 : vector<1x16xf32> to vector<16xf32>
      %mul3A_415 = arith.constant 27.7128124 : f32
      %mul3A_416 = vector.broadcast %mul3A_415 : f32 to vector<16xf32>
      %mul3A_417 = arith.mulf %get3A_414, %mul3A_416 : vector<16xf32>
      %get3A_418 = arith.index_cast %scan3A_55 : i32 to index
      %get3A_419 = arith.constant 336 : index
      %get3A_420 = tpu.vector_load %arg7[%get3A_418, %get3A_419] {strides = array<i32>} : memref<64x768xf32, #tpu.memory_space<vmem>>, vector<1x16xf32>,
      %get3A_421 = vector.shape_cast %get3A_420 : vector<1x16xf32> to vector<16xf32>
      %add3A_422 = arith.addf %mul3A_417, %get3A_421 : vector<16xf32>
      %swap3A_423 = arith.index_cast %scan3A_55 : i32 to index
      %swap3A_424 = arith.constant 336 : index
      %swap3A_425 = tpu.vector_load %arg8[%swap3A_423, %swap3A_424] {strides = array<i32>} : memref<64x768xf32, #tpu.memory_space<vmem>>, vector<1x16xf32>,
      %swap3A_426 = vector.shape_cast %swap3A_425 : vector<1x16xf32> to vector<16xf32>
      %swap3A_427 = vector.shape_cast %add3A_422 : vector<16xf32> to vector<1x16xf32>
      tpu.vector_store %arg8[%swap3A_423, %swap3A_424], %swap3A_427 {strides = array<i32>} : memref<64x768xf32, #tpu.memory_space<vmem>>, vector<1x16xf32>,
      %get3A_428 = arith.index_cast %scan3A_55 : i32 to index
      %get3A_429 = arith.constant 352 : index
      %get3A_430 = tpu.vector_load %arg8[%get3A_428, %get3A_429] {strides = array<i32>} : memref<64x768xf32, #tpu.memory_space<vmem>>, vector<1x16xf32>,
      %get3A_431 = vector.shape_cast %get3A_430 : vector<1x16xf32> to vector<16xf32>
      %mul3A_432 = arith.constant 27.7128124 : f32
      %mul3A_433 = vector.broadcast %mul3A_432 : f32 to vector<16xf32>
      %mul3A_434 = arith.mulf %get3A_431, %mul3A_433 : vector<16xf32>
      %get3A_435 = arith.index_cast %scan3A_55 : i32 to index
      %get3A_436 = arith.constant 352 : index
      %get3A_437 = tpu.vector_load %arg7[%get3A_435, %get3A_436] {strides = array<i32>} : memref<64x768xf32, #tpu.memory_space<vmem>>, vector<1x16xf32>,
      %get3A_438 = vector.shape_cast %get3A_437 : vector<1x16xf32> to vector<16xf32>
      %add3A_439 = arith.addf %mul3A_434, %get3A_438 : vector<16xf32>
      %swap3A_440 = arith.index_cast %scan3A_55 : i32 to index
      %swap3A_441 = arith.constant 352 : index
      %swap3A_442 = tpu.vector_load %arg8[%swap3A_440, %swap3A_441] {strides = array<i32>} : memref<64x768xf32, #tpu.memory_space<vmem>>, vector<1x16xf32>,
      %swap3A_443 = vector.shape_cast %swap3A_442 : vector<1x16xf32> to vector<16xf32>
      %swap3A_444 = vector.shape_cast %add3A_439 : vector<16xf32> to vector<1x16xf32>
      tpu.vector_store %arg8[%swap3A_440, %swap3A_441], %swap3A_444 {strides = array<i32>} : memref<64x768xf32, #tpu.memory_space<vmem>>, vector<1x16xf32>,
      %get3A_445 = arith.index_cast %scan3A_55 : i32 to index
      %get3A_446 = arith.constant 368 : index
      %get3A_447 = tpu.vector_load %arg8[%get3A_445, %get3A_446] {strides = array<i32>} : memref<64x768xf32, #tpu.memory_space<vmem>>, vector<1x16xf32>,
      %get3A_448 = vector.shape_cast %get3A_447 : vector<1x16xf32> to vector<16xf32>
      %mul3A_449 = arith.constant 27.7128124 : f32
      %mul3A_450 = vector.broadcast %mul3A_449 : f32 to vector<16xf32>
      %mul3A_451 = arith.mulf %get3A_448, %mul3A_450 : vector<16xf32>
      %get3A_452 = arith.index_cast %scan3A_55 : i32 to index
      %get3A_453 = arith.constant 368 : index
      %get3A_454 = tpu.vector_load %arg7[%get3A_452, %get3A_453] {strides = array<i32>} : memref<64x768xf32, #tpu.memory_space<vmem>>, vector<1x16xf32>,
      %get3A_455 = vector.shape_cast %get3A_454 : vector<1x16xf32> to vector<16xf32>
      %add3A_456 = arith.addf %mul3A_451, %get3A_455 : vector<16xf32>
      %swap3A_457 = arith.index_cast %scan3A_55 : i32 to index
      %swap3A_458 = arith.constant 368 : index
      %swap3A_459 = tpu.vector_load %arg8[%swap3A_457, %swap3A_458] {strides = array<i32>} : memref<64x768xf32, #tpu.memory_space<vmem>>, vector<1x16xf32>,
      %swap3A_460 = vector.shape_cast %swap3A_459 : vector<1x16xf32> to vector<16xf32>
      %swap3A_461 = vector.shape_cast %add3A_456 : vector<16xf32> to vector<1x16xf32>
      tpu.vector_store %arg8[%swap3A_457, %swap3A_458], %swap3A_461 {strides = array<i32>} : memref<64x768xf32, #tpu.memory_space<vmem>>, vector<1x16xf32>,
      %get3A_462 = arith.index_cast %scan3A_55 : i32 to index
      %get3A_463 = arith.constant 384 : index
      %get3A_464 = tpu.vector_load %arg8[%get3A_462, %get3A_463] {strides = array<i32>} : memref<64x768xf32, #tpu.memory_space<vmem>>, vector<1x16xf32>,
      %get3A_465 = vector.shape_cast %get3A_464 : vector<1x16xf32> to vector<16xf32>
      %mul3A_466 = arith.constant 27.7128124 : f32
      %mul3A_467 = vector.broadcast %mul3A_466 : f32 to vector<16xf32>
      %mul3A_468 = arith.mulf %get3A_465, %mul3A_467 : vector<16xf32>
      %get3A_469 = arith.index_cast %scan3A_55 : i32 to index
      %get3A_470 = arith.constant 384 : index
      %get3A_471 = tpu.vector_load %arg7[%get3A_469, %get3A_470] {strides = array<i32>} : memref<64x768xf32, #tpu.memory_space<vmem>>, vector<1x16xf32>,
      %get3A_472 = vector.shape_cast %get3A_471 : vector<1x16xf32> to vector<16xf32>
      %add3A_473 = arith.addf %mul3A_468, %get3A_472 : vector<16xf32>
      %swap3A_474 = arith.index_cast %scan3A_55 : i32 to index
      %swap3A_475 = arith.constant 384 : index
      %swap3A_476 = tpu.vector_load %arg8[%swap3A_474, %swap3A_475] {strides = array<i32>} : memref<64x768xf32, #tpu.memory_space<vmem>>, vector<1x16xf32>,
      %swap3A_477 = vector.shape_cast %swap3A_476 : vector<1x16xf32> to vector<16xf32>
      %swap3A_478 = vector.shape_cast %add3A_473 : vector<16xf32> to vector<1x16xf32>
      tpu.vector_store %arg8[%swap3A_474, %swap3A_475], %swap3A_478 {strides = array<i32>} : memref<64x768xf32, #tpu.memory_space<vmem>>, vector<1x16xf32>,
      %get3A_479 = arith.index_cast %scan3A_55 : i32 to index
      %get3A_480 = arith.constant 400 : index
      %get3A_481 = tpu.vector_load %arg8[%get3A_479, %get3A_480] {strides = array<i32>} : memref<64x768xf32, #tpu.memory_space<vmem>>, vector<1x16xf32>,
      %get3A_482 = vector.shape_cast %get3A_481 : vector<1x16xf32> to vector<16xf32>
      %mul3A_483 = arith.constant 27.7128124 : f32
      %mul3A_484 = vector.broadcast %mul3A_483 : f32 to vector<16xf32>
      %mul3A_485 = arith.mulf %get3A_482, %mul3A_484 : vector<16xf32>
      %get3A_486 = arith.index_cast %scan3A_55 : i32 to index
      %get3A_487 = arith.constant 400 : index
      %get3A_488 = tpu.vector_load %arg7[%get3A_486, %get3A_487] {strides = array<i32>} : memref<64x768xf32, #tpu.memory_space<vmem>>, vector<1x16xf32>,
      %get3A_489 = vector.shape_cast %get3A_488 : vector<1x16xf32> to vector<16xf32>
      %add3A_490 = arith.addf %mul3A_485, %get3A_489 : vector<16xf32>
      %swap3A_491 = arith.index_cast %scan3A_55 : i32 to index
      %swap3A_492 = arith.constant 400 : index
      %swap3A_493 = tpu.vector_load %arg8[%swap3A_491, %swap3A_492] {strides = array<i32>} : memref<64x768xf32, #tpu.memory_space<vmem>>, vector<1x16xf32>,
      %swap3A_494 = vector.shape_cast %swap3A_493 : vector<1x16xf32> to vector<16xf32>
      %swap3A_495 = vector.shape_cast %add3A_490 : vector<16xf32> to vector<1x16xf32>
      tpu.vector_store %arg8[%swap3A_491, %swap3A_492], %swap3A_495 {strides = array<i32>} : memref<64x768xf32, #tpu.memory_space<vmem>>, vector<1x16xf32>,
      %get3A_496 = arith.index_cast %scan3A_55 : i32 to index
      %get3A_497 = arith.constant 416 : index
      %get3A_498 = tpu.vector_load %arg8[%get3A_496, %get3A_497] {strides = array<i32>} : memref<64x768xf32, #tpu.memory_space<vmem>>, vector<1x16xf32>,
      %get3A_499 = vector.shape_cast %get3A_498 : vector<1x16xf32> to vector<16xf32>
      %mul3A_500 = arith.constant 27.7128124 : f32
      %mul3A_501 = vector.broadcast %mul3A_500 : f32 to vector<16xf32>
      %mul3A_502 = arith.mulf %get3A_499, %mul3A_501 : vector<16xf32>
      %get3A_503 = arith.index_cast %scan3A_55 : i32 to index
      %get3A_504 = arith.constant 416 : index
      %get3A_505 = tpu.vector_load %arg7[%get3A_503, %get3A_504] {strides = array<i32>} : memref<64x768xf32, #tpu.memory_space<vmem>>, vector<1x16xf32>,
      %get3A_506 = vector.shape_cast %get3A_505 : vector<1x16xf32> to vector<16xf32>
      %add3A_507 = arith.addf %mul3A_502, %get3A_506 : vector<16xf32>
      %swap3A_508 = arith.index_cast %scan3A_55 : i32 to index
      %swap3A_509 = arith.constant 416 : index
      %swap3A_510 = tpu.vector_load %arg8[%swap3A_508, %swap3A_509] {strides = array<i32>} : memref<64x768xf32, #tpu.memory_space<vmem>>, vector<1x16xf32>,
      %swap3A_511 = vector.shape_cast %swap3A_510 : vector<1x16xf32> to vector<16xf32>
      %swap3A_512 = vector.shape_cast %add3A_507 : vector<16xf32> to vector<1x16xf32>
      tpu.vector_store %arg8[%swap3A_508, %swap3A_509], %swap3A_512 {strides = array<i32>} : memref<64x768xf32, #tpu.memory_space<vmem>>, vector<1x16xf32>,
      %get3A_513 = arith.index_cast %scan3A_55 : i32 to index
      %get3A_514 = arith.constant 432 : index
      %get3A_515 = tpu.vector_load %arg8[%get3A_513, %get3A_514] {strides = array<i32>} : memref<64x768xf32, #tpu.memory_space<vmem>>, vector<1x16xf32>,
      %get3A_516 = vector.shape_cast %get3A_515 : vector<1x16xf32> to vector<16xf32>
      %mul3A_517 = arith.constant 27.7128124 : f32
      %mul3A_518 = vector.broadcast %mul3A_517 : f32 to vector<16xf32>
      %mul3A_519 = arith.mulf %get3A_516, %mul3A_518 : vector<16xf32>
      %get3A_520 = arith.index_cast %scan3A_55 : i32 to index
      %get3A_521 = arith.constant 432 : index
      %get3A_522 = tpu.vector_load %arg7[%get3A_520, %get3A_521] {strides = array<i32>} : memref<64x768xf32, #tpu.memory_space<vmem>>, vector<1x16xf32>,
      %get3A_523 = vector.shape_cast %get3A_522 : vector<1x16xf32> to vector<16xf32>
      %add3A_524 = arith.addf %mul3A_519, %get3A_523 : vector<16xf32>
      %swap3A_525 = arith.index_cast %scan3A_55 : i32 to index
      %swap3A_526 = arith.constant 432 : index
      %swap3A_527 = tpu.vector_load %arg8[%swap3A_525, %swap3A_526] {strides = array<i32>} : memref<64x768xf32, #tpu.memory_space<vmem>>, vector<1x16xf32>,
      %swap3A_528 = vector.shape_cast %swap3A_527 : vector<1x16xf32> to vector<16xf32>
      %swap3A_529 = vector.shape_cast %add3A_524 : vector<16xf32> to vector<1x16xf32>
      tpu.vector_store %arg8[%swap3A_525, %swap3A_526], %swap3A_529 {strides = array<i32>} : memref<64x768xf32, #tpu.memory_space<vmem>>, vector<1x16xf32>,
      %get3A_530 = arith.index_cast %scan3A_55 : i32 to index
      %get3A_531 = arith.constant 448 : index
      %get3A_532 = tpu.vector_load %arg8[%get3A_530, %get3A_531] {strides = array<i32>} : memref<64x768xf32, #tpu.memory_space<vmem>>, vector<1x16xf32>,
      %get3A_533 = vector.shape_cast %get3A_532 : vector<1x16xf32> to vector<16xf32>
      %mul3A_534 = arith.constant 27.7128124 : f32
      %mul3A_535 = vector.broadcast %mul3A_534 : f32 to vector<16xf32>
      %mul3A_536 = arith.mulf %get3A_533, %mul3A_535 : vector<16xf32>
      %get3A_537 = arith.index_cast %scan3A_55 : i32 to index
      %get3A_538 = arith.constant 448 : index
      %get3A_539 = tpu.vector_load %arg7[%get3A_537, %get3A_538] {strides = array<i32>} : memref<64x768xf32, #tpu.memory_space<vmem>>, vector<1x16xf32>,
      %get3A_540 = vector.shape_cast %get3A_539 : vector<1x16xf32> to vector<16xf32>
      %add3A_541 = arith.addf %mul3A_536, %get3A_540 : vector<16xf32>
      %swap3A_542 = arith.index_cast %scan3A_55 : i32 to index
      %swap3A_543 = arith.constant 448 : index
      %swap3A_544 = tpu.vector_load %arg8[%swap3A_542, %swap3A_543] {strides = array<i32>} : memref<64x768xf32, #tpu.memory_space<vmem>>, vector<1x16xf32>,
      %swap3A_545 = vector.shape_cast %swap3A_544 : vector<1x16xf32> to vector<16xf32>
      %swap3A_546 = vector.shape_cast %add3A_541 : vector<16xf32> to vector<1x16xf32>
      tpu.vector_store %arg8[%swap3A_542, %swap3A_543], %swap3A_546 {strides = array<i32>} : memref<64x768xf32, #tpu.memory_space<vmem>>, vector<1x16xf32>,
      %get3A_547 = arith.index_cast %scan3A_55 : i32 to index
      %get3A_548 = arith.constant 464 : index
      %get3A_549 = tpu.vector_load %arg8[%get3A_547, %get3A_548] {strides = array<i32>} : memref<64x768xf32, #tpu.memory_space<vmem>>, vector<1x16xf32>,
      %get3A_550 = vector.shape_cast %get3A_549 : vector<1x16xf32> to vector<16xf32>
      %mul3A_551 = arith.constant 27.7128124 : f32
      %mul3A_552 = vector.broadcast %mul3A_551 : f32 to vector<16xf32>
      %mul3A_553 = arith.mulf %get3A_550, %mul3A_552 : vector<16xf32>
      %get3A_554 = arith.index_cast %scan3A_55 : i32 to index
      %get3A_555 = arith.constant 464 : index
      %get3A_556 = tpu.vector_load %arg7[%get3A_554, %get3A_555] {strides = array<i32>} : memref<64x768xf32, #tpu.memory_space<vmem>>, vector<1x16xf32>,
      %get3A_557 = vector.shape_cast %get3A_556 : vector<1x16xf32> to vector<16xf32>
      %add3A_558 = arith.addf %mul3A_553, %get3A_557 : vector<16xf32>
      %swap3A_559 = arith.index_cast %scan3A_55 : i32 to index
      %swap3A_560 = arith.constant 464 : index
      %swap3A_561 = tpu.vector_load %arg8[%swap3A_559, %swap3A_560] {strides = array<i32>} : memref<64x768xf32, #tpu.memory_space<vmem>>, vector<1x16xf32>,
      %swap3A_562 = vector.shape_cast %swap3A_561 : vector<1x16xf32> to vector<16xf32>
      %swap3A_563 = vector.shape_cast %add3A_558 : vector<16xf32> to vector<1x16xf32>
      tpu.vector_store %arg8[%swap3A_559, %swap3A_560], %swap3A_563 {strides = array<i32>} : memref<64x768xf32, #tpu.memory_space<vmem>>, vector<1x16xf32>,
      %get3A_564 = arith.index_cast %scan3A_55 : i32 to index
      %get3A_565 = arith.constant 480 : index
      %get3A_566 = tpu.vector_load %arg8[%get3A_564, %get3A_565] {strides = array<i32>} : memref<64x768xf32, #tpu.memory_space<vmem>>, vector<1x16xf32>,
      %get3A_567 = vector.shape_cast %get3A_566 : vector<1x16xf32> to vector<16xf32>
      %mul3A_568 = arith.constant 27.7128124 : f32
      %mul3A_569 = vector.broadcast %mul3A_568 : f32 to vector<16xf32>
      %mul3A_570 = arith.mulf %get3A_567, %mul3A_569 : vector<16xf32>
      %get3A_571 = arith.index_cast %scan3A_55 : i32 to index
      %get3A_572 = arith.constant 480 : index
      %get3A_573 = tpu.vector_load %arg7[%get3A_571, %get3A_572] {strides = array<i32>} : memref<64x768xf32, #tpu.memory_space<vmem>>, vector<1x16xf32>,
      %get3A_574 = vector.shape_cast %get3A_573 : vector<1x16xf32> to vector<16xf32>
      %add3A_575 = arith.addf %mul3A_570, %get3A_574 : vector<16xf32>
      %swap3A_576 = arith.index_cast %scan3A_55 : i32 to index
      %swap3A_577 = arith.constant 480 : index
      %swap3A_578 = tpu.vector_load %arg8[%swap3A_576, %swap3A_577] {strides = array<i32>} : memref<64x768xf32, #tpu.memory_space<vmem>>, vector<1x16xf32>,
      %swap3A_579 = vector.shape_cast %swap3A_578 : vector<1x16xf32> to vector<16xf32>
      %swap3A_580 = vector.shape_cast %add3A_575 : vector<16xf32> to vector<1x16xf32>
      tpu.vector_store %arg8[%swap3A_576, %swap3A_577], %swap3A_580 {strides = array<i32>} : memref<64x768xf32, #tpu.memory_space<vmem>>, vector<1x16xf32>,
      %get3A_581 = arith.index_cast %scan3A_55 : i32 to index
      %get3A_582 = arith.constant 496 : index
      %get3A_583 = tpu.vector_load %arg8[%get3A_581, %get3A_582] {strides = array<i32>} : memref<64x768xf32, #tpu.memory_space<vmem>>, vector<1x16xf32>,
      %get3A_584 = vector.shape_cast %get3A_583 : vector<1x16xf32> to vector<16xf32>
      %mul3A_585 = arith.constant 27.7128124 : f32
      %mul3A_586 = vector.broadcast %mul3A_585 : f32 to vector<16xf32>
      %mul3A_587 = arith.mulf %get3A_584, %mul3A_586 : vector<16xf32>
      %get3A_588 = arith.index_cast %scan3A_55 : i32 to index
      %get3A_589 = arith.constant 496 : index
      %get3A_590 = tpu.vector_load %arg7[%get3A_588, %get3A_589] {strides = array<i32>} : memref<64x768xf32, #tpu.memory_space<vmem>>, vector<1x16xf32>,
      %get3A_591 = vector.shape_cast %get3A_590 : vector<1x16xf32> to vector<16xf32>
      %add3A_592 = arith.addf %mul3A_587, %get3A_591 : vector<16xf32>
      %swap3A_593 = arith.index_cast %scan3A_55 : i32 to index
      %swap3A_594 = arith.constant 496 : index
      %swap3A_595 = tpu.vector_load %arg8[%swap3A_593, %swap3A_594] {strides = array<i32>} : memref<64x768xf32, #tpu.memory_space<vmem>>, vector<1x16xf32>,
      %swap3A_596 = vector.shape_cast %swap3A_595 : vector<1x16xf32> to vector<16xf32>
      %swap3A_597 = vector.shape_cast %add3A_592 : vector<16xf32> to vector<1x16xf32>
      tpu.vector_store %arg8[%swap3A_593, %swap3A_594], %swap3A_597 {strides = array<i32>} : memref<64x768xf32, #tpu.memory_space<vmem>>, vector<1x16xf32>,
      %get3A_598 = arith.index_cast %scan3A_55 : i32 to index
      %get3A_599 = arith.constant 512 : index
      %get3A_600 = tpu.vector_load %arg8[%get3A_598, %get3A_599] {strides = array<i32>} : memref<64x768xf32, #tpu.memory_space<vmem>>, vector<1x16xf32>,
      %get3A_601 = vector.shape_cast %get3A_600 : vector<1x16xf32> to vector<16xf32>
      %mul3A_602 = arith.constant 27.7128124 : f32
      %mul3A_603 = vector.broadcast %mul3A_602 : f32 to vector<16xf32>
      %mul3A_604 = arith.mulf %get3A_601, %mul3A_603 : vector<16xf32>
      %get3A_605 = arith.index_cast %scan3A_55 : i32 to index
      %get3A_606 = arith.constant 512 : index
      %get3A_607 = tpu.vector_load %arg7[%get3A_605, %get3A_606] {strides = array<i32>} : memref<64x768xf32, #tpu.memory_space<vmem>>, vector<1x16xf32>,
      %get3A_608 = vector.shape_cast %get3A_607 : vector<1x16xf32> to vector<16xf32>
      %add3A_609 = arith.addf %mul3A_604, %get3A_608 : vector<16xf32>
      %swap3A_610 = arith.index_cast %scan3A_55 : i32 to index
      %swap3A_611 = arith.constant 512 : index
      %swap3A_612 = tpu.vector_load %arg8[%swap3A_610, %swap3A_611] {strides = array<i32>} : memref<64x768xf32, #tpu.memory_space<vmem>>, vector<1x16xf32>,
      %swap3A_613 = vector.shape_cast %swap3A_612 : vector<1x16xf32> to vector<16xf32>
      %swap3A_614 = vector.shape_cast %add3A_609 : vector<16xf32> to vector<1x16xf32>
      tpu.vector_store %arg8[%swap3A_610, %swap3A_611], %swap3A_614 {strides = array<i32>} : memref<64x768xf32, #tpu.memory_space<vmem>>, vector<1x16xf32>,
      %get3A_615 = arith.index_cast %scan3A_55 : i32 to index
      %get3A_616 = arith.constant 528 : index
      %get3A_617 = tpu.vector_load %arg8[%get3A_615, %get3A_616] {strides = array<i32>} : memref<64x768xf32, #tpu.memory_space<vmem>>, vector<1x16xf32>,
      %get3A_618 = vector.shape_cast %get3A_617 : vector<1x16xf32> to vector<16xf32>
      %mul3A_619 = arith.constant 27.7128124 : f32
      %mul3A_620 = vector.broadcast %mul3A_619 : f32 to vector<16xf32>
      %mul3A_621 = arith.mulf %get3A_618, %mul3A_620 : vector<16xf32>
      %get3A_622 = arith.index_cast %scan3A_55 : i32 to index
      %get3A_623 = arith.constant 528 : index
      %get3A_624 = tpu.vector_load %arg7[%get3A_622, %get3A_623] {strides = array<i32>} : memref<64x768xf32, #tpu.memory_space<vmem>>, vector<1x16xf32>,
      %get3A_625 = vector.shape_cast %get3A_624 : vector<1x16xf32> to vector<16xf32>
      %add3A_626 = arith.addf %mul3A_621, %get3A_625 : vector<16xf32>
      %swap3A_627 = arith.index_cast %scan3A_55 : i32 to index
      %swap3A_628 = arith.constant 528 : index
      %swap3A_629 = tpu.vector_load %arg8[%swap3A_627, %swap3A_628] {strides = array<i32>} : memref<64x768xf32, #tpu.memory_space<vmem>>, vector<1x16xf32>,
      %swap3A_630 = vector.shape_cast %swap3A_629 : vector<1x16xf32> to vector<16xf32>
      %swap3A_631 = vector.shape_cast %add3A_626 : vector<16xf32> to vector<1x16xf32>
      tpu.vector_store %arg8[%swap3A_627, %swap3A_628], %swap3A_631 {strides = array<i32>} : memref<64x768xf32, #tpu.memory_space<vmem>>, vector<1x16xf32>,
      %get3A_632 = arith.index_cast %scan3A_55 : i32 to index
      %get3A_633 = arith.constant 544 : index
      %get3A_634 = tpu.vector_load %arg8[%get3A_632, %get3A_633] {strides = array<i32>} : memref<64x768xf32, #tpu.memory_space<vmem>>, vector<1x16xf32>,
      %get3A_635 = vector.shape_cast %get3A_634 : vector<1x16xf32> to vector<16xf32>
      %mul3A_636 = arith.constant 27.7128124 : f32
      %mul3A_637 = vector.broadcast %mul3A_636 : f32 to vector<16xf32>
      %mul3A_638 = arith.mulf %get3A_635, %mul3A_637 : vector<16xf32>
      %get3A_639 = arith.index_cast %scan3A_55 : i32 to index
      %get3A_640 = arith.constant 544 : index
      %get3A_641 = tpu.vector_load %arg7[%get3A_639, %get3A_640] {strides = array<i32>} : memref<64x768xf32, #tpu.memory_space<vmem>>, vector<1x16xf32>,
      %get3A_642 = vector.shape_cast %get3A_641 : vector<1x16xf32> to vector<16xf32>
      %add3A_643 = arith.addf %mul3A_638, %get3A_642 : vector<16xf32>
      %swap3A_644 = arith.index_cast %scan3A_55 : i32 to index
      %swap3A_645 = arith.constant 544 : index
      %swap3A_646 = tpu.vector_load %arg8[%swap3A_644, %swap3A_645] {strides = array<i32>} : memref<64x768xf32, #tpu.memory_space<vmem>>, vector<1x16xf32>,
      %swap3A_647 = vector.shape_cast %swap3A_646 : vector<1x16xf32> to vector<16xf32>
      %swap3A_648 = vector.shape_cast %add3A_643 : vector<16xf32> to vector<1x16xf32>
      tpu.vector_store %arg8[%swap3A_644, %swap3A_645], %swap3A_648 {strides = array<i32>} : memref<64x768xf32, #tpu.memory_space<vmem>>, vector<1x16xf32>,
      %get3A_649 = arith.index_cast %scan3A_55 : i32 to index
      %get3A_650 = arith.constant 560 : index
      %get3A_651 = tpu.vector_load %arg8[%get3A_649, %get3A_650] {strides = array<i32>} : memref<64x768xf32, #tpu.memory_space<vmem>>, vector<1x16xf32>,
      %get3A_652 = vector.shape_cast %get3A_651 : vector<1x16xf32> to vector<16xf32>
      %mul3A_653 = arith.constant 27.7128124 : f32
      %mul3A_654 = vector.broadcast %mul3A_653 : f32 to vector<16xf32>
      %mul3A_655 = arith.mulf %get3A_652, %mul3A_654 : vector<16xf32>
      %get3A_656 = arith.index_cast %scan3A_55 : i32 to index
      %get3A_657 = arith.constant 560 : index
      %get3A_658 = tpu.vector_load %arg7[%get3A_656, %get3A_657] {strides = array<i32>} : memref<64x768xf32, #tpu.memory_space<vmem>>, vector<1x16xf32>,
      %get3A_659 = vector.shape_cast %get3A_658 : vector<1x16xf32> to vector<16xf32>
      %add3A_660 = arith.addf %mul3A_655, %get3A_659 : vector<16xf32>
      %swap3A_661 = arith.index_cast %scan3A_55 : i32 to index
      %swap3A_662 = arith.constant 560 : index
      %swap3A_663 = tpu.vector_load %arg8[%swap3A_661, %swap3A_662] {strides = array<i32>} : memref<64x768xf32, #tpu.memory_space<vmem>>, vector<1x16xf32>,
      %swap3A_664 = vector.shape_cast %swap3A_663 : vector<1x16xf32> to vector<16xf32>
      %swap3A_665 = vector.shape_cast %add3A_660 : vector<16xf32> to vector<1x16xf32>
      tpu.vector_store %arg8[%swap3A_661, %swap3A_662], %swap3A_665 {strides = array<i32>} : memref<64x768xf32, #tpu.memory_space<vmem>>, vector<1x16xf32>,
      %get3A_666 = arith.index_cast %scan3A_55 : i32 to index
      %get3A_667 = arith.constant 576 : index
      %get3A_668 = tpu.vector_load %arg8[%get3A_666, %get3A_667] {strides = array<i32>} : memref<64x768xf32, #tpu.memory_space<vmem>>, vector<1x16xf32>,
      %get3A_669 = vector.shape_cast %get3A_668 : vector<1x16xf32> to vector<16xf32>
      %mul3A_670 = arith.constant 27.7128124 : f32
      %mul3A_671 = vector.broadcast %mul3A_670 : f32 to vector<16xf32>
      %mul3A_672 = arith.mulf %get3A_669, %mul3A_671 : vector<16xf32>
      %get3A_673 = arith.index_cast %scan3A_55 : i32 to index
      %get3A_674 = arith.constant 576 : index
      %get3A_675 = tpu.vector_load %arg7[%get3A_673, %get3A_674] {strides = array<i32>} : memref<64x768xf32, #tpu.memory_space<vmem>>, vector<1x16xf32>,
      %get3A_676 = vector.shape_cast %get3A_675 : vector<1x16xf32> to vector<16xf32>
      %add3A_677 = arith.addf %mul3A_672, %get3A_676 : vector<16xf32>
      %swap3A_678 = arith.index_cast %scan3A_55 : i32 to index
      %swap3A_679 = arith.constant 576 : index
      %swap3A_680 = tpu.vector_load %arg8[%swap3A_678, %swap3A_679] {strides = array<i32>} : memref<64x768xf32, #tpu.memory_space<vmem>>, vector<1x16xf32>,
      %swap3A_681 = vector.shape_cast %swap3A_680 : vector<1x16xf32> to vector<16xf32>
      %swap3A_682 = vector.shape_cast %add3A_677 : vector<16xf32> to vector<1x16xf32>
      tpu.vector_store %arg8[%swap3A_678, %swap3A_679], %swap3A_682 {strides = array<i32>} : memref<64x768xf32, #tpu.memory_space<vmem>>, vector<1x16xf32>,
      %get3A_683 = arith.index_cast %scan3A_55 : i32 to index
      %get3A_684 = arith.constant 592 : index
      %get3A_685 = tpu.vector_load %arg8[%get3A_683, %get3A_684] {strides = array<i32>} : memref<64x768xf32, #tpu.memory_space<vmem>>, vector<1x16xf32>,
      %get3A_686 = vector.shape_cast %get3A_685 : vector<1x16xf32> to vector<16xf32>
      %mul3A_687 = arith.constant 27.7128124 : f32
      %mul3A_688 = vector.broadcast %mul3A_687 : f32 to vector<16xf32>
      %mul3A_689 = arith.mulf %get3A_686, %mul3A_688 : vector<16xf32>
      %get3A_690 = arith.index_cast %scan3A_55 : i32 to index
      %get3A_691 = arith.constant 592 : index
      %get3A_692 = tpu.vector_load %arg7[%get3A_690, %get3A_691] {strides = array<i32>} : memref<64x768xf32, #tpu.memory_space<vmem>>, vector<1x16xf32>,
      %get3A_693 = vector.shape_cast %get3A_692 : vector<1x16xf32> to vector<16xf32>
      %add3A_694 = arith.addf %mul3A_689, %get3A_693 : vector<16xf32>
      %swap3A_695 = arith.index_cast %scan3A_55 : i32 to index
      %swap3A_696 = arith.constant 592 : index
      %swap3A_697 = tpu.vector_load %arg8[%swap3A_695, %swap3A_696] {strides = array<i32>} : memref<64x768xf32, #tpu.memory_space<vmem>>, vector<1x16xf32>,
      %swap3A_698 = vector.shape_cast %swap3A_697 : vector<1x16xf32> to vector<16xf32>
      %swap3A_699 = vector.shape_cast %add3A_694 : vector<16xf32> to vector<1x16xf32>
      tpu.vector_store %arg8[%swap3A_695, %swap3A_696], %swap3A_699 {strides = array<i32>} : memref<64x768xf32, #tpu.memory_space<vmem>>, vector<1x16xf32>,
      %get3A_700 = arith.index_cast %scan3A_55 : i32 to index
      %get3A_701 = arith.constant 608 : index
      %get3A_702 = tpu.vector_load %arg8[%get3A_700, %get3A_701] {strides = array<i32>} : memref<64x768xf32, #tpu.memory_space<vmem>>, vector<1x16xf32>,
      %get3A_703 = vector.shape_cast %get3A_702 : vector<1x16xf32> to vector<16xf32>
      %mul3A_704 = arith.constant 27.7128124 : f32
      %mul3A_705 = vector.broadcast %mul3A_704 : f32 to vector<16xf32>
      %mul3A_706 = arith.mulf %get3A_703, %mul3A_705 : vector<16xf32>
      %get3A_707 = arith.index_cast %scan3A_55 : i32 to index
      %get3A_708 = arith.constant 608 : index
      %get3A_709 = tpu.vector_load %arg7[%get3A_707, %get3A_708] {strides = array<i32>} : memref<64x768xf32, #tpu.memory_space<vmem>>, vector<1x16xf32>,
      %get3A_710 = vector.shape_cast %get3A_709 : vector<1x16xf32> to vector<16xf32>
      %add3A_711 = arith.addf %mul3A_706, %get3A_710 : vector<16xf32>
      %swap3A_712 = arith.index_cast %scan3A_55 : i32 to index
      %swap3A_713 = arith.constant 608 : index
      %swap3A_714 = tpu.vector_load %arg8[%swap3A_712, %swap3A_713] {strides = array<i32>} : memref<64x768xf32, #tpu.memory_space<vmem>>, vector<1x16xf32>,
      %swap3A_715 = vector.shape_cast %swap3A_714 : vector<1x16xf32> to vector<16xf32>
      %swap3A_716 = vector.shape_cast %add3A_711 : vector<16xf32> to vector<1x16xf32>
      tpu.vector_store %arg8[%swap3A_712, %swap3A_713], %swap3A_716 {strides = array<i32>} : memref<64x768xf32, #tpu.memory_space<vmem>>, vector<1x16xf32>,
      %get3A_717 = arith.index_cast %scan3A_55 : i32 to index
      %get3A_718 = arith.constant 624 : index
      %get3A_719 = tpu.vector_load %arg8[%get3A_717, %get3A_718] {strides = array<i32>} : memref<64x768xf32, #tpu.memory_space<vmem>>, vector<1x16xf32>,
      %get3A_720 = vector.shape_cast %get3A_719 : vector<1x16xf32> to vector<16xf32>
      %mul3A_721 = arith.constant 27.7128124 : f32
      %mul3A_722 = vector.broadcast %mul3A_721 : f32 to vector<16xf32>
      %mul3A_723 = arith.mulf %get3A_720, %mul3A_722 : vector<16xf32>
      %get3A_724 = arith.index_cast %scan3A_55 : i32 to index
      %get3A_725 = arith.constant 624 : index
      %get3A_726 = tpu.vector_load %arg7[%get3A_724, %get3A_725] {strides = array<i32>} : memref<64x768xf32, #tpu.memory_space<vmem>>, vector<1x16xf32>,
      %get3A_727 = vector.shape_cast %get3A_726 : vector<1x16xf32> to vector<16xf32>
      %add3A_728 = arith.addf %mul3A_723, %get3A_727 : vector<16xf32>
      %swap3A_729 = arith.index_cast %scan3A_55 : i32 to index
      %swap3A_730 = arith.constant 624 : index
      %swap3A_731 = tpu.vector_load %arg8[%swap3A_729, %swap3A_730] {strides = array<i32>} : memref<64x768xf32, #tpu.memory_space<vmem>>, vector<1x16xf32>,
      %swap3A_732 = vector.shape_cast %swap3A_731 : vector<1x16xf32> to vector<16xf32>
      %swap3A_733 = vector.shape_cast %add3A_728 : vector<16xf32> to vector<1x16xf32>
      tpu.vector_store %arg8[%swap3A_729, %swap3A_730], %swap3A_733 {strides = array<i32>} : memref<64x768xf32, #tpu.memory_space<vmem>>, vector<1x16xf32>,
      %get3A_734 = arith.index_cast %scan3A_55 : i32 to index
      %get3A_735 = arith.constant 640 : index
      %get3A_736 = tpu.vector_load %arg8[%get3A_734, %get3A_735] {strides = array<i32>} : memref<64x768xf32, #tpu.memory_space<vmem>>, vector<1x16xf32>,
      %get3A_737 = vector.shape_cast %get3A_736 : vector<1x16xf32> to vector<16xf32>
      %mul3A_738 = arith.constant 27.7128124 : f32
      %mul3A_739 = vector.broadcast %mul3A_738 : f32 to vector<16xf32>
      %mul3A_740 = arith.mulf %get3A_737, %mul3A_739 : vector<16xf32>
      %get3A_741 = arith.index_cast %scan3A_55 : i32 to index
      %get3A_742 = arith.constant 640 : index
      %get3A_743 = tpu.vector_load %arg7[%get3A_741, %get3A_742] {strides = array<i32>} : memref<64x768xf32, #tpu.memory_space<vmem>>, vector<1x16xf32>,
      %get3A_744 = vector.shape_cast %get3A_743 : vector<1x16xf32> to vector<16xf32>
      %add3A_745 = arith.addf %mul3A_740, %get3A_744 : vector<16xf32>
      %swap3A_746 = arith.index_cast %scan3A_55 : i32 to index
      %swap3A_747 = arith.constant 640 : index
      %swap3A_748 = tpu.vector_load %arg8[%swap3A_746, %swap3A_747] {strides = array<i32>} : memref<64x768xf32, #tpu.memory_space<vmem>>, vector<1x16xf32>,
      %swap3A_749 = vector.shape_cast %swap3A_748 : vector<1x16xf32> to vector<16xf32>
      %swap3A_750 = vector.shape_cast %add3A_745 : vector<16xf32> to vector<1x16xf32>
      tpu.vector_store %arg8[%swap3A_746, %swap3A_747], %swap3A_750 {strides = array<i32>} : memref<64x768xf32, #tpu.memory_space<vmem>>, vector<1x16xf32>,
      %get3A_751 = arith.index_cast %scan3A_55 : i32 to index
      %get3A_752 = arith.constant 656 : index
      %get3A_753 = tpu.vector_load %arg8[%get3A_751, %get3A_752] {strides = array<i32>} : memref<64x768xf32, #tpu.memory_space<vmem>>, vector<1x16xf32>,
      %get3A_754 = vector.shape_cast %get3A_753 : vector<1x16xf32> to vector<16xf32>
      %mul3A_755 = arith.constant 27.7128124 : f32
      %mul3A_756 = vector.broadcast %mul3A_755 : f32 to vector<16xf32>
      %mul3A_757 = arith.mulf %get3A_754, %mul3A_756 : vector<16xf32>
      %get3A_758 = arith.index_cast %scan3A_55 : i32 to index
      %get3A_759 = arith.constant 656 : index
      %get3A_760 = tpu.vector_load %arg7[%get3A_758, %get3A_759] {strides = array<i32>} : memref<64x768xf32, #tpu.memory_space<vmem>>, vector<1x16xf32>,
      %get3A_761 = vector.shape_cast %get3A_760 : vector<1x16xf32> to vector<16xf32>
      %add3A_762 = arith.addf %mul3A_757, %get3A_761 : vector<16xf32>
      %swap3A_763 = arith.index_cast %scan3A_55 : i32 to index
      %swap3A_764 = arith.constant 656 : index
      %swap3A_765 = tpu.vector_load %arg8[%swap3A_763, %swap3A_764] {strides = array<i32>} : memref<64x768xf32, #tpu.memory_space<vmem>>, vector<1x16xf32>,
      %swap3A_766 = vector.shape_cast %swap3A_765 : vector<1x16xf32> to vector<16xf32>
      %swap3A_767 = vector.shape_cast %add3A_762 : vector<16xf32> to vector<1x16xf32>
      tpu.vector_store %arg8[%swap3A_763, %swap3A_764], %swap3A_767 {strides = array<i32>} : memref<64x768xf32, #tpu.memory_space<vmem>>, vector<1x16xf32>,
      %get3A_768 = arith.index_cast %scan3A_55 : i32 to index
      %get3A_769 = arith.constant 672 : index
      %get3A_770 = tpu.vector_load %arg8[%get3A_768, %get3A_769] {strides = array<i32>} : memref<64x768xf32, #tpu.memory_space<vmem>>, vector<1x16xf32>,
      %get3A_771 = vector.shape_cast %get3A_770 : vector<1x16xf32> to vector<16xf32>
      %mul3A_772 = arith.constant 27.7128124 : f32
      %mul3A_773 = vector.broadcast %mul3A_772 : f32 to vector<16xf32>
      %mul3A_774 = arith.mulf %get3A_771, %mul3A_773 : vector<16xf32>
      %get3A_775 = arith.index_cast %scan3A_55 : i32 to index
      %get3A_776 = arith.constant 672 : index
      %get3A_777 = tpu.vector_load %arg7[%get3A_775, %get3A_776] {strides = array<i32>} : memref<64x768xf32, #tpu.memory_space<vmem>>, vector<1x16xf32>,
      %get3A_778 = vector.shape_cast %get3A_777 : vector<1x16xf32> to vector<16xf32>
      %add3A_779 = arith.addf %mul3A_774, %get3A_778 : vector<16xf32>
      %swap3A_780 = arith.index_cast %scan3A_55 : i32 to index
      %swap3A_781 = arith.constant 672 : index
      %swap3A_782 = tpu.vector_load %arg8[%swap3A_780, %swap3A_781] {strides = array<i32>} : memref<64x768xf32, #tpu.memory_space<vmem>>, vector<1x16xf32>,
      %swap3A_783 = vector.shape_cast %swap3A_782 : vector<1x16xf32> to vector<16xf32>
      %swap3A_784 = vector.shape_cast %add3A_779 : vector<16xf32> to vector<1x16xf32>
      tpu.vector_store %arg8[%swap3A_780, %swap3A_781], %swap3A_784 {strides = array<i32>} : memref<64x768xf32, #tpu.memory_space<vmem>>, vector<1x16xf32>,
      %get3A_785 = arith.index_cast %scan3A_55 : i32 to index
      %get3A_786 = arith.constant 688 : index
      %get3A_787 = tpu.vector_load %arg8[%get3A_785, %get3A_786] {strides = array<i32>} : memref<64x768xf32, #tpu.memory_space<vmem>>, vector<1x16xf32>,
      %get3A_788 = vector.shape_cast %get3A_787 : vector<1x16xf32> to vector<16xf32>
      %mul3A_789 = arith.constant 27.7128124 : f32
      %mul3A_790 = vector.broadcast %mul3A_789 : f32 to vector<16xf32>
      %mul3A_791 = arith.mulf %get3A_788, %mul3A_790 : vector<16xf32>
      %get3A_792 = arith.index_cast %scan3A_55 : i32 to index
      %get3A_793 = arith.constant 688 : index
      %get3A_794 = tpu.vector_load %arg7[%get3A_792, %get3A_793] {strides = array<i32>} : memref<64x768xf32, #tpu.memory_space<vmem>>, vector<1x16xf32>,
      %get3A_795 = vector.shape_cast %get3A_794 : vector<1x16xf32> to vector<16xf32>
      %add3A_796 = arith.addf %mul3A_791, %get3A_795 : vector<16xf32>
      %swap3A_797 = arith.index_cast %scan3A_55 : i32 to index
      %swap3A_798 = arith.constant 688 : index
      %swap3A_799 = tpu.vector_load %arg8[%swap3A_797, %swap3A_798] {strides = array<i32>} : memref<64x768xf32, #tpu.memory_space<vmem>>, vector<1x16xf32>,
      %swap3A_800 = vector.shape_cast %swap3A_799 : vector<1x16xf32> to vector<16xf32>
      %swap3A_801 = vector.shape_cast %add3A_796 : vector<16xf32> to vector<1x16xf32>
      tpu.vector_store %arg8[%swap3A_797, %swap3A_798], %swap3A_801 {strides = array<i32>} : memref<64x768xf32, #tpu.memory_space<vmem>>, vector<1x16xf32>,
      %get3A_802 = arith.index_cast %scan3A_55 : i32 to index
      %get3A_803 = arith.constant 704 : index
      %get3A_804 = tpu.vector_load %arg8[%get3A_802, %get3A_803] {strides = array<i32>} : memref<64x768xf32, #tpu.memory_space<vmem>>, vector<1x16xf32>,
      %get3A_805 = vector.shape_cast %get3A_804 : vector<1x16xf32> to vector<16xf32>
      %mul3A_806 = arith.constant 27.7128124 : f32
      %mul3A_807 = vector.broadcast %mul3A_806 : f32 to vector<16xf32>
      %mul3A_808 = arith.mulf %get3A_805, %mul3A_807 : vector<16xf32>
      %get3A_809 = arith.index_cast %scan3A_55 : i32 to index
      %get3A_810 = arith.constant 704 : index
      %get3A_811 = tpu.vector_load %arg7[%get3A_809, %get3A_810] {strides = array<i32>} : memref<64x768xf32, #tpu.memory_space<vmem>>, vector<1x16xf32>,
      %get3A_812 = vector.shape_cast %get3A_811 : vector<1x16xf32> to vector<16xf32>
      %add3A_813 = arith.addf %mul3A_808, %get3A_812 : vector<16xf32>
      %swap3A_814 = arith.index_cast %scan3A_55 : i32 to index
      %swap3A_815 = arith.constant 704 : index
      %swap3A_816 = tpu.vector_load %arg8[%swap3A_814, %swap3A_815] {strides = array<i32>} : memref<64x768xf32, #tpu.memory_space<vmem>>, vector<1x16xf32>,
      %swap3A_817 = vector.shape_cast %swap3A_816 : vector<1x16xf32> to vector<16xf32>
      %swap3A_818 = vector.shape_cast %add3A_813 : vector<16xf32> to vector<1x16xf32>
      tpu.vector_store %arg8[%swap3A_814, %swap3A_815], %swap3A_818 {strides = array<i32>} : memref<64x768xf32, #tpu.memory_space<vmem>>, vector<1x16xf32>,
      %get3A_819 = arith.index_cast %scan3A_55 : i32 to index
      %get3A_820 = arith.constant 720 : index
      %get3A_821 = tpu.vector_load %arg8[%get3A_819, %get3A_820] {strides = array<i32>} : memref<64x768xf32, #tpu.memory_space<vmem>>, vector<1x16xf32>,
      %get3A_822 = vector.shape_cast %get3A_821 : vector<1x16xf32> to vector<16xf32>
      %mul3A_823 = arith.constant 27.7128124 : f32
      %mul3A_824 = vector.broadcast %mul3A_823 : f32 to vector<16xf32>
      %mul3A_825 = arith.mulf %get3A_822, %mul3A_824 : vector<16xf32>
      %get3A_826 = arith.index_cast %scan3A_55 : i32 to index
      %get3A_827 = arith.constant 720 : index
      %get3A_828 = tpu.vector_load %arg7[%get3A_826, %get3A_827] {strides = array<i32>} : memref<64x768xf32, #tpu.memory_space<vmem>>, vector<1x16xf32>,
      %get3A_829 = vector.shape_cast %get3A_828 : vector<1x16xf32> to vector<16xf32>
      %add3A_830 = arith.addf %mul3A_825, %get3A_829 : vector<16xf32>
      %swap3A_831 = arith.index_cast %scan3A_55 : i32 to index
      %swap3A_832 = arith.constant 720 : index
      %swap3A_833 = tpu.vector_load %arg8[%swap3A_831, %swap3A_832] {strides = array<i32>} : memref<64x768xf32, #tpu.memory_space<vmem>>, vector<1x16xf32>,
      %swap3A_834 = vector.shape_cast %swap3A_833 : vector<1x16xf32> to vector<16xf32>
      %swap3A_835 = vector.shape_cast %add3A_830 : vector<16xf32> to vector<1x16xf32>
      tpu.vector_store %arg8[%swap3A_831, %swap3A_832], %swap3A_835 {strides = array<i32>} : memref<64x768xf32, #tpu.memory_space<vmem>>, vector<1x16xf32>,
      %get3A_836 = arith.index_cast %scan3A_55 : i32 to index
      %get3A_837 = arith.constant 736 : index
      %get3A_838 = tpu.vector_load %arg8[%get3A_836, %get3A_837] {strides = array<i32>} : memref<64x768xf32, #tpu.memory_space<vmem>>, vector<1x16xf32>,
      %get3A_839 = vector.shape_cast %get3A_838 : vector<1x16xf32> to vector<16xf32>
      %mul3A_840 = arith.constant 27.7128124 : f32
      %mul3A_841 = vector.broadcast %mul3A_840 : f32 to vector<16xf32>
      %mul3A_842 = arith.mulf %get3A_839, %mul3A_841 : vector<16xf32>
      %get3A_843 = arith.index_cast %scan3A_55 : i32 to index
      %get3A_844 = arith.constant 736 : index
      %get3A_845 = tpu.vector_load %arg7[%get3A_843, %get3A_844] {strides = array<i32>} : memref<64x768xf32, #tpu.memory_space<vmem>>, vector<1x16xf32>,
      %get3A_846 = vector.shape_cast %get3A_845 : vector<1x16xf32> to vector<16xf32>
      %add3A_847 = arith.addf %mul3A_842, %get3A_846 : vector<16xf32>
      %swap3A_848 = arith.index_cast %scan3A_55 : i32 to index
      %swap3A_849 = arith.constant 736 : index
      %swap3A_850 = tpu.vector_load %arg8[%swap3A_848, %swap3A_849] {strides = array<i32>} : memref<64x768xf32, #tpu.memory_space<vmem>>, vector<1x16xf32>,
      %swap3A_851 = vector.shape_cast %swap3A_850 : vector<1x16xf32> to vector<16xf32>
      %swap3A_852 = vector.shape_cast %add3A_847 : vector<16xf32> to vector<1x16xf32>
      tpu.vector_store %arg8[%swap3A_848, %swap3A_849], %swap3A_852 {strides = array<i32>} : memref<64x768xf32, #tpu.memory_space<vmem>>, vector<1x16xf32>,
      %get3A_853 = arith.index_cast %scan3A_55 : i32 to index
      %get3A_854 = arith.constant 752 : index
      %get3A_855 = tpu.vector_load %arg8[%get3A_853, %get3A_854] {strides = array<i32>} : memref<64x768xf32, #tpu.memory_space<vmem>>, vector<1x16xf32>,
      %get3A_856 = vector.shape_cast %get3A_855 : vector<1x16xf32> to vector<16xf32>
      %mul3A_857 = arith.constant 27.7128124 : f32
      %mul3A_858 = vector.broadcast %mul3A_857 : f32 to vector<16xf32>
      %mul3A_859 = arith.mulf %get3A_856, %mul3A_858 : vector<16xf32>
      %get3A_860 = arith.index_cast %scan3A_55 : i32 to index
      %get3A_861 = arith.constant 752 : index
      %get3A_862 = tpu.vector_load %arg7[%get3A_860, %get3A_861] {strides = array<i32>} : memref<64x768xf32, #tpu.memory_space<vmem>>, vector<1x16xf32>,
      %get3A_863 = vector.shape_cast %get3A_862 : vector<1x16xf32> to vector<16xf32>
      %add3A_864 = arith.addf %mul3A_859, %get3A_863 : vector<16xf32>
      %swap3A_865 = arith.index_cast %scan3A_55 : i32 to index
      %swap3A_866 = arith.constant 752 : index
      %swap3A_867 = tpu.vector_load %arg8[%swap3A_865, %swap3A_866] {strides = array<i32>} : memref<64x768xf32, #tpu.memory_space<vmem>>, vector<1x16xf32>,
      %swap3A_868 = vector.shape_cast %swap3A_867 : vector<1x16xf32> to vector<16xf32>
      %swap3A_869 = vector.shape_cast %add3A_864 : vector<16xf32> to vector<1x16xf32>
      tpu.vector_store %arg8[%swap3A_865, %swap3A_866], %swap3A_869 {strides = array<i32>} : memref<64x768xf32, #tpu.memory_space<vmem>>, vector<1x16xf32>,
    }
    %scan3A_39 = arith.constant 64 : i32
    %run_scoped3A_40 = arith.constant 2 : i32
    "tpu.region"() ({
      %run_scoped3A_55 = tpu.sem_alloc : memref<!tpu.dma_semaphore, #tpu.memory_space<semaphore_mem>>
      %dma_start3A_56 = arith.constant 0 : i32
      %dma_start3A_57 = tpu.memref_slice %arg5[%run_scoped3A_40, %mul3A_2, %dma_start3A_56] : memref<4x2048x768xf32, #tpu.memory_space<hbm>> -> memref<1x64x768xf32, #tpu.memory_space<hbm>>
      %dma_start3A_58 = tpu.memref_squeeze %dma_start3A_57 : memref<1x64x768xf32, #tpu.memory_space<hbm>> -> memref<64x768xf32, #tpu.memory_space<hbm>>
      %dma_start3A_59 = arith.constant 0 : i32
      %dma_start3A_60 = tpu.memref_slice %arg5[%run_scoped3A_40, %mul3A_2, %dma_start3A_59] : memref<4x2048x768xf32, #tpu.memory_space<hbm>> -> memref<1x64x768xf32, #tpu.memory_space<hbm>>
      %dma_start3A_61 = tpu.memref_squeeze %dma_start3A_60 : memref<1x64x768xf32, #tpu.memory_space<hbm>> -> memref<64x768xf32, #tpu.memory_space<hbm>>
      tpu.enqueue_dma source(%arg8 : memref<64x768xf32, #tpu.memory_space<vmem>>) target(%dma_start3A_61 : memref<64x768xf32, #tpu.memory_space<hbm>>) target_semaphore(%run_scoped3A_55 : memref<!tpu.dma_semaphore, #tpu.memory_space<semaphore_mem>>)
      %dma_wait3A_62 = arith.constant 0 : i32
      %dma_wait3A_63 = tpu.memref_slice %arg5[%run_scoped3A_40, %mul3A_2, %dma_wait3A_62] : memref<4x2048x768xf32, #tpu.memory_space<hbm>> -> memref<1x64x768xf32, #tpu.memory_space<hbm>>
      %dma_wait3A_64 = tpu.memref_squeeze %dma_wait3A_63 : memref<1x64x768xf32, #tpu.memory_space<hbm>> -> memref<64x768xf32, #tpu.memory_space<hbm>>
      %dma_wait3A_65 = arith.constant 0 : i32
      %dma_wait3A_66 = tpu.memref_slice %arg5[%run_scoped3A_40, %mul3A_2, %dma_wait3A_65] : memref<4x2048x768xf32, #tpu.memory_space<hbm>> -> memref<1x64x768xf32, #tpu.memory_space<hbm>>
      %dma_wait3A_67 = tpu.memref_squeeze %dma_wait3A_66 : memref<1x64x768xf32, #tpu.memory_space<hbm>> -> memref<64x768xf32, #tpu.memory_space<hbm>>
      tpu.wait_dma2 semaphore(%run_scoped3A_55 : memref<!tpu.dma_semaphore, #tpu.memory_space<semaphore_mem>>) src(%arg8 : memref<64x768xf32, #tpu.memory_space<vmem>>) dst(%dma_wait3A_67 : memref<64x768xf32, #tpu.memory_space<hbm>>)
      tpu.yield
    }) : () -> ()
    %run_scoped3A_41 = arith.constant 3 : i32
    "tpu.region"() ({
      %run_scoped3A_55 = tpu.sem_alloc : memref<!tpu.dma_semaphore, #tpu.memory_space<semaphore_mem>>
      %dma_start3A_56 = tpu.memref_slice %arg2[%run_scoped3A_41, %mul3A_2] : memref<4x2048xi32, #tpu.memory_space<hbm>> -> memref<1x64xi32, #tpu.memory_space<hbm>>
      %dma_start3A_57 = tpu.memref_squeeze %dma_start3A_56 : memref<1x64xi32, #tpu.memory_space<hbm>> -> memref<64xi32, #tpu.memory_space<hbm>>
      %dma_start3A_58 = tpu.memref_slice %arg2[%run_scoped3A_41, %mul3A_2] : memref<4x2048xi32, #tpu.memory_space<hbm>> -> memref<1x64xi32, #tpu.memory_space<hbm>>
      %dma_start3A_59 = tpu.memref_squeeze %dma_start3A_58 : memref<1x64xi32, #tpu.memory_space<hbm>> -> memref<64xi32, #tpu.memory_space<hbm>>
      tpu.enqueue_dma source(%dma_start3A_59 : memref<64xi32, #tpu.memory_space<hbm>>) target(%arg6 : memref<64xi32, #tpu.memory_space<vmem>>) target_semaphore(%run_scoped3A_55 : memref<!tpu.dma_semaphore, #tpu.memory_space<semaphore_mem>>)
      %dma_wait3A_60 = tpu.memref_slice %arg2[%run_scoped3A_41, %mul3A_2] : memref<4x2048xi32, #tpu.memory_space<hbm>> -> memref<1x64xi32, #tpu.memory_space<hbm>>
      %dma_wait3A_61 = tpu.memref_squeeze %dma_wait3A_60 : memref<1x64xi32, #tpu.memory_space<hbm>> -> memref<64xi32, #tpu.memory_space<hbm>>
      %dma_wait3A_62 = tpu.memref_slice %arg2[%run_scoped3A_41, %mul3A_2] : memref<4x2048xi32, #tpu.memory_space<hbm>> -> memref<1x64xi32, #tpu.memory_space<hbm>>
      %dma_wait3A_63 = tpu.memref_squeeze %dma_wait3A_62 : memref<1x64xi32, #tpu.memory_space<hbm>> -> memref<64xi32, #tpu.memory_space<hbm>>
      tpu.wait_dma2 semaphore(%run_scoped3A_55 : memref<!tpu.dma_semaphore, #tpu.memory_space<semaphore_mem>>) src(%dma_wait3A_63 : memref<64xi32, #tpu.memory_space<hbm>>) dst(%arg6 : memref<64xi32, #tpu.memory_space<vmem>>)
      tpu.yield
    }) : () -> ()
    %dma_start3A_42 = arith.constant 0 : i32
    %dma_start3A_43 = arith.constant 0 : i32
    %dma_start3A_44 = tpu.memref_slice %arg3[%dma_start3A_42, %dma_start3A_43] : memref<100000x768xf32, #tpu.memory_space<hbm>> -> memref<100000x768xf32, #tpu.memory_space<hbm>>
    tpu.enqueue_indirect_dma source(%dma_start3A_44 : memref<100000x768xf32, #tpu.memory_space<hbm>>) target(%arg8 : memref<64x768xf32, #tpu.memory_space<vmem>>) offsets(%arg6 : memref<64xi32, #tpu.memory_space<vmem>>) semaphore(%arg9 : memref<!tpu.dma_semaphore, #tpu.memory_space<semaphore_mem>>)
    %dma_wait3A_45 = arith.constant 0 : i32
    %dma_wait3A_46 = arith.constant 0 : i32
    %dma_wait3A_47 = tpu.memref_slice %arg3[%dma_wait3A_45, %dma_wait3A_46] : memref<100000x768xf32, #tpu.memory_space<hbm>> -> memref<100000x768xf32, #tpu.memory_space<hbm>>
    tpu.wait_indirect_dma semaphore(%arg9 : memref<!tpu.dma_semaphore, #tpu.memory_space<semaphore_mem>>) src(%dma_wait3A_47 : memref<100000x768xf32, #tpu.memory_space<hbm>>) dst(%arg8 : memref<64x768xf32, #tpu.memory_space<vmem>>)
    %scan3A_48 = arith.constant 0 : i32
    %scan3A_49 = arith.constant 0 : i32
    %scan3A_50 = arith.constant 64 : i32
    %scan3A_51 = arith.addi %scan3A_49, %scan3A_50 : i32
    %scan3A_52 = arith.constant 1 : i32
    scf.for %scan3A_55 = %scan3A_49 to %scan3A_51 step %scan3A_52  : i32 {
      %get3A = arith.index_cast %scan3A_55 : i32 to index
      %get3A_56 = arith.constant 0 : index
      %get3A_57 = tpu.vector_load %arg8[%get3A, %get3A_56] {strides = array<i32>} : memref<64x768xf32, #tpu.memory_space<vmem>>, vector<1x16xf32>,
      %get3A_58 = vector.shape_cast %get3A_57 : vector<1x16xf32> to vector<16xf32>
      %mul3A_59 = arith.constant 27.7128124 : f32
      %mul3A_60 = vector.broadcast %mul3A_59 : f32 to vector<16xf32>
      %mul3A_61 = arith.mulf %get3A_58, %mul3A_60 : vector<16xf32>
      %get3A_62 = arith.index_cast %scan3A_55 : i32 to index
      %get3A_63 = arith.constant 0 : index
      %get3A_64 = tpu.vector_load %arg7[%get3A_62, %get3A_63] {strides = array<i32>} : memref<64x768xf32, #tpu.memory_space<vmem>>, vector<1x16xf32>,
      %get3A_65 = vector.shape_cast %get3A_64 : vector<1x16xf32> to vector<16xf32>
      %add3A_66 = arith.addf %mul3A_61, %get3A_65 : vector<16xf32>
      %swap3A = arith.index_cast %scan3A_55 : i32 to index
      %swap3A_67 = arith.constant 0 : index
      %swap3A_68 = tpu.vector_load %arg8[%swap3A, %swap3A_67] {strides = array<i32>} : memref<64x768xf32, #tpu.memory_space<vmem>>, vector<1x16xf32>,
      %swap3A_69 = vector.shape_cast %swap3A_68 : vector<1x16xf32> to vector<16xf32>
      %swap3A_70 = vector.shape_cast %add3A_66 : vector<16xf32> to vector<1x16xf32>
      tpu.vector_store %arg8[%swap3A, %swap3A_67], %swap3A_70 {strides = array<i32>} : memref<64x768xf32, #tpu.memory_space<vmem>>, vector<1x16xf32>,
      %get3A_71 = arith.index_cast %scan3A_55 : i32 to index
      %get3A_72 = arith.constant 16 : index
      %get3A_73 = tpu.vector_load %arg8[%get3A_71, %get3A_72] {strides = array<i32>} : memref<64x768xf32, #tpu.memory_space<vmem>>, vector<1x16xf32>,
      %get3A_74 = vector.shape_cast %get3A_73 : vector<1x16xf32> to vector<16xf32>
      %mul3A_75 = arith.constant 27.7128124 : f32
      %mul3A_76 = vector.broadcast %mul3A_75 : f32 to vector<16xf32>
      %mul3A_77 = arith.mulf %get3A_74, %mul3A_76 : vector<16xf32>
      %get3A_78 = arith.index_cast %scan3A_55 : i32 to index
      %get3A_79 = arith.constant 16 : index
      %get3A_80 = tpu.vector_load %arg7[%get3A_78, %get3A_79] {strides = array<i32>} : memref<64x768xf32, #tpu.memory_space<vmem>>, vector<1x16xf32>,
      %get3A_81 = vector.shape_cast %get3A_80 : vector<1x16xf32> to vector<16xf32>
      %add3A_82 = arith.addf %mul3A_77, %get3A_81 : vector<16xf32>
      %swap3A_83 = arith.index_cast %scan3A_55 : i32 to index
      %swap3A_84 = arith.constant 16 : index
      %swap3A_85 = tpu.vector_load %arg8[%swap3A_83, %swap3A_84] {strides = array<i32>} : memref<64x768xf32, #tpu.memory_space<vmem>>, vector<1x16xf32>,
      %swap3A_86 = vector.shape_cast %swap3A_85 : vector<1x16xf32> to vector<16xf32>
      %swap3A_87 = vector.shape_cast %add3A_82 : vector<16xf32> to vector<1x16xf32>
      tpu.vector_store %arg8[%swap3A_83, %swap3A_84], %swap3A_87 {strides = array<i32>} : memref<64x768xf32, #tpu.memory_space<vmem>>, vector<1x16xf32>,
      %get3A_88 = arith.index_cast %scan3A_55 : i32 to index
      %get3A_89 = arith.constant 32 : index
      %get3A_90 = tpu.vector_load %arg8[%get3A_88, %get3A_89] {strides = array<i32>} : memref<64x768xf32, #tpu.memory_space<vmem>>, vector<1x16xf32>,
      %get3A_91 = vector.shape_cast %get3A_90 : vector<1x16xf32> to vector<16xf32>
      %mul3A_92 = arith.constant 27.7128124 : f32
      %mul3A_93 = vector.broadcast %mul3A_92 : f32 to vector<16xf32>
      %mul3A_94 = arith.mulf %get3A_91, %mul3A_93 : vector<16xf32>
      %get3A_95 = arith.index_cast %scan3A_55 : i32 to index
      %get3A_96 = arith.constant 32 : index
      %get3A_97 = tpu.vector_load %arg7[%get3A_95, %get3A_96] {strides = array<i32>} : memref<64x768xf32, #tpu.memory_space<vmem>>, vector<1x16xf32>,
      %get3A_98 = vector.shape_cast %get3A_97 : vector<1x16xf32> to vector<16xf32>
      %add3A_99 = arith.addf %mul3A_94, %get3A_98 : vector<16xf32>
      %swap3A_100 = arith.index_cast %scan3A_55 : i32 to index
      %swap3A_101 = arith.constant 32 : index
      %swap3A_102 = tpu.vector_load %arg8[%swap3A_100, %swap3A_101] {strides = array<i32>} : memref<64x768xf32, #tpu.memory_space<vmem>>, vector<1x16xf32>,
      %swap3A_103 = vector.shape_cast %swap3A_102 : vector<1x16xf32> to vector<16xf32>
      %swap3A_104 = vector.shape_cast %add3A_99 : vector<16xf32> to vector<1x16xf32>
      tpu.vector_store %arg8[%swap3A_100, %swap3A_101], %swap3A_104 {strides = array<i32>} : memref<64x768xf32, #tpu.memory_space<vmem>>, vector<1x16xf32>,
      %get3A_105 = arith.index_cast %scan3A_55 : i32 to index
      %get3A_106 = arith.constant 48 : index
      %get3A_107 = tpu.vector_load %arg8[%get3A_105, %get3A_106] {strides = array<i32>} : memref<64x768xf32, #tpu.memory_space<vmem>>, vector<1x16xf32>,
      %get3A_108 = vector.shape_cast %get3A_107 : vector<1x16xf32> to vector<16xf32>
      %mul3A_109 = arith.constant 27.7128124 : f32
      %mul3A_110 = vector.broadcast %mul3A_109 : f32 to vector<16xf32>
      %mul3A_111 = arith.mulf %get3A_108, %mul3A_110 : vector<16xf32>
      %get3A_112 = arith.index_cast %scan3A_55 : i32 to index
      %get3A_113 = arith.constant 48 : index
      %get3A_114 = tpu.vector_load %arg7[%get3A_112, %get3A_113] {strides = array<i32>} : memref<64x768xf32, #tpu.memory_space<vmem>>, vector<1x16xf32>,
      %get3A_115 = vector.shape_cast %get3A_114 : vector<1x16xf32> to vector<16xf32>
      %add3A_116 = arith.addf %mul3A_111, %get3A_115 : vector<16xf32>
      %swap3A_117 = arith.index_cast %scan3A_55 : i32 to index
      %swap3A_118 = arith.constant 48 : index
      %swap3A_119 = tpu.vector_load %arg8[%swap3A_117, %swap3A_118] {strides = array<i32>} : memref<64x768xf32, #tpu.memory_space<vmem>>, vector<1x16xf32>,
      %swap3A_120 = vector.shape_cast %swap3A_119 : vector<1x16xf32> to vector<16xf32>
      %swap3A_121 = vector.shape_cast %add3A_116 : vector<16xf32> to vector<1x16xf32>
      tpu.vector_store %arg8[%swap3A_117, %swap3A_118], %swap3A_121 {strides = array<i32>} : memref<64x768xf32, #tpu.memory_space<vmem>>, vector<1x16xf32>,
      %get3A_122 = arith.index_cast %scan3A_55 : i32 to index
      %get3A_123 = arith.constant 64 : index
      %get3A_124 = tpu.vector_load %arg8[%get3A_122, %get3A_123] {strides = array<i32>} : memref<64x768xf32, #tpu.memory_space<vmem>>, vector<1x16xf32>,
      %get3A_125 = vector.shape_cast %get3A_124 : vector<1x16xf32> to vector<16xf32>
      %mul3A_126 = arith.constant 27.7128124 : f32
      %mul3A_127 = vector.broadcast %mul3A_126 : f32 to vector<16xf32>
      %mul3A_128 = arith.mulf %get3A_125, %mul3A_127 : vector<16xf32>
      %get3A_129 = arith.index_cast %scan3A_55 : i32 to index
      %get3A_130 = arith.constant 64 : index
      %get3A_131 = tpu.vector_load %arg7[%get3A_129, %get3A_130] {strides = array<i32>} : memref<64x768xf32, #tpu.memory_space<vmem>>, vector<1x16xf32>,
      %get3A_132 = vector.shape_cast %get3A_131 : vector<1x16xf32> to vector<16xf32>
      %add3A_133 = arith.addf %mul3A_128, %get3A_132 : vector<16xf32>
      %swap3A_134 = arith.index_cast %scan3A_55 : i32 to index
      %swap3A_135 = arith.constant 64 : index
      %swap3A_136 = tpu.vector_load %arg8[%swap3A_134, %swap3A_135] {strides = array<i32>} : memref<64x768xf32, #tpu.memory_space<vmem>>, vector<1x16xf32>,
      %swap3A_137 = vector.shape_cast %swap3A_136 : vector<1x16xf32> to vector<16xf32>
      %swap3A_138 = vector.shape_cast %add3A_133 : vector<16xf32> to vector<1x16xf32>
      tpu.vector_store %arg8[%swap3A_134, %swap3A_135], %swap3A_138 {strides = array<i32>} : memref<64x768xf32, #tpu.memory_space<vmem>>, vector<1x16xf32>,
      %get3A_139 = arith.index_cast %scan3A_55 : i32 to index
      %get3A_140 = arith.constant 80 : index
      %get3A_141 = tpu.vector_load %arg8[%get3A_139, %get3A_140] {strides = array<i32>} : memref<64x768xf32, #tpu.memory_space<vmem>>, vector<1x16xf32>,
      %get3A_142 = vector.shape_cast %get3A_141 : vector<1x16xf32> to vector<16xf32>
      %mul3A_143 = arith.constant 27.7128124 : f32
      %mul3A_144 = vector.broadcast %mul3A_143 : f32 to vector<16xf32>
      %mul3A_145 = arith.mulf %get3A_142, %mul3A_144 : vector<16xf32>
      %get3A_146 = arith.index_cast %scan3A_55 : i32 to index
      %get3A_147 = arith.constant 80 : index
      %get3A_148 = tpu.vector_load %arg7[%get3A_146, %get3A_147] {strides = array<i32>} : memref<64x768xf32, #tpu.memory_space<vmem>>, vector<1x16xf32>,
      %get3A_149 = vector.shape_cast %get3A_148 : vector<1x16xf32> to vector<16xf32>
      %add3A_150 = arith.addf %mul3A_145, %get3A_149 : vector<16xf32>
      %swap3A_151 = arith.index_cast %scan3A_55 : i32 to index
      %swap3A_152 = arith.constant 80 : index
      %swap3A_153 = tpu.vector_load %arg8[%swap3A_151, %swap3A_152] {strides = array<i32>} : memref<64x768xf32, #tpu.memory_space<vmem>>, vector<1x16xf32>,
      %swap3A_154 = vector.shape_cast %swap3A_153 : vector<1x16xf32> to vector<16xf32>
      %swap3A_155 = vector.shape_cast %add3A_150 : vector<16xf32> to vector<1x16xf32>
      tpu.vector_store %arg8[%swap3A_151, %swap3A_152], %swap3A_155 {strides = array<i32>} : memref<64x768xf32, #tpu.memory_space<vmem>>, vector<1x16xf32>,
      %get3A_156 = arith.index_cast %scan3A_55 : i32 to index
      %get3A_157 = arith.constant 96 : index
      %get3A_158 = tpu.vector_load %arg8[%get3A_156, %get3A_157] {strides = array<i32>} : memref<64x768xf32, #tpu.memory_space<vmem>>, vector<1x16xf32>,
      %get3A_159 = vector.shape_cast %get3A_158 : vector<1x16xf32> to vector<16xf32>
      %mul3A_160 = arith.constant 27.7128124 : f32
      %mul3A_161 = vector.broadcast %mul3A_160 : f32 to vector<16xf32>
      %mul3A_162 = arith.mulf %get3A_159, %mul3A_161 : vector<16xf32>
      %get3A_163 = arith.index_cast %scan3A_55 : i32 to index
      %get3A_164 = arith.constant 96 : index
      %get3A_165 = tpu.vector_load %arg7[%get3A_163, %get3A_164] {strides = array<i32>} : memref<64x768xf32, #tpu.memory_space<vmem>>, vector<1x16xf32>,
      %get3A_166 = vector.shape_cast %get3A_165 : vector<1x16xf32> to vector<16xf32>
      %add3A_167 = arith.addf %mul3A_162, %get3A_166 : vector<16xf32>
      %swap3A_168 = arith.index_cast %scan3A_55 : i32 to index
      %swap3A_169 = arith.constant 96 : index
      %swap3A_170 = tpu.vector_load %arg8[%swap3A_168, %swap3A_169] {strides = array<i32>} : memref<64x768xf32, #tpu.memory_space<vmem>>, vector<1x16xf32>,
      %swap3A_171 = vector.shape_cast %swap3A_170 : vector<1x16xf32> to vector<16xf32>
      %swap3A_172 = vector.shape_cast %add3A_167 : vector<16xf32> to vector<1x16xf32>
      tpu.vector_store %arg8[%swap3A_168, %swap3A_169], %swap3A_172 {strides = array<i32>} : memref<64x768xf32, #tpu.memory_space<vmem>>, vector<1x16xf32>,
      %get3A_173 = arith.index_cast %scan3A_55 : i32 to index
      %get3A_174 = arith.constant 112 : index
      %get3A_175 = tpu.vector_load %arg8[%get3A_173, %get3A_174] {strides = array<i32>} : memref<64x768xf32, #tpu.memory_space<vmem>>, vector<1x16xf32>,
      %get3A_176 = vector.shape_cast %get3A_175 : vector<1x16xf32> to vector<16xf32>
      %mul3A_177 = arith.constant 27.7128124 : f32
      %mul3A_178 = vector.broadcast %mul3A_177 : f32 to vector<16xf32>
      %mul3A_179 = arith.mulf %get3A_176, %mul3A_178 : vector<16xf32>
      %get3A_180 = arith.index_cast %scan3A_55 : i32 to index
      %get3A_181 = arith.constant 112 : index
      %get3A_182 = tpu.vector_load %arg7[%get3A_180, %get3A_181] {strides = array<i32>} : memref<64x768xf32, #tpu.memory_space<vmem>>, vector<1x16xf32>,
      %get3A_183 = vector.shape_cast %get3A_182 : vector<1x16xf32> to vector<16xf32>
      %add3A_184 = arith.addf %mul3A_179, %get3A_183 : vector<16xf32>
      %swap3A_185 = arith.index_cast %scan3A_55 : i32 to index
      %swap3A_186 = arith.constant 112 : index
      %swap3A_187 = tpu.vector_load %arg8[%swap3A_185, %swap3A_186] {strides = array<i32>} : memref<64x768xf32, #tpu.memory_space<vmem>>, vector<1x16xf32>,
      %swap3A_188 = vector.shape_cast %swap3A_187 : vector<1x16xf32> to vector<16xf32>
      %swap3A_189 = vector.shape_cast %add3A_184 : vector<16xf32> to vector<1x16xf32>
      tpu.vector_store %arg8[%swap3A_185, %swap3A_186], %swap3A_189 {strides = array<i32>} : memref<64x768xf32, #tpu.memory_space<vmem>>, vector<1x16xf32>,
      %get3A_190 = arith.index_cast %scan3A_55 : i32 to index
      %get3A_191 = arith.constant 128 : index
      %get3A_192 = tpu.vector_load %arg8[%get3A_190, %get3A_191] {strides = array<i32>} : memref<64x768xf32, #tpu.memory_space<vmem>>, vector<1x16xf32>,
      %get3A_193 = vector.shape_cast %get3A_192 : vector<1x16xf32> to vector<16xf32>
      %mul3A_194 = arith.constant 27.7128124 : f32
      %mul3A_195 = vector.broadcast %mul3A_194 : f32 to vector<16xf32>
      %mul3A_196 = arith.mulf %get3A_193, %mul3A_195 : vector<16xf32>
      %get3A_197 = arith.index_cast %scan3A_55 : i32 to index
      %get3A_198 = arith.constant 128 : index
      %get3A_199 = tpu.vector_load %arg7[%get3A_197, %get3A_198] {strides = array<i32>} : memref<64x768xf32, #tpu.memory_space<vmem>>, vector<1x16xf32>,
      %get3A_200 = vector.shape_cast %get3A_199 : vector<1x16xf32> to vector<16xf32>
      %add3A_201 = arith.addf %mul3A_196, %get3A_200 : vector<16xf32>
      %swap3A_202 = arith.index_cast %scan3A_55 : i32 to index
      %swap3A_203 = arith.constant 128 : index
      %swap3A_204 = tpu.vector_load %arg8[%swap3A_202, %swap3A_203] {strides = array<i32>} : memref<64x768xf32, #tpu.memory_space<vmem>>, vector<1x16xf32>,
      %swap3A_205 = vector.shape_cast %swap3A_204 : vector<1x16xf32> to vector<16xf32>
      %swap3A_206 = vector.shape_cast %add3A_201 : vector<16xf32> to vector<1x16xf32>
      tpu.vector_store %arg8[%swap3A_202, %swap3A_203], %swap3A_206 {strides = array<i32>} : memref<64x768xf32, #tpu.memory_space<vmem>>, vector<1x16xf32>,
      %get3A_207 = arith.index_cast %scan3A_55 : i32 to index
      %get3A_208 = arith.constant 144 : index
      %get3A_209 = tpu.vector_load %arg8[%get3A_207, %get3A_208] {strides = array<i32>} : memref<64x768xf32, #tpu.memory_space<vmem>>, vector<1x16xf32>,
      %get3A_210 = vector.shape_cast %get3A_209 : vector<1x16xf32> to vector<16xf32>
      %mul3A_211 = arith.constant 27.7128124 : f32
      %mul3A_212 = vector.broadcast %mul3A_211 : f32 to vector<16xf32>
      %mul3A_213 = arith.mulf %get3A_210, %mul3A_212 : vector<16xf32>
      %get3A_214 = arith.index_cast %scan3A_55 : i32 to index
      %get3A_215 = arith.constant 144 : index
      %get3A_216 = tpu.vector_load %arg7[%get3A_214, %get3A_215] {strides = array<i32>} : memref<64x768xf32, #tpu.memory_space<vmem>>, vector<1x16xf32>,
      %get3A_217 = vector.shape_cast %get3A_216 : vector<1x16xf32> to vector<16xf32>
      %add3A_218 = arith.addf %mul3A_213, %get3A_217 : vector<16xf32>
      %swap3A_219 = arith.index_cast %scan3A_55 : i32 to index
      %swap3A_220 = arith.constant 144 : index
      %swap3A_221 = tpu.vector_load %arg8[%swap3A_219, %swap3A_220] {strides = array<i32>} : memref<64x768xf32, #tpu.memory_space<vmem>>, vector<1x16xf32>,
      %swap3A_222 = vector.shape_cast %swap3A_221 : vector<1x16xf32> to vector<16xf32>
      %swap3A_223 = vector.shape_cast %add3A_218 : vector<16xf32> to vector<1x16xf32>
      tpu.vector_store %arg8[%swap3A_219, %swap3A_220], %swap3A_223 {strides = array<i32>} : memref<64x768xf32, #tpu.memory_space<vmem>>, vector<1x16xf32>,
      %get3A_224 = arith.index_cast %scan3A_55 : i32 to index
      %get3A_225 = arith.constant 160 : index
      %get3A_226 = tpu.vector_load %arg8[%get3A_224, %get3A_225] {strides = array<i32>} : memref<64x768xf32, #tpu.memory_space<vmem>>, vector<1x16xf32>,
      %get3A_227 = vector.shape_cast %get3A_226 : vector<1x16xf32> to vector<16xf32>
      %mul3A_228 = arith.constant 27.7128124 : f32
      %mul3A_229 = vector.broadcast %mul3A_228 : f32 to vector<16xf32>
      %mul3A_230 = arith.mulf %get3A_227, %mul3A_229 : vector<16xf32>
      %get3A_231 = arith.index_cast %scan3A_55 : i32 to index
      %get3A_232 = arith.constant 160 : index
      %get3A_233 = tpu.vector_load %arg7[%get3A_231, %get3A_232] {strides = array<i32>} : memref<64x768xf32, #tpu.memory_space<vmem>>, vector<1x16xf32>,
      %get3A_234 = vector.shape_cast %get3A_233 : vector<1x16xf32> to vector<16xf32>
      %add3A_235 = arith.addf %mul3A_230, %get3A_234 : vector<16xf32>
      %swap3A_236 = arith.index_cast %scan3A_55 : i32 to index
      %swap3A_237 = arith.constant 160 : index
      %swap3A_238 = tpu.vector_load %arg8[%swap3A_236, %swap3A_237] {strides = array<i32>} : memref<64x768xf32, #tpu.memory_space<vmem>>, vector<1x16xf32>,
      %swap3A_239 = vector.shape_cast %swap3A_238 : vector<1x16xf32> to vector<16xf32>
      %swap3A_240 = vector.shape_cast %add3A_235 : vector<16xf32> to vector<1x16xf32>
      tpu.vector_store %arg8[%swap3A_236, %swap3A_237], %swap3A_240 {strides = array<i32>} : memref<64x768xf32, #tpu.memory_space<vmem>>, vector<1x16xf32>,
      %get3A_241 = arith.index_cast %scan3A_55 : i32 to index
      %get3A_242 = arith.constant 176 : index
      %get3A_243 = tpu.vector_load %arg8[%get3A_241, %get3A_242] {strides = array<i32>} : memref<64x768xf32, #tpu.memory_space<vmem>>, vector<1x16xf32>,
      %get3A_244 = vector.shape_cast %get3A_243 : vector<1x16xf32> to vector<16xf32>
      %mul3A_245 = arith.constant 27.7128124 : f32
      %mul3A_246 = vector.broadcast %mul3A_245 : f32 to vector<16xf32>
      %mul3A_247 = arith.mulf %get3A_244, %mul3A_246 : vector<16xf32>
      %get3A_248 = arith.index_cast %scan3A_55 : i32 to index
      %get3A_249 = arith.constant 176 : index
      %get3A_250 = tpu.vector_load %arg7[%get3A_248, %get3A_249] {strides = array<i32>} : memref<64x768xf32, #tpu.memory_space<vmem>>, vector<1x16xf32>,
      %get3A_251 = vector.shape_cast %get3A_250 : vector<1x16xf32> to vector<16xf32>
      %add3A_252 = arith.addf %mul3A_247, %get3A_251 : vector<16xf32>
      %swap3A_253 = arith.index_cast %scan3A_55 : i32 to index
      %swap3A_254 = arith.constant 176 : index
      %swap3A_255 = tpu.vector_load %arg8[%swap3A_253, %swap3A_254] {strides = array<i32>} : memref<64x768xf32, #tpu.memory_space<vmem>>, vector<1x16xf32>,
      %swap3A_256 = vector.shape_cast %swap3A_255 : vector<1x16xf32> to vector<16xf32>
      %swap3A_257 = vector.shape_cast %add3A_252 : vector<16xf32> to vector<1x16xf32>
      tpu.vector_store %arg8[%swap3A_253, %swap3A_254], %swap3A_257 {strides = array<i32>} : memref<64x768xf32, #tpu.memory_space<vmem>>, vector<1x16xf32>,
      %get3A_258 = arith.index_cast %scan3A_55 : i32 to index
      %get3A_259 = arith.constant 192 : index
      %get3A_260 = tpu.vector_load %arg8[%get3A_258, %get3A_259] {strides = array<i32>} : memref<64x768xf32, #tpu.memory_space<vmem>>, vector<1x16xf32>,
      %get3A_261 = vector.shape_cast %get3A_260 : vector<1x16xf32> to vector<16xf32>
      %mul3A_262 = arith.constant 27.7128124 : f32
      %mul3A_263 = vector.broadcast %mul3A_262 : f32 to vector<16xf32>
      %mul3A_264 = arith.mulf %get3A_261, %mul3A_263 : vector<16xf32>
      %get3A_265 = arith.index_cast %scan3A_55 : i32 to index
      %get3A_266 = arith.constant 192 : index
      %get3A_267 = tpu.vector_load %arg7[%get3A_265, %get3A_266] {strides = array<i32>} : memref<64x768xf32, #tpu.memory_space<vmem>>, vector<1x16xf32>,
      %get3A_268 = vector.shape_cast %get3A_267 : vector<1x16xf32> to vector<16xf32>
      %add3A_269 = arith.addf %mul3A_264, %get3A_268 : vector<16xf32>
      %swap3A_270 = arith.index_cast %scan3A_55 : i32 to index
      %swap3A_271 = arith.constant 192 : index
      %swap3A_272 = tpu.vector_load %arg8[%swap3A_270, %swap3A_271] {strides = array<i32>} : memref<64x768xf32, #tpu.memory_space<vmem>>, vector<1x16xf32>,
      %swap3A_273 = vector.shape_cast %swap3A_272 : vector<1x16xf32> to vector<16xf32>
      %swap3A_274 = vector.shape_cast %add3A_269 : vector<16xf32> to vector<1x16xf32>
      tpu.vector_store %arg8[%swap3A_270, %swap3A_271], %swap3A_274 {strides = array<i32>} : memref<64x768xf32, #tpu.memory_space<vmem>>, vector<1x16xf32>,
      %get3A_275 = arith.index_cast %scan3A_55 : i32 to index
      %get3A_276 = arith.constant 208 : index
      %get3A_277 = tpu.vector_load %arg8[%get3A_275, %get3A_276] {strides = array<i32>} : memref<64x768xf32, #tpu.memory_space<vmem>>, vector<1x16xf32>,
      %get3A_278 = vector.shape_cast %get3A_277 : vector<1x16xf32> to vector<16xf32>
      %mul3A_279 = arith.constant 27.7128124 : f32
      %mul3A_280 = vector.broadcast %mul3A_279 : f32 to vector<16xf32>
      %mul3A_281 = arith.mulf %get3A_278, %mul3A_280 : vector<16xf32>
      %get3A_282 = arith.index_cast %scan3A_55 : i32 to index
      %get3A_283 = arith.constant 208 : index
      %get3A_284 = tpu.vector_load %arg7[%get3A_282, %get3A_283] {strides = array<i32>} : memref<64x768xf32, #tpu.memory_space<vmem>>, vector<1x16xf32>,
      %get3A_285 = vector.shape_cast %get3A_284 : vector<1x16xf32> to vector<16xf32>
      %add3A_286 = arith.addf %mul3A_281, %get3A_285 : vector<16xf32>
      %swap3A_287 = arith.index_cast %scan3A_55 : i32 to index
      %swap3A_288 = arith.constant 208 : index
      %swap3A_289 = tpu.vector_load %arg8[%swap3A_287, %swap3A_288] {strides = array<i32>} : memref<64x768xf32, #tpu.memory_space<vmem>>, vector<1x16xf32>,
      %swap3A_290 = vector.shape_cast %swap3A_289 : vector<1x16xf32> to vector<16xf32>
      %swap3A_291 = vector.shape_cast %add3A_286 : vector<16xf32> to vector<1x16xf32>
      tpu.vector_store %arg8[%swap3A_287, %swap3A_288], %swap3A_291 {strides = array<i32>} : memref<64x768xf32, #tpu.memory_space<vmem>>, vector<1x16xf32>,
      %get3A_292 = arith.index_cast %scan3A_55 : i32 to index
      %get3A_293 = arith.constant 224 : index
      %get3A_294 = tpu.vector_load %arg8[%get3A_292, %get3A_293] {strides = array<i32>} : memref<64x768xf32, #tpu.memory_space<vmem>>, vector<1x16xf32>,
      %get3A_295 = vector.shape_cast %get3A_294 : vector<1x16xf32> to vector<16xf32>
      %mul3A_296 = arith.constant 27.7128124 : f32
      %mul3A_297 = vector.broadcast %mul3A_296 : f32 to vector<16xf32>
      %mul3A_298 = arith.mulf %get3A_295, %mul3A_297 : vector<16xf32>
      %get3A_299 = arith.index_cast %scan3A_55 : i32 to index
      %get3A_300 = arith.constant 224 : index
      %get3A_301 = tpu.vector_load %arg7[%get3A_299, %get3A_300] {strides = array<i32>} : memref<64x768xf32, #tpu.memory_space<vmem>>, vector<1x16xf32>,
      %get3A_302 = vector.shape_cast %get3A_301 : vector<1x16xf32> to vector<16xf32>
      %add3A_303 = arith.addf %mul3A_298, %get3A_302 : vector<16xf32>
      %swap3A_304 = arith.index_cast %scan3A_55 : i32 to index
      %swap3A_305 = arith.constant 224 : index
      %swap3A_306 = tpu.vector_load %arg8[%swap3A_304, %swap3A_305] {strides = array<i32>} : memref<64x768xf32, #tpu.memory_space<vmem>>, vector<1x16xf32>,
      %swap3A_307 = vector.shape_cast %swap3A_306 : vector<1x16xf32> to vector<16xf32>
      %swap3A_308 = vector.shape_cast %add3A_303 : vector<16xf32> to vector<1x16xf32>
      tpu.vector_store %arg8[%swap3A_304, %swap3A_305], %swap3A_308 {strides = array<i32>} : memref<64x768xf32, #tpu.memory_space<vmem>>, vector<1x16xf32>,
      %get3A_309 = arith.index_cast %scan3A_55 : i32 to index
      %get3A_310 = arith.constant 240 : index
      %get3A_311 = tpu.vector_load %arg8[%get3A_309, %get3A_310] {strides = array<i32>} : memref<64x768xf32, #tpu.memory_space<vmem>>, vector<1x16xf32>,
      %get3A_312 = vector.shape_cast %get3A_311 : vector<1x16xf32> to vector<16xf32>
      %mul3A_313 = arith.constant 27.7128124 : f32
      %mul3A_314 = vector.broadcast %mul3A_313 : f32 to vector<16xf32>
      %mul3A_315 = arith.mulf %get3A_312, %mul3A_314 : vector<16xf32>
      %get3A_316 = arith.index_cast %scan3A_55 : i32 to index
      %get3A_317 = arith.constant 240 : index
      %get3A_318 = tpu.vector_load %arg7[%get3A_316, %get3A_317] {strides = array<i32>} : memref<64x768xf32, #tpu.memory_space<vmem>>, vector<1x16xf32>,
      %get3A_319 = vector.shape_cast %get3A_318 : vector<1x16xf32> to vector<16xf32>
      %add3A_320 = arith.addf %mul3A_315, %get3A_319 : vector<16xf32>
      %swap3A_321 = arith.index_cast %scan3A_55 : i32 to index
      %swap3A_322 = arith.constant 240 : index
      %swap3A_323 = tpu.vector_load %arg8[%swap3A_321, %swap3A_322] {strides = array<i32>} : memref<64x768xf32, #tpu.memory_space<vmem>>, vector<1x16xf32>,
      %swap3A_324 = vector.shape_cast %swap3A_323 : vector<1x16xf32> to vector<16xf32>
      %swap3A_325 = vector.shape_cast %add3A_320 : vector<16xf32> to vector<1x16xf32>
      tpu.vector_store %arg8[%swap3A_321, %swap3A_322], %swap3A_325 {strides = array<i32>} : memref<64x768xf32, #tpu.memory_space<vmem>>, vector<1x16xf32>,
      %get3A_326 = arith.index_cast %scan3A_55 : i32 to index
      %get3A_327 = arith.constant 256 : index
      %get3A_328 = tpu.vector_load %arg8[%get3A_326, %get3A_327] {strides = array<i32>} : memref<64x768xf32, #tpu.memory_space<vmem>>, vector<1x16xf32>,
      %get3A_329 = vector.shape_cast %get3A_328 : vector<1x16xf32> to vector<16xf32>
      %mul3A_330 = arith.constant 27.7128124 : f32
      %mul3A_331 = vector.broadcast %mul3A_330 : f32 to vector<16xf32>
      %mul3A_332 = arith.mulf %get3A_329, %mul3A_331 : vector<16xf32>
      %get3A_333 = arith.index_cast %scan3A_55 : i32 to index
      %get3A_334 = arith.constant 256 : index
      %get3A_335 = tpu.vector_load %arg7[%get3A_333, %get3A_334] {strides = array<i32>} : memref<64x768xf32, #tpu.memory_space<vmem>>, vector<1x16xf32>,
      %get3A_336 = vector.shape_cast %get3A_335 : vector<1x16xf32> to vector<16xf32>
      %add3A_337 = arith.addf %mul3A_332, %get3A_336 : vector<16xf32>
      %swap3A_338 = arith.index_cast %scan3A_55 : i32 to index
      %swap3A_339 = arith.constant 256 : index
      %swap3A_340 = tpu.vector_load %arg8[%swap3A_338, %swap3A_339] {strides = array<i32>} : memref<64x768xf32, #tpu.memory_space<vmem>>, vector<1x16xf32>,
      %swap3A_341 = vector.shape_cast %swap3A_340 : vector<1x16xf32> to vector<16xf32>
      %swap3A_342 = vector.shape_cast %add3A_337 : vector<16xf32> to vector<1x16xf32>
      tpu.vector_store %arg8[%swap3A_338, %swap3A_339], %swap3A_342 {strides = array<i32>} : memref<64x768xf32, #tpu.memory_space<vmem>>, vector<1x16xf32>,
      %get3A_343 = arith.index_cast %scan3A_55 : i32 to index
      %get3A_344 = arith.constant 272 : index
      %get3A_345 = tpu.vector_load %arg8[%get3A_343, %get3A_344] {strides = array<i32>} : memref<64x768xf32, #tpu.memory_space<vmem>>, vector<1x16xf32>,
      %get3A_346 = vector.shape_cast %get3A_345 : vector<1x16xf32> to vector<16xf32>
      %mul3A_347 = arith.constant 27.7128124 : f32
      %mul3A_348 = vector.broadcast %mul3A_347 : f32 to vector<16xf32>
      %mul3A_349 = arith.mulf %get3A_346, %mul3A_348 : vector<16xf32>
      %get3A_350 = arith.index_cast %scan3A_55 : i32 to index
      %get3A_351 = arith.constant 272 : index
      %get3A_352 = tpu.vector_load %arg7[%get3A_350, %get3A_351] {strides = array<i32>} : memref<64x768xf32, #tpu.memory_space<vmem>>, vector<1x16xf32>,
      %get3A_353 = vector.shape_cast %get3A_352 : vector<1x16xf32> to vector<16xf32>
      %add3A_354 = arith.addf %mul3A_349, %get3A_353 : vector<16xf32>
      %swap3A_355 = arith.index_cast %scan3A_55 : i32 to index
      %swap3A_356 = arith.constant 272 : index
      %swap3A_357 = tpu.vector_load %arg8[%swap3A_355, %swap3A_356] {strides = array<i32>} : memref<64x768xf32, #tpu.memory_space<vmem>>, vector<1x16xf32>,
      %swap3A_358 = vector.shape_cast %swap3A_357 : vector<1x16xf32> to vector<16xf32>
      %swap3A_359 = vector.shape_cast %add3A_354 : vector<16xf32> to vector<1x16xf32>
      tpu.vector_store %arg8[%swap3A_355, %swap3A_356], %swap3A_359 {strides = array<i32>} : memref<64x768xf32, #tpu.memory_space<vmem>>, vector<1x16xf32>,
      %get3A_360 = arith.index_cast %scan3A_55 : i32 to index
      %get3A_361 = arith.constant 288 : index
      %get3A_362 = tpu.vector_load %arg8[%get3A_360, %get3A_361] {strides = array<i32>} : memref<64x768xf32, #tpu.memory_space<vmem>>, vector<1x16xf32>,
      %get3A_363 = vector.shape_cast %get3A_362 : vector<1x16xf32> to vector<16xf32>
      %mul3A_364 = arith.constant 27.7128124 : f32
      %mul3A_365 = vector.broadcast %mul3A_364 : f32 to vector<16xf32>
      %mul3A_366 = arith.mulf %get3A_363, %mul3A_365 : vector<16xf32>
      %get3A_367 = arith.index_cast %scan3A_55 : i32 to index
      %get3A_368 = arith.constant 288 : index
      %get3A_369 = tpu.vector_load %arg7[%get3A_367, %get3A_368] {strides = array<i32>} : memref<64x768xf32, #tpu.memory_space<vmem>>, vector<1x16xf32>,
      %get3A_370 = vector.shape_cast %get3A_369 : vector<1x16xf32> to vector<16xf32>
      %add3A_371 = arith.addf %mul3A_366, %get3A_370 : vector<16xf32>
      %swap3A_372 = arith.index_cast %scan3A_55 : i32 to index
      %swap3A_373 = arith.constant 288 : index
      %swap3A_374 = tpu.vector_load %arg8[%swap3A_372, %swap3A_373] {strides = array<i32>} : memref<64x768xf32, #tpu.memory_space<vmem>>, vector<1x16xf32>,
      %swap3A_375 = vector.shape_cast %swap3A_374 : vector<1x16xf32> to vector<16xf32>
      %swap3A_376 = vector.shape_cast %add3A_371 : vector<16xf32> to vector<1x16xf32>
      tpu.vector_store %arg8[%swap3A_372, %swap3A_373], %swap3A_376 {strides = array<i32>} : memref<64x768xf32, #tpu.memory_space<vmem>>, vector<1x16xf32>,
      %get3A_377 = arith.index_cast %scan3A_55 : i32 to index
      %get3A_378 = arith.constant 304 : index
      %get3A_379 = tpu.vector_load %arg8[%get3A_377, %get3A_378] {strides = array<i32>} : memref<64x768xf32, #tpu.memory_space<vmem>>, vector<1x16xf32>,
      %get3A_380 = vector.shape_cast %get3A_379 : vector<1x16xf32> to vector<16xf32>
      %mul3A_381 = arith.constant 27.7128124 : f32
      %mul3A_382 = vector.broadcast %mul3A_381 : f32 to vector<16xf32>
      %mul3A_383 = arith.mulf %get3A_380, %mul3A_382 : vector<16xf32>
      %get3A_384 = arith.index_cast %scan3A_55 : i32 to index
      %get3A_385 = arith.constant 304 : index
      %get3A_386 = tpu.vector_load %arg7[%get3A_384, %get3A_385] {strides = array<i32>} : memref<64x768xf32, #tpu.memory_space<vmem>>, vector<1x16xf32>,
      %get3A_387 = vector.shape_cast %get3A_386 : vector<1x16xf32> to vector<16xf32>
      %add3A_388 = arith.addf %mul3A_383, %get3A_387 : vector<16xf32>
      %swap3A_389 = arith.index_cast %scan3A_55 : i32 to index
      %swap3A_390 = arith.constant 304 : index
      %swap3A_391 = tpu.vector_load %arg8[%swap3A_389, %swap3A_390] {strides = array<i32>} : memref<64x768xf32, #tpu.memory_space<vmem>>, vector<1x16xf32>,
      %swap3A_392 = vector.shape_cast %swap3A_391 : vector<1x16xf32> to vector<16xf32>
      %swap3A_393 = vector.shape_cast %add3A_388 : vector<16xf32> to vector<1x16xf32>
      tpu.vector_store %arg8[%swap3A_389, %swap3A_390], %swap3A_393 {strides = array<i32>} : memref<64x768xf32, #tpu.memory_space<vmem>>, vector<1x16xf32>,
      %get3A_394 = arith.index_cast %scan3A_55 : i32 to index
      %get3A_395 = arith.constant 320 : index
      %get3A_396 = tpu.vector_load %arg8[%get3A_394, %get3A_395] {strides = array<i32>} : memref<64x768xf32, #tpu.memory_space<vmem>>, vector<1x16xf32>,
      %get3A_397 = vector.shape_cast %get3A_396 : vector<1x16xf32> to vector<16xf32>
      %mul3A_398 = arith.constant 27.7128124 : f32
      %mul3A_399 = vector.broadcast %mul3A_398 : f32 to vector<16xf32>
      %mul3A_400 = arith.mulf %get3A_397, %mul3A_399 : vector<16xf32>
      %get3A_401 = arith.index_cast %scan3A_55 : i32 to index
      %get3A_402 = arith.constant 320 : index
      %get3A_403 = tpu.vector_load %arg7[%get3A_401, %get3A_402] {strides = array<i32>} : memref<64x768xf32, #tpu.memory_space<vmem>>, vector<1x16xf32>,
      %get3A_404 = vector.shape_cast %get3A_403 : vector<1x16xf32> to vector<16xf32>
      %add3A_405 = arith.addf %mul3A_400, %get3A_404 : vector<16xf32>
      %swap3A_406 = arith.index_cast %scan3A_55 : i32 to index
      %swap3A_407 = arith.constant 320 : index
      %swap3A_408 = tpu.vector_load %arg8[%swap3A_406, %swap3A_407] {strides = array<i32>} : memref<64x768xf32, #tpu.memory_space<vmem>>, vector<1x16xf32>,
      %swap3A_409 = vector.shape_cast %swap3A_408 : vector<1x16xf32> to vector<16xf32>
      %swap3A_410 = vector.shape_cast %add3A_405 : vector<16xf32> to vector<1x16xf32>
      tpu.vector_store %arg8[%swap3A_406, %swap3A_407], %swap3A_410 {strides = array<i32>} : memref<64x768xf32, #tpu.memory_space<vmem>>, vector<1x16xf32>,
      %get3A_411 = arith.index_cast %scan3A_55 : i32 to index
      %get3A_412 = arith.constant 336 : index
      %get3A_413 = tpu.vector_load %arg8[%get3A_411, %get3A_412] {strides = array<i32>} : memref<64x768xf32, #tpu.memory_space<vmem>>, vector<1x16xf32>,
      %get3A_414 = vector.shape_cast %get3A_413 : vector<1x16xf32> to vector<16xf32>
      %mul3A_415 = arith.constant 27.7128124 : f32
      %mul3A_416 = vector.broadcast %mul3A_415 : f32 to vector<16xf32>
      %mul3A_417 = arith.mulf %get3A_414, %mul3A_416 : vector<16xf32>
      %get3A_418 = arith.index_cast %scan3A_55 : i32 to index
      %get3A_419 = arith.constant 336 : index
      %get3A_420 = tpu.vector_load %arg7[%get3A_418, %get3A_419] {strides = array<i32>} : memref<64x768xf32, #tpu.memory_space<vmem>>, vector<1x16xf32>,
      %get3A_421 = vector.shape_cast %get3A_420 : vector<1x16xf32> to vector<16xf32>
      %add3A_422 = arith.addf %mul3A_417, %get3A_421 : vector<16xf32>
      %swap3A_423 = arith.index_cast %scan3A_55 : i32 to index
      %swap3A_424 = arith.constant 336 : index
      %swap3A_425 = tpu.vector_load %arg8[%swap3A_423, %swap3A_424] {strides = array<i32>} : memref<64x768xf32, #tpu.memory_space<vmem>>, vector<1x16xf32>,
      %swap3A_426 = vector.shape_cast %swap3A_425 : vector<1x16xf32> to vector<16xf32>
      %swap3A_427 = vector.shape_cast %add3A_422 : vector<16xf32> to vector<1x16xf32>
      tpu.vector_store %arg8[%swap3A_423, %swap3A_424], %swap3A_427 {strides = array<i32>} : memref<64x768xf32, #tpu.memory_space<vmem>>, vector<1x16xf32>,
      %get3A_428 = arith.index_cast %scan3A_55 : i32 to index
      %get3A_429 = arith.constant 352 : index
      %get3A_430 = tpu.vector_load %arg8[%get3A_428, %get3A_429] {strides = array<i32>} : memref<64x768xf32, #tpu.memory_space<vmem>>, vector<1x16xf32>,
      %get3A_431 = vector.shape_cast %get3A_430 : vector<1x16xf32> to vector<16xf32>
      %mul3A_432 = arith.constant 27.7128124 : f32
      %mul3A_433 = vector.broadcast %mul3A_432 : f32 to vector<16xf32>
      %mul3A_434 = arith.mulf %get3A_431, %mul3A_433 : vector<16xf32>
      %get3A_435 = arith.index_cast %scan3A_55 : i32 to index
      %get3A_436 = arith.constant 352 : index
      %get3A_437 = tpu.vector_load %arg7[%get3A_435, %get3A_436] {strides = array<i32>} : memref<64x768xf32, #tpu.memory_space<vmem>>, vector<1x16xf32>,
      %get3A_438 = vector.shape_cast %get3A_437 : vector<1x16xf32> to vector<16xf32>
      %add3A_439 = arith.addf %mul3A_434, %get3A_438 : vector<16xf32>
      %swap3A_440 = arith.index_cast %scan3A_55 : i32 to index
      %swap3A_441 = arith.constant 352 : index
      %swap3A_442 = tpu.vector_load %arg8[%swap3A_440, %swap3A_441] {strides = array<i32>} : memref<64x768xf32, #tpu.memory_space<vmem>>, vector<1x16xf32>,
      %swap3A_443 = vector.shape_cast %swap3A_442 : vector<1x16xf32> to vector<16xf32>
      %swap3A_444 = vector.shape_cast %add3A_439 : vector<16xf32> to vector<1x16xf32>
      tpu.vector_store %arg8[%swap3A_440, %swap3A_441], %swap3A_444 {strides = array<i32>} : memref<64x768xf32, #tpu.memory_space<vmem>>, vector<1x16xf32>,
      %get3A_445 = arith.index_cast %scan3A_55 : i32 to index
      %get3A_446 = arith.constant 368 : index
      %get3A_447 = tpu.vector_load %arg8[%get3A_445, %get3A_446] {strides = array<i32>} : memref<64x768xf32, #tpu.memory_space<vmem>>, vector<1x16xf32>,
      %get3A_448 = vector.shape_cast %get3A_447 : vector<1x16xf32> to vector<16xf32>
      %mul3A_449 = arith.constant 27.7128124 : f32
      %mul3A_450 = vector.broadcast %mul3A_449 : f32 to vector<16xf32>
      %mul3A_451 = arith.mulf %get3A_448, %mul3A_450 : vector<16xf32>
      %get3A_452 = arith.index_cast %scan3A_55 : i32 to index
      %get3A_453 = arith.constant 368 : index
      %get3A_454 = tpu.vector_load %arg7[%get3A_452, %get3A_453] {strides = array<i32>} : memref<64x768xf32, #tpu.memory_space<vmem>>, vector<1x16xf32>,
      %get3A_455 = vector.shape_cast %get3A_454 : vector<1x16xf32> to vector<16xf32>
      %add3A_456 = arith.addf %mul3A_451, %get3A_455 : vector<16xf32>
      %swap3A_457 = arith.index_cast %scan3A_55 : i32 to index
      %swap3A_458 = arith.constant 368 : index
      %swap3A_459 = tpu.vector_load %arg8[%swap3A_457, %swap3A_458] {strides = array<i32>} : memref<64x768xf32, #tpu.memory_space<vmem>>, vector<1x16xf32>,
      %swap3A_460 = vector.shape_cast %swap3A_459 : vector<1x16xf32> to vector<16xf32>
      %swap3A_461 = vector.shape_cast %add3A_456 : vector<16xf32> to vector<1x16xf32>
      tpu.vector_store %arg8[%swap3A_457, %swap3A_458], %swap3A_461 {strides = array<i32>} : memref<64x768xf32, #tpu.memory_space<vmem>>, vector<1x16xf32>,
      %get3A_462 = arith.index_cast %scan3A_55 : i32 to index
      %get3A_463 = arith.constant 384 : index
      %get3A_464 = tpu.vector_load %arg8[%get3A_462, %get3A_463] {strides = array<i32>} : memref<64x768xf32, #tpu.memory_space<vmem>>, vector<1x16xf32>,
      %get3A_465 = vector.shape_cast %get3A_464 : vector<1x16xf32> to vector<16xf32>
      %mul3A_466 = arith.constant 27.7128124 : f32
      %mul3A_467 = vector.broadcast %mul3A_466 : f32 to vector<16xf32>
      %mul3A_468 = arith.mulf %get3A_465, %mul3A_467 : vector<16xf32>
      %get3A_469 = arith.index_cast %scan3A_55 : i32 to index
      %get3A_470 = arith.constant 384 : index
      %get3A_471 = tpu.vector_load %arg7[%get3A_469, %get3A_470] {strides = array<i32>} : memref<64x768xf32, #tpu.memory_space<vmem>>, vector<1x16xf32>,
      %get3A_472 = vector.shape_cast %get3A_471 : vector<1x16xf32> to vector<16xf32>
      %add3A_473 = arith.addf %mul3A_468, %get3A_472 : vector<16xf32>
      %swap3A_474 = arith.index_cast %scan3A_55 : i32 to index
      %swap3A_475 = arith.constant 384 : index
      %swap3A_476 = tpu.vector_load %arg8[%swap3A_474, %swap3A_475] {strides = array<i32>} : memref<64x768xf32, #tpu.memory_space<vmem>>, vector<1x16xf32>,
      %swap3A_477 = vector.shape_cast %swap3A_476 : vector<1x16xf32> to vector<16xf32>
      %swap3A_478 = vector.shape_cast %add3A_473 : vector<16xf32> to vector<1x16xf32>
      tpu.vector_store %arg8[%swap3A_474, %swap3A_475], %swap3A_478 {strides = array<i32>} : memref<64x768xf32, #tpu.memory_space<vmem>>, vector<1x16xf32>,
      %get3A_479 = arith.index_cast %scan3A_55 : i32 to index
      %get3A_480 = arith.constant 400 : index
      %get3A_481 = tpu.vector_load %arg8[%get3A_479, %get3A_480] {strides = array<i32>} : memref<64x768xf32, #tpu.memory_space<vmem>>, vector<1x16xf32>,
      %get3A_482 = vector.shape_cast %get3A_481 : vector<1x16xf32> to vector<16xf32>
      %mul3A_483 = arith.constant 27.7128124 : f32
      %mul3A_484 = vector.broadcast %mul3A_483 : f32 to vector<16xf32>
      %mul3A_485 = arith.mulf %get3A_482, %mul3A_484 : vector<16xf32>
      %get3A_486 = arith.index_cast %scan3A_55 : i32 to index
      %get3A_487 = arith.constant 400 : index
      %get3A_488 = tpu.vector_load %arg7[%get3A_486, %get3A_487] {strides = array<i32>} : memref<64x768xf32, #tpu.memory_space<vmem>>, vector<1x16xf32>,
      %get3A_489 = vector.shape_cast %get3A_488 : vector<1x16xf32> to vector<16xf32>
      %add3A_490 = arith.addf %mul3A_485, %get3A_489 : vector<16xf32>
      %swap3A_491 = arith.index_cast %scan3A_55 : i32 to index
      %swap3A_492 = arith.constant 400 : index
      %swap3A_493 = tpu.vector_load %arg8[%swap3A_491, %swap3A_492] {strides = array<i32>} : memref<64x768xf32, #tpu.memory_space<vmem>>, vector<1x16xf32>,
      %swap3A_494 = vector.shape_cast %swap3A_493 : vector<1x16xf32> to vector<16xf32>
      %swap3A_495 = vector.shape_cast %add3A_490 : vector<16xf32> to vector<1x16xf32>
      tpu.vector_store %arg8[%swap3A_491, %swap3A_492], %swap3A_495 {strides = array<i32>} : memref<64x768xf32, #tpu.memory_space<vmem>>, vector<1x16xf32>,
      %get3A_496 = arith.index_cast %scan3A_55 : i32 to index
      %get3A_497 = arith.constant 416 : index
      %get3A_498 = tpu.vector_load %arg8[%get3A_496, %get3A_497] {strides = array<i32>} : memref<64x768xf32, #tpu.memory_space<vmem>>, vector<1x16xf32>,
      %get3A_499 = vector.shape_cast %get3A_498 : vector<1x16xf32> to vector<16xf32>
      %mul3A_500 = arith.constant 27.7128124 : f32
      %mul3A_501 = vector.broadcast %mul3A_500 : f32 to vector<16xf32>
      %mul3A_502 = arith.mulf %get3A_499, %mul3A_501 : vector<16xf32>
      %get3A_503 = arith.index_cast %scan3A_55 : i32 to index
      %get3A_504 = arith.constant 416 : index
      %get3A_505 = tpu.vector_load %arg7[%get3A_503, %get3A_504] {strides = array<i32>} : memref<64x768xf32, #tpu.memory_space<vmem>>, vector<1x16xf32>,
      %get3A_506 = vector.shape_cast %get3A_505 : vector<1x16xf32> to vector<16xf32>
      %add3A_507 = arith.addf %mul3A_502, %get3A_506 : vector<16xf32>
      %swap3A_508 = arith.index_cast %scan3A_55 : i32 to index
      %swap3A_509 = arith.constant 416 : index
      %swap3A_510 = tpu.vector_load %arg8[%swap3A_508, %swap3A_509] {strides = array<i32>} : memref<64x768xf32, #tpu.memory_space<vmem>>, vector<1x16xf32>,
      %swap3A_511 = vector.shape_cast %swap3A_510 : vector<1x16xf32> to vector<16xf32>
      %swap3A_512 = vector.shape_cast %add3A_507 : vector<16xf32> to vector<1x16xf32>
      tpu.vector_store %arg8[%swap3A_508, %swap3A_509], %swap3A_512 {strides = array<i32>} : memref<64x768xf32, #tpu.memory_space<vmem>>, vector<1x16xf32>,
      %get3A_513 = arith.index_cast %scan3A_55 : i32 to index
      %get3A_514 = arith.constant 432 : index
      %get3A_515 = tpu.vector_load %arg8[%get3A_513, %get3A_514] {strides = array<i32>} : memref<64x768xf32, #tpu.memory_space<vmem>>, vector<1x16xf32>,
      %get3A_516 = vector.shape_cast %get3A_515 : vector<1x16xf32> to vector<16xf32>
      %mul3A_517 = arith.constant 27.7128124 : f32
      %mul3A_518 = vector.broadcast %mul3A_517 : f32 to vector<16xf32>
      %mul3A_519 = arith.mulf %get3A_516, %mul3A_518 : vector<16xf32>
      %get3A_520 = arith.index_cast %scan3A_55 : i32 to index
      %get3A_521 = arith.constant 432 : index
      %get3A_522 = tpu.vector_load %arg7[%get3A_520, %get3A_521] {strides = array<i32>} : memref<64x768xf32, #tpu.memory_space<vmem>>, vector<1x16xf32>,
      %get3A_523 = vector.shape_cast %get3A_522 : vector<1x16xf32> to vector<16xf32>
      %add3A_524 = arith.addf %mul3A_519, %get3A_523 : vector<16xf32>
      %swap3A_525 = arith.index_cast %scan3A_55 : i32 to index
      %swap3A_526 = arith.constant 432 : index
      %swap3A_527 = tpu.vector_load %arg8[%swap3A_525, %swap3A_526] {strides = array<i32>} : memref<64x768xf32, #tpu.memory_space<vmem>>, vector<1x16xf32>,
      %swap3A_528 = vector.shape_cast %swap3A_527 : vector<1x16xf32> to vector<16xf32>
      %swap3A_529 = vector.shape_cast %add3A_524 : vector<16xf32> to vector<1x16xf32>
      tpu.vector_store %arg8[%swap3A_525, %swap3A_526], %swap3A_529 {strides = array<i32>} : memref<64x768xf32, #tpu.memory_space<vmem>>, vector<1x16xf32>,
      %get3A_530 = arith.index_cast %scan3A_55 : i32 to index
      %get3A_531 = arith.constant 448 : index
      %get3A_532 = tpu.vector_load %arg8[%get3A_530, %get3A_531] {strides = array<i32>} : memref<64x768xf32, #tpu.memory_space<vmem>>, vector<1x16xf32>,
      %get3A_533 = vector.shape_cast %get3A_532 : vector<1x16xf32> to vector<16xf32>
      %mul3A_534 = arith.constant 27.7128124 : f32
      %mul3A_535 = vector.broadcast %mul3A_534 : f32 to vector<16xf32>
      %mul3A_536 = arith.mulf %get3A_533, %mul3A_535 : vector<16xf32>
      %get3A_537 = arith.index_cast %scan3A_55 : i32 to index
      %get3A_538 = arith.constant 448 : index
      %get3A_539 = tpu.vector_load %arg7[%get3A_537, %get3A_538] {strides = array<i32>} : memref<64x768xf32, #tpu.memory_space<vmem>>, vector<1x16xf32>,
      %get3A_540 = vector.shape_cast %get3A_539 : vector<1x16xf32> to vector<16xf32>
      %add3A_541 = arith.addf %mul3A_536, %get3A_540 : vector<16xf32>
      %swap3A_542 = arith.index_cast %scan3A_55 : i32 to index
      %swap3A_543 = arith.constant 448 : index
      %swap3A_544 = tpu.vector_load %arg8[%swap3A_542, %swap3A_543] {strides = array<i32>} : memref<64x768xf32, #tpu.memory_space<vmem>>, vector<1x16xf32>,
      %swap3A_545 = vector.shape_cast %swap3A_544 : vector<1x16xf32> to vector<16xf32>
      %swap3A_546 = vector.shape_cast %add3A_541 : vector<16xf32> to vector<1x16xf32>
      tpu.vector_store %arg8[%swap3A_542, %swap3A_543], %swap3A_546 {strides = array<i32>} : memref<64x768xf32, #tpu.memory_space<vmem>>, vector<1x16xf32>,
      %get3A_547 = arith.index_cast %scan3A_55 : i32 to index
      %get3A_548 = arith.constant 464 : index
      %get3A_549 = tpu.vector_load %arg8[%get3A_547, %get3A_548] {strides = array<i32>} : memref<64x768xf32, #tpu.memory_space<vmem>>, vector<1x16xf32>,
      %get3A_550 = vector.shape_cast %get3A_549 : vector<1x16xf32> to vector<16xf32>
      %mul3A_551 = arith.constant 27.7128124 : f32
      %mul3A_552 = vector.broadcast %mul3A_551 : f32 to vector<16xf32>
      %mul3A_553 = arith.mulf %get3A_550, %mul3A_552 : vector<16xf32>
      %get3A_554 = arith.index_cast %scan3A_55 : i32 to index
      %get3A_555 = arith.constant 464 : index
      %get3A_556 = tpu.vector_load %arg7[%get3A_554, %get3A_555] {strides = array<i32>} : memref<64x768xf32, #tpu.memory_space<vmem>>, vector<1x16xf32>,
      %get3A_557 = vector.shape_cast %get3A_556 : vector<1x16xf32> to vector<16xf32>
      %add3A_558 = arith.addf %mul3A_553, %get3A_557 : vector<16xf32>
      %swap3A_559 = arith.index_cast %scan3A_55 : i32 to index
      %swap3A_560 = arith.constant 464 : index
      %swap3A_561 = tpu.vector_load %arg8[%swap3A_559, %swap3A_560] {strides = array<i32>} : memref<64x768xf32, #tpu.memory_space<vmem>>, vector<1x16xf32>,
      %swap3A_562 = vector.shape_cast %swap3A_561 : vector<1x16xf32> to vector<16xf32>
      %swap3A_563 = vector.shape_cast %add3A_558 : vector<16xf32> to vector<1x16xf32>
      tpu.vector_store %arg8[%swap3A_559, %swap3A_560], %swap3A_563 {strides = array<i32>} : memref<64x768xf32, #tpu.memory_space<vmem>>, vector<1x16xf32>,
      %get3A_564 = arith.index_cast %scan3A_55 : i32 to index
      %get3A_565 = arith.constant 480 : index
      %get3A_566 = tpu.vector_load %arg8[%get3A_564, %get3A_565] {strides = array<i32>} : memref<64x768xf32, #tpu.memory_space<vmem>>, vector<1x16xf32>,
      %get3A_567 = vector.shape_cast %get3A_566 : vector<1x16xf32> to vector<16xf32>
      %mul3A_568 = arith.constant 27.7128124 : f32
      %mul3A_569 = vector.broadcast %mul3A_568 : f32 to vector<16xf32>
      %mul3A_570 = arith.mulf %get3A_567, %mul3A_569 : vector<16xf32>
      %get3A_571 = arith.index_cast %scan3A_55 : i32 to index
      %get3A_572 = arith.constant 480 : index
      %get3A_573 = tpu.vector_load %arg7[%get3A_571, %get3A_572] {strides = array<i32>} : memref<64x768xf32, #tpu.memory_space<vmem>>, vector<1x16xf32>,
      %get3A_574 = vector.shape_cast %get3A_573 : vector<1x16xf32> to vector<16xf32>
      %add3A_575 = arith.addf %mul3A_570, %get3A_574 : vector<16xf32>
      %swap3A_576 = arith.index_cast %scan3A_55 : i32 to index
      %swap3A_577 = arith.constant 480 : index
      %swap3A_578 = tpu.vector_load %arg8[%swap3A_576, %swap3A_577] {strides = array<i32>} : memref<64x768xf32, #tpu.memory_space<vmem>>, vector<1x16xf32>,
      %swap3A_579 = vector.shape_cast %swap3A_578 : vector<1x16xf32> to vector<16xf32>
      %swap3A_580 = vector.shape_cast %add3A_575 : vector<16xf32> to vector<1x16xf32>
      tpu.vector_store %arg8[%swap3A_576, %swap3A_577], %swap3A_580 {strides = array<i32>} : memref<64x768xf32, #tpu.memory_space<vmem>>, vector<1x16xf32>,
      %get3A_581 = arith.index_cast %scan3A_55 : i32 to index
      %get3A_582 = arith.constant 496 : index
      %get3A_583 = tpu.vector_load %arg8[%get3A_581, %get3A_582] {strides = array<i32>} : memref<64x768xf32, #tpu.memory_space<vmem>>, vector<1x16xf32>,
      %get3A_584 = vector.shape_cast %get3A_583 : vector<1x16xf32> to vector<16xf32>
      %mul3A_585 = arith.constant 27.7128124 : f32
      %mul3A_586 = vector.broadcast %mul3A_585 : f32 to vector<16xf32>
      %mul3A_587 = arith.mulf %get3A_584, %mul3A_586 : vector<16xf32>
      %get3A_588 = arith.index_cast %scan3A_55 : i32 to index
      %get3A_589 = arith.constant 496 : index
      %get3A_590 = tpu.vector_load %arg7[%get3A_588, %get3A_589] {strides = array<i32>} : memref<64x768xf32, #tpu.memory_space<vmem>>, vector<1x16xf32>,
      %get3A_591 = vector.shape_cast %get3A_590 : vector<1x16xf32> to vector<16xf32>
      %add3A_592 = arith.addf %mul3A_587, %get3A_591 : vector<16xf32>
      %swap3A_593 = arith.index_cast %scan3A_55 : i32 to index
      %swap3A_594 = arith.constant 496 : index
      %swap3A_595 = tpu.vector_load %arg8[%swap3A_593, %swap3A_594] {strides = array<i32>} : memref<64x768xf32, #tpu.memory_space<vmem>>, vector<1x16xf32>,
      %swap3A_596 = vector.shape_cast %swap3A_595 : vector<1x16xf32> to vector<16xf32>
      %swap3A_597 = vector.shape_cast %add3A_592 : vector<16xf32> to vector<1x16xf32>
      tpu.vector_store %arg8[%swap3A_593, %swap3A_594], %swap3A_597 {strides = array<i32>} : memref<64x768xf32, #tpu.memory_space<vmem>>, vector<1x16xf32>,
      %get3A_598 = arith.index_cast %scan3A_55 : i32 to index
      %get3A_599 = arith.constant 512 : index
      %get3A_600 = tpu.vector_load %arg8[%get3A_598, %get3A_599] {strides = array<i32>} : memref<64x768xf32, #tpu.memory_space<vmem>>, vector<1x16xf32>,
      %get3A_601 = vector.shape_cast %get3A_600 : vector<1x16xf32> to vector<16xf32>
      %mul3A_602 = arith.constant 27.7128124 : f32
      %mul3A_603 = vector.broadcast %mul3A_602 : f32 to vector<16xf32>
      %mul3A_604 = arith.mulf %get3A_601, %mul3A_603 : vector<16xf32>
      %get3A_605 = arith.index_cast %scan3A_55 : i32 to index
      %get3A_606 = arith.constant 512 : index
      %get3A_607 = tpu.vector_load %arg7[%get3A_605, %get3A_606] {strides = array<i32>} : memref<64x768xf32, #tpu.memory_space<vmem>>, vector<1x16xf32>,
      %get3A_608 = vector.shape_cast %get3A_607 : vector<1x16xf32> to vector<16xf32>
      %add3A_609 = arith.addf %mul3A_604, %get3A_608 : vector<16xf32>
      %swap3A_610 = arith.index_cast %scan3A_55 : i32 to index
      %swap3A_611 = arith.constant 512 : index
      %swap3A_612 = tpu.vector_load %arg8[%swap3A_610, %swap3A_611] {strides = array<i32>} : memref<64x768xf32, #tpu.memory_space<vmem>>, vector<1x16xf32>,
      %swap3A_613 = vector.shape_cast %swap3A_612 : vector<1x16xf32> to vector<16xf32>
      %swap3A_614 = vector.shape_cast %add3A_609 : vector<16xf32> to vector<1x16xf32>
      tpu.vector_store %arg8[%swap3A_610, %swap3A_611], %swap3A_614 {strides = array<i32>} : memref<64x768xf32, #tpu.memory_space<vmem>>, vector<1x16xf32>,
      %get3A_615 = arith.index_cast %scan3A_55 : i32 to index
      %get3A_616 = arith.constant 528 : index
      %get3A_617 = tpu.vector_load %arg8[%get3A_615, %get3A_616] {strides = array<i32>} : memref<64x768xf32, #tpu.memory_space<vmem>>, vector<1x16xf32>,
      %get3A_618 = vector.shape_cast %get3A_617 : vector<1x16xf32> to vector<16xf32>
      %mul3A_619 = arith.constant 27.7128124 : f32
      %mul3A_620 = vector.broadcast %mul3A_619 : f32 to vector<16xf32>
      %mul3A_621 = arith.mulf %get3A_618, %mul3A_620 : vector<16xf32>
      %get3A_622 = arith.index_cast %scan3A_55 : i32 to index
      %get3A_623 = arith.constant 528 : index
      %get3A_624 = tpu.vector_load %arg7[%get3A_622, %get3A_623] {strides = array<i32>} : memref<64x768xf32, #tpu.memory_space<vmem>>, vector<1x16xf32>,
      %get3A_625 = vector.shape_cast %get3A_624 : vector<1x16xf32> to vector<16xf32>
      %add3A_626 = arith.addf %mul3A_621, %get3A_625 : vector<16xf32>
      %swap3A_627 = arith.index_cast %scan3A_55 : i32 to index
      %swap3A_628 = arith.constant 528 : index
      %swap3A_629 = tpu.vector_load %arg8[%swap3A_627, %swap3A_628] {strides = array<i32>} : memref<64x768xf32, #tpu.memory_space<vmem>>, vector<1x16xf32>,
      %swap3A_630 = vector.shape_cast %swap3A_629 : vector<1x16xf32> to vector<16xf32>
      %swap3A_631 = vector.shape_cast %add3A_626 : vector<16xf32> to vector<1x16xf32>
      tpu.vector_store %arg8[%swap3A_627, %swap3A_628], %swap3A_631 {strides = array<i32>} : memref<64x768xf32, #tpu.memory_space<vmem>>, vector<1x16xf32>,
      %get3A_632 = arith.index_cast %scan3A_55 : i32 to index
      %get3A_633 = arith.constant 544 : index
      %get3A_634 = tpu.vector_load %arg8[%get3A_632, %get3A_633] {strides = array<i32>} : memref<64x768xf32, #tpu.memory_space<vmem>>, vector<1x16xf32>,
      %get3A_635 = vector.shape_cast %get3A_634 : vector<1x16xf32> to vector<16xf32>
      %mul3A_636 = arith.constant 27.7128124 : f32
      %mul3A_637 = vector.broadcast %mul3A_636 : f32 to vector<16xf32>
      %mul3A_638 = arith.mulf %get3A_635, %mul3A_637 : vector<16xf32>
      %get3A_639 = arith.index_cast %scan3A_55 : i32 to index
      %get3A_640 = arith.constant 544 : index
      %get3A_641 = tpu.vector_load %arg7[%get3A_639, %get3A_640] {strides = array<i32>} : memref<64x768xf32, #tpu.memory_space<vmem>>, vector<1x16xf32>,
      %get3A_642 = vector.shape_cast %get3A_641 : vector<1x16xf32> to vector<16xf32>
      %add3A_643 = arith.addf %mul3A_638, %get3A_642 : vector<16xf32>
      %swap3A_644 = arith.index_cast %scan3A_55 : i32 to index
      %swap3A_645 = arith.constant 544 : index
      %swap3A_646 = tpu.vector_load %arg8[%swap3A_644, %swap3A_645] {strides = array<i32>} : memref<64x768xf32, #tpu.memory_space<vmem>>, vector<1x16xf32>,
      %swap3A_647 = vector.shape_cast %swap3A_646 : vector<1x16xf32> to vector<16xf32>
      %swap3A_648 = vector.shape_cast %add3A_643 : vector<16xf32> to vector<1x16xf32>
      tpu.vector_store %arg8[%swap3A_644, %swap3A_645], %swap3A_648 {strides = array<i32>} : memref<64x768xf32, #tpu.memory_space<vmem>>, vector<1x16xf32>,
      %get3A_649 = arith.index_cast %scan3A_55 : i32 to index
      %get3A_650 = arith.constant 560 : index
      %get3A_651 = tpu.vector_load %arg8[%get3A_649, %get3A_650] {strides = array<i32>} : memref<64x768xf32, #tpu.memory_space<vmem>>, vector<1x16xf32>,
      %get3A_652 = vector.shape_cast %get3A_651 : vector<1x16xf32> to vector<16xf32>
      %mul3A_653 = arith.constant 27.7128124 : f32
      %mul3A_654 = vector.broadcast %mul3A_653 : f32 to vector<16xf32>
      %mul3A_655 = arith.mulf %get3A_652, %mul3A_654 : vector<16xf32>
      %get3A_656 = arith.index_cast %scan3A_55 : i32 to index
      %get3A_657 = arith.constant 560 : index
      %get3A_658 = tpu.vector_load %arg7[%get3A_656, %get3A_657] {strides = array<i32>} : memref<64x768xf32, #tpu.memory_space<vmem>>, vector<1x16xf32>,
      %get3A_659 = vector.shape_cast %get3A_658 : vector<1x16xf32> to vector<16xf32>
      %add3A_660 = arith.addf %mul3A_655, %get3A_659 : vector<16xf32>
      %swap3A_661 = arith.index_cast %scan3A_55 : i32 to index
      %swap3A_662 = arith.constant 560 : index
      %swap3A_663 = tpu.vector_load %arg8[%swap3A_661, %swap3A_662] {strides = array<i32>} : memref<64x768xf32, #tpu.memory_space<vmem>>, vector<1x16xf32>,
      %swap3A_664 = vector.shape_cast %swap3A_663 : vector<1x16xf32> to vector<16xf32>
      %swap3A_665 = vector.shape_cast %add3A_660 : vector<16xf32> to vector<1x16xf32>
      tpu.vector_store %arg8[%swap3A_661, %swap3A_662], %swap3A_665 {strides = array<i32>} : memref<64x768xf32, #tpu.memory_space<vmem>>, vector<1x16xf32>,
      %get3A_666 = arith.index_cast %scan3A_55 : i32 to index
      %get3A_667 = arith.constant 576 : index
      %get3A_668 = tpu.vector_load %arg8[%get3A_666, %get3A_667] {strides = array<i32>} : memref<64x768xf32, #tpu.memory_space<vmem>>, vector<1x16xf32>,
      %get3A_669 = vector.shape_cast %get3A_668 : vector<1x16xf32> to vector<16xf32>
      %mul3A_670 = arith.constant 27.7128124 : f32
      %mul3A_671 = vector.broadcast %mul3A_670 : f32 to vector<16xf32>
      %mul3A_672 = arith.mulf %get3A_669, %mul3A_671 : vector<16xf32>
      %get3A_673 = arith.index_cast %scan3A_55 : i32 to index
      %get3A_674 = arith.constant 576 : index
      %get3A_675 = tpu.vector_load %arg7[%get3A_673, %get3A_674] {strides = array<i32>} : memref<64x768xf32, #tpu.memory_space<vmem>>, vector<1x16xf32>,
      %get3A_676 = vector.shape_cast %get3A_675 : vector<1x16xf32> to vector<16xf32>
      %add3A_677 = arith.addf %mul3A_672, %get3A_676 : vector<16xf32>
      %swap3A_678 = arith.index_cast %scan3A_55 : i32 to index
      %swap3A_679 = arith.constant 576 : index
      %swap3A_680 = tpu.vector_load %arg8[%swap3A_678, %swap3A_679] {strides = array<i32>} : memref<64x768xf32, #tpu.memory_space<vmem>>, vector<1x16xf32>,
      %swap3A_681 = vector.shape_cast %swap3A_680 : vector<1x16xf32> to vector<16xf32>
      %swap3A_682 = vector.shape_cast %add3A_677 : vector<16xf32> to vector<1x16xf32>
      tpu.vector_store %arg8[%swap3A_678, %swap3A_679], %swap3A_682 {strides = array<i32>} : memref<64x768xf32, #tpu.memory_space<vmem>>, vector<1x16xf32>,
      %get3A_683 = arith.index_cast %scan3A_55 : i32 to index
      %get3A_684 = arith.constant 592 : index
      %get3A_685 = tpu.vector_load %arg8[%get3A_683, %get3A_684] {strides = array<i32>} : memref<64x768xf32, #tpu.memory_space<vmem>>, vector<1x16xf32>,
      %get3A_686 = vector.shape_cast %get3A_685 : vector<1x16xf32> to vector<16xf32>
      %mul3A_687 = arith.constant 27.7128124 : f32
      %mul3A_688 = vector.broadcast %mul3A_687 : f32 to vector<16xf32>
      %mul3A_689 = arith.mulf %get3A_686, %mul3A_688 : vector<16xf32>
      %get3A_690 = arith.index_cast %scan3A_55 : i32 to index
      %get3A_691 = arith.constant 592 : index
      %get3A_692 = tpu.vector_load %arg7[%get3A_690, %get3A_691] {strides = array<i32>} : memref<64x768xf32, #tpu.memory_space<vmem>>, vector<1x16xf32>,
      %get3A_693 = vector.shape_cast %get3A_692 : vector<1x16xf32> to vector<16xf32>
      %add3A_694 = arith.addf %mul3A_689, %get3A_693 : vector<16xf32>
      %swap3A_695 = arith.index_cast %scan3A_55 : i32 to index
      %swap3A_696 = arith.constant 592 : index
      %swap3A_697 = tpu.vector_load %arg8[%swap3A_695, %swap3A_696] {strides = array<i32>} : memref<64x768xf32, #tpu.memory_space<vmem>>, vector<1x16xf32>,
      %swap3A_698 = vector.shape_cast %swap3A_697 : vector<1x16xf32> to vector<16xf32>
      %swap3A_699 = vector.shape_cast %add3A_694 : vector<16xf32> to vector<1x16xf32>
      tpu.vector_store %arg8[%swap3A_695, %swap3A_696], %swap3A_699 {strides = array<i32>} : memref<64x768xf32, #tpu.memory_space<vmem>>, vector<1x16xf32>,
      %get3A_700 = arith.index_cast %scan3A_55 : i32 to index
      %get3A_701 = arith.constant 608 : index
      %get3A_702 = tpu.vector_load %arg8[%get3A_700, %get3A_701] {strides = array<i32>} : memref<64x768xf32, #tpu.memory_space<vmem>>, vector<1x16xf32>,
      %get3A_703 = vector.shape_cast %get3A_702 : vector<1x16xf32> to vector<16xf32>
      %mul3A_704 = arith.constant 27.7128124 : f32
      %mul3A_705 = vector.broadcast %mul3A_704 : f32 to vector<16xf32>
      %mul3A_706 = arith.mulf %get3A_703, %mul3A_705 : vector<16xf32>
      %get3A_707 = arith.index_cast %scan3A_55 : i32 to index
      %get3A_708 = arith.constant 608 : index
      %get3A_709 = tpu.vector_load %arg7[%get3A_707, %get3A_708] {strides = array<i32>} : memref<64x768xf32, #tpu.memory_space<vmem>>, vector<1x16xf32>,
      %get3A_710 = vector.shape_cast %get3A_709 : vector<1x16xf32> to vector<16xf32>
      %add3A_711 = arith.addf %mul3A_706, %get3A_710 : vector<16xf32>
      %swap3A_712 = arith.index_cast %scan3A_55 : i32 to index
      %swap3A_713 = arith.constant 608 : index
      %swap3A_714 = tpu.vector_load %arg8[%swap3A_712, %swap3A_713] {strides = array<i32>} : memref<64x768xf32, #tpu.memory_space<vmem>>, vector<1x16xf32>,
      %swap3A_715 = vector.shape_cast %swap3A_714 : vector<1x16xf32> to vector<16xf32>
      %swap3A_716 = vector.shape_cast %add3A_711 : vector<16xf32> to vector<1x16xf32>
      tpu.vector_store %arg8[%swap3A_712, %swap3A_713], %swap3A_716 {strides = array<i32>} : memref<64x768xf32, #tpu.memory_space<vmem>>, vector<1x16xf32>,
      %get3A_717 = arith.index_cast %scan3A_55 : i32 to index
      %get3A_718 = arith.constant 624 : index
      %get3A_719 = tpu.vector_load %arg8[%get3A_717, %get3A_718] {strides = array<i32>} : memref<64x768xf32, #tpu.memory_space<vmem>>, vector<1x16xf32>,
      %get3A_720 = vector.shape_cast %get3A_719 : vector<1x16xf32> to vector<16xf32>
      %mul3A_721 = arith.constant 27.7128124 : f32
      %mul3A_722 = vector.broadcast %mul3A_721 : f32 to vector<16xf32>
      %mul3A_723 = arith.mulf %get3A_720, %mul3A_722 : vector<16xf32>
      %get3A_724 = arith.index_cast %scan3A_55 : i32 to index
      %get3A_725 = arith.constant 624 : index
      %get3A_726 = tpu.vector_load %arg7[%get3A_724, %get3A_725] {strides = array<i32>} : memref<64x768xf32, #tpu.memory_space<vmem>>, vector<1x16xf32>,
      %get3A_727 = vector.shape_cast %get3A_726 : vector<1x16xf32> to vector<16xf32>
      %add3A_728 = arith.addf %mul3A_723, %get3A_727 : vector<16xf32>
      %swap3A_729 = arith.index_cast %scan3A_55 : i32 to index
      %swap3A_730 = arith.constant 624 : index
      %swap3A_731 = tpu.vector_load %arg8[%swap3A_729, %swap3A_730] {strides = array<i32>} : memref<64x768xf32, #tpu.memory_space<vmem>>, vector<1x16xf32>,
      %swap3A_732 = vector.shape_cast %swap3A_731 : vector<1x16xf32> to vector<16xf32>
      %swap3A_733 = vector.shape_cast %add3A_728 : vector<16xf32> to vector<1x16xf32>
      tpu.vector_store %arg8[%swap3A_729, %swap3A_730], %swap3A_733 {strides = array<i32>} : memref<64x768xf32, #tpu.memory_space<vmem>>, vector<1x16xf32>,
      %get3A_734 = arith.index_cast %scan3A_55 : i32 to index
      %get3A_735 = arith.constant 640 : index
      %get3A_736 = tpu.vector_load %arg8[%get3A_734, %get3A_735] {strides = array<i32>} : memref<64x768xf32, #tpu.memory_space<vmem>>, vector<1x16xf32>,
      %get3A_737 = vector.shape_cast %get3A_736 : vector<1x16xf32> to vector<16xf32>
      %mul3A_738 = arith.constant 27.7128124 : f32
      %mul3A_739 = vector.broadcast %mul3A_738 : f32 to vector<16xf32>
      %mul3A_740 = arith.mulf %get3A_737, %mul3A_739 : vector<16xf32>
      %get3A_741 = arith.index_cast %scan3A_55 : i32 to index
      %get3A_742 = arith.constant 640 : index
      %get3A_743 = tpu.vector_load %arg7[%get3A_741, %get3A_742] {strides = array<i32>} : memref<64x768xf32, #tpu.memory_space<vmem>>, vector<1x16xf32>,
      %get3A_744 = vector.shape_cast %get3A_743 : vector<1x16xf32> to vector<16xf32>
      %add3A_745 = arith.addf %mul3A_740, %get3A_744 : vector<16xf32>
      %swap3A_746 = arith.index_cast %scan3A_55 : i32 to index
      %swap3A_747 = arith.constant 640 : index
      %swap3A_748 = tpu.vector_load %arg8[%swap3A_746, %swap3A_747] {strides = array<i32>} : memref<64x768xf32, #tpu.memory_space<vmem>>, vector<1x16xf32>,
      %swap3A_749 = vector.shape_cast %swap3A_748 : vector<1x16xf32> to vector<16xf32>
      %swap3A_750 = vector.shape_cast %add3A_745 : vector<16xf32> to vector<1x16xf32>
      tpu.vector_store %arg8[%swap3A_746, %swap3A_747], %swap3A_750 {strides = array<i32>} : memref<64x768xf32, #tpu.memory_space<vmem>>, vector<1x16xf32>,
      %get3A_751 = arith.index_cast %scan3A_55 : i32 to index
      %get3A_752 = arith.constant 656 : index
      %get3A_753 = tpu.vector_load %arg8[%get3A_751, %get3A_752] {strides = array<i32>} : memref<64x768xf32, #tpu.memory_space<vmem>>, vector<1x16xf32>,
      %get3A_754 = vector.shape_cast %get3A_753 : vector<1x16xf32> to vector<16xf32>
      %mul3A_755 = arith.constant 27.7128124 : f32
      %mul3A_756 = vector.broadcast %mul3A_755 : f32 to vector<16xf32>
      %mul3A_757 = arith.mulf %get3A_754, %mul3A_756 : vector<16xf32>
      %get3A_758 = arith.index_cast %scan3A_55 : i32 to index
      %get3A_759 = arith.constant 656 : index
      %get3A_760 = tpu.vector_load %arg7[%get3A_758, %get3A_759] {strides = array<i32>} : memref<64x768xf32, #tpu.memory_space<vmem>>, vector<1x16xf32>,
      %get3A_761 = vector.shape_cast %get3A_760 : vector<1x16xf32> to vector<16xf32>
      %add3A_762 = arith.addf %mul3A_757, %get3A_761 : vector<16xf32>
      %swap3A_763 = arith.index_cast %scan3A_55 : i32 to index
      %swap3A_764 = arith.constant 656 : index
      %swap3A_765 = tpu.vector_load %arg8[%swap3A_763, %swap3A_764] {strides = array<i32>} : memref<64x768xf32, #tpu.memory_space<vmem>>, vector<1x16xf32>,
      %swap3A_766 = vector.shape_cast %swap3A_765 : vector<1x16xf32> to vector<16xf32>
      %swap3A_767 = vector.shape_cast %add3A_762 : vector<16xf32> to vector<1x16xf32>
      tpu.vector_store %arg8[%swap3A_763, %swap3A_764], %swap3A_767 {strides = array<i32>} : memref<64x768xf32, #tpu.memory_space<vmem>>, vector<1x16xf32>,
      %get3A_768 = arith.index_cast %scan3A_55 : i32 to index
      %get3A_769 = arith.constant 672 : index
      %get3A_770 = tpu.vector_load %arg8[%get3A_768, %get3A_769] {strides = array<i32>} : memref<64x768xf32, #tpu.memory_space<vmem>>, vector<1x16xf32>,
      %get3A_771 = vector.shape_cast %get3A_770 : vector<1x16xf32> to vector<16xf32>
      %mul3A_772 = arith.constant 27.7128124 : f32
      %mul3A_773 = vector.broadcast %mul3A_772 : f32 to vector<16xf32>
      %mul3A_774 = arith.mulf %get3A_771, %mul3A_773 : vector<16xf32>
      %get3A_775 = arith.index_cast %scan3A_55 : i32 to index
      %get3A_776 = arith.constant 672 : index
      %get3A_777 = tpu.vector_load %arg7[%get3A_775, %get3A_776] {strides = array<i32>} : memref<64x768xf32, #tpu.memory_space<vmem>>, vector<1x16xf32>,
      %get3A_778 = vector.shape_cast %get3A_777 : vector<1x16xf32> to vector<16xf32>
      %add3A_779 = arith.addf %mul3A_774, %get3A_778 : vector<16xf32>
      %swap3A_780 = arith.index_cast %scan3A_55 : i32 to index
      %swap3A_781 = arith.constant 672 : index
      %swap3A_782 = tpu.vector_load %arg8[%swap3A_780, %swap3A_781] {strides = array<i32>} : memref<64x768xf32, #tpu.memory_space<vmem>>, vector<1x16xf32>,
      %swap3A_783 = vector.shape_cast %swap3A_782 : vector<1x16xf32> to vector<16xf32>
      %swap3A_784 = vector.shape_cast %add3A_779 : vector<16xf32> to vector<1x16xf32>
      tpu.vector_store %arg8[%swap3A_780, %swap3A_781], %swap3A_784 {strides = array<i32>} : memref<64x768xf32, #tpu.memory_space<vmem>>, vector<1x16xf32>,
      %get3A_785 = arith.index_cast %scan3A_55 : i32 to index
      %get3A_786 = arith.constant 688 : index
      %get3A_787 = tpu.vector_load %arg8[%get3A_785, %get3A_786] {strides = array<i32>} : memref<64x768xf32, #tpu.memory_space<vmem>>, vector<1x16xf32>,
      %get3A_788 = vector.shape_cast %get3A_787 : vector<1x16xf32> to vector<16xf32>
      %mul3A_789 = arith.constant 27.7128124 : f32
      %mul3A_790 = vector.broadcast %mul3A_789 : f32 to vector<16xf32>
      %mul3A_791 = arith.mulf %get3A_788, %mul3A_790 : vector<16xf32>
      %get3A_792 = arith.index_cast %scan3A_55 : i32 to index
      %get3A_793 = arith.constant 688 : index
      %get3A_794 = tpu.vector_load %arg7[%get3A_792, %get3A_793] {strides = array<i32>} : memref<64x768xf32, #tpu.memory_space<vmem>>, vector<1x16xf32>,
      %get3A_795 = vector.shape_cast %get3A_794 : vector<1x16xf32> to vector<16xf32>
      %add3A_796 = arith.addf %mul3A_791, %get3A_795 : vector<16xf32>
      %swap3A_797 = arith.index_cast %scan3A_55 : i32 to index
      %swap3A_798 = arith.constant 688 : index
      %swap3A_799 = tpu.vector_load %arg8[%swap3A_797, %swap3A_798] {strides = array<i32>} : memref<64x768xf32, #tpu.memory_space<vmem>>, vector<1x16xf32>,
      %swap3A_800 = vector.shape_cast %swap3A_799 : vector<1x16xf32> to vector<16xf32>
      %swap3A_801 = vector.shape_cast %add3A_796 : vector<16xf32> to vector<1x16xf32>
      tpu.vector_store %arg8[%swap3A_797, %swap3A_798], %swap3A_801 {strides = array<i32>} : memref<64x768xf32, #tpu.memory_space<vmem>>, vector<1x16xf32>,
      %get3A_802 = arith.index_cast %scan3A_55 : i32 to index
      %get3A_803 = arith.constant 704 : index
      %get3A_804 = tpu.vector_load %arg8[%get3A_802, %get3A_803] {strides = array<i32>} : memref<64x768xf32, #tpu.memory_space<vmem>>, vector<1x16xf32>,
      %get3A_805 = vector.shape_cast %get3A_804 : vector<1x16xf32> to vector<16xf32>
      %mul3A_806 = arith.constant 27.7128124 : f32
      %mul3A_807 = vector.broadcast %mul3A_806 : f32 to vector<16xf32>
      %mul3A_808 = arith.mulf %get3A_805, %mul3A_807 : vector<16xf32>
      %get3A_809 = arith.index_cast %scan3A_55 : i32 to index
      %get3A_810 = arith.constant 704 : index
      %get3A_811 = tpu.vector_load %arg7[%get3A_809, %get3A_810] {strides = array<i32>} : memref<64x768xf32, #tpu.memory_space<vmem>>, vector<1x16xf32>,
      %get3A_812 = vector.shape_cast %get3A_811 : vector<1x16xf32> to vector<16xf32>
      %add3A_813 = arith.addf %mul3A_808, %get3A_812 : vector<16xf32>
      %swap3A_814 = arith.index_cast %scan3A_55 : i32 to index
      %swap3A_815 = arith.constant 704 : index
      %swap3A_816 = tpu.vector_load %arg8[%swap3A_814, %swap3A_815] {strides = array<i32>} : memref<64x768xf32, #tpu.memory_space<vmem>>, vector<1x16xf32>,
      %swap3A_817 = vector.shape_cast %swap3A_816 : vector<1x16xf32> to vector<16xf32>
      %swap3A_818 = vector.shape_cast %add3A_813 : vector<16xf32> to vector<1x16xf32>
      tpu.vector_store %arg8[%swap3A_814, %swap3A_815], %swap3A_818 {strides = array<i32>} : memref<64x768xf32, #tpu.memory_space<vmem>>, vector<1x16xf32>,
      %get3A_819 = arith.index_cast %scan3A_55 : i32 to index
      %get3A_820 = arith.constant 720 : index
      %get3A_821 = tpu.vector_load %arg8[%get3A_819, %get3A_820] {strides = array<i32>} : memref<64x768xf32, #tpu.memory_space<vmem>>, vector<1x16xf32>,
      %get3A_822 = vector.shape_cast %get3A_821 : vector<1x16xf32> to vector<16xf32>
      %mul3A_823 = arith.constant 27.7128124 : f32
      %mul3A_824 = vector.broadcast %mul3A_823 : f32 to vector<16xf32>
      %mul3A_825 = arith.mulf %get3A_822, %mul3A_824 : vector<16xf32>
      %get3A_826 = arith.index_cast %scan3A_55 : i32 to index
      %get3A_827 = arith.constant 720 : index
      %get3A_828 = tpu.vector_load %arg7[%get3A_826, %get3A_827] {strides = array<i32>} : memref<64x768xf32, #tpu.memory_space<vmem>>, vector<1x16xf32>,
      %get3A_829 = vector.shape_cast %get3A_828 : vector<1x16xf32> to vector<16xf32>
      %add3A_830 = arith.addf %mul3A_825, %get3A_829 : vector<16xf32>
      %swap3A_831 = arith.index_cast %scan3A_55 : i32 to index
      %swap3A_832 = arith.constant 720 : index
      %swap3A_833 = tpu.vector_load %arg8[%swap3A_831, %swap3A_832] {strides = array<i32>} : memref<64x768xf32, #tpu.memory_space<vmem>>, vector<1x16xf32>,
      %swap3A_834 = vector.shape_cast %swap3A_833 : vector<1x16xf32> to vector<16xf32>
      %swap3A_835 = vector.shape_cast %add3A_830 : vector<16xf32> to vector<1x16xf32>
      tpu.vector_store %arg8[%swap3A_831, %swap3A_832], %swap3A_835 {strides = array<i32>} : memref<64x768xf32, #tpu.memory_space<vmem>>, vector<1x16xf32>,
      %get3A_836 = arith.index_cast %scan3A_55 : i32 to index
      %get3A_837 = arith.constant 736 : index
      %get3A_838 = tpu.vector_load %arg8[%get3A_836, %get3A_837] {strides = array<i32>} : memref<64x768xf32, #tpu.memory_space<vmem>>, vector<1x16xf32>,
      %get3A_839 = vector.shape_cast %get3A_838 : vector<1x16xf32> to vector<16xf32>
      %mul3A_840 = arith.constant 27.7128124 : f32
      %mul3A_841 = vector.broadcast %mul3A_840 : f32 to vector<16xf32>
      %mul3A_842 = arith.mulf %get3A_839, %mul3A_841 : vector<16xf32>
      %get3A_843 = arith.index_cast %scan3A_55 : i32 to index
      %get3A_844 = arith.constant 736 : index
      %get3A_845 = tpu.vector_load %arg7[%get3A_843, %get3A_844] {strides = array<i32>} : memref<64x768xf32, #tpu.memory_space<vmem>>, vector<1x16xf32>,
      %get3A_846 = vector.shape_cast %get3A_845 : vector<1x16xf32> to vector<16xf32>
      %add3A_847 = arith.addf %mul3A_842, %get3A_846 : vector<16xf32>
      %swap3A_848 = arith.index_cast %scan3A_55 : i32 to index
      %swap3A_849 = arith.constant 736 : index
      %swap3A_850 = tpu.vector_load %arg8[%swap3A_848, %swap3A_849] {strides = array<i32>} : memref<64x768xf32, #tpu.memory_space<vmem>>, vector<1x16xf32>,
      %swap3A_851 = vector.shape_cast %swap3A_850 : vector<1x16xf32> to vector<16xf32>
      %swap3A_852 = vector.shape_cast %add3A_847 : vector<16xf32> to vector<1x16xf32>
      tpu.vector_store %arg8[%swap3A_848, %swap3A_849], %swap3A_852 {strides = array<i32>} : memref<64x768xf32, #tpu.memory_space<vmem>>, vector<1x16xf32>,
      %get3A_853 = arith.index_cast %scan3A_55 : i32 to index
      %get3A_854 = arith.constant 752 : index
      %get3A_855 = tpu.vector_load %arg8[%get3A_853, %get3A_854] {strides = array<i32>} : memref<64x768xf32, #tpu.memory_space<vmem>>, vector<1x16xf32>,
      %get3A_856 = vector.shape_cast %get3A_855 : vector<1x16xf32> to vector<16xf32>
      %mul3A_857 = arith.constant 27.7128124 : f32
      %mul3A_858 = vector.broadcast %mul3A_857 : f32 to vector<16xf32>
      %mul3A_859 = arith.mulf %get3A_856, %mul3A_858 : vector<16xf32>
      %get3A_860 = arith.index_cast %scan3A_55 : i32 to index
      %get3A_861 = arith.constant 752 : index
      %get3A_862 = tpu.vector_load %arg7[%get3A_860, %get3A_861] {strides = array<i32>} : memref<64x768xf32, #tpu.memory_space<vmem>>, vector<1x16xf32>,
      %get3A_863 = vector.shape_cast %get3A_862 : vector<1x16xf32> to vector<16xf32>
      %add3A_864 = arith.addf %mul3A_859, %get3A_863 : vector<16xf32>
      %swap3A_865 = arith.index_cast %scan3A_55 : i32 to index
      %swap3A_866 = arith.constant 752 : index
      %swap3A_867 = tpu.vector_load %arg8[%swap3A_865, %swap3A_866] {strides = array<i32>} : memref<64x768xf32, #tpu.memory_space<vmem>>, vector<1x16xf32>,
      %swap3A_868 = vector.shape_cast %swap3A_867 : vector<1x16xf32> to vector<16xf32>
      %swap3A_869 = vector.shape_cast %add3A_864 : vector<16xf32> to vector<1x16xf32>
      tpu.vector_store %arg8[%swap3A_865, %swap3A_866], %swap3A_869 {strides = array<i32>} : memref<64x768xf32, #tpu.memory_space<vmem>>, vector<1x16xf32>,
    }
    %scan3A_53 = arith.constant 64 : i32
    %run_scoped3A_54 = arith.constant 3 : i32
    "tpu.region"() ({
      %run_scoped3A_55 = tpu.sem_alloc : memref<!tpu.dma_semaphore, #tpu.memory_space<semaphore_mem>>
      %dma_start3A_56 = arith.constant 0 : i32
      %dma_start3A_57 = tpu.memref_slice %arg5[%run_scoped3A_54, %mul3A_2, %dma_start3A_56] : memref<4x2048x768xf32, #tpu.memory_space<hbm>> -> memref<1x64x768xf32, #tpu.memory_space<hbm>>
      %dma_start3A_58 = tpu.memref_squeeze %dma_start3A_57 : memref<1x64x768xf32, #tpu.memory_space<hbm>> -> memref<64x768xf32, #tpu.memory_space<hbm>>
      %dma_start3A_59 = arith.constant 0 : i32
      %dma_start3A_60 = tpu.memref_slice %arg5[%run_scoped3A_54, %mul3A_2, %dma_start3A_59] : memref<4x2048x768xf32, #tpu.memory_space<hbm>> -> memref<1x64x768xf32, #tpu.memory_space<hbm>>
      %dma_start3A_61 = tpu.memref_squeeze %dma_start3A_60 : memref<1x64x768xf32, #tpu.memory_space<hbm>> -> memref<64x768xf32, #tpu.memory_space<hbm>>
      tpu.enqueue_dma source(%arg8 : memref<64x768xf32, #tpu.memory_space<vmem>>) target(%dma_start3A_61 : memref<64x768xf32, #tpu.memory_space<hbm>>) target_semaphore(%run_scoped3A_55 : memref<!tpu.dma_semaphore, #tpu.memory_space<semaphore_mem>>)
      %dma_wait3A_62 = arith.constant 0 : i32
      %dma_wait3A_63 = tpu.memref_slice %arg5[%run_scoped3A_54, %mul3A_2, %dma_wait3A_62] : memref<4x2048x768xf32, #tpu.memory_space<hbm>> -> memref<1x64x768xf32, #tpu.memory_space<hbm>>
      %dma_wait3A_64 = tpu.memref_squeeze %dma_wait3A_63 : memref<1x64x768xf32, #tpu.memory_space<hbm>> -> memref<64x768xf32, #tpu.memory_space<hbm>>
      %dma_wait3A_65 = arith.constant 0 : i32
      %dma_wait3A_66 = tpu.memref_slice %arg5[%run_scoped3A_54, %mul3A_2, %dma_wait3A_65] : memref<4x2048x768xf32, #tpu.memory_space<hbm>> -> memref<1x64x768xf32, #tpu.memory_space<hbm>>
      %dma_wait3A_67 = tpu.memref_squeeze %dma_wait3A_66 : memref<1x64x768xf32, #tpu.memory_space<hbm>> -> memref<64x768xf32, #tpu.memory_space<hbm>>
      tpu.wait_dma2 semaphore(%run_scoped3A_55 : memref<!tpu.dma_semaphore, #tpu.memory_space<semaphore_mem>>) src(%arg8 : memref<64x768xf32, #tpu.memory_space<vmem>>) dst(%dma_wait3A_67 : memref<64x768xf32, #tpu.memory_space<hbm>>)
      tpu.yield
    }) : () -> ()
    return
  }
}

</mosaic_0001>

<sc_bundles>
// kernel: kernel.3.cloned.1.call-start
scs
__scs_entry_jumppad:
0x0: {  	(pc) =	sbr.rel $0x88, $3  }
0x1: {  	(tag) =	ssettag $0x0;
	lr =	simm.s32 $0x1  }
0x2: {  	[smem:$0x3F9F] =	sst lr;
	_ =	strace $0xD0000000  }
0x3: {  	_ = 	snop  }
0x4: {  	_ = 	snop  }
0x5: {  	_ = 	snop  }
0x6: {  	_ = 	snop  }
0x7: {  	_ = 	snop  }
__scs_overlays_trampoline_lowered:
0x8: {  	[smem:$0x3FAE] =	sst s0  }
0x9: {  	[smem:$0x3FAF] =	sst s1  }
0xa: {  	[smem:$0x3FB0] =	sst s2  }
0xb: {  	[smem:$0x3FB1] =	sst s3  }
0xc: {  	[smem:$0x3FB2] =	sst s4  }
0xd: {  	[smem:$0x3FB3] =	sst s5  }
0xe: {  	[smem:$0x3FB4] =	sst s6  }
0xf: {  	[smem:$0x3FB5] =	sst s7  }
0x10: {  	[smem:$0x3FB6] =	sst s8  }
0x11: {  	[smem:$0x3FB7] =	sst s9;
	s0 =	simm.s32 @!p0 $0x0  }
0x12: {  	s1 =	sld [smem:$0x3F9D];
	s0 =	simm.s32 @p0 $0x1  }
0x13: {  	[smem:$0x3FB8] =	sst s0;
	s0 =	simm.s32 @!p1 $0x0  }
0x14: {  	s2 =	sld [smem:$0x3F9C];
	s0 =	simm.s32 @p1 $0x1  }
0x15: {  	[smem:$0x3FB9] =	sst s0;
	s0 =	simm.s32 @!p2 $0x0  }
0x16: {  	s3 =	sld [smem:$0x3FDB];
	s0 =	simm.s32 @p2 $0x1  }
0x17: {  	s4 =	simm.s32 $0x1BF5;
	[smem:$0x3FBB] =	sst s0  }
0x18: {  	s0 =	sld [smem:$0x3F9E];
	_ =	swait.ge [sflag:s4], $0x0  }
0x19: {  	s7 =	sld [smem:$0x3F9F]  }
0x1a: {  	s8 =	sadd.s32 $0xFFFFE003, lr  }
0x1b: {  	s9 =	sadd.s32 $0xFFFFFEF7, lr;
	s5 =	simm.s32 $0xFFFFFFFF;
	p2 =	slt.u32 s8, $0xFFFFF086  }
0x1c: {  	p1 =	slt.u32 s9, $0xF7A;
	s5 =	simm.s32 @!p2 $0x0  }
0x1d: {  	s5 =	simm.s32 @p1 $0x1;
	p0 =	seq.s32 s7, s2  }
0x1e: {  	s7 =	smul.u32 @!p0 $0xF7A, s2;
	p2 =	seq.s32 @!p0 s5, $0x0  }
0x1f: {  	s9 =	smul.u32 $0xF7A, s1;
	s8 =	simm.s32 @!p0 $0x1BF5;
	p2 =	por !p2, p0  }
0x20: {  	[sflag:s8] =	ssyncset.s32 @!p0 $0xFFFFF086;
	s6 =	sadd.s32 @!p0 s3, s7;
	s7 =	simm.s32 @!p0 $0x108  }
0x21: {  	s3 =	sadd.s32 s3, s9;
	s6 =	sadd.s32 @!p0 $0x88, s6;
	s7 =	simm.s32 @p2 $0x1082  }
0x22: {  	[simem:s7], [sflag:s8] =	dma.local @!p0 [hbm:s6], $0xF7A  }
0x23: {  	s9 =	sor.u32 $0xD0000000, s2;
	s6 =	simm.s32 $0x108;
	_ =	swait.ge @!p0 [sflag:s8], $0x0  }
0x24: {  	s3 =	sadd.s32 $0x88, s3;
	s6 =	simm.s32 @!p1 $0x1082;
	[sflag:s4] =	ssyncset.s32 $0xFFFFF086  }
0x25: {  	[simem:s6], [sflag:s4] =	dma.local [hbm:s3], $0xF7A  }
0x26: {  	[smem:$0x3F9F] =	sst s1;
	(tag) =	ssettag s2;
	_ =	strace s9  }
0x27: {  	s1 =	sld [smem:$0x3FAF]  }
0x28: {  	s2 =	sld [smem:$0x3FB0]  }
0x29: {  	s4 =	sld [smem:$0x3FB2]  }
0x2a: {  	p0 =	seq.s32 s5, $0x0;
	s5 =	sld [smem:$0x3FB3]  }
0x2b: {  	s6 =	sld [smem:$0x3FB4]  }
0x2c: {  	s7 =	sld [smem:$0x3FB5]  }
0x2d: {  	s3 =	simm.s32 $0x108;
	s8 =	sld [smem:$0x3FB6]  }
0x2e: {  	s3 =	simm.s32 @!p0 $0x1082;
	s9 =	sld [smem:$0x3FB7]  }
0x2f: {  	lr =	sadd.s32 s0, s3;
	s0 =	sld [smem:$0x3FAE]  }
0x30: {  	s3 =	sld [smem:$0x3FB1]  }
0x31: {  	[smem:$0x3FBA] =	sst s10  }
0x32: {  	s10 =	sld [smem:$0x3FB8];
	_ =	sdelay $0x3  }
0x33: {  	p0 =	seq.s32 s10, $0x1;
	s10 =	sld [smem:$0x3FBA];
	_ =	sdelay $0x3  }
0x34: {  	[smem:$0x3FBA] =	sst s10  }
0x35: {  	s10 =	sld [smem:$0x3FB9];
	_ =	sdelay $0x3  }
0x36: {  	p1 =	seq.s32 s10, $0x1;
	s10 =	sld [smem:$0x3FBA];
	_ =	sdelay $0x3  }
0x37: {  	[smem:$0x3FBA] =	sst s10  }
0x38: {  	s10 =	sld [smem:$0x3FBB]  }
0x39: {  	_ = 	snop;
	(pc) =	sbr.ind lr, $3  }
0x3a: {  	_ = 	snop  }
0x3b: {  	_ = 	snop  }
0x3c: {  	p2 =	seq.s32 s10, $0x1;
	s10 =	sld [smem:$0x3FBA]  }
0x3d: {  	_ =	shalt  }
0x3e: {  	_ =	shalt  }
0x3f: {  	_ =	shalt  }
0x40: {  	_ =	shalt  }
0x41: {  	_ =	shalt  }
0x42: {  	_ =	shalt  }
0x43: {  	_ =	shalt  }
0x44: {  	_ =	shalt  }
0x45: {  	_ =	shalt  }
0x46: {  	_ =	shalt  }
0x47: {  	_ =	shalt  }
0x48: {  	_ =	shalt  }
0x49: {  	_ =	shalt  }
0x4a: {  	_ =	shalt  }
0x4b: {  	_ =	shalt  }
0x4c: {  	_ =	shalt  }
0x4d: {  	_ =	shalt  }
0x4e: {  	_ =	shalt  }
0x4f: {  	_ =	shalt  }
0x50: {  	_ =	shalt  }
0x51: {  	_ =	shalt  }
0x52: {  	_ =	shalt  }
0x53: {  	_ =	shalt  }
0x54: {  	_ =	shalt  }
0x55: {  	_ =	shalt  }
0x56: {  	_ =	shalt  }
0x57: {  	_ =	shalt  }
0x58: {  	_ =	shalt  }
0x59: {  	_ =	shalt  }
0x5a: {  	_ =	shalt  }
0x5b: {  	_ =	shalt  }
0x5c: {  	_ =	shalt  }
0x5d: {  	_ =	shalt  }
0x5e: {  	_ =	shalt  }
0x5f: {  	_ =	shalt  }
0x60: {  	_ =	shalt  }
0x61: {  	_ =	shalt  }
0x62: {  	_ =	shalt  }
0x63: {  	_ =	shalt  }
0x64: {  	_ =	shalt  }
0x65: {  	_ =	shalt  }
0x66: {  	_ =	shalt  }
0x67: {  	_ =	shalt  }
0x68: {  	_ =	shalt  }
0x69: {  	_ =	shalt  }
0x6a: {  	_ =	shalt  }
0x6b: {  	_ =	shalt  }
0x6c: {  	_ =	shalt  }
0x6d: {  	_ =	shalt  }
0x6e: {  	_ =	shalt  }
0x6f: {  	_ =	shalt  }
0x70: {  	_ =	shalt  }
0x71: {  	_ =	shalt  }
0x72: {  	_ =	shalt  }
0x73: {  	_ =	shalt  }
0x74: {  	_ =	shalt  }
0x75: {  	_ =	shalt  }
0x76: {  	_ =	shalt  }
0x77: {  	_ =	shalt  }
0x78: {  	_ =	shalt  }
0x79: {  	_ =	shalt  }
0x7a: {  	_ =	shalt  }
0x7b: {  	_ =	shalt  }
0x7c: {  	_ =	shalt  }
0x7d: {  	_ =	shalt  }
0x7e: {  	_ =	shalt  }
0x7f: {  	_ =	shalt  }
0x80: {  	_ =	shalt  }
0x81: {  	_ =	shalt  }
0x82: {  	_ =	shalt  }
0x83: {  	_ =	shalt  }
0x84: {  	_ =	shalt  }
0x85: {  	_ =	shalt  }
0x86: {  	_ =	shalt  }
0x87: {  	_ =	shalt  }
.Lfunc_end0:
.L_simem_size_0:
called_computation_lowered:
.L_overlay_start_0:
0x88: {  	s2 =	sld [smem:$0x3FD9]  }
0x89: {  	s3 =	sld [smem:$0x3FFE];
	_ =	sdelay $0x1  }
0x8a: {  	s1 =	srdreg.scid  }
0x8b: {  	s0 =	sand.u32 $0x1, s1  }
0x8c: {  	s17 =	sshll.u32 s0, $0xA;
	s2 =	sadd.s32 s3, s2  }
0x8d: {  	s2 =	sadd.s32 s2, s17  }
0x8e: {  	[smem:$0x3FC6] =	sst s2  }
0x8f: {  	_ = 	snop  }
0x90: {  	s2 =	sld [smem:$0x3FC9]  }
0x91: {  	s18 =	sld [smem:$0x3FC8]  }
0x92: {  	s4 =	sld [smem:$0x3FD0];
	(tm) =	ssettm $0x1  }
0x93: {  	s5 =	sld [smem:$0x3FFB];
	_ =	sdelay $0x3  }
0x94: {  	_ =	strace s5  }
0x95: {  	s5 =	sld [smem:$0x3FFC];
	_ =	sdelay $0x3  }
0x96: {  	_ =	strace s5  }
0x97: {  	s5 =	sld [smem:$0x3FFD];
	_ =	sdelay $0x3  }
0x98: {  	_ =	strace s5  }
0x99: {  	_ =	strace $0x8FFFFFFF  }
0x9a: {  	s19 =	sld [smem:$0x3FDB];
	_ =	sdelay $0x1  }
0x9b: {  	s6 =	simm.s32 $_scs_section_size  }
0x9c: {  	s7 =	simm.s32 $_size__tile_overlayer_lowered;
	s8 =	simm.s32 $_tile_overlayer_lowered  }
0x9d: {  	s22 =	simm.s32 $0x1BFF;
	s21 =	sshll.u32 s8, $0x1;
	s5 =	sadd.s32 s6, s19  }
0x9e: {  	s9 =	simm.s32 $0x0;
	s20 =	sshll.u32 s7, $0x1;
	s7 =	sadd.s32 s21, s5  }
0x9f: {  	[timem:s9], [sflag:s22] =	dma.local [hbm:s7], s20  }
0xa0: {  	_ =	swait.ge [sflag:s22], s20  }
0xa1: {  	s6 =	ssub.s32 $0x0, s20;
	[sflag:s22] =	ssyncset.done $0x0  }
0xa2: {  	[sflag:s22] =	ssyncadd.s32 s6;
	_ =	sdelay $0x1  }
0xa3: {  	s23 =	simm.s32 $0x1B8B  }
0xa4: {  	_ =	swait.ge [sflag:s23], $0x1  }
0xa5: {  	[sflag:s23] =	ssyncset.done $0x0  }
0xa6: {  	s25 =	simm.s32 $0x1B8E;
	s24 =	sld [smem:$0x3FFE];
	[sflag:s23] =	ssyncadd.s32 $0xFFFFFFFF  }
0xa7: {  	s26 =	simm.s32 $execute0_lowered;
	[smem:$0x3FD2] =	sst s25  }
0xa8: {  	s7 =	sshll.u32 s26, $0x1;
	_ =	strace $0x80000046;
	[dreg:$0x1] =	wrdreg $0xFFFFFFFF  }
0xa9: {  	s28 =	simm.s32 $_size_execute0_lowered;
	s5 =	sadd.s32 s5, s7;
	[dreg:$0x0] =	wrdreg $0x0  }
0xaa: {  	s7 =	sshll.u32 s28, $0x1;
	[dreg:$0x2] =	wrdreg s5  }
0xab: {  	[dreg:$0x3] =	wrdreg s7  }
0xac: {  	[dreg:$0x4] =	wrdreg $0xC0  }
0xad: {  	_ =	task [dreg:s9], $0x5FFFF  }
0xae: {  	[dreg:$0x1] =	wrdreg $0xFFFFFFFF  }
0xaf: {  	[dreg:$0x0] =	wrdreg $0x60  }
0xb0: {  	[dreg:$0x2] =	wrdreg s2  }
0xb1: {  	[dreg:$0x3] =	wrdreg s18  }
0xb2: {  	[dreg:$0x4] =	wrdreg s24  }
0xb3: {  	[dreg:$0x5] =	wrdreg s4  }
0xb4: {  	[dreg:$0x6] =	wrdreg $0x9  }
0xb5: {  	_ =	task.clear_ibuf [dreg:s9], $0x7FFFF;
	_ =	strace $0x90000046  }
0xb6: {  	s29 =	simm.s32 $0x9;
	_ =	strace $0x80000048  }
0xb7: {  	_ =	swait.ge [sflag:s29], $0x1  }
0xb8: {  	[sflag:s29] =	ssyncadd.s32 $0xFFFFFFFF  }
0xb9: {  	_ =	strace $0x90000048  }
0xba: {  	_ =	sfence  }
0xbb: {  	s30 =	sld [smem:$0x0];
	_ =	sdelay $0x2  }
0xbc: {  	s31 =	sshll.u32 s1, $0xD;
	s1 =	sshrl.u32 s1, $0x2  }
0xbd: {  	s3 =	sand.u32 $0x4000, s31;
	s1 =	sadd.s32 s1, s30  }
0xbe: {  	s0 =	sor.u32 s3, s0;
	s1 =	sshll.u32 s1, $0x11  }
0xbf: {  	s0 =	sor.u32 s1, s0  }
0xc0: {  	s0 =	sadd.s32 $0x8F2B, s0  }
0xc1: {  	[sflag:s0] =	ssyncadd.remote.s32 $0x1  }
0xc2: {  	_ =	sfence.sel $0xFFFF  }
0xc3: {  	[dreg:$0x0] =	wrdreg $0xFFFFFFFF;
	(pc) =	sbr.abs _section_cstart, $3  }
0xc4: {  	[dreg:$0x1] =	wrdreg $0xFFFFFFFF  }
0xc5: {  	_ =	task.clear_ibuf [dreg:s9], $0x2FFFF;
	_ =	strace $0x9FFFFFFF  }
0xc6: {  	(tm) =	ssettm $0x7FFFFFFF  }
0xc7: {  	_ =	shalt  }
tec
execute0_lowered:
.L_overlay_start_1:
0x0: {  	(tag) =	ssettag $0x1  }
0x1: {  	s0 =	rddreg [dreg:$0x0]  }
0x2: {  	s1 =	rddreg [dreg:$0x1]  }
0x3: {  	s2 =	srdreg.scid;
	s4 =	rddreg [dreg:$0x2]  }
0x4: {  	s3 =	stileid.u32;
	s8 =	rddreg [dreg:$0x3]  }
0x5: {  	s17 =	simm.s32 $0x2;
	s18 =	simm.s32 $0xC080;
	s28 =	simm.s32 $0x10880  }
0x6: {  	s29 =	simm.s32 $0x11080;
	s30 =	simm.s32 $0x11880;
	s31 =	simm.s32 $0x12080  }
0x7: {  	s16 =	simm.s32 $0x13880;
	s12 =	simm.s32 $0x16080;
	s13 =	simm.s32 $0x16880  }
0x8: {  	s14 =	simm.s32 $0x17080;
	s15 =	simm.s32 $0x17880;
	s2 =	sand.u32 $0x1, s2  }
0x9: {  	s3 =	sshll.u32 s3, $0x7;
	s5 =	sshll.u32 s2, $0x6;
	s2 =	ssub.s32 $0x2, s2  }
0xa: {  	s6 =	sor.u32 s5, s3;
	s3 =	simm.s32 $0x0;
	s19 =	sshrl.u32 s2, $0x1  }
0xb: {  	s7 =	sshrl.u32 s6, $0x3;
	[smem:$0x7FF] =	sst s3;
	s9 =	sshll.u32 s6, $0x2  }
0xc: {  	s2 =	ssub.s32 s2, s19;
	s7 =	smul.u32 $0x1800, s7;
	_ =	strace $0x80000047  }
0xd: {  	s6 =	sand.u32 $0x1E00, s9;
	s20 =	sor.u32 s5, s9;
	s26 =	smax.u32 s2, $0x1  }
0xe: {  	s2 =	simm.s32 $0x12880;
	s9 =	simm.s32 $0x14880;
	s6 =	sor.u32 s5, s6  }
0xf: {  	[dreg:$0xe] =	wrdreg s26;
	s26 =	simm.s32 $0x10080;
	s6 =	sshrl.u32 s6, $0x3  }
0x10: {  	s10 =	sshrl.u32 s7, $0x3;
	s7 =	sadd.s32 $0x200, s1;
	s11 =	sadd.s32 s0, s6  }
0x11: {  	s4 =	sadd.s32 s10, s4;
	s8 =	sadd.s32 s8, s10;
	[dreg:$0x6] =	wrdreg s11  }
0x12: {  	s6 =	sadd.s32 $0x100, s1;
	s4 =	sadd.s32 $0x400, s4;
	[dreg:$0x7] =	wrdreg s8  }
0x13: {  	s10 =	simm.s32 $0x15080;
	s21 =	sadd.s32 $0x10, s11;
	[dreg:$0x5] =	wrdreg s4  }
0x14: {  	s22 =	sadd.s32 $0x30000, s8;
	s24 =	sadd.s32 $0x60000, s8;
	[dreg:$0x8] =	wrdreg s21  }
0x15: {  	s25 =	sadd.s32 $0x90000, s8;
	s11 =	simm.s32 $0x15880;
	[dreg:$0x9] =	wrdreg s22  }
0x16: {  	s8 =	simm.s32 $0x0;
	s4 =	sshrl.u32 s20, $0x3;
	[dreg:$0xb] =	wrdreg s24  }
0x17: {  	[dreg:$0xd] =	wrdreg s25;
	s24 =	simm.s32 $0xF080;
	s23 =	sor.u32 $0x20, s4  }
0x18: {  	v2 =	vlaneseq.u32;
	s25 =	simm.s32 $0xF880;
	s4 =	sor.u32 $0x30, s4;
	s5 =	sadd.s32 s0, s23  }
0x19: {  	vm0 =	vmmov $0xffff;
	v1 =	vshrl.u32 v2, $0x3;
	s0 =	sadd.s32 s0, s4;
	s4 =	simm.s32 $0x14080;
	[dreg:$0xa] =	wrdreg s5  }
0x1a: {  	v0 =	vand.u32 $0x7, v2;
	v2 =	vor.u32 $0x8, v2;
	v1 =	vmul.u32 $0x8, v1;
	[dreg:$0xc] =	wrdreg s0;
	s0 =	simm.s32 $0x13080;
	s5 =	simm.s32 $0x1  }
.LBB2_1:
0x1b: {  	s19 =	rddreg [dreg:$0x5];
	s20 =	simm.s32 $0x80  }
0x1c: {  	[tilespmem:s20], [sflag:$0x2] =	stream.linear.gather [hbm4b:s19+s3], $0xC000, $0x38;
	[tilespmem:$0x18080] =	vst v63  }
0x1d: {  	_ =	swait.ge [sflag:s17], $0xC000  }
0x1e: {  	[sflag:s17] =	ssyncset.done $0x0  }
0x1f: {  	s20 =	rddreg [dreg:$0x6];
	[sflag:s17] =	ssyncadd.s32 $0xFFFF4000  }
0x20: {  	[tilespmem:s3], [sflag:$0x2] =	stream.linear.gather [hbm4b:s20+s3], $0x40, $0x38;
	[tilespmem:$0x18080] =	vst v63  }
0x21: {  	_ =	swait.ge [sflag:s17], $0x40  }
0x22: {  	[sflag:s17] =	ssyncset.done $0x0  }
0x23: {  	[sflag:s17] =	ssyncadd.s32 $0xFFFFFFC0  }
0x24: {  	v3 =	vld [tilespmem:$0x0];
	_ =	sdelay $0x4  }
0x25: {  	v4 =	vshrl.u32 v3, $0x3  }
0x26: {  	v4 =	vmul.u32 $0x30, v4  }
0x27: {  	v3 =	vand.u32 $0x7, v3  }
0x28: {  	v3 =	vor.u32 v3, v4  }
0x29: {  	v4 =	vperm.xlane v3, v0;
	_ =	sdelay $0x1  }
0x2a: {  	v4 =	vadd.s32 v1, v4;
	_ =	sdelay $0x3  }
0x2b: {  	v3 =	vperm.xlane v3, v2  }
0x2c: {  	[tilespmem:s18], [sflag:$0x1] =	stream.indirect_vreg.gather [hbm4b:s1+s3], $0x80, v4, vm0, $0xb8;
	[tilespmem:$0x18080] =	vst v63  }
0x2d: {  	s21 =	simm.s32 $0xC880;
	v3 =	vadd.s32 v1, v3  }
0x2e: {  	[tilespmem:s21], [sflag:$0x1] =	stream.indirect_vreg.gather [hbm4b:s6+s3], $0x80, v4, vm0, $0xb8;
	[tilespmem:$0x18080] =	vst v63  }
0x2f: {  	s22 =	simm.s32 $0xD080  }
0x30: {  	[tilespmem:s22], [sflag:$0x1] =	stream.indirect_vreg.gather [hbm4b:s7+s3], $0x80, v4, vm0, $0xb8;
	[tilespmem:$0x18080] =	vst v63  }
0x31: {  	s23 =	simm.s32 $0xD880  }
0x32: {  	[tilespmem:s23], [sflag:$0x1] =	stream.indirect_vreg.gather [hbm4b:s1+s3], $0x80, v3, vm0, $0xb8;
	[tilespmem:$0x18080] =	vst v63  }
0x33: {  	s20 =	simm.s32 $0xE080  }
0x34: {  	[tilespmem:s20], [sflag:$0x1] =	stream.indirect_vreg.gather [hbm4b:s6+s3], $0x80, v3, vm0, $0xb8;
	[tilespmem:$0x18080] =	vst v63  }
0x35: {  	s21 =	simm.s32 $0xE880  }
0x36: {  	[tilespmem:s21], [sflag:$0x1] =	stream.indirect_vreg.gather [hbm4b:s7+s3], $0x80, v3, vm0, $0xb8;
	[tilespmem:$0x18080] =	vst v63  }
0x37: {  	v3 =	vld [tilespmem:$0x10];
	_ =	sdelay $0x4  }
0x38: {  	v4 =	vshrl.u32 v3, $0x3  }
0x39: {  	v4 =	vmul.u32 $0x30, v4  }
0x3a: {  	v3 =	vand.u32 $0x7, v3  }
0x3b: {  	v3 =	vor.u32 v3, v4  }
0x3c: {  	v4 =	vperm.xlane v3, v0;
	_ =	sdelay $0x1  }
0x3d: {  	v4 =	vadd.s32 v1, v4;
	_ =	sdelay $0x3  }
0x3e: {  	v3 =	vperm.xlane v3, v2  }
0x3f: {  	[tilespmem:s24], [sflag:$0x1] =	stream.indirect_vreg.gather [hbm4b:s1+s3], $0x80, v4, vm0, $0xb8;
	[tilespmem:$0x18080] =	vst v63  }
0x40: {  	v3 =	vadd.s32 v1, v3  }
0x41: {  	[tilespmem:s25], [sflag:$0x1] =	stream.indirect_vreg.gather [hbm4b:s6+s3], $0x80, v4, vm0, $0xb8;
	[tilespmem:$0x18080] =	vst v63  }
0x42: {  	_ = 	snop  }
0x43: {  	[tilespmem:s26], [sflag:$0x1] =	stream.indirect_vreg.gather [hbm4b:s7+s3], $0x80, v4, vm0, $0xb8;
	[tilespmem:$0x18080] =	vst v63  }
0x44: {  	_ = 	snop  }
0x45: {  	[tilespmem:s28], [sflag:$0x1] =	stream.indirect_vreg.gather [hbm4b:s1+s3], $0x80, v3, vm0, $0xb8;
	[tilespmem:$0x18080] =	vst v63  }
0x46: {  	_ = 	snop  }
0x47: {  	[tilespmem:s29], [sflag:$0x1] =	stream.indirect_vreg.gather [hbm4b:s6+s3], $0x80, v3, vm0, $0xb8;
	[tilespmem:$0x18080] =	vst v63  }
0x48: {  	_ = 	snop  }
0x49: {  	[tilespmem:s30], [sflag:$0x1] =	stream.indirect_vreg.gather [hbm4b:s7+s3], $0x80, v3, vm0, $0xb8;
	[tilespmem:$0x18080] =	vst v63  }
0x4a: {  	v3 =	vld [tilespmem:$0x20];
	_ =	sdelay $0x4  }
0x4b: {  	v4 =	vshrl.u32 v3, $0x3  }
0x4c: {  	v4 =	vmul.u32 $0x30, v4  }
0x4d: {  	v3 =	vand.u32 $0x7, v3  }
0x4e: {  	v3 =	vor.u32 v3, v4  }
0x4f: {  	v4 =	vperm.xlane v3, v0;
	_ =	sdelay $0x1  }
0x50: {  	v4 =	vadd.s32 v1, v4;
	_ =	sdelay $0x3  }
0x51: {  	v3 =	vperm.xlane v3, v2  }
0x52: {  	[tilespmem:s31], [sflag:$0x1] =	stream.indirect_vreg.gather [hbm4b:s1+s3], $0x80, v4, vm0, $0xb8;
	[tilespmem:$0x18080] =	vst v63  }
0x53: {  	v3 =	vadd.s32 v1, v3  }
0x54: {  	[tilespmem:s2], [sflag:$0x1] =	stream.indirect_vreg.gather [hbm4b:s6+s3], $0x80, v4, vm0, $0xb8;
	[tilespmem:$0x18080] =	vst v63  }
0x55: {  	_ = 	snop  }
0x56: {  	[tilespmem:s0], [sflag:$0x1] =	stream.indirect_vreg.gather [hbm4b:s7+s3], $0x80, v4, vm0, $0xb8;
	[tilespmem:$0x18080] =	vst v63  }
0x57: {  	_ = 	snop  }
0x58: {  	[tilespmem:s16], [sflag:$0x1] =	stream.indirect_vreg.gather [hbm4b:s1+s3], $0x80, v3, vm0, $0xb8;
	[tilespmem:$0x18080] =	vst v63  }
0x59: {  	_ = 	snop  }
0x5a: {  	[tilespmem:s4], [sflag:$0x1] =	stream.indirect_vreg.gather [hbm4b:s6+s3], $0x80, v3, vm0, $0xb8;
	[tilespmem:$0x18080] =	vst v63  }
0x5b: {  	_ = 	snop  }
0x5c: {  	[tilespmem:s9], [sflag:$0x1] =	stream.indirect_vreg.gather [hbm4b:s7+s3], $0x80, v3, vm0, $0xb8;
	[tilespmem:$0x18080] =	vst v63  }
0x5d: {  	v3 =	vld [tilespmem:$0x30];
	_ =	sdelay $0x4  }
0x5e: {  	v4 =	vshrl.u32 v3, $0x3  }
0x5f: {  	v4 =	vmul.u32 $0x30, v4  }
0x60: {  	v3 =	vand.u32 $0x7, v3  }
0x61: {  	v3 =	vor.u32 v3, v4  }
0x62: {  	v4 =	vperm.xlane v3, v0;
	_ =	sdelay $0x1  }
0x63: {  	v4 =	vadd.s32 v1, v4;
	_ =	sdelay $0x3  }
0x64: {  	v3 =	vperm.xlane v3, v2  }
0x65: {  	[tilespmem:s10], [sflag:$0x1] =	stream.indirect_vreg.gather [hbm4b:s1+s3], $0x80, v4, vm0, $0xb8;
	[tilespmem:$0x18080] =	vst v63  }
0x66: {  	v3 =	vadd.s32 v1, v3  }
0x67: {  	[tilespmem:s11], [sflag:$0x1] =	stream.indirect_vreg.gather [hbm4b:s6+s3], $0x80, v4, vm0, $0xb8;
	[tilespmem:$0x18080] =	vst v63  }
0x68: {  	_ = 	snop  }
0x69: {  	[tilespmem:s12], [sflag:$0x1] =	stream.indirect_vreg.gather [hbm4b:s7+s3], $0x80, v4, vm0, $0xb8;
	[tilespmem:$0x18080] =	vst v63  }
0x6a: {  	_ = 	snop  }
0x6b: {  	[tilespmem:s13], [sflag:$0x1] =	stream.indirect_vreg.gather [hbm4b:s1+s3], $0x80, v3, vm0, $0xb8;
	[tilespmem:$0x18080] =	vst v63  }
0x6c: {  	_ = 	snop  }
0x6d: {  	[tilespmem:s14], [sflag:$0x1] =	stream.indirect_vreg.gather [hbm4b:s6+s3], $0x80, v3, vm0, $0xb8;
	[tilespmem:$0x18080] =	vst v63  }
0x6e: {  	s22 =	simm.s32 $0x0  }
0x6f: {  	[tilespmem:s15], [sflag:$0x1] =	stream.indirect_vreg.gather [hbm4b:s7+s3], $0x80, v3, vm0, $0xb8;
	[tilespmem:$0x18080] =	vst v63  }
0x70: {  	s19 =	smul.u32 $0x1800, s22;
	_ =	swait.ge [sflag:s5], $0xC000  }
0x71: {  	s23 =	sand.u32 $0x380, s3;
	[sflag:s5] =	ssyncset.done $0x0  }
0x72: {  	s19 =	sor.u32 s23, s19;
	[sflag:s5] =	ssyncadd.s32 $0xFFFF4000  }
0x73: {  	v5 =	vld [tilespmem:s19+$0x80]  }
0x74: {  	v24 =	vld [tilespmem:s19+$0x90]  }
0x75: {  	v25 =	vld [tilespmem:s19+$0xA0]  }
0x76: {  	v26 =	vld [tilespmem:s19+$0xB0]  }
0x77: {  	v27 =	vld [tilespmem:s19+$0xC0]  }
0x78: {  	v28 =	vld [tilespmem:s19+$0xD0]  }
0x79: {  	v29 =	vld [tilespmem:s19+$0xE0]  }
0x7a: {  	v30 =	vld [tilespmem:s19+$0xF0]  }
0x7b: {  	v31 =	vld [tilespmem:s19+$0x480]  }
0x7c: {  	v32 =	vld [tilespmem:s19+$0x490]  }
0x7d: {  	v33 =	vld [tilespmem:s19+$0x4A0]  }
0x7e: {  	v34 =	vld [tilespmem:s19+$0x4B0]  }
0x7f: {  	v35 =	vld [tilespmem:s19+$0x4C0]  }
0x80: {  	v36 =	vld [tilespmem:s19+$0x4D0]  }
0x81: {  	v37 =	vld [tilespmem:s19+$0x4E0]  }
0x82: {  	v38 =	vld [tilespmem:s19+$0x4F0]  }
0x83: {  	v39 =	vld [tilespmem:s19+$0x880]  }
0x84: {  	v40 =	vld [tilespmem:s19+$0x890]  }
0x85: {  	v41 =	vld [tilespmem:s19+$0x8A0]  }
0x86: {  	v42 =	vld [tilespmem:s19+$0x8B0]  }
0x87: {  	v43 =	vld [tilespmem:s19+$0x8C0]  }
0x88: {  	v44 =	vld [tilespmem:s19+$0x8D0]  }
0x89: {  	v45 =	vld [tilespmem:s19+$0x8E0]  }
0x8a: {  	v46 =	vld [tilespmem:s19+$0x8F0]  }
0x8b: {  	v47 =	vld [tilespmem:s19+$0xC80]  }
0x8c: {  	v23 =	vld [tilespmem:s19+$0xC90]  }
0x8d: {  	v22 =	vld [tilespmem:s19+$0xCA0]  }
0x8e: {  	v21 =	vld [tilespmem:s19+$0xCB0]  }
0x8f: {  	v20 =	vld [tilespmem:s19+$0xCC0]  }
0x90: {  	v19 =	vld [tilespmem:s19+$0xCD0]  }
0x91: {  	v18 =	vld [tilespmem:s19+$0xCE0]  }
0x92: {  	v17 =	vld [tilespmem:s19+$0xCF0]  }
0x93: {  	v16 =	vld [tilespmem:s19+$0x1080]  }
0x94: {  	v15 =	vld [tilespmem:s19+$0x1090]  }
0x95: {  	v14 =	vld [tilespmem:s19+$0x10A0]  }
0x96: {  	v13 =	vld [tilespmem:s19+$0x10B0]  }
0x97: {  	v12 =	vld [tilespmem:s19+$0x10C0]  }
0x98: {  	v11 =	vld [tilespmem:s19+$0x10D0]  }
0x99: {  	v10 =	vld [tilespmem:s19+$0x10E0]  }
0x9a: {  	v9 =	vld [tilespmem:s19+$0x10F0]  }
0x9b: {  	v8 =	vld [tilespmem:s19+$0x1480]  }
0x9c: {  	v7 =	vld [tilespmem:s19+$0x1490]  }
0x9d: {  	v6 =	vld [tilespmem:s19+$0x14A0]  }
0x9e: {  	v4 =	vld [tilespmem:s19+$0x14B0]  }
0x9f: {  	v3 =	vld [tilespmem:s19+$0x14C0]  }
0xa0: {  	v48 =	vld [tilespmem:s19+$0xC080]  }
0xa1: {  	v49 =	vld [tilespmem:s19+$0xC090]  }
0xa2: {  	v50 =	vld [tilespmem:s19+$0xC0A0]  }
0xa3: {  	v51 =	vld [tilespmem:s19+$0xC0B0]  }
0xa4: {  	v52 =	vld [tilespmem:s19+$0xC0C0]  }
0xa5: {  	v53 =	vld [tilespmem:s19+$0xC0D0]  }
0xa6: {  	v54 =	vld [tilespmem:s19+$0xC0E0];
	v48 =	vmul.f32 $2.771281240e+01, v48  }
0xa7: {  	v55 =	vld [tilespmem:s19+$0xC0F0];
	v49 =	vmul.f32 $2.771281240e+01, v49  }
0xa8: {  	v59 =	vld [tilespmem:s19+$0xC490];
	v50 =	vmul.f32 $2.771281240e+01, v50;
	v48 =	vadd.f32 v5, v48  }
0xa9: {  	v63 =	vmul.f32 $2.771281240e+01, v51;
	v51 =	vld [tilespmem:s19+$0xC480];
	v24 =	vadd.f32 v24, v49  }
0xaa: {  	v56 =	vmul.f32 $2.771281240e+01, v52;
	v58 =	vmul.f32 $2.771281240e+01, v53;
	v53 =	vld [tilespmem:s19+$0xC4B0];
	v25 =	vadd.f32 v25, v50;
	[tilespmem:s19+$0xC080] =	vst v48  }
0xab: {  	v61 =	vmul.f32 $2.771281240e+01, v54;
	v54 =	vld [tilespmem:s19+$0xC4C0];
	v57 =	vadd.f32 v26, v63;
	[tilespmem:s19+$0xC090] =	vst v24  }
0xac: {  	v5 =	vld [tilespmem:s19+$0x14D0];
	v60 =	vadd.f32 v27, v56;
	[tilespmem:s19+$0xC0A0] =	vst v25  }
0xad: {  	v62 =	vadd.f32 v28, v58;
	v63 =	vmul.f32 $2.771281240e+01, v55;
	v55 =	vmul.f32 $2.771281240e+01, v59;
	v59 =	vld [tilespmem:s19+$0xC4E0];
	[tilespmem:s19+$0xC0B0] =	vst v57  }
0xae: {  	v50 =	vadd.f32 v29, v61;
	v61 =	vld [tilespmem:s19+$0xC4F0];
	[tilespmem:s19+$0xC0C0] =	vst v60  }
0xaf: {  	v56 =	vld [tilespmem:s19+$0xC880];
	[tilespmem:s19+$0xC0D0] =	vst v62;
	v52 =	vadd.f32 v30, v63;
	v51 =	vmul.f32 $2.771281240e+01, v51  }
0xb0: {  	v48 =	vld [tilespmem:s19+$0xC4A0];
	[tilespmem:s19+$0xC0E0] =	vst v50;
	v29 =	vadd.f32 v32, v55;
	v26 =	vmul.f32 $2.771281240e+01, v53  }
0xb1: {  	v57 =	vld [tilespmem:s19+$0xC4D0];
	v25 =	vmul.f32 $2.771281240e+01, v54;
	[tilespmem:s19+$0xC0F0] =	vst v52;
	v27 =	vadd.f32 v31, v51  }
0xb2: {  	v58 =	vld [tilespmem:s19+$0xC890];
	[tilespmem:s19+$0xC490] =	vst v29;
	v26 =	vadd.f32 v34, v26;
	v31 =	vmul.f32 $2.771281240e+01, v59  }
0xb3: {  	v60 =	vld [tilespmem:s19+$0xC8A0];
	v25 =	vadd.f32 v35, v25;
	v32 =	vmul.f32 $2.771281240e+01, v61;
	[tilespmem:s19+$0xC480] =	vst v27  }
0xb4: {  	v63 =	vld [tilespmem:s19+$0xC8C0];
	v24 =	vmul.f32 $2.771281240e+01, v56;
	[tilespmem:s19+$0xC4B0] =	vst v26;
	v31 =	vadd.f32 v37, v31  }
0xb5: {  	v55 =	vld [tilespmem:s19+$0xCCC0];
	v28 =	vmul.f32 $2.771281240e+01, v48;
	[tilespmem:s19+$0xC4C0] =	vst v25;
	v32 =	vadd.f32 v38, v32  }
0xb6: {  	v50 =	vld [tilespmem:s19+$0xC8F0];
	v30 =	vmul.f32 $2.771281240e+01, v57;
	v24 =	vadd.f32 v39, v24;
	[tilespmem:s19+$0xC4E0] =	vst v31  }
0xb7: {  	v52 =	vld [tilespmem:s19+$0xCC90];
	v27 =	vmul.f32 $2.771281240e+01, v58;
	v28 =	vadd.f32 v33, v28;
	[tilespmem:s19+$0xC4F0] =	vst v32  }
0xb8: {  	v51 =	vld [tilespmem:s19+$0xCC80];
	v29 =	vmul.f32 $2.771281240e+01, v60;
	v30 =	vadd.f32 v36, v30;
	[tilespmem:s19+$0xC880] =	vst v24  }
0xb9: {  	v53 =	vld [tilespmem:s19+$0xCCA0];
	v26 =	vmul.f32 $2.771281240e+01, v63;
	v27 =	vadd.f32 v40, v27;
	[tilespmem:s19+$0xC4A0] =	vst v28  }
0xba: {  	v48 =	vld [tilespmem:s19+$0xC8D0];
	v61 =	vmul.f32 $2.771281240e+01, v55;
	v29 =	vadd.f32 v41, v29;
	[tilespmem:s19+$0xC4D0] =	vst v30  }
0xbb: {  	v54 =	vld [tilespmem:s19+$0xCCB0];
	v26 =	vadd.f32 v43, v26;
	v31 =	vmul.f32 $2.771281240e+01, v50;
	[tilespmem:s19+$0xC890] =	vst v27  }
0xbc: {  	v56 =	vld [tilespmem:s19+$0xCCD0];
	v24 =	vmul.f32 $2.771281240e+01, v52;
	v20 =	vadd.f32 v20, v61;
	[tilespmem:s19+$0xC8A0] =	vst v29  }
0xbd: {  	v62 =	vld [tilespmem:s19+$0xC8B0];
	v32 =	vmul.f32 $2.771281240e+01, v51;
	[tilespmem:s19+$0xC8C0] =	vst v26;
	v31 =	vadd.f32 v46, v31  }
0xbe: {  	v57 =	vld [tilespmem:s19+$0xCCE0];
	v27 =	vmul.f32 $2.771281240e+01, v53;
	v23 =	vadd.f32 v23, v24;
	[tilespmem:s19+$0xCCC0] =	vst v20  }
0xbf: {  	v49 =	vld [tilespmem:s19+$0xC8E0];
	v25 =	vmul.f32 $2.771281240e+01, v48;
	v32 =	vadd.f32 v47, v32;
	[tilespmem:s19+$0xC8F0] =	vst v31  }
0xc0: {  	v59 =	vld [tilespmem:s19+$0xD080];
	v29 =	vmul.f32 $2.771281240e+01, v54;
	v22 =	vadd.f32 v22, v27;
	[tilespmem:s19+$0xCC90] =	vst v23  }
0xc1: {  	v58 =	vld [tilespmem:s19+$0xCCF0];
	v26 =	vmul.f32 $2.771281240e+01, v56;
	v25 =	vadd.f32 v44, v25;
	[tilespmem:s19+$0xCC80] =	vst v32  }
0xc2: {  	v60 =	vld [tilespmem:s19+$0xD090];
	v28 =	vmul.f32 $2.771281240e+01, v62;
	v21 =	vadd.f32 v21, v29;
	[tilespmem:s19+$0xCCA0] =	vst v22  }
0xc3: {  	v23 =	vld [tilespmem:s19+$0xD0A0];
	v19 =	vadd.f32 v19, v26;
	[tilespmem:s19+$0xC8D0] =	vst v25;
	v25 =	vmul.f32 $2.771281240e+01, v57  }
0xc4: {  	v30 =	vmul.f32 $2.771281240e+01, v49;
	v28 =	vadd.f32 v42, v28;
	v22 =	vld [tilespmem:s19+$0xD0B0];
	[tilespmem:s19+$0xCCB0] =	vst v21  }
0xc5: {  	v21 =	vld [tilespmem:s19+$0xD0C0];
	[tilespmem:s19+$0xCCD0] =	vst v19;
	v19 =	vmul.f32 $2.771281240e+01, v59;
	v18 =	vadd.f32 v18, v25  }
0xc6: {  	v20 =	vld [tilespmem:s19+$0xD0D0];
	v62 =	vmul.f32 $2.771281240e+01, v58;
	v30 =	vadd.f32 v45, v30;
	[tilespmem:s19+$0xC8B0] =	vst v28  }
0xc7: {  	v63 =	vld [tilespmem:s19+$0xD0E0];
	v19 =	vadd.f32 v16, v19;
	[tilespmem:s19+$0xCCE0] =	vst v18;
	v18 =	vmul.f32 $2.771281240e+01, v60  }
0xc8: {  	v26 =	vadd.f32 v17, v62;
	v17 =	vld [tilespmem:s19+$0xD0F0];
	[tilespmem:s19+$0xC8E0] =	vst v30;
	v23 =	vmul.f32 $2.771281240e+01, v23  }
0xc9: {  	v16 =	vld [tilespmem:s19+$0xD480];
	[tilespmem:s19+$0xD080] =	vst v19;
	v19 =	vmul.f32 $2.771281240e+01, v22;
	v18 =	vadd.f32 v15, v18  }
0xca: {  	[tilespmem:s19+$0xCCF0] =	vst v26;
	v22 =	vadd.f32 v14, v23;
	v21 =	vmul.f32 $2.771281240e+01, v21;
	v15 =	vld [tilespmem:s19+$0xD490]  }
0xcb: {  	v14 =	vld [tilespmem:s19+$0xD4A0];
	[tilespmem:s19+$0xD090] =	vst v18;
	v18 =	vadd.f32 v13, v19;
	v19 =	vmul.f32 $2.771281240e+01, v20  }
0xcc: {  	s20 =	simm.s32 $0x1;
	s21 =	simm.s32 $0x0;
	[tilespmem:s19+$0xD0A0] =	vst v22;
	v20 =	vadd.f32 v12, v21;
	v13 =	vmul.f32 $2.771281240e+01, v63;
	v12 =	vld [tilespmem:s19+$0xD4B0]  }
.LBB2_2:
0xcd: {  	p0 =	sne.s32 s20, $0x3F;
	[tilespmem:s19+$0xD0B0] =	vst v18;
	v11 =	vadd.f32 v11, v19;
	v17 =	vmul.f32 $2.771281240e+01, v17;
	v18 =	vld [tilespmem:s19+$0xD4C0]  }
0xce: {  	[tilespmem:s19+$0xD0C0] =	vst v20;
	v10 =	vadd.f32 v10, v13;
	v13 =	vmul.f32 $2.771281240e+01, v16;
	v16 =	vld [tilespmem:s19+$0xD4D0]  }
0xcf: {  	s22 =	sshrl.u32 s20, $0x3;
	[tilespmem:s19+$0xD0D0] =	vst v11;
	v9 =	vadd.f32 v9, v17;
	v11 =	vmul.f32 $2.771281240e+01, v15;
	v15 =	vld [tilespmem:s19+$0xD4E0]  }
0xd0: {  	s21 =	sadd.s32 $0x80, s21;
	s22 =	smul.u32 $0x1800, s22;
	[tilespmem:s19+$0xD0E0] =	vst v10;
	v8 =	vadd.f32 v8, v13;
	v10 =	vmul.f32 $2.771281240e+01, v14;
	v13 =	vld [tilespmem:s19+$0xD4F0]  }
0xd1: {  	s23 =	sand.u32 $0x380, s21;
	[tilespmem:s19+$0xD0F0] =	vst v9;
	v7 =	vadd.f32 v7, v11;
	v9 =	vmul.f32 $2.771281240e+01, v12;
	v11 =	vld [tilespmem:s19+$0x14E0]  }
0xd2: {  	s22 =	sor.u32 s23, s22;
	[tilespmem:s19+$0xD480] =	vst v8;
	v6 =	vadd.f32 v6, v10;
	v8 =	vmul.f32 $2.771281240e+01, v18;
	v10 =	vld [tilespmem:s19+$0x14F0]  }
0xd3: {  	v41 =	vld [tilespmem:s22+$0x80];
	[tilespmem:s19+$0xD490] =	vst v7;
	v4 =	vadd.f32 v4, v9;
	v7 =	vmul.f32 $2.771281240e+01, v16  }
0xd4: {  	v42 =	vld [tilespmem:s22+$0x90];
	[tilespmem:s19+$0xD4A0] =	vst v6;
	v3 =	vadd.f32 v3, v8;
	v6 =	vmul.f32 $2.771281240e+01, v15  }
0xd5: {  	v43 =	vld [tilespmem:s22+$0xA0];
	[tilespmem:s19+$0xD4B0] =	vst v4;
	v4 =	vadd.f32 v5, v7;
	v5 =	vmul.f32 $2.771281240e+01, v13  }
0xd6: {  	v44 =	vld [tilespmem:s22+$0xB0];
	[tilespmem:s19+$0xD4C0] =	vst v3;
	v3 =	vadd.f32 v11, v6  }
0xd7: {  	v45 =	vld [tilespmem:s22+$0xC0];
	[tilespmem:s19+$0xD4D0] =	vst v4;
	v4 =	vadd.f32 v10, v5  }
0xd8: {  	v46 =	vld [tilespmem:s22+$0xD0];
	[tilespmem:s19+$0xD4E0] =	vst v3  }
0xd9: {  	v47 =	vld [tilespmem:s22+$0xE0];
	[tilespmem:s19+$0xD4F0] =	vst v4;
	s19 =	smov.u32 s22  }
0xda: {  	v48 =	vld [tilespmem:s19+$0xF0]  }
0xdb: {  	v40 =	vld [tilespmem:s19+$0x480]  }
0xdc: {  	v39 =	vld [tilespmem:s19+$0x490]  }
0xdd: {  	v38 =	vld [tilespmem:s19+$0x4A0]  }
0xde: {  	v37 =	vld [tilespmem:s19+$0x4B0]  }
0xdf: {  	v36 =	vld [tilespmem:s19+$0x4C0]  }
0xe0: {  	v35 =	vld [tilespmem:s19+$0x4D0]  }
0xe1: {  	v34 =	vld [tilespmem:s19+$0x4E0]  }
0xe2: {  	v33 =	vld [tilespmem:s19+$0x4F0]  }
0xe3: {  	v32 =	vld [tilespmem:s19+$0x880]  }
0xe4: {  	v31 =	vld [tilespmem:s19+$0x890]  }
0xe5: {  	v30 =	vld [tilespmem:s19+$0x8A0]  }
0xe6: {  	v29 =	vld [tilespmem:s19+$0x8B0]  }
0xe7: {  	v28 =	vld [tilespmem:s19+$0x8C0]  }
0xe8: {  	v27 =	vld [tilespmem:s19+$0x8D0]  }
0xe9: {  	v26 =	vld [tilespmem:s19+$0x8E0]  }
0xea: {  	v25 =	vld [tilespmem:s19+$0x8F0]  }
0xeb: {  	v24 =	vld [tilespmem:s19+$0xC80]  }
0xec: {  	v23 =	vld [tilespmem:s19+$0xC90]  }
0xed: {  	v22 =	vld [tilespmem:s19+$0xCA0]  }
0xee: {  	v21 =	vld [tilespmem:s19+$0xCB0]  }
0xef: {  	v20 =	vld [tilespmem:s19+$0xCC0]  }
0xf0: {  	v19 =	vld [tilespmem:s19+$0xCD0]  }
0xf1: {  	v18 =	vld [tilespmem:s19+$0xCE0]  }
0xf2: {  	v17 =	vld [tilespmem:s19+$0xCF0]  }
0xf3: {  	v16 =	vld [tilespmem:s19+$0x1080]  }
0xf4: {  	v15 =	vld [tilespmem:s19+$0x1090]  }
0xf5: {  	v14 =	vld [tilespmem:s19+$0x10A0]  }
0xf6: {  	v13 =	vld [tilespmem:s19+$0x10B0]  }
0xf7: {  	v12 =	vld [tilespmem:s19+$0x10C0]  }
0xf8: {  	v11 =	vld [tilespmem:s19+$0x10D0]  }
0xf9: {  	v10 =	vld [tilespmem:s19+$0x10E0]  }
0xfa: {  	v9 =	vld [tilespmem:s19+$0x10F0]  }
0xfb: {  	v8 =	vld [tilespmem:s19+$0x1480]  }
0xfc: {  	v7 =	vld [tilespmem:s19+$0x1490]  }
0xfd: {  	v6 =	vld [tilespmem:s19+$0x14A0]  }
0xfe: {  	v4 =	vld [tilespmem:s19+$0x14B0]  }
0xff: {  	v3 =	vld [tilespmem:s19+$0x14C0]  }
0x100: {  	v5 =	vld [tilespmem:s19+$0x14D0]  }
0x101: {  	v49 =	vld [tilespmem:s19+$0xC080]  }
0x102: {  	v50 =	vld [tilespmem:s19+$0xC090]  }
0x103: {  	v51 =	vld [tilespmem:s19+$0xC0A0]  }
0x104: {  	v52 =	vld [tilespmem:s19+$0xC0B0]  }
0x105: {  	v53 =	vld [tilespmem:s19+$0xC0C0]  }
0x106: {  	v49 =	vmul.f32 $2.771281240e+01, v49;
	v54 =	vld [tilespmem:s19+$0xC0D0]  }
0x107: {  	v50 =	vmul.f32 $2.771281240e+01, v50;
	v55 =	vld [tilespmem:s19+$0xC0E0]  }
0x108: {  	v41 =	vadd.f32 v41, v49;
	v49 =	vmul.f32 $2.771281240e+01, v51;
	v51 =	vld [tilespmem:s19+$0xC0F0]  }
0x109: {  	v42 =	vadd.f32 v42, v50;
	v50 =	vmul.f32 $2.771281240e+01, v52;
	v52 =	vld [tilespmem:s19+$0xC480]  }
0x10a: {  	[tilespmem:s19+$0xC080] =	vst v41;
	v41 =	vadd.f32 v43, v49;
	v43 =	vmul.f32 $2.771281240e+01, v53;
	v49 =	vld [tilespmem:s19+$0xC490]  }
0x10b: {  	[tilespmem:s19+$0xC090] =	vst v42;
	v42 =	vadd.f32 v44, v50;
	v44 =	vmul.f32 $2.771281240e+01, v54;
	v50 =	vld [tilespmem:s19+$0xC4A0]  }
0x10c: {  	[tilespmem:s19+$0xC0A0] =	vst v41;
	v41 =	vadd.f32 v45, v43;
	v43 =	vmul.f32 $2.771281240e+01, v55;
	v45 =	vld [tilespmem:s19+$0xC4B0]  }
0x10d: {  	[tilespmem:s19+$0xC0B0] =	vst v42;
	v42 =	vadd.f32 v46, v44;
	v44 =	vmul.f32 $2.771281240e+01, v51;
	v46 =	vld [tilespmem:s19+$0xC4C0]  }
0x10e: {  	[tilespmem:s19+$0xC0C0] =	vst v41;
	v41 =	vadd.f32 v47, v43;
	v43 =	vmul.f32 $2.771281240e+01, v52;
	v47 =	vld [tilespmem:s19+$0xC4D0]  }
0x10f: {  	[tilespmem:s19+$0xC0D0] =	vst v42;
	v42 =	vadd.f32 v48, v44;
	v44 =	vmul.f32 $2.771281240e+01, v49;
	v48 =	vld [tilespmem:s19+$0xC4E0]  }
0x110: {  	[tilespmem:s19+$0xC0E0] =	vst v41;
	v40 =	vadd.f32 v40, v43;
	v41 =	vmul.f32 $2.771281240e+01, v50;
	v43 =	vld [tilespmem:s19+$0xC4F0]  }
0x111: {  	[tilespmem:s19+$0xC0F0] =	vst v42;
	v39 =	vadd.f32 v39, v44;
	v42 =	vmul.f32 $2.771281240e+01, v45;
	v44 =	vld [tilespmem:s19+$0xC880]  }
0x112: {  	[tilespmem:s19+$0xC480] =	vst v40;
	v38 =	vadd.f32 v38, v41;
	v40 =	vmul.f32 $2.771281240e+01, v46;
	v41 =	vld [tilespmem:s19+$0xC890]  }
0x113: {  	[tilespmem:s19+$0xC490] =	vst v39;
	v37 =	vadd.f32 v37, v42;
	v39 =	vmul.f32 $2.771281240e+01, v47;
	v42 =	vld [tilespmem:s19+$0xC8A0]  }
0x114: {  	[tilespmem:s19+$0xC4A0] =	vst v38;
	v36 =	vadd.f32 v36, v40;
	v38 =	vmul.f32 $2.771281240e+01, v48;
	v40 =	vld [tilespmem:s19+$0xC8B0]  }
0x115: {  	[tilespmem:s19+$0xC4B0] =	vst v37;
	v35 =	vadd.f32 v35, v39;
	v37 =	vmul.f32 $2.771281240e+01, v43;
	v39 =	vld [tilespmem:s19+$0xC8C0]  }
0x116: {  	[tilespmem:s19+$0xC4C0] =	vst v36;
	v34 =	vadd.f32 v34, v38;
	v36 =	vmul.f32 $2.771281240e+01, v44;
	v38 =	vld [tilespmem:s19+$0xC8D0]  }
0x117: {  	[tilespmem:s19+$0xC4D0] =	vst v35;
	v33 =	vadd.f32 v33, v37;
	v35 =	vmul.f32 $2.771281240e+01, v41;
	v37 =	vld [tilespmem:s19+$0xC8E0]  }
0x118: {  	[tilespmem:s19+$0xC4E0] =	vst v34;
	v32 =	vadd.f32 v32, v36;
	v34 =	vmul.f32 $2.771281240e+01, v42;
	v36 =	vld [tilespmem:s19+$0xC8F0]  }
0x119: {  	[tilespmem:s19+$0xC4F0] =	vst v33;
	v31 =	vadd.f32 v31, v35;
	v33 =	vmul.f32 $2.771281240e+01, v40;
	v35 =	vld [tilespmem:s19+$0xCC80]  }
0x11a: {  	[tilespmem:s19+$0xC880] =	vst v32;
	v30 =	vadd.f32 v30, v34;
	v32 =	vmul.f32 $2.771281240e+01, v39;
	v34 =	vld [tilespmem:s19+$0xCC90]  }
0x11b: {  	[tilespmem:s19+$0xC890] =	vst v31;
	v29 =	vadd.f32 v29, v33;
	v31 =	vmul.f32 $2.771281240e+01, v38;
	v33 =	vld [tilespmem:s19+$0xCCA0]  }
0x11c: {  	[tilespmem:s19+$0xC8A0] =	vst v30;
	v28 =	vadd.f32 v28, v32;
	v30 =	vmul.f32 $2.771281240e+01, v37;
	v32 =	vld [tilespmem:s19+$0xCCB0]  }
0x11d: {  	[tilespmem:s19+$0xC8B0] =	vst v29;
	v27 =	vadd.f32 v27, v31;
	v29 =	vmul.f32 $2.771281240e+01, v36;
	v31 =	vld [tilespmem:s19+$0xCCC0]  }
0x11e: {  	[tilespmem:s19+$0xC8C0] =	vst v28;
	v26 =	vadd.f32 v26, v30;
	v28 =	vmul.f32 $2.771281240e+01, v35;
	v30 =	vld [tilespmem:s19+$0xCCD0]  }
0x11f: {  	[tilespmem:s19+$0xC8D0] =	vst v27;
	v25 =	vadd.f32 v25, v29;
	v27 =	vmul.f32 $2.771281240e+01, v34;
	v29 =	vld [tilespmem:s19+$0xCCE0]  }
0x120: {  	[tilespmem:s19+$0xC8E0] =	vst v26;
	v24 =	vadd.f32 v24, v28;
	v26 =	vmul.f32 $2.771281240e+01, v33;
	v28 =	vld [tilespmem:s19+$0xCCF0]  }
0x121: {  	[tilespmem:s19+$0xC8F0] =	vst v25;
	v23 =	vadd.f32 v23, v27;
	v25 =	vmul.f32 $2.771281240e+01, v32;
	v27 =	vld [tilespmem:s19+$0xD080]  }
0x122: {  	[tilespmem:s19+$0xCC80] =	vst v24;
	v22 =	vadd.f32 v22, v26;
	v24 =	vmul.f32 $2.771281240e+01, v31;
	v26 =	vld [tilespmem:s19+$0xD090]  }
0x123: {  	[tilespmem:s19+$0xCC90] =	vst v23;
	v21 =	vadd.f32 v21, v25;
	v23 =	vmul.f32 $2.771281240e+01, v30;
	v25 =	vld [tilespmem:s19+$0xD0A0]  }
0x124: {  	[tilespmem:s19+$0xCCA0] =	vst v22;
	v20 =	vadd.f32 v20, v24;
	v22 =	vmul.f32 $2.771281240e+01, v29;
	v24 =	vld [tilespmem:s19+$0xD0B0]  }
0x125: {  	[tilespmem:s19+$0xCCB0] =	vst v21;
	v19 =	vadd.f32 v19, v23;
	v21 =	vmul.f32 $2.771281240e+01, v28;
	v23 =	vld [tilespmem:s19+$0xD0C0]  }
0x126: {  	[tilespmem:s19+$0xCCC0] =	vst v20;
	v18 =	vadd.f32 v18, v22;
	v20 =	vmul.f32 $2.771281240e+01, v27;
	v22 =	vld [tilespmem:s19+$0xD0D0]  }
0x127: {  	[tilespmem:s19+$0xCCD0] =	vst v19;
	v19 =	vadd.f32 v17, v21;
	v21 =	vmul.f32 $2.771281240e+01, v26;
	v26 =	vld [tilespmem:s19+$0xD0E0]  }
.Ltmp0:
0x128: {  	[tilespmem:s19+$0xCCE0] =	vst v18;
	v18 =	vadd.f32 v16, v20;
	v20 =	vmul.f32 $2.771281240e+01, v25;
	v17 =	vld [tilespmem:s19+$0xD0F0];
	(pc) =	sbr.rel @p0 .LBB2_2-.Ltmp0, $4  }
0x129: {  	[tilespmem:s19+$0xCCF0] =	vst v19;
	v19 =	vadd.f32 v15, v21;
	v21 =	vmul.f32 $2.771281240e+01, v24;
	v16 =	vld [tilespmem:s19+$0xD480]  }
0x12a: {  	[tilespmem:s19+$0xD080] =	vst v18;
	v20 =	vadd.f32 v14, v20;
	v23 =	vmul.f32 $2.771281240e+01, v23;
	v15 =	vld [tilespmem:s19+$0xD490]  }
0x12b: {  	[tilespmem:s19+$0xD090] =	vst v19;
	v18 =	vadd.f32 v13, v21;
	v19 =	vmul.f32 $2.771281240e+01, v22;
	v14 =	vld [tilespmem:s19+$0xD4A0]  }
0x12c: {  	s20 =	sadd.s32 $0x1, s20;
	[tilespmem:s19+$0xD0A0] =	vst v20;
	v20 =	vadd.f32 v12, v23;
	v13 =	vmul.f32 $2.771281240e+01, v26;
	v12 =	vld [tilespmem:s19+$0xD4B0]  }
0x12d: {  	v11 =	vadd.f32 v11, v19;
	v17 =	vmul.f32 $2.771281240e+01, v17  }
0x12e: {  	[tilespmem:s19+$0xD0B0] =	vst v18;
	v18 =	vld [tilespmem:s19+$0xD4C0];
	v10 =	vadd.f32 v10, v13  }
0x12f: {  	v19 =	vld [tilespmem:s19+$0xD4D0];
	v13 =	vmul.f32 $2.771281240e+01, v16;
	[tilespmem:s19+$0xD0D0] =	vst v11;
	v9 =	vadd.f32 v9, v17  }
0x130: {  	v11 =	vld [tilespmem:s19+$0xD4E0];
	v15 =	vmul.f32 $2.771281240e+01, v15;
	[tilespmem:s19+$0xD0E0] =	vst v10  }
0x131: {  	v10 =	vld [tilespmem:s19+$0xD4F0];
	v8 =	vadd.f32 v8, v13;
	[tilespmem:s19+$0xD0F0] =	vst v9;
	v9 =	vmul.f32 $2.771281240e+01, v14  }
0x132: {  	[tilespmem:s19+$0xD0C0] =	vst v20;
	v13 =	vld [tilespmem:s19+$0x14E0];
	v7 =	vadd.f32 v7, v15;
	v12 =	vmul.f32 $2.771281240e+01, v12  }
0x133: {  	[tilespmem:s19+$0xD480] =	vst v8;
	v8 =	vmul.f32 $2.771281240e+01, v18;
	v6 =	vadd.f32 v6, v9;
	v9 =	vld [tilespmem:s19+$0x14F0]  }
0x134: {  	[tilespmem:s19+$0xD490] =	vst v7;
	v4 =	vadd.f32 v4, v12;
	v7 =	vmul.f32 $2.771281240e+01, v19  }
0x135: {  	v3 =	vadd.f32 v3, v8;
	[tilespmem:s19+$0xD4A0] =	vst v6;
	v6 =	vmul.f32 $2.771281240e+01, v11  }
0x136: {  	[tilespmem:s19+$0xD4B0] =	vst v4;
	v4 =	vadd.f32 v5, v7;
	v5 =	vmul.f32 $2.771281240e+01, v10  }
0x137: {  	[tilespmem:s19+$0xD4C0] =	vst v3;
	v3 =	vadd.f32 v13, v6  }
0x138: {  	[tilespmem:s19+$0xD4D0] =	vst v4;
	v4 =	vadd.f32 v9, v5  }
0x139: {  	[tilespmem:s19+$0xD4E0] =	vst v3  }
0x13a: {  	s20 =	rddreg [dreg:$0x7];
	[tilespmem:s19+$0xD4F0] =	vst v4;
	s19 =	simm.s32 $0x0  }
0x13b: {  	[hbm4b:s20+s19] =	stream.linear.scatter [tilespmem:s18], [sflag:$0x2], $0xC000, $0x38;
	[tilespmem:$0x18080] =	vst v63  }
0x13c: {  	_ =	swait.ge [sflag:s17], $0xC000  }
0x13d: {  	[sflag:s17] =	ssyncset.done $0x0  }
0x13e: {  	s23 =	rddreg [dreg:$0x8];
	[sflag:s17] =	ssyncadd.s32 $0xFFFF4000  }
0x13f: {  	[tilespmem:s19], [sflag:$0x2] =	stream.linear.gather [hbm4b:s23+s19], $0x40, $0x38;
	[tilespmem:$0x18080] =	vst v63  }
0x140: {  	_ =	swait.ge [sflag:s17], $0x40  }
0x141: {  	[sflag:s17] =	ssyncset.done $0x0  }
0x142: {  	[sflag:s17] =	ssyncadd.s32 $0xFFFFFFC0  }
0x143: {  	v3 =	vld [tilespmem:$0x0];
	_ =	sdelay $0x4  }
0x144: {  	v4 =	vshrl.u32 v3, $0x3  }
0x145: {  	v4 =	vmul.u32 $0x30, v4  }
0x146: {  	v3 =	vand.u32 $0x7, v3  }
0x147: {  	v3 =	vor.u32 v3, v4  }
0x148: {  	v4 =	vperm.xlane v3, v0;
	_ =	sdelay $0x1  }
0x149: {  	v4 =	vadd.s32 v1, v4;
	_ =	sdelay $0x3  }
0x14a: {  	v3 =	vperm.xlane v3, v2  }
0x14b: {  	[tilespmem:s18], [sflag:$0x1] =	stream.indirect_vreg.gather [hbm4b:s1+s19], $0x80, v4, vm0, $0xb8;
	[tilespmem:$0x18080] =	vst v63  }
0x14c: {  	s21 =	simm.s32 $0xC880;
	v3 =	vadd.s32 v1, v3  }
0x14d: {  	[tilespmem:s21], [sflag:$0x1] =	stream.indirect_vreg.gather [hbm4b:s6+s19], $0x80, v4, vm0, $0xb8;
	[tilespmem:$0x18080] =	vst v63  }
0x14e: {  	s22 =	simm.s32 $0xD080  }
0x14f: {  	[tilespmem:s22], [sflag:$0x1] =	stream.indirect_vreg.gather [hbm4b:s7+s19], $0x80, v4, vm0, $0xb8;
	[tilespmem:$0x18080] =	vst v63  }
0x150: {  	s23 =	simm.s32 $0xD880  }
0x151: {  	[tilespmem:s23], [sflag:$0x1] =	stream.indirect_vreg.gather [hbm4b:s1+s19], $0x80, v3, vm0, $0xb8;
	[tilespmem:$0x18080] =	vst v63  }
0x152: {  	s21 =	simm.s32 $0xE080  }
0x153: {  	[tilespmem:s21], [sflag:$0x1] =	stream.indirect_vreg.gather [hbm4b:s6+s19], $0x80, v3, vm0, $0xb8;
	[tilespmem:$0x18080] =	vst v63  }
0x154: {  	s22 =	simm.s32 $0xE880  }
0x155: {  	[tilespmem:s22], [sflag:$0x1] =	stream.indirect_vreg.gather [hbm4b:s7+s19], $0x80, v3, vm0, $0xb8;
	[tilespmem:$0x18080] =	vst v63  }
0x156: {  	v3 =	vld [tilespmem:$0x10];
	_ =	sdelay $0x4  }
0x157: {  	v4 =	vshrl.u32 v3, $0x3  }
0x158: {  	v4 =	vmul.u32 $0x30, v4  }
0x159: {  	v3 =	vand.u32 $0x7, v3  }
0x15a: {  	v3 =	vor.u32 v3, v4  }
0x15b: {  	v4 =	vperm.xlane v3, v0;
	_ =	sdelay $0x1  }
0x15c: {  	v4 =	vadd.s32 v1, v4;
	_ =	sdelay $0x3  }
0x15d: {  	v3 =	vperm.xlane v3, v2  }
0x15e: {  	[tilespmem:s24], [sflag:$0x1] =	stream.indirect_vreg.gather [hbm4b:s1+s19], $0x80, v4, vm0, $0xb8;
	[tilespmem:$0x18080] =	vst v63  }
0x15f: {  	v3 =	vadd.s32 v1, v3  }
0x160: {  	[tilespmem:s25], [sflag:$0x1] =	stream.indirect_vreg.gather [hbm4b:s6+s19], $0x80, v4, vm0, $0xb8;
	[tilespmem:$0x18080] =	vst v63  }
0x161: {  	_ = 	snop  }
0x162: {  	[tilespmem:s26], [sflag:$0x1] =	stream.indirect_vreg.gather [hbm4b:s7+s19], $0x80, v4, vm0, $0xb8;
	[tilespmem:$0x18080] =	vst v63  }
0x163: {  	_ = 	snop  }
0x164: {  	[tilespmem:s28], [sflag:$0x1] =	stream.indirect_vreg.gather [hbm4b:s1+s19], $0x80, v3, vm0, $0xb8;
	[tilespmem:$0x18080] =	vst v63  }
0x165: {  	_ = 	snop  }
0x166: {  	[tilespmem:s29], [sflag:$0x1] =	stream.indirect_vreg.gather [hbm4b:s6+s19], $0x80, v3, vm0, $0xb8;
	[tilespmem:$0x18080] =	vst v63  }
0x167: {  	_ = 	snop  }
0x168: {  	[tilespmem:s30], [sflag:$0x1] =	stream.indirect_vreg.gather [hbm4b:s7+s19], $0x80, v3, vm0, $0xb8;
	[tilespmem:$0x18080] =	vst v63  }
0x169: {  	v3 =	vld [tilespmem:$0x20];
	_ =	sdelay $0x4  }
0x16a: {  	v4 =	vshrl.u32 v3, $0x3  }
0x16b: {  	v4 =	vmul.u32 $0x30, v4  }
0x16c: {  	v3 =	vand.u32 $0x7, v3  }
0x16d: {  	v3 =	vor.u32 v3, v4  }
0x16e: {  	v4 =	vperm.xlane v3, v0;
	_ =	sdelay $0x1  }
0x16f: {  	v4 =	vadd.s32 v1, v4;
	_ =	sdelay $0x3  }
0x170: {  	v3 =	vperm.xlane v3, v2  }
0x171: {  	[tilespmem:s31], [sflag:$0x1] =	stream.indirect_vreg.gather [hbm4b:s1+s19], $0x80, v4, vm0, $0xb8;
	[tilespmem:$0x18080] =	vst v63  }
0x172: {  	v3 =	vadd.s32 v1, v3  }
0x173: {  	[tilespmem:s2], [sflag:$0x1] =	stream.indirect_vreg.gather [hbm4b:s6+s19], $0x80, v4, vm0, $0xb8;
	[tilespmem:$0x18080] =	vst v63  }
0x174: {  	_ = 	snop  }
0x175: {  	[tilespmem:s0], [sflag:$0x1] =	stream.indirect_vreg.gather [hbm4b:s7+s19], $0x80, v4, vm0, $0xb8;
	[tilespmem:$0x18080] =	vst v63  }
0x176: {  	_ = 	snop  }
0x177: {  	[tilespmem:s16], [sflag:$0x1] =	stream.indirect_vreg.gather [hbm4b:s1+s19], $0x80, v3, vm0, $0xb8;
	[tilespmem:$0x18080] =	vst v63  }
0x178: {  	_ = 	snop  }
0x179: {  	[tilespmem:s4], [sflag:$0x1] =	stream.indirect_vreg.gather [hbm4b:s6+s19], $0x80, v3, vm0, $0xb8;
	[tilespmem:$0x18080] =	vst v63  }
0x17a: {  	_ = 	snop  }
0x17b: {  	[tilespmem:s9], [sflag:$0x1] =	stream.indirect_vreg.gather [hbm4b:s7+s19], $0x80, v3, vm0, $0xb8;
	[tilespmem:$0x18080] =	vst v63  }
0x17c: {  	v3 =	vld [tilespmem:$0x30];
	_ =	sdelay $0x4  }
0x17d: {  	v4 =	vshrl.u32 v3, $0x3  }
0x17e: {  	v4 =	vmul.u32 $0x30, v4  }
0x17f: {  	v3 =	vand.u32 $0x7, v3  }
0x180: {  	v3 =	vor.u32 v3, v4  }
0x181: {  	v4 =	vperm.xlane v3, v0;
	_ =	sdelay $0x1  }
0x182: {  	v4 =	vadd.s32 v1, v4;
	_ =	sdelay $0x3  }
0x183: {  	v3 =	vperm.xlane v3, v2  }
0x184: {  	[tilespmem:s10], [sflag:$0x1] =	stream.indirect_vreg.gather [hbm4b:s1+s19], $0x80, v4, vm0, $0xb8;
	[tilespmem:$0x18080] =	vst v63  }
0x185: {  	v3 =	vadd.s32 v1, v3  }
0x186: {  	[tilespmem:s11], [sflag:$0x1] =	stream.indirect_vreg.gather [hbm4b:s6+s19], $0x80, v4, vm0, $0xb8;
	[tilespmem:$0x18080] =	vst v63  }
0x187: {  	_ = 	snop  }
0x188: {  	[tilespmem:s12], [sflag:$0x1] =	stream.indirect_vreg.gather [hbm4b:s7+s19], $0x80, v4, vm0, $0xb8;
	[tilespmem:$0x18080] =	vst v63  }
0x189: {  	_ = 	snop  }
0x18a: {  	[tilespmem:s13], [sflag:$0x1] =	stream.indirect_vreg.gather [hbm4b:s1+s19], $0x80, v3, vm0, $0xb8;
	[tilespmem:$0x18080] =	vst v63  }
0x18b: {  	_ = 	snop  }
0x18c: {  	[tilespmem:s14], [sflag:$0x1] =	stream.indirect_vreg.gather [hbm4b:s6+s19], $0x80, v3, vm0, $0xb8;
	[tilespmem:$0x18080] =	vst v63  }
0x18d: {  	s23 =	simm.s32 $0x0  }
0x18e: {  	[tilespmem:s15], [sflag:$0x1] =	stream.indirect_vreg.gather [hbm4b:s7+s19], $0x80, v3, vm0, $0xb8;
	[tilespmem:$0x18080] =	vst v63  }
0x18f: {  	s20 =	smul.u32 $0x1800, s23;
	_ =	swait.ge [sflag:s5], $0xC000  }
0x190: {  	s21 =	sand.u32 $0x380, s19;
	[sflag:s5] =	ssyncset.done $0x0  }
0x191: {  	s20 =	sor.u32 s21, s20;
	[sflag:s5] =	ssyncadd.s32 $0xFFFF4000  }
0x192: {  	v5 =	vld [tilespmem:s20+$0x80]  }
0x193: {  	v24 =	vld [tilespmem:s20+$0x90]  }
0x194: {  	v25 =	vld [tilespmem:s20+$0xA0]  }
0x195: {  	v26 =	vld [tilespmem:s20+$0xB0]  }
0x196: {  	v27 =	vld [tilespmem:s20+$0xC0]  }
0x197: {  	v28 =	vld [tilespmem:s20+$0xD0]  }
0x198: {  	v29 =	vld [tilespmem:s20+$0xE0]  }
0x199: {  	v30 =	vld [tilespmem:s20+$0xF0]  }
0x19a: {  	v31 =	vld [tilespmem:s20+$0x480]  }
0x19b: {  	v32 =	vld [tilespmem:s20+$0x490]  }
0x19c: {  	v33 =	vld [tilespmem:s20+$0x4A0]  }
0x19d: {  	v34 =	vld [tilespmem:s20+$0x4B0]  }
0x19e: {  	v35 =	vld [tilespmem:s20+$0x4C0]  }
0x19f: {  	v36 =	vld [tilespmem:s20+$0x4D0]  }
0x1a0: {  	v37 =	vld [tilespmem:s20+$0x4E0]  }
0x1a1: {  	v38 =	vld [tilespmem:s20+$0x4F0]  }
0x1a2: {  	v39 =	vld [tilespmem:s20+$0x880]  }
0x1a3: {  	v40 =	vld [tilespmem:s20+$0x890]  }
0x1a4: {  	v41 =	vld [tilespmem:s20+$0x8A0]  }
0x1a5: {  	v42 =	vld [tilespmem:s20+$0x8B0]  }
0x1a6: {  	v43 =	vld [tilespmem:s20+$0x8C0]  }
0x1a7: {  	v44 =	vld [tilespmem:s20+$0x8D0]  }
0x1a8: {  	v45 =	vld [tilespmem:s20+$0x8E0]  }
0x1a9: {  	v46 =	vld [tilespmem:s20+$0x8F0]  }
0x1aa: {  	v47 =	vld [tilespmem:s20+$0xC80]  }
0x1ab: {  	v23 =	vld [tilespmem:s20+$0xC90]  }
0x1ac: {  	v22 =	vld [tilespmem:s20+$0xCA0]  }
0x1ad: {  	v21 =	vld [tilespmem:s20+$0xCB0]  }
0x1ae: {  	v20 =	vld [tilespmem:s20+$0xCC0]  }
0x1af: {  	v19 =	vld [tilespmem:s20+$0xCD0]  }
0x1b0: {  	v18 =	vld [tilespmem:s20+$0xCE0]  }
0x1b1: {  	v17 =	vld [tilespmem:s20+$0xCF0]  }
0x1b2: {  	v16 =	vld [tilespmem:s20+$0x1080]  }
0x1b3: {  	v15 =	vld [tilespmem:s20+$0x1090]  }
0x1b4: {  	v14 =	vld [tilespmem:s20+$0x10A0]  }
0x1b5: {  	v13 =	vld [tilespmem:s20+$0x10B0]  }
0x1b6: {  	v12 =	vld [tilespmem:s20+$0x10C0]  }
0x1b7: {  	v11 =	vld [tilespmem:s20+$0x10D0]  }
0x1b8: {  	v10 =	vld [tilespmem:s20+$0x10E0]  }
0x1b9: {  	v9 =	vld [tilespmem:s20+$0x10F0]  }
0x1ba: {  	v8 =	vld [tilespmem:s20+$0x1480]  }
0x1bb: {  	v7 =	vld [tilespmem:s20+$0x1490]  }
0x1bc: {  	v6 =	vld [tilespmem:s20+$0x14A0]  }
0x1bd: {  	v4 =	vld [tilespmem:s20+$0x14B0]  }
0x1be: {  	v3 =	vld [tilespmem:s20+$0x14C0]  }
0x1bf: {  	v48 =	vld [tilespmem:s20+$0xC080]  }
0x1c0: {  	v49 =	vld [tilespmem:s20+$0xC090]  }
0x1c1: {  	v50 =	vld [tilespmem:s20+$0xC0A0]  }
0x1c2: {  	v51 =	vld [tilespmem:s20+$0xC0B0]  }
0x1c3: {  	v52 =	vld [tilespmem:s20+$0xC0C0]  }
0x1c4: {  	v53 =	vld [tilespmem:s20+$0xC0D0]  }
0x1c5: {  	v54 =	vld [tilespmem:s20+$0xC0E0];
	v48 =	vmul.f32 $2.771281240e+01, v48  }
0x1c6: {  	v55 =	vld [tilespmem:s20+$0xC0F0];
	v49 =	vmul.f32 $2.771281240e+01, v49  }
0x1c7: {  	v59 =	vld [tilespmem:s20+$0xC490];
	v50 =	vmul.f32 $2.771281240e+01, v50;
	v48 =	vadd.f32 v5, v48  }
0x1c8: {  	v63 =	vmul.f32 $2.771281240e+01, v51;
	v51 =	vld [tilespmem:s20+$0xC480];
	v24 =	vadd.f32 v24, v49  }
0x1c9: {  	v56 =	vmul.f32 $2.771281240e+01, v52;
	v58 =	vmul.f32 $2.771281240e+01, v53;
	v53 =	vld [tilespmem:s20+$0xC4B0];
	v25 =	vadd.f32 v25, v50;
	[tilespmem:s20+$0xC080] =	vst v48  }
0x1ca: {  	v61 =	vmul.f32 $2.771281240e+01, v54;
	v54 =	vld [tilespmem:s20+$0xC4C0];
	v57 =	vadd.f32 v26, v63;
	[tilespmem:s20+$0xC090] =	vst v24  }
0x1cb: {  	v5 =	vld [tilespmem:s20+$0x14D0];
	v60 =	vadd.f32 v27, v56;
	[tilespmem:s20+$0xC0A0] =	vst v25  }
0x1cc: {  	v62 =	vadd.f32 v28, v58;
	v63 =	vmul.f32 $2.771281240e+01, v55;
	v55 =	vmul.f32 $2.771281240e+01, v59;
	v59 =	vld [tilespmem:s20+$0xC4E0];
	[tilespmem:s20+$0xC0B0] =	vst v57  }
0x1cd: {  	v50 =	vadd.f32 v29, v61;
	v61 =	vld [tilespmem:s20+$0xC4F0];
	[tilespmem:s20+$0xC0C0] =	vst v60  }
0x1ce: {  	v56 =	vld [tilespmem:s20+$0xC880];
	[tilespmem:s20+$0xC0D0] =	vst v62;
	v52 =	vadd.f32 v30, v63;
	v51 =	vmul.f32 $2.771281240e+01, v51  }
0x1cf: {  	v48 =	vld [tilespmem:s20+$0xC4A0];
	[tilespmem:s20+$0xC0E0] =	vst v50;
	v29 =	vadd.f32 v32, v55;
	v26 =	vmul.f32 $2.771281240e+01, v53  }
0x1d0: {  	v57 =	vld [tilespmem:s20+$0xC4D0];
	v25 =	vmul.f32 $2.771281240e+01, v54;
	[tilespmem:s20+$0xC0F0] =	vst v52;
	v27 =	vadd.f32 v31, v51  }
0x1d1: {  	v58 =	vld [tilespmem:s20+$0xC890];
	[tilespmem:s20+$0xC490] =	vst v29;
	v26 =	vadd.f32 v34, v26;
	v31 =	vmul.f32 $2.771281240e+01, v59  }
0x1d2: {  	v60 =	vld [tilespmem:s20+$0xC8A0];
	v25 =	vadd.f32 v35, v25;
	v32 =	vmul.f32 $2.771281240e+01, v61;
	[tilespmem:s20+$0xC480] =	vst v27  }
0x1d3: {  	v63 =	vld [tilespmem:s20+$0xC8C0];
	v24 =	vmul.f32 $2.771281240e+01, v56;
	[tilespmem:s20+$0xC4B0] =	vst v26;
	v31 =	vadd.f32 v37, v31  }
0x1d4: {  	v55 =	vld [tilespmem:s20+$0xCCC0];
	v28 =	vmul.f32 $2.771281240e+01, v48;
	[tilespmem:s20+$0xC4C0] =	vst v25;
	v32 =	vadd.f32 v38, v32  }
0x1d5: {  	v50 =	vld [tilespmem:s20+$0xC8F0];
	v30 =	vmul.f32 $2.771281240e+01, v57;
	v24 =	vadd.f32 v39, v24;
	[tilespmem:s20+$0xC4E0] =	vst v31  }
0x1d6: {  	v52 =	vld [tilespmem:s20+$0xCC90];
	v27 =	vmul.f32 $2.771281240e+01, v58;
	v28 =	vadd.f32 v33, v28;
	[tilespmem:s20+$0xC4F0] =	vst v32  }
0x1d7: {  	v51 =	vld [tilespmem:s20+$0xCC80];
	v29 =	vmul.f32 $2.771281240e+01, v60;
	v30 =	vadd.f32 v36, v30;
	[tilespmem:s20+$0xC880] =	vst v24  }
0x1d8: {  	v53 =	vld [tilespmem:s20+$0xCCA0];
	v26 =	vmul.f32 $2.771281240e+01, v63;
	v27 =	vadd.f32 v40, v27;
	[tilespmem:s20+$0xC4A0] =	vst v28  }
0x1d9: {  	v48 =	vld [tilespmem:s20+$0xC8D0];
	v61 =	vmul.f32 $2.771281240e+01, v55;
	v29 =	vadd.f32 v41, v29;
	[tilespmem:s20+$0xC4D0] =	vst v30  }
0x1da: {  	v54 =	vld [tilespmem:s20+$0xCCB0];
	v26 =	vadd.f32 v43, v26;
	v31 =	vmul.f32 $2.771281240e+01, v50;
	[tilespmem:s20+$0xC890] =	vst v27  }
0x1db: {  	v56 =	vld [tilespmem:s20+$0xCCD0];
	v24 =	vmul.f32 $2.771281240e+01, v52;
	v20 =	vadd.f32 v20, v61;
	[tilespmem:s20+$0xC8A0] =	vst v29  }
0x1dc: {  	v62 =	vld [tilespmem:s20+$0xC8B0];
	v32 =	vmul.f32 $2.771281240e+01, v51;
	[tilespmem:s20+$0xC8C0] =	vst v26;
	v31 =	vadd.f32 v46, v31  }
0x1dd: {  	v57 =	vld [tilespmem:s20+$0xCCE0];
	v27 =	vmul.f32 $2.771281240e+01, v53;
	v23 =	vadd.f32 v23, v24;
	[tilespmem:s20+$0xCCC0] =	vst v20  }
0x1de: {  	v49 =	vld [tilespmem:s20+$0xC8E0];
	v25 =	vmul.f32 $2.771281240e+01, v48;
	v32 =	vadd.f32 v47, v32;
	[tilespmem:s20+$0xC8F0] =	vst v31  }
0x1df: {  	v59 =	vld [tilespmem:s20+$0xD080];
	v29 =	vmul.f32 $2.771281240e+01, v54;
	v22 =	vadd.f32 v22, v27;
	[tilespmem:s20+$0xCC90] =	vst v23  }
0x1e0: {  	v58 =	vld [tilespmem:s20+$0xCCF0];
	v26 =	vmul.f32 $2.771281240e+01, v56;
	v25 =	vadd.f32 v44, v25;
	[tilespmem:s20+$0xCC80] =	vst v32  }
0x1e1: {  	v60 =	vld [tilespmem:s20+$0xD090];
	v28 =	vmul.f32 $2.771281240e+01, v62;
	v21 =	vadd.f32 v21, v29;
	[tilespmem:s20+$0xCCA0] =	vst v22  }
0x1e2: {  	v23 =	vld [tilespmem:s20+$0xD0A0];
	v19 =	vadd.f32 v19, v26;
	[tilespmem:s20+$0xC8D0] =	vst v25;
	v25 =	vmul.f32 $2.771281240e+01, v57  }
0x1e3: {  	v30 =	vmul.f32 $2.771281240e+01, v49;
	v28 =	vadd.f32 v42, v28;
	v22 =	vld [tilespmem:s20+$0xD0B0];
	[tilespmem:s20+$0xCCB0] =	vst v21  }
0x1e4: {  	v21 =	vld [tilespmem:s20+$0xD0C0];
	[tilespmem:s20+$0xCCD0] =	vst v19;
	v19 =	vmul.f32 $2.771281240e+01, v59;
	v18 =	vadd.f32 v18, v25  }
0x1e5: {  	v20 =	vld [tilespmem:s20+$0xD0D0];
	v62 =	vmul.f32 $2.771281240e+01, v58;
	v30 =	vadd.f32 v45, v30;
	[tilespmem:s20+$0xC8B0] =	vst v28  }
0x1e6: {  	v63 =	vld [tilespmem:s20+$0xD0E0];
	v19 =	vadd.f32 v16, v19;
	[tilespmem:s20+$0xCCE0] =	vst v18;
	v18 =	vmul.f32 $2.771281240e+01, v60  }
0x1e7: {  	v26 =	vadd.f32 v17, v62;
	v17 =	vld [tilespmem:s20+$0xD0F0];
	[tilespmem:s20+$0xC8E0] =	vst v30;
	v23 =	vmul.f32 $2.771281240e+01, v23  }
0x1e8: {  	v16 =	vld [tilespmem:s20+$0xD480];
	[tilespmem:s20+$0xD080] =	vst v19;
	v19 =	vmul.f32 $2.771281240e+01, v22;
	v18 =	vadd.f32 v15, v18  }
0x1e9: {  	[tilespmem:s20+$0xCCF0] =	vst v26;
	v22 =	vadd.f32 v14, v23;
	v21 =	vmul.f32 $2.771281240e+01, v21;
	v15 =	vld [tilespmem:s20+$0xD490]  }
0x1ea: {  	v14 =	vld [tilespmem:s20+$0xD4A0];
	[tilespmem:s20+$0xD090] =	vst v18;
	v18 =	vadd.f32 v13, v19;
	v19 =	vmul.f32 $2.771281240e+01, v20  }
0x1eb: {  	s21 =	simm.s32 $0x1;
	[tilespmem:s20+$0xD0A0] =	vst v22;
	v20 =	vadd.f32 v12, v21;
	v13 =	vmul.f32 $2.771281240e+01, v63;
	v12 =	vld [tilespmem:s20+$0xD4B0]  }
.LBB2_4:
0x1ec: {  	p0 =	sne.s32 s21, $0x3F;
	[tilespmem:s20+$0xD0B0] =	vst v18;
	v11 =	vadd.f32 v11, v19;
	v17 =	vmul.f32 $2.771281240e+01, v17;
	v18 =	vld [tilespmem:s20+$0xD4C0]  }
0x1ed: {  	[tilespmem:s20+$0xD0C0] =	vst v20;
	v10 =	vadd.f32 v10, v13;
	v13 =	vmul.f32 $2.771281240e+01, v16;
	v16 =	vld [tilespmem:s20+$0xD4D0]  }
0x1ee: {  	s22 =	sshrl.u32 s21, $0x3;
	[tilespmem:s20+$0xD0D0] =	vst v11;
	v9 =	vadd.f32 v9, v17;
	v11 =	vmul.f32 $2.771281240e+01, v15;
	v15 =	vld [tilespmem:s20+$0xD4E0]  }
0x1ef: {  	s19 =	sadd.s32 $0x80, s19;
	s22 =	smul.u32 $0x1800, s22;
	[tilespmem:s20+$0xD0E0] =	vst v10;
	v8 =	vadd.f32 v8, v13;
	v10 =	vmul.f32 $2.771281240e+01, v14;
	v13 =	vld [tilespmem:s20+$0xD4F0]  }
0x1f0: {  	s23 =	sand.u32 $0x380, s19;
	[tilespmem:s20+$0xD0F0] =	vst v9;
	v7 =	vadd.f32 v7, v11;
	v9 =	vmul.f32 $2.771281240e+01, v12;
	v11 =	vld [tilespmem:s20+$0x14E0]  }
0x1f1: {  	s22 =	sor.u32 s23, s22;
	[tilespmem:s20+$0xD480] =	vst v8;
	v6 =	vadd.f32 v6, v10;
	v8 =	vmul.f32 $2.771281240e+01, v18;
	v10 =	vld [tilespmem:s20+$0x14F0]  }
0x1f2: {  	v41 =	vld [tilespmem:s22+$0x80];
	[tilespmem:s20+$0xD490] =	vst v7;
	v4 =	vadd.f32 v4, v9;
	v7 =	vmul.f32 $2.771281240e+01, v16  }
0x1f3: {  	v42 =	vld [tilespmem:s22+$0x90];
	[tilespmem:s20+$0xD4A0] =	vst v6;
	v3 =	vadd.f32 v3, v8;
	v6 =	vmul.f32 $2.771281240e+01, v15  }
0x1f4: {  	v43 =	vld [tilespmem:s22+$0xA0];
	[tilespmem:s20+$0xD4B0] =	vst v4;
	v4 =	vadd.f32 v5, v7;
	v5 =	vmul.f32 $2.771281240e+01, v13  }
0x1f5: {  	v44 =	vld [tilespmem:s22+$0xB0];
	[tilespmem:s20+$0xD4C0] =	vst v3;
	v3 =	vadd.f32 v11, v6  }
0x1f6: {  	v45 =	vld [tilespmem:s22+$0xC0];
	[tilespmem:s20+$0xD4D0] =	vst v4;
	v4 =	vadd.f32 v10, v5  }
0x1f7: {  	v46 =	vld [tilespmem:s22+$0xD0];
	[tilespmem:s20+$0xD4E0] =	vst v3  }
0x1f8: {  	v47 =	vld [tilespmem:s22+$0xE0];
	[tilespmem:s20+$0xD4F0] =	vst v4;
	s20 =	smov.u32 s22  }
0x1f9: {  	v48 =	vld [tilespmem:s20+$0xF0]  }
0x1fa: {  	v40 =	vld [tilespmem:s20+$0x480]  }
0x1fb: {  	v39 =	vld [tilespmem:s20+$0x490]  }
0x1fc: {  	v38 =	vld [tilespmem:s20+$0x4A0]  }
0x1fd: {  	v37 =	vld [tilespmem:s20+$0x4B0]  }
0x1fe: {  	v36 =	vld [tilespmem:s20+$0x4C0]  }
0x1ff: {  	v35 =	vld [tilespmem:s20+$0x4D0]  }
0x200: {  	v34 =	vld [tilespmem:s20+$0x4E0]  }
0x201: {  	v33 =	vld [tilespmem:s20+$0x4F0]  }
0x202: {  	v32 =	vld [tilespmem:s20+$0x880]  }
0x203: {  	v31 =	vld [tilespmem:s20+$0x890]  }
0x204: {  	v30 =	vld [tilespmem:s20+$0x8A0]  }
0x205: {  	v29 =	vld [tilespmem:s20+$0x8B0]  }
0x206: {  	v28 =	vld [tilespmem:s20+$0x8C0]  }
0x207: {  	v27 =	vld [tilespmem:s20+$0x8D0]  }
0x208: {  	v26 =	vld [tilespmem:s20+$0x8E0]  }
0x209: {  	v25 =	vld [tilespmem:s20+$0x8F0]  }
0x20a: {  	v24 =	vld [tilespmem:s20+$0xC80]  }
0x20b: {  	v23 =	vld [tilespmem:s20+$0xC90]  }
0x20c: {  	v22 =	vld [tilespmem:s20+$0xCA0]  }
0x20d: {  	v21 =	vld [tilespmem:s20+$0xCB0]  }
0x20e: {  	v20 =	vld [tilespmem:s20+$0xCC0]  }
0x20f: {  	v19 =	vld [tilespmem:s20+$0xCD0]  }
0x210: {  	v18 =	vld [tilespmem:s20+$0xCE0]  }
0x211: {  	v17 =	vld [tilespmem:s20+$0xCF0]  }
0x212: {  	v16 =	vld [tilespmem:s20+$0x1080]  }
0x213: {  	v15 =	vld [tilespmem:s20+$0x1090]  }
0x214: {  	v14 =	vld [tilespmem:s20+$0x10A0]  }
0x215: {  	v13 =	vld [tilespmem:s20+$0x10B0]  }
0x216: {  	v12 =	vld [tilespmem:s20+$0x10C0]  }
0x217: {  	v11 =	vld [tilespmem:s20+$0x10D0]  }
0x218: {  	v10 =	vld [tilespmem:s20+$0x10E0]  }
0x219: {  	v9 =	vld [tilespmem:s20+$0x10F0]  }
0x21a: {  	v8 =	vld [tilespmem:s20+$0x1480]  }
0x21b: {  	v7 =	vld [tilespmem:s20+$0x1490]  }
0x21c: {  	v6 =	vld [tilespmem:s20+$0x14A0]  }
0x21d: {  	v4 =	vld [tilespmem:s20+$0x14B0]  }
0x21e: {  	v3 =	vld [tilespmem:s20+$0x14C0]  }
0x21f: {  	v5 =	vld [tilespmem:s20+$0x14D0]  }
0x220: {  	v49 =	vld [tilespmem:s20+$0xC080]  }
0x221: {  	v50 =	vld [tilespmem:s20+$0xC090]  }
0x222: {  	v51 =	vld [tilespmem:s20+$0xC0A0]  }
0x223: {  	v52 =	vld [tilespmem:s20+$0xC0B0]  }
0x224: {  	v53 =	vld [tilespmem:s20+$0xC0C0]  }
0x225: {  	v49 =	vmul.f32 $2.771281240e+01, v49;
	v54 =	vld [tilespmem:s20+$0xC0D0]  }
0x226: {  	v50 =	vmul.f32 $2.771281240e+01, v50;
	v55 =	vld [tilespmem:s20+$0xC0E0]  }
0x227: {  	v41 =	vadd.f32 v41, v49;
	v49 =	vmul.f32 $2.771281240e+01, v51;
	v51 =	vld [tilespmem:s20+$0xC0F0]  }
0x228: {  	v42 =	vadd.f32 v42, v50;
	v50 =	vmul.f32 $2.771281240e+01, v52;
	v52 =	vld [tilespmem:s20+$0xC480]  }
0x229: {  	[tilespmem:s20+$0xC080] =	vst v41;
	v41 =	vadd.f32 v43, v49;
	v43 =	vmul.f32 $2.771281240e+01, v53;
	v49 =	vld [tilespmem:s20+$0xC490]  }
0x22a: {  	[tilespmem:s20+$0xC090] =	vst v42;
	v42 =	vadd.f32 v44, v50;
	v44 =	vmul.f32 $2.771281240e+01, v54;
	v50 =	vld [tilespmem:s20+$0xC4A0]  }
0x22b: {  	[tilespmem:s20+$0xC0A0] =	vst v41;
	v41 =	vadd.f32 v45, v43;
	v43 =	vmul.f32 $2.771281240e+01, v55;
	v45 =	vld [tilespmem:s20+$0xC4B0]  }
0x22c: {  	[tilespmem:s20+$0xC0B0] =	vst v42;
	v42 =	vadd.f32 v46, v44;
	v44 =	vmul.f32 $2.771281240e+01, v51;
	v46 =	vld [tilespmem:s20+$0xC4C0]  }
0x22d: {  	[tilespmem:s20+$0xC0C0] =	vst v41;
	v41 =	vadd.f32 v47, v43;
	v43 =	vmul.f32 $2.771281240e+01, v52;
	v47 =	vld [tilespmem:s20+$0xC4D0]  }
0x22e: {  	[tilespmem:s20+$0xC0D0] =	vst v42;
	v42 =	vadd.f32 v48, v44;
	v44 =	vmul.f32 $2.771281240e+01, v49;
	v48 =	vld [tilespmem:s20+$0xC4E0]  }
0x22f: {  	[tilespmem:s20+$0xC0E0] =	vst v41;
	v40 =	vadd.f32 v40, v43;
	v41 =	vmul.f32 $2.771281240e+01, v50;
	v43 =	vld [tilespmem:s20+$0xC4F0]  }
0x230: {  	[tilespmem:s20+$0xC0F0] =	vst v42;
	v39 =	vadd.f32 v39, v44;
	v42 =	vmul.f32 $2.771281240e+01, v45;
	v44 =	vld [tilespmem:s20+$0xC880]  }
0x231: {  	[tilespmem:s20+$0xC480] =	vst v40;
	v38 =	vadd.f32 v38, v41;
	v40 =	vmul.f32 $2.771281240e+01, v46;
	v41 =	vld [tilespmem:s20+$0xC890]  }
0x232: {  	[tilespmem:s20+$0xC490] =	vst v39;
	v37 =	vadd.f32 v37, v42;
	v39 =	vmul.f32 $2.771281240e+01, v47;
	v42 =	vld [tilespmem:s20+$0xC8A0]  }
0x233: {  	[tilespmem:s20+$0xC4A0] =	vst v38;
	v36 =	vadd.f32 v36, v40;
	v38 =	vmul.f32 $2.771281240e+01, v48;
	v40 =	vld [tilespmem:s20+$0xC8B0]  }
0x234: {  	[tilespmem:s20+$0xC4B0] =	vst v37;
	v35 =	vadd.f32 v35, v39;
	v37 =	vmul.f32 $2.771281240e+01, v43;
	v39 =	vld [tilespmem:s20+$0xC8C0]  }
0x235: {  	[tilespmem:s20+$0xC4C0] =	vst v36;
	v34 =	vadd.f32 v34, v38;
	v36 =	vmul.f32 $2.771281240e+01, v44;
	v38 =	vld [tilespmem:s20+$0xC8D0]  }
0x236: {  	[tilespmem:s20+$0xC4D0] =	vst v35;
	v33 =	vadd.f32 v33, v37;
	v35 =	vmul.f32 $2.771281240e+01, v41;
	v37 =	vld [tilespmem:s20+$0xC8E0]  }
0x237: {  	[tilespmem:s20+$0xC4E0] =	vst v34;
	v32 =	vadd.f32 v32, v36;
	v34 =	vmul.f32 $2.771281240e+01, v42;
	v36 =	vld [tilespmem:s20+$0xC8F0]  }
0x238: {  	[tilespmem:s20+$0xC4F0] =	vst v33;
	v31 =	vadd.f32 v31, v35;
	v33 =	vmul.f32 $2.771281240e+01, v40;
	v35 =	vld [tilespmem:s20+$0xCC80]  }
0x239: {  	[tilespmem:s20+$0xC880] =	vst v32;
	v30 =	vadd.f32 v30, v34;
	v32 =	vmul.f32 $2.771281240e+01, v39;
	v34 =	vld [tilespmem:s20+$0xCC90]  }
0x23a: {  	[tilespmem:s20+$0xC890] =	vst v31;
	v29 =	vadd.f32 v29, v33;
	v31 =	vmul.f32 $2.771281240e+01, v38;
	v33 =	vld [tilespmem:s20+$0xCCA0]  }
0x23b: {  	[tilespmem:s20+$0xC8A0] =	vst v30;
	v28 =	vadd.f32 v28, v32;
	v30 =	vmul.f32 $2.771281240e+01, v37;
	v32 =	vld [tilespmem:s20+$0xCCB0]  }
0x23c: {  	[tilespmem:s20+$0xC8B0] =	vst v29;
	v27 =	vadd.f32 v27, v31;
	v29 =	vmul.f32 $2.771281240e+01, v36;
	v31 =	vld [tilespmem:s20+$0xCCC0]  }
0x23d: {  	[tilespmem:s20+$0xC8C0] =	vst v28;
	v26 =	vadd.f32 v26, v30;
	v28 =	vmul.f32 $2.771281240e+01, v35;
	v30 =	vld [tilespmem:s20+$0xCCD0]  }
0x23e: {  	[tilespmem:s20+$0xC8D0] =	vst v27;
	v25 =	vadd.f32 v25, v29;
	v27 =	vmul.f32 $2.771281240e+01, v34;
	v29 =	vld [tilespmem:s20+$0xCCE0]  }
0x23f: {  	[tilespmem:s20+$0xC8E0] =	vst v26;
	v24 =	vadd.f32 v24, v28;
	v26 =	vmul.f32 $2.771281240e+01, v33;
	v28 =	vld [tilespmem:s20+$0xCCF0]  }
0x240: {  	[tilespmem:s20+$0xC8F0] =	vst v25;
	v23 =	vadd.f32 v23, v27;
	v25 =	vmul.f32 $2.771281240e+01, v32;
	v27 =	vld [tilespmem:s20+$0xD080]  }
0x241: {  	[tilespmem:s20+$0xCC80] =	vst v24;
	v22 =	vadd.f32 v22, v26;
	v24 =	vmul.f32 $2.771281240e+01, v31;
	v26 =	vld [tilespmem:s20+$0xD090]  }
0x242: {  	[tilespmem:s20+$0xCC90] =	vst v23;
	v21 =	vadd.f32 v21, v25;
	v23 =	vmul.f32 $2.771281240e+01, v30;
	v25 =	vld [tilespmem:s20+$0xD0A0]  }
0x243: {  	[tilespmem:s20+$0xCCA0] =	vst v22;
	v20 =	vadd.f32 v20, v24;
	v22 =	vmul.f32 $2.771281240e+01, v29;
	v24 =	vld [tilespmem:s20+$0xD0B0]  }
0x244: {  	[tilespmem:s20+$0xCCB0] =	vst v21;
	v19 =	vadd.f32 v19, v23;
	v21 =	vmul.f32 $2.771281240e+01, v28;
	v23 =	vld [tilespmem:s20+$0xD0C0]  }
0x245: {  	[tilespmem:s20+$0xCCC0] =	vst v20;
	v18 =	vadd.f32 v18, v22;
	v20 =	vmul.f32 $2.771281240e+01, v27;
	v22 =	vld [tilespmem:s20+$0xD0D0]  }
0x246: {  	[tilespmem:s20+$0xCCD0] =	vst v19;
	v19 =	vadd.f32 v17, v21;
	v21 =	vmul.f32 $2.771281240e+01, v26;
	v26 =	vld [tilespmem:s20+$0xD0E0]  }
.Ltmp1:
0x247: {  	[tilespmem:s20+$0xCCE0] =	vst v18;
	v18 =	vadd.f32 v16, v20;
	v20 =	vmul.f32 $2.771281240e+01, v25;
	v17 =	vld [tilespmem:s20+$0xD0F0];
	(pc) =	sbr.rel @p0 .LBB2_4-.Ltmp1, $4  }
0x248: {  	[tilespmem:s20+$0xCCF0] =	vst v19;
	v19 =	vadd.f32 v15, v21;
	v21 =	vmul.f32 $2.771281240e+01, v24;
	v16 =	vld [tilespmem:s20+$0xD480]  }
0x249: {  	[tilespmem:s20+$0xD080] =	vst v18;
	v20 =	vadd.f32 v14, v20;
	v23 =	vmul.f32 $2.771281240e+01, v23;
	v15 =	vld [tilespmem:s20+$0xD490]  }
0x24a: {  	[tilespmem:s20+$0xD090] =	vst v19;
	v18 =	vadd.f32 v13, v21;
	v19 =	vmul.f32 $2.771281240e+01, v22;
	v14 =	vld [tilespmem:s20+$0xD4A0]  }
0x24b: {  	s21 =	sadd.s32 $0x1, s21;
	[tilespmem:s20+$0xD0A0] =	vst v20;
	v20 =	vadd.f32 v12, v23;
	v13 =	vmul.f32 $2.771281240e+01, v26;
	v12 =	vld [tilespmem:s20+$0xD4B0]  }
0x24c: {  	v11 =	vadd.f32 v11, v19;
	v17 =	vmul.f32 $2.771281240e+01, v17  }
0x24d: {  	[tilespmem:s20+$0xD0B0] =	vst v18;
	v18 =	vld [tilespmem:s20+$0xD4C0];
	v10 =	vadd.f32 v10, v13  }
0x24e: {  	v19 =	vld [tilespmem:s20+$0xD4D0];
	v13 =	vmul.f32 $2.771281240e+01, v16;
	[tilespmem:s20+$0xD0D0] =	vst v11;
	v9 =	vadd.f32 v9, v17  }
0x24f: {  	v11 =	vld [tilespmem:s20+$0xD4E0];
	v15 =	vmul.f32 $2.771281240e+01, v15;
	[tilespmem:s20+$0xD0E0] =	vst v10  }
0x250: {  	v10 =	vld [tilespmem:s20+$0xD4F0];
	v8 =	vadd.f32 v8, v13;
	[tilespmem:s20+$0xD0F0] =	vst v9;
	v9 =	vmul.f32 $2.771281240e+01, v14  }
0x251: {  	[tilespmem:s20+$0xD0C0] =	vst v20;
	v13 =	vld [tilespmem:s20+$0x14E0];
	v7 =	vadd.f32 v7, v15;
	v12 =	vmul.f32 $2.771281240e+01, v12  }
0x252: {  	[tilespmem:s20+$0xD480] =	vst v8;
	v8 =	vmul.f32 $2.771281240e+01, v18;
	v6 =	vadd.f32 v6, v9;
	v9 =	vld [tilespmem:s20+$0x14F0]  }
0x253: {  	[tilespmem:s20+$0xD490] =	vst v7;
	v4 =	vadd.f32 v4, v12;
	v7 =	vmul.f32 $2.771281240e+01, v19  }
0x254: {  	v3 =	vadd.f32 v3, v8;
	[tilespmem:s20+$0xD4A0] =	vst v6;
	v6 =	vmul.f32 $2.771281240e+01, v11  }
0x255: {  	[tilespmem:s20+$0xD4B0] =	vst v4;
	v4 =	vadd.f32 v5, v7;
	v5 =	vmul.f32 $2.771281240e+01, v10  }
0x256: {  	[tilespmem:s20+$0xD4C0] =	vst v3;
	v3 =	vadd.f32 v13, v6  }
0x257: {  	[tilespmem:s20+$0xD4D0] =	vst v4;
	v4 =	vadd.f32 v9, v5  }
0x258: {  	[tilespmem:s20+$0xD4E0] =	vst v3  }
0x259: {  	s19 =	simm.s32 $0x0;
	s22 =	rddreg [dreg:$0x9];
	[tilespmem:s20+$0xD4F0] =	vst v4  }
0x25a: {  	[hbm4b:s22+s19] =	stream.linear.scatter [tilespmem:s18], [sflag:$0x2], $0xC000, $0x38;
	[tilespmem:$0x18080] =	vst v63  }
0x25b: {  	_ =	swait.ge [sflag:s17], $0xC000  }
0x25c: {  	[sflag:s17] =	ssyncset.done $0x0  }
0x25d: {  	s23 =	rddreg [dreg:$0xa];
	[sflag:s17] =	ssyncadd.s32 $0xFFFF4000  }
0x25e: {  	[tilespmem:s19], [sflag:$0x2] =	stream.linear.gather [hbm4b:s23+s19], $0x40, $0x38;
	[tilespmem:$0x18080] =	vst v63  }
0x25f: {  	_ =	swait.ge [sflag:s17], $0x40  }
0x260: {  	[sflag:s17] =	ssyncset.done $0x0  }
0x261: {  	[sflag:s17] =	ssyncadd.s32 $0xFFFFFFC0  }
0x262: {  	v3 =	vld [tilespmem:$0x0];
	_ =	sdelay $0x4  }
0x263: {  	v4 =	vshrl.u32 v3, $0x3  }
0x264: {  	v4 =	vmul.u32 $0x30, v4  }
0x265: {  	v3 =	vand.u32 $0x7, v3  }
0x266: {  	v3 =	vor.u32 v3, v4  }
0x267: {  	v4 =	vperm.xlane v3, v0;
	_ =	sdelay $0x1  }
0x268: {  	v4 =	vadd.s32 v1, v4;
	_ =	sdelay $0x3  }
0x269: {  	v3 =	vperm.xlane v3, v2  }
0x26a: {  	[tilespmem:s18], [sflag:$0x1] =	stream.indirect_vreg.gather [hbm4b:s1+s19], $0x80, v4, vm0, $0xb8;
	[tilespmem:$0x18080] =	vst v63  }
0x26b: {  	s21 =	simm.s32 $0xC880;
	v3 =	vadd.s32 v1, v3  }
0x26c: {  	[tilespmem:s21], [sflag:$0x1] =	stream.indirect_vreg.gather [hbm4b:s6+s19], $0x80, v4, vm0, $0xb8;
	[tilespmem:$0x18080] =	vst v63  }
0x26d: {  	s22 =	simm.s32 $0xD080  }
0x26e: {  	[tilespmem:s22], [sflag:$0x1] =	stream.indirect_vreg.gather [hbm4b:s7+s19], $0x80, v4, vm0, $0xb8;
	[tilespmem:$0x18080] =	vst v63  }
0x26f: {  	s23 =	simm.s32 $0xD880  }
0x270: {  	[tilespmem:s23], [sflag:$0x1] =	stream.indirect_vreg.gather [hbm4b:s1+s19], $0x80, v3, vm0, $0xb8;
	[tilespmem:$0x18080] =	vst v63  }
0x271: {  	s21 =	simm.s32 $0xE080  }
0x272: {  	[tilespmem:s21], [sflag:$0x1] =	stream.indirect_vreg.gather [hbm4b:s6+s19], $0x80, v3, vm0, $0xb8;
	[tilespmem:$0x18080] =	vst v63  }
0x273: {  	s22 =	simm.s32 $0xE880  }
0x274: {  	[tilespmem:s22], [sflag:$0x1] =	stream.indirect_vreg.gather [hbm4b:s7+s19], $0x80, v3, vm0, $0xb8;
	[tilespmem:$0x18080] =	vst v63  }
0x275: {  	v3 =	vld [tilespmem:$0x10];
	_ =	sdelay $0x4  }
0x276: {  	v4 =	vshrl.u32 v3, $0x3  }
0x277: {  	v4 =	vmul.u32 $0x30, v4  }
0x278: {  	v3 =	vand.u32 $0x7, v3  }
0x279: {  	v3 =	vor.u32 v3, v4  }
0x27a: {  	v4 =	vperm.xlane v3, v0;
	_ =	sdelay $0x1  }
0x27b: {  	v4 =	vadd.s32 v1, v4;
	_ =	sdelay $0x3  }
0x27c: {  	v3 =	vperm.xlane v3, v2  }
0x27d: {  	[tilespmem:s24], [sflag:$0x1] =	stream.indirect_vreg.gather [hbm4b:s1+s19], $0x80, v4, vm0, $0xb8;
	[tilespmem:$0x18080] =	vst v63  }
0x27e: {  	v3 =	vadd.s32 v1, v3  }
0x27f: {  	[tilespmem:s25], [sflag:$0x1] =	stream.indirect_vreg.gather [hbm4b:s6+s19], $0x80, v4, vm0, $0xb8;
	[tilespmem:$0x18080] =	vst v63  }
0x280: {  	_ = 	snop  }
0x281: {  	[tilespmem:s26], [sflag:$0x1] =	stream.indirect_vreg.gather [hbm4b:s7+s19], $0x80, v4, vm0, $0xb8;
	[tilespmem:$0x18080] =	vst v63  }
0x282: {  	_ = 	snop  }
0x283: {  	[tilespmem:s28], [sflag:$0x1] =	stream.indirect_vreg.gather [hbm4b:s1+s19], $0x80, v3, vm0, $0xb8;
	[tilespmem:$0x18080] =	vst v63  }
0x284: {  	_ = 	snop  }
0x285: {  	[tilespmem:s29], [sflag:$0x1] =	stream.indirect_vreg.gather [hbm4b:s6+s19], $0x80, v3, vm0, $0xb8;
	[tilespmem:$0x18080] =	vst v63  }
0x286: {  	_ = 	snop  }
0x287: {  	[tilespmem:s30], [sflag:$0x1] =	stream.indirect_vreg.gather [hbm4b:s7+s19], $0x80, v3, vm0, $0xb8;
	[tilespmem:$0x18080] =	vst v63  }
0x288: {  	v3 =	vld [tilespmem:$0x20];
	_ =	sdelay $0x4  }
0x289: {  	v4 =	vshrl.u32 v3, $0x3  }
0x28a: {  	v4 =	vmul.u32 $0x30, v4  }
0x28b: {  	v3 =	vand.u32 $0x7, v3  }
0x28c: {  	v3 =	vor.u32 v3, v4  }
0x28d: {  	v4 =	vperm.xlane v3, v0;
	_ =	sdelay $0x1  }
0x28e: {  	v4 =	vadd.s32 v1, v4;
	_ =	sdelay $0x3  }
0x28f: {  	v3 =	vperm.xlane v3, v2  }
0x290: {  	[tilespmem:s31], [sflag:$0x1] =	stream.indirect_vreg.gather [hbm4b:s1+s19], $0x80, v4, vm0, $0xb8;
	[tilespmem:$0x18080] =	vst v63  }
0x291: {  	v3 =	vadd.s32 v1, v3  }
0x292: {  	[tilespmem:s2], [sflag:$0x1] =	stream.indirect_vreg.gather [hbm4b:s6+s19], $0x80, v4, vm0, $0xb8;
	[tilespmem:$0x18080] =	vst v63  }
0x293: {  	_ = 	snop  }
0x294: {  	[tilespmem:s0], [sflag:$0x1] =	stream.indirect_vreg.gather [hbm4b:s7+s19], $0x80, v4, vm0, $0xb8;
	[tilespmem:$0x18080] =	vst v63  }
0x295: {  	_ = 	snop  }
0x296: {  	[tilespmem:s16], [sflag:$0x1] =	stream.indirect_vreg.gather [hbm4b:s1+s19], $0x80, v3, vm0, $0xb8;
	[tilespmem:$0x18080] =	vst v63  }
0x297: {  	_ = 	snop  }
0x298: {  	[tilespmem:s4], [sflag:$0x1] =	stream.indirect_vreg.gather [hbm4b:s6+s19], $0x80, v3, vm0, $0xb8;
	[tilespmem:$0x18080] =	vst v63  }
0x299: {  	_ = 	snop  }
0x29a: {  	[tilespmem:s9], [sflag:$0x1] =	stream.indirect_vreg.gather [hbm4b:s7+s19], $0x80, v3, vm0, $0xb8;
	[tilespmem:$0x18080] =	vst v63  }
0x29b: {  	v3 =	vld [tilespmem:$0x30];
	_ =	sdelay $0x4  }
0x29c: {  	v4 =	vshrl.u32 v3, $0x3  }
0x29d: {  	v4 =	vmul.u32 $0x30, v4  }
0x29e: {  	v3 =	vand.u32 $0x7, v3  }
0x29f: {  	v3 =	vor.u32 v3, v4  }
0x2a0: {  	v4 =	vperm.xlane v3, v0;
	_ =	sdelay $0x1  }
0x2a1: {  	v4 =	vadd.s32 v1, v4;
	_ =	sdelay $0x3  }
0x2a2: {  	v3 =	vperm.xlane v3, v2  }
0x2a3: {  	[tilespmem:s10], [sflag:$0x1] =	stream.indirect_vreg.gather [hbm4b:s1+s19], $0x80, v4, vm0, $0xb8;
	[tilespmem:$0x18080] =	vst v63  }
0x2a4: {  	v3 =	vadd.s32 v1, v3  }
0x2a5: {  	[tilespmem:s11], [sflag:$0x1] =	stream.indirect_vreg.gather [hbm4b:s6+s19], $0x80, v4, vm0, $0xb8;
	[tilespmem:$0x18080] =	vst v63  }
0x2a6: {  	_ = 	snop  }
0x2a7: {  	[tilespmem:s12], [sflag:$0x1] =	stream.indirect_vreg.gather [hbm4b:s7+s19], $0x80, v4, vm0, $0xb8;
	[tilespmem:$0x18080] =	vst v63  }
0x2a8: {  	_ = 	snop  }
0x2a9: {  	[tilespmem:s13], [sflag:$0x1] =	stream.indirect_vreg.gather [hbm4b:s1+s19], $0x80, v3, vm0, $0xb8;
	[tilespmem:$0x18080] =	vst v63  }
0x2aa: {  	_ = 	snop  }
0x2ab: {  	[tilespmem:s14], [sflag:$0x1] =	stream.indirect_vreg.gather [hbm4b:s6+s19], $0x80, v3, vm0, $0xb8;
	[tilespmem:$0x18080] =	vst v63  }
0x2ac: {  	s23 =	simm.s32 $0x0  }
0x2ad: {  	[tilespmem:s15], [sflag:$0x1] =	stream.indirect_vreg.gather [hbm4b:s7+s19], $0x80, v3, vm0, $0xb8;
	[tilespmem:$0x18080] =	vst v63  }
0x2ae: {  	s20 =	smul.u32 $0x1800, s23;
	_ =	swait.ge [sflag:s5], $0xC000  }
0x2af: {  	s21 =	sand.u32 $0x380, s19;
	[sflag:s5] =	ssyncset.done $0x0  }
0x2b0: {  	s20 =	sor.u32 s21, s20;
	[sflag:s5] =	ssyncadd.s32 $0xFFFF4000  }
0x2b1: {  	v5 =	vld [tilespmem:s20+$0x80]  }
0x2b2: {  	v24 =	vld [tilespmem:s20+$0x90]  }
0x2b3: {  	v25 =	vld [tilespmem:s20+$0xA0]  }
0x2b4: {  	v26 =	vld [tilespmem:s20+$0xB0]  }
0x2b5: {  	v27 =	vld [tilespmem:s20+$0xC0]  }
0x2b6: {  	v28 =	vld [tilespmem:s20+$0xD0]  }
0x2b7: {  	v29 =	vld [tilespmem:s20+$0xE0]  }
0x2b8: {  	v30 =	vld [tilespmem:s20+$0xF0]  }
0x2b9: {  	v31 =	vld [tilespmem:s20+$0x480]  }
0x2ba: {  	v32 =	vld [tilespmem:s20+$0x490]  }
0x2bb: {  	v33 =	vld [tilespmem:s20+$0x4A0]  }
0x2bc: {  	v34 =	vld [tilespmem:s20+$0x4B0]  }
0x2bd: {  	v35 =	vld [tilespmem:s20+$0x4C0]  }
0x2be: {  	v36 =	vld [tilespmem:s20+$0x4D0]  }
0x2bf: {  	v37 =	vld [tilespmem:s20+$0x4E0]  }
0x2c0: {  	v38 =	vld [tilespmem:s20+$0x4F0]  }
0x2c1: {  	v39 =	vld [tilespmem:s20+$0x880]  }
0x2c2: {  	v40 =	vld [tilespmem:s20+$0x890]  }
0x2c3: {  	v41 =	vld [tilespmem:s20+$0x8A0]  }
0x2c4: {  	v42 =	vld [tilespmem:s20+$0x8B0]  }
0x2c5: {  	v43 =	vld [tilespmem:s20+$0x8C0]  }
0x2c6: {  	v44 =	vld [tilespmem:s20+$0x8D0]  }
0x2c7: {  	v45 =	vld [tilespmem:s20+$0x8E0]  }
0x2c8: {  	v46 =	vld [tilespmem:s20+$0x8F0]  }
0x2c9: {  	v47 =	vld [tilespmem:s20+$0xC80]  }
0x2ca: {  	v23 =	vld [tilespmem:s20+$0xC90]  }
0x2cb: {  	v22 =	vld [tilespmem:s20+$0xCA0]  }
0x2cc: {  	v21 =	vld [tilespmem:s20+$0xCB0]  }
0x2cd: {  	v20 =	vld [tilespmem:s20+$0xCC0]  }
0x2ce: {  	v19 =	vld [tilespmem:s20+$0xCD0]  }
0x2cf: {  	v18 =	vld [tilespmem:s20+$0xCE0]  }
0x2d0: {  	v17 =	vld [tilespmem:s20+$0xCF0]  }
0x2d1: {  	v16 =	vld [tilespmem:s20+$0x1080]  }
0x2d2: {  	v15 =	vld [tilespmem:s20+$0x1090]  }
0x2d3: {  	v14 =	vld [tilespmem:s20+$0x10A0]  }
0x2d4: {  	v13 =	vld [tilespmem:s20+$0x10B0]  }
0x2d5: {  	v12 =	vld [tilespmem:s20+$0x10C0]  }
0x2d6: {  	v11 =	vld [tilespmem:s20+$0x10D0]  }
0x2d7: {  	v10 =	vld [tilespmem:s20+$0x10E0]  }
0x2d8: {  	v9 =	vld [tilespmem:s20+$0x10F0]  }
0x2d9: {  	v8 =	vld [tilespmem:s20+$0x1480]  }
0x2da: {  	v7 =	vld [tilespmem:s20+$0x1490]  }
0x2db: {  	v6 =	vld [tilespmem:s20+$0x14A0]  }
0x2dc: {  	v4 =	vld [tilespmem:s20+$0x14B0]  }
0x2dd: {  	v3 =	vld [tilespmem:s20+$0x14C0]  }
0x2de: {  	v48 =	vld [tilespmem:s20+$0xC080]  }
0x2df: {  	v49 =	vld [tilespmem:s20+$0xC090]  }
0x2e0: {  	v50 =	vld [tilespmem:s20+$0xC0A0]  }
0x2e1: {  	v51 =	vld [tilespmem:s20+$0xC0B0]  }
0x2e2: {  	v52 =	vld [tilespmem:s20+$0xC0C0]  }
0x2e3: {  	v53 =	vld [tilespmem:s20+$0xC0D0]  }
0x2e4: {  	v54 =	vld [tilespmem:s20+$0xC0E0];
	v48 =	vmul.f32 $2.771281240e+01, v48  }
0x2e5: {  	v55 =	vld [tilespmem:s20+$0xC0F0];
	v49 =	vmul.f32 $2.771281240e+01, v49  }
0x2e6: {  	v59 =	vld [tilespmem:s20+$0xC490];
	v50 =	vmul.f32 $2.771281240e+01, v50;
	v48 =	vadd.f32 v5, v48  }
0x2e7: {  	v63 =	vmul.f32 $2.771281240e+01, v51;
	v51 =	vld [tilespmem:s20+$0xC480];
	v24 =	vadd.f32 v24, v49  }
0x2e8: {  	v56 =	vmul.f32 $2.771281240e+01, v52;
	v58 =	vmul.f32 $2.771281240e+01, v53;
	v53 =	vld [tilespmem:s20+$0xC4B0];
	v25 =	vadd.f32 v25, v50;
	[tilespmem:s20+$0xC080] =	vst v48  }
0x2e9: {  	v61 =	vmul.f32 $2.771281240e+01, v54;
	v54 =	vld [tilespmem:s20+$0xC4C0];
	v57 =	vadd.f32 v26, v63;
	[tilespmem:s20+$0xC090] =	vst v24  }
0x2ea: {  	v5 =	vld [tilespmem:s20+$0x14D0];
	v60 =	vadd.f32 v27, v56;
	[tilespmem:s20+$0xC0A0] =	vst v25  }
0x2eb: {  	v62 =	vadd.f32 v28, v58;
	v63 =	vmul.f32 $2.771281240e+01, v55;
	v55 =	vmul.f32 $2.771281240e+01, v59;
	v59 =	vld [tilespmem:s20+$0xC4E0];
	[tilespmem:s20+$0xC0B0] =	vst v57  }
0x2ec: {  	v50 =	vadd.f32 v29, v61;
	v61 =	vld [tilespmem:s20+$0xC4F0];
	[tilespmem:s20+$0xC0C0] =	vst v60  }
0x2ed: {  	v56 =	vld [tilespmem:s20+$0xC880];
	[tilespmem:s20+$0xC0D0] =	vst v62;
	v52 =	vadd.f32 v30, v63;
	v51 =	vmul.f32 $2.771281240e+01, v51  }
0x2ee: {  	v48 =	vld [tilespmem:s20+$0xC4A0];
	[tilespmem:s20+$0xC0E0] =	vst v50;
	v29 =	vadd.f32 v32, v55;
	v26 =	vmul.f32 $2.771281240e+01, v53  }
0x2ef: {  	v57 =	vld [tilespmem:s20+$0xC4D0];
	v25 =	vmul.f32 $2.771281240e+01, v54;
	[tilespmem:s20+$0xC0F0] =	vst v52;
	v27 =	vadd.f32 v31, v51  }
0x2f0: {  	v58 =	vld [tilespmem:s20+$0xC890];
	[tilespmem:s20+$0xC490] =	vst v29;
	v26 =	vadd.f32 v34, v26;
	v31 =	vmul.f32 $2.771281240e+01, v59  }
0x2f1: {  	v60 =	vld [tilespmem:s20+$0xC8A0];
	v25 =	vadd.f32 v35, v25;
	v32 =	vmul.f32 $2.771281240e+01, v61;
	[tilespmem:s20+$0xC480] =	vst v27  }
0x2f2: {  	v63 =	vld [tilespmem:s20+$0xC8C0];
	v24 =	vmul.f32 $2.771281240e+01, v56;
	[tilespmem:s20+$0xC4B0] =	vst v26;
	v31 =	vadd.f32 v37, v31  }
0x2f3: {  	v55 =	vld [tilespmem:s20+$0xCCC0];
	v28 =	vmul.f32 $2.771281240e+01, v48;
	[tilespmem:s20+$0xC4C0] =	vst v25;
	v32 =	vadd.f32 v38, v32  }
0x2f4: {  	v50 =	vld [tilespmem:s20+$0xC8F0];
	v30 =	vmul.f32 $2.771281240e+01, v57;
	v24 =	vadd.f32 v39, v24;
	[tilespmem:s20+$0xC4E0] =	vst v31  }
0x2f5: {  	v52 =	vld [tilespmem:s20+$0xCC90];
	v27 =	vmul.f32 $2.771281240e+01, v58;
	v28 =	vadd.f32 v33, v28;
	[tilespmem:s20+$0xC4F0] =	vst v32  }
0x2f6: {  	v51 =	vld [tilespmem:s20+$0xCC80];
	v29 =	vmul.f32 $2.771281240e+01, v60;
	v30 =	vadd.f32 v36, v30;
	[tilespmem:s20+$0xC880] =	vst v24  }
0x2f7: {  	v53 =	vld [tilespmem:s20+$0xCCA0];
	v26 =	vmul.f32 $2.771281240e+01, v63;
	v27 =	vadd.f32 v40, v27;
	[tilespmem:s20+$0xC4A0] =	vst v28  }
0x2f8: {  	v48 =	vld [tilespmem:s20+$0xC8D0];
	v61 =	vmul.f32 $2.771281240e+01, v55;
	v29 =	vadd.f32 v41, v29;
	[tilespmem:s20+$0xC4D0] =	vst v30  }
0x2f9: {  	v54 =	vld [tilespmem:s20+$0xCCB0];
	v26 =	vadd.f32 v43, v26;
	v31 =	vmul.f32 $2.771281240e+01, v50;
	[tilespmem:s20+$0xC890] =	vst v27  }
0x2fa: {  	v56 =	vld [tilespmem:s20+$0xCCD0];
	v24 =	vmul.f32 $2.771281240e+01, v52;
	v20 =	vadd.f32 v20, v61;
	[tilespmem:s20+$0xC8A0] =	vst v29  }
0x2fb: {  	v62 =	vld [tilespmem:s20+$0xC8B0];
	v32 =	vmul.f32 $2.771281240e+01, v51;
	[tilespmem:s20+$0xC8C0] =	vst v26;
	v31 =	vadd.f32 v46, v31  }
0x2fc: {  	v57 =	vld [tilespmem:s20+$0xCCE0];
	v27 =	vmul.f32 $2.771281240e+01, v53;
	v23 =	vadd.f32 v23, v24;
	[tilespmem:s20+$0xCCC0] =	vst v20  }
0x2fd: {  	v49 =	vld [tilespmem:s20+$0xC8E0];
	v25 =	vmul.f32 $2.771281240e+01, v48;
	v32 =	vadd.f32 v47, v32;
	[tilespmem:s20+$0xC8F0] =	vst v31  }
0x2fe: {  	v59 =	vld [tilespmem:s20+$0xD080];
	v29 =	vmul.f32 $2.771281240e+01, v54;
	v22 =	vadd.f32 v22, v27;
	[tilespmem:s20+$0xCC90] =	vst v23  }
0x2ff: {  	v58 =	vld [tilespmem:s20+$0xCCF0];
	v26 =	vmul.f32 $2.771281240e+01, v56;
	v25 =	vadd.f32 v44, v25;
	[tilespmem:s20+$0xCC80] =	vst v32  }
0x300: {  	v60 =	vld [tilespmem:s20+$0xD090];
	v28 =	vmul.f32 $2.771281240e+01, v62;
	v21 =	vadd.f32 v21, v29;
	[tilespmem:s20+$0xCCA0] =	vst v22  }
0x301: {  	v23 =	vld [tilespmem:s20+$0xD0A0];
	v19 =	vadd.f32 v19, v26;
	[tilespmem:s20+$0xC8D0] =	vst v25;
	v25 =	vmul.f32 $2.771281240e+01, v57  }
0x302: {  	v30 =	vmul.f32 $2.771281240e+01, v49;
	v28 =	vadd.f32 v42, v28;
	v22 =	vld [tilespmem:s20+$0xD0B0];
	[tilespmem:s20+$0xCCB0] =	vst v21  }
0x303: {  	v21 =	vld [tilespmem:s20+$0xD0C0];
	[tilespmem:s20+$0xCCD0] =	vst v19;
	v19 =	vmul.f32 $2.771281240e+01, v59;
	v18 =	vadd.f32 v18, v25  }
0x304: {  	v20 =	vld [tilespmem:s20+$0xD0D0];
	v62 =	vmul.f32 $2.771281240e+01, v58;
	v30 =	vadd.f32 v45, v30;
	[tilespmem:s20+$0xC8B0] =	vst v28  }
0x305: {  	v63 =	vld [tilespmem:s20+$0xD0E0];
	v19 =	vadd.f32 v16, v19;
	[tilespmem:s20+$0xCCE0] =	vst v18;
	v18 =	vmul.f32 $2.771281240e+01, v60  }
0x306: {  	v26 =	vadd.f32 v17, v62;
	v17 =	vld [tilespmem:s20+$0xD0F0];
	[tilespmem:s20+$0xC8E0] =	vst v30;
	v23 =	vmul.f32 $2.771281240e+01, v23  }
0x307: {  	v16 =	vld [tilespmem:s20+$0xD480];
	[tilespmem:s20+$0xD080] =	vst v19;
	v19 =	vmul.f32 $2.771281240e+01, v22;
	v18 =	vadd.f32 v15, v18  }
0x308: {  	[tilespmem:s20+$0xCCF0] =	vst v26;
	v22 =	vadd.f32 v14, v23;
	v21 =	vmul.f32 $2.771281240e+01, v21;
	v15 =	vld [tilespmem:s20+$0xD490]  }
0x309: {  	v14 =	vld [tilespmem:s20+$0xD4A0];
	[tilespmem:s20+$0xD090] =	vst v18;
	v18 =	vadd.f32 v13, v19;
	v19 =	vmul.f32 $2.771281240e+01, v20  }
0x30a: {  	s21 =	simm.s32 $0x1;
	[tilespmem:s20+$0xD0A0] =	vst v22;
	v20 =	vadd.f32 v12, v21;
	v13 =	vmul.f32 $2.771281240e+01, v63;
	v12 =	vld [tilespmem:s20+$0xD4B0]  }
.LBB2_6:
0x30b: {  	p0 =	sne.s32 s21, $0x3F;
	[tilespmem:s20+$0xD0B0] =	vst v18;
	v11 =	vadd.f32 v11, v19;
	v17 =	vmul.f32 $2.771281240e+01, v17;
	v18 =	vld [tilespmem:s20+$0xD4C0]  }
0x30c: {  	[tilespmem:s20+$0xD0C0] =	vst v20;
	v10 =	vadd.f32 v10, v13;
	v13 =	vmul.f32 $2.771281240e+01, v16;
	v16 =	vld [tilespmem:s20+$0xD4D0]  }
0x30d: {  	s22 =	sshrl.u32 s21, $0x3;
	[tilespmem:s20+$0xD0D0] =	vst v11;
	v9 =	vadd.f32 v9, v17;
	v11 =	vmul.f32 $2.771281240e+01, v15;
	v15 =	vld [tilespmem:s20+$0xD4E0]  }
0x30e: {  	s19 =	sadd.s32 $0x80, s19;
	s22 =	smul.u32 $0x1800, s22;
	[tilespmem:s20+$0xD0E0] =	vst v10;
	v8 =	vadd.f32 v8, v13;
	v10 =	vmul.f32 $2.771281240e+01, v14;
	v13 =	vld [tilespmem:s20+$0xD4F0]  }
0x30f: {  	s23 =	sand.u32 $0x380, s19;
	[tilespmem:s20+$0xD0F0] =	vst v9;
	v7 =	vadd.f32 v7, v11;
	v9 =	vmul.f32 $2.771281240e+01, v12;
	v11 =	vld [tilespmem:s20+$0x14E0]  }
0x310: {  	s22 =	sor.u32 s23, s22;
	[tilespmem:s20+$0xD480] =	vst v8;
	v6 =	vadd.f32 v6, v10;
	v8 =	vmul.f32 $2.771281240e+01, v18;
	v10 =	vld [tilespmem:s20+$0x14F0]  }
0x311: {  	v41 =	vld [tilespmem:s22+$0x80];
	[tilespmem:s20+$0xD490] =	vst v7;
	v4 =	vadd.f32 v4, v9;
	v7 =	vmul.f32 $2.771281240e+01, v16  }
0x312: {  	v42 =	vld [tilespmem:s22+$0x90];
	[tilespmem:s20+$0xD4A0] =	vst v6;
	v3 =	vadd.f32 v3, v8;
	v6 =	vmul.f32 $2.771281240e+01, v15  }
0x313: {  	v43 =	vld [tilespmem:s22+$0xA0];
	[tilespmem:s20+$0xD4B0] =	vst v4;
	v4 =	vadd.f32 v5, v7;
	v5 =	vmul.f32 $2.771281240e+01, v13  }
0x314: {  	v44 =	vld [tilespmem:s22+$0xB0];
	[tilespmem:s20+$0xD4C0] =	vst v3;
	v3 =	vadd.f32 v11, v6  }
0x315: {  	v45 =	vld [tilespmem:s22+$0xC0];
	[tilespmem:s20+$0xD4D0] =	vst v4;
	v4 =	vadd.f32 v10, v5  }
0x316: {  	v46 =	vld [tilespmem:s22+$0xD0];
	[tilespmem:s20+$0xD4E0] =	vst v3  }
0x317: {  	v47 =	vld [tilespmem:s22+$0xE0];
	[tilespmem:s20+$0xD4F0] =	vst v4;
	s20 =	smov.u32 s22  }
0x318: {  	v48 =	vld [tilespmem:s20+$0xF0]  }
0x319: {  	v40 =	vld [tilespmem:s20+$0x480]  }
0x31a: {  	v39 =	vld [tilespmem:s20+$0x490]  }
0x31b: {  	v38 =	vld [tilespmem:s20+$0x4A0]  }
0x31c: {  	v37 =	vld [tilespmem:s20+$0x4B0]  }
0x31d: {  	v36 =	vld [tilespmem:s20+$0x4C0]  }
0x31e: {  	v35 =	vld [tilespmem:s20+$0x4D0]  }
0x31f: {  	v34 =	vld [tilespmem:s20+$0x4E0]  }
0x320: {  	v33 =	vld [tilespmem:s20+$0x4F0]  }
0x321: {  	v32 =	vld [tilespmem:s20+$0x880]  }
0x322: {  	v31 =	vld [tilespmem:s20+$0x890]  }
0x323: {  	v30 =	vld [tilespmem:s20+$0x8A0]  }
0x324: {  	v29 =	vld [tilespmem:s20+$0x8B0]  }
0x325: {  	v28 =	vld [tilespmem:s20+$0x8C0]  }
0x326: {  	v27 =	vld [tilespmem:s20+$0x8D0]  }
0x327: {  	v26 =	vld [tilespmem:s20+$0x8E0]  }
0x328: {  	v25 =	vld [tilespmem:s20+$0x8F0]  }
0x329: {  	v24 =	vld [tilespmem:s20+$0xC80]  }
0x32a: {  	v23 =	vld [tilespmem:s20+$0xC90]  }
0x32b: {  	v22 =	vld [tilespmem:s20+$0xCA0]  }
0x32c: {  	v21 =	vld [tilespmem:s20+$0xCB0]  }
0x32d: {  	v20 =	vld [tilespmem:s20+$0xCC0]  }
0x32e: {  	v19 =	vld [tilespmem:s20+$0xCD0]  }
0x32f: {  	v18 =	vld [tilespmem:s20+$0xCE0]  }
0x330: {  	v17 =	vld [tilespmem:s20+$0xCF0]  }
0x331: {  	v16 =	vld [tilespmem:s20+$0x1080]  }
0x332: {  	v15 =	vld [tilespmem:s20+$0x1090]  }
0x333: {  	v14 =	vld [tilespmem:s20+$0x10A0]  }
0x334: {  	v13 =	vld [tilespmem:s20+$0x10B0]  }
0x335: {  	v12 =	vld [tilespmem:s20+$0x10C0]  }
0x336: {  	v11 =	vld [tilespmem:s20+$0x10D0]  }
0x337: {  	v10 =	vld [tilespmem:s20+$0x10E0]  }
0x338: {  	v9 =	vld [tilespmem:s20+$0x10F0]  }
0x339: {  	v8 =	vld [tilespmem:s20+$0x1480]  }
0x33a: {  	v7 =	vld [tilespmem:s20+$0x1490]  }
0x33b: {  	v6 =	vld [tilespmem:s20+$0x14A0]  }
0x33c: {  	v4 =	vld [tilespmem:s20+$0x14B0]  }
0x33d: {  	v3 =	vld [tilespmem:s20+$0x14C0]  }
0x33e: {  	v5 =	vld [tilespmem:s20+$0x14D0]  }
0x33f: {  	v49 =	vld [tilespmem:s20+$0xC080]  }
0x340: {  	v50 =	vld [tilespmem:s20+$0xC090]  }
0x341: {  	v51 =	vld [tilespmem:s20+$0xC0A0]  }
0x342: {  	v52 =	vld [tilespmem:s20+$0xC0B0]  }
0x343: {  	v53 =	vld [tilespmem:s20+$0xC0C0]  }
0x344: {  	v49 =	vmul.f32 $2.771281240e+01, v49;
	v54 =	vld [tilespmem:s20+$0xC0D0]  }
0x345: {  	v50 =	vmul.f32 $2.771281240e+01, v50;
	v55 =	vld [tilespmem:s20+$0xC0E0]  }
0x346: {  	v41 =	vadd.f32 v41, v49;
	v49 =	vmul.f32 $2.771281240e+01, v51;
	v51 =	vld [tilespmem:s20+$0xC0F0]  }
0x347: {  	v42 =	vadd.f32 v42, v50;
	v50 =	vmul.f32 $2.771281240e+01, v52;
	v52 =	vld [tilespmem:s20+$0xC480]  }
0x348: {  	[tilespmem:s20+$0xC080] =	vst v41;
	v41 =	vadd.f32 v43, v49;
	v43 =	vmul.f32 $2.771281240e+01, v53;
	v49 =	vld [tilespmem:s20+$0xC490]  }
0x349: {  	[tilespmem:s20+$0xC090] =	vst v42;
	v42 =	vadd.f32 v44, v50;
	v44 =	vmul.f32 $2.771281240e+01, v54;
	v50 =	vld [tilespmem:s20+$0xC4A0]  }
0x34a: {  	[tilespmem:s20+$0xC0A0] =	vst v41;
	v41 =	vadd.f32 v45, v43;
	v43 =	vmul.f32 $2.771281240e+01, v55;
	v45 =	vld [tilespmem:s20+$0xC4B0]  }
0x34b: {  	[tilespmem:s20+$0xC0B0] =	vst v42;
	v42 =	vadd.f32 v46, v44;
	v44 =	vmul.f32 $2.771281240e+01, v51;
	v46 =	vld [tilespmem:s20+$0xC4C0]  }
0x34c: {  	[tilespmem:s20+$0xC0C0] =	vst v41;
	v41 =	vadd.f32 v47, v43;
	v43 =	vmul.f32 $2.771281240e+01, v52;
	v47 =	vld [tilespmem:s20+$0xC4D0]  }
0x34d: {  	[tilespmem:s20+$0xC0D0] =	vst v42;
	v42 =	vadd.f32 v48, v44;
	v44 =	vmul.f32 $2.771281240e+01, v49;
	v48 =	vld [tilespmem:s20+$0xC4E0]  }
0x34e: {  	[tilespmem:s20+$0xC0E0] =	vst v41;
	v40 =	vadd.f32 v40, v43;
	v41 =	vmul.f32 $2.771281240e+01, v50;
	v43 =	vld [tilespmem:s20+$0xC4F0]  }
0x34f: {  	[tilespmem:s20+$0xC0F0] =	vst v42;
	v39 =	vadd.f32 v39, v44;
	v42 =	vmul.f32 $2.771281240e+01, v45;
	v44 =	vld [tilespmem:s20+$0xC880]  }
0x350: {  	[tilespmem:s20+$0xC480] =	vst v40;
	v38 =	vadd.f32 v38, v41;
	v40 =	vmul.f32 $2.771281240e+01, v46;
	v41 =	vld [tilespmem:s20+$0xC890]  }
0x351: {  	[tilespmem:s20+$0xC490] =	vst v39;
	v37 =	vadd.f32 v37, v42;
	v39 =	vmul.f32 $2.771281240e+01, v47;
	v42 =	vld [tilespmem:s20+$0xC8A0]  }
0x352: {  	[tilespmem:s20+$0xC4A0] =	vst v38;
	v36 =	vadd.f32 v36, v40;
	v38 =	vmul.f32 $2.771281240e+01, v48;
	v40 =	vld [tilespmem:s20+$0xC8B0]  }
0x353: {  	[tilespmem:s20+$0xC4B0] =	vst v37;
	v35 =	vadd.f32 v35, v39;
	v37 =	vmul.f32 $2.771281240e+01, v43;
	v39 =	vld [tilespmem:s20+$0xC8C0]  }
0x354: {  	[tilespmem:s20+$0xC4C0] =	vst v36;
	v34 =	vadd.f32 v34, v38;
	v36 =	vmul.f32 $2.771281240e+01, v44;
	v38 =	vld [tilespmem:s20+$0xC8D0]  }
0x355: {  	[tilespmem:s20+$0xC4D0] =	vst v35;
	v33 =	vadd.f32 v33, v37;
	v35 =	vmul.f32 $2.771281240e+01, v41;
	v37 =	vld [tilespmem:s20+$0xC8E0]  }
0x356: {  	[tilespmem:s20+$0xC4E0] =	vst v34;
	v32 =	vadd.f32 v32, v36;
	v34 =	vmul.f32 $2.771281240e+01, v42;
	v36 =	vld [tilespmem:s20+$0xC8F0]  }
0x357: {  	[tilespmem:s20+$0xC4F0] =	vst v33;
	v31 =	vadd.f32 v31, v35;
	v33 =	vmul.f32 $2.771281240e+01, v40;
	v35 =	vld [tilespmem:s20+$0xCC80]  }
0x358: {  	[tilespmem:s20+$0xC880] =	vst v32;
	v30 =	vadd.f32 v30, v34;
	v32 =	vmul.f32 $2.771281240e+01, v39;
	v34 =	vld [tilespmem:s20+$0xCC90]  }
0x359: {  	[tilespmem:s20+$0xC890] =	vst v31;
	v29 =	vadd.f32 v29, v33;
	v31 =	vmul.f32 $2.771281240e+01, v38;
	v33 =	vld [tilespmem:s20+$0xCCA0]  }
0x35a: {  	[tilespmem:s20+$0xC8A0] =	vst v30;
	v28 =	vadd.f32 v28, v32;
	v30 =	vmul.f32 $2.771281240e+01, v37;
	v32 =	vld [tilespmem:s20+$0xCCB0]  }
0x35b: {  	[tilespmem:s20+$0xC8B0] =	vst v29;
	v27 =	vadd.f32 v27, v31;
	v29 =	vmul.f32 $2.771281240e+01, v36;
	v31 =	vld [tilespmem:s20+$0xCCC0]  }
0x35c: {  	[tilespmem:s20+$0xC8C0] =	vst v28;
	v26 =	vadd.f32 v26, v30;
	v28 =	vmul.f32 $2.771281240e+01, v35;
	v30 =	vld [tilespmem:s20+$0xCCD0]  }
0x35d: {  	[tilespmem:s20+$0xC8D0] =	vst v27;
	v25 =	vadd.f32 v25, v29;
	v27 =	vmul.f32 $2.771281240e+01, v34;
	v29 =	vld [tilespmem:s20+$0xCCE0]  }
0x35e: {  	[tilespmem:s20+$0xC8E0] =	vst v26;
	v24 =	vadd.f32 v24, v28;
	v26 =	vmul.f32 $2.771281240e+01, v33;
	v28 =	vld [tilespmem:s20+$0xCCF0]  }
0x35f: {  	[tilespmem:s20+$0xC8F0] =	vst v25;
	v23 =	vadd.f32 v23, v27;
	v25 =	vmul.f32 $2.771281240e+01, v32;
	v27 =	vld [tilespmem:s20+$0xD080]  }
0x360: {  	[tilespmem:s20+$0xCC80] =	vst v24;
	v22 =	vadd.f32 v22, v26;
	v24 =	vmul.f32 $2.771281240e+01, v31;
	v26 =	vld [tilespmem:s20+$0xD090]  }
0x361: {  	[tilespmem:s20+$0xCC90] =	vst v23;
	v21 =	vadd.f32 v21, v25;
	v23 =	vmul.f32 $2.771281240e+01, v30;
	v25 =	vld [tilespmem:s20+$0xD0A0]  }
0x362: {  	[tilespmem:s20+$0xCCA0] =	vst v22;
	v20 =	vadd.f32 v20, v24;
	v22 =	vmul.f32 $2.771281240e+01, v29;
	v24 =	vld [tilespmem:s20+$0xD0B0]  }
0x363: {  	[tilespmem:s20+$0xCCB0] =	vst v21;
	v19 =	vadd.f32 v19, v23;
	v21 =	vmul.f32 $2.771281240e+01, v28;
	v23 =	vld [tilespmem:s20+$0xD0C0]  }
0x364: {  	[tilespmem:s20+$0xCCC0] =	vst v20;
	v18 =	vadd.f32 v18, v22;
	v20 =	vmul.f32 $2.771281240e+01, v27;
	v22 =	vld [tilespmem:s20+$0xD0D0]  }
0x365: {  	[tilespmem:s20+$0xCCD0] =	vst v19;
	v19 =	vadd.f32 v17, v21;
	v21 =	vmul.f32 $2.771281240e+01, v26;
	v26 =	vld [tilespmem:s20+$0xD0E0]  }
.Ltmp2:
0x366: {  	[tilespmem:s20+$0xCCE0] =	vst v18;
	v18 =	vadd.f32 v16, v20;
	v20 =	vmul.f32 $2.771281240e+01, v25;
	v17 =	vld [tilespmem:s20+$0xD0F0];
	(pc) =	sbr.rel @p0 .LBB2_6-.Ltmp2, $4  }
0x367: {  	[tilespmem:s20+$0xCCF0] =	vst v19;
	v19 =	vadd.f32 v15, v21;
	v21 =	vmul.f32 $2.771281240e+01, v24;
	v16 =	vld [tilespmem:s20+$0xD480]  }
0x368: {  	[tilespmem:s20+$0xD080] =	vst v18;
	v20 =	vadd.f32 v14, v20;
	v23 =	vmul.f32 $2.771281240e+01, v23;
	v15 =	vld [tilespmem:s20+$0xD490]  }
0x369: {  	[tilespmem:s20+$0xD090] =	vst v19;
	v18 =	vadd.f32 v13, v21;
	v19 =	vmul.f32 $2.771281240e+01, v22;
	v14 =	vld [tilespmem:s20+$0xD4A0]  }
0x36a: {  	s21 =	sadd.s32 $0x1, s21;
	[tilespmem:s20+$0xD0A0] =	vst v20;
	v20 =	vadd.f32 v12, v23;
	v13 =	vmul.f32 $2.771281240e+01, v26;
	v12 =	vld [tilespmem:s20+$0xD4B0]  }
0x36b: {  	v11 =	vadd.f32 v11, v19;
	v17 =	vmul.f32 $2.771281240e+01, v17  }
0x36c: {  	[tilespmem:s20+$0xD0B0] =	vst v18;
	v18 =	vld [tilespmem:s20+$0xD4C0];
	v10 =	vadd.f32 v10, v13  }
0x36d: {  	v19 =	vld [tilespmem:s20+$0xD4D0];
	v13 =	vmul.f32 $2.771281240e+01, v16;
	[tilespmem:s20+$0xD0D0] =	vst v11;
	v9 =	vadd.f32 v9, v17  }
0x36e: {  	v11 =	vld [tilespmem:s20+$0xD4E0];
	v15 =	vmul.f32 $2.771281240e+01, v15;
	[tilespmem:s20+$0xD0E0] =	vst v10  }
0x36f: {  	v10 =	vld [tilespmem:s20+$0xD4F0];
	v8 =	vadd.f32 v8, v13;
	[tilespmem:s20+$0xD0F0] =	vst v9;
	v9 =	vmul.f32 $2.771281240e+01, v14  }
0x370: {  	[tilespmem:s20+$0xD0C0] =	vst v20;
	v13 =	vld [tilespmem:s20+$0x14E0];
	v7 =	vadd.f32 v7, v15;
	v12 =	vmul.f32 $2.771281240e+01, v12  }
0x371: {  	[tilespmem:s20+$0xD480] =	vst v8;
	v8 =	vmul.f32 $2.771281240e+01, v18;
	v6 =	vadd.f32 v6, v9;
	v9 =	vld [tilespmem:s20+$0x14F0]  }
0x372: {  	[tilespmem:s20+$0xD490] =	vst v7;
	v4 =	vadd.f32 v4, v12;
	v7 =	vmul.f32 $2.771281240e+01, v19  }
0x373: {  	v3 =	vadd.f32 v3, v8;
	[tilespmem:s20+$0xD4A0] =	vst v6;
	v6 =	vmul.f32 $2.771281240e+01, v11  }
0x374: {  	[tilespmem:s20+$0xD4B0] =	vst v4;
	v4 =	vadd.f32 v5, v7;
	v5 =	vmul.f32 $2.771281240e+01, v10  }
0x375: {  	[tilespmem:s20+$0xD4C0] =	vst v3;
	v3 =	vadd.f32 v13, v6  }
0x376: {  	[tilespmem:s20+$0xD4D0] =	vst v4;
	v4 =	vadd.f32 v9, v5  }
0x377: {  	[tilespmem:s20+$0xD4E0] =	vst v3  }
0x378: {  	s19 =	simm.s32 $0x0;
	s22 =	rddreg [dreg:$0xb];
	[tilespmem:s20+$0xD4F0] =	vst v4  }
0x379: {  	[hbm4b:s22+s19] =	stream.linear.scatter [tilespmem:s18], [sflag:$0x2], $0xC000, $0x38;
	[tilespmem:$0x18080] =	vst v63  }
0x37a: {  	_ =	swait.ge [sflag:s17], $0xC000  }
0x37b: {  	[sflag:s17] =	ssyncset.done $0x0  }
0x37c: {  	s23 =	rddreg [dreg:$0xc];
	[sflag:s17] =	ssyncadd.s32 $0xFFFF4000  }
0x37d: {  	[tilespmem:s19], [sflag:$0x2] =	stream.linear.gather [hbm4b:s23+s19], $0x40, $0x38;
	[tilespmem:$0x18080] =	vst v63  }
0x37e: {  	_ =	swait.ge [sflag:s17], $0x40  }
0x37f: {  	[sflag:s17] =	ssyncset.done $0x0  }
0x380: {  	[sflag:s17] =	ssyncadd.s32 $0xFFFFFFC0  }
0x381: {  	v3 =	vld [tilespmem:$0x0];
	_ =	sdelay $0x4  }
0x382: {  	v4 =	vshrl.u32 v3, $0x3  }
0x383: {  	v4 =	vmul.u32 $0x30, v4  }
0x384: {  	v3 =	vand.u32 $0x7, v3  }
0x385: {  	v3 =	vor.u32 v3, v4  }
0x386: {  	v4 =	vperm.xlane v3, v0;
	_ =	sdelay $0x1  }
0x387: {  	v4 =	vadd.s32 v1, v4;
	_ =	sdelay $0x3  }
0x388: {  	v3 =	vperm.xlane v3, v2  }
0x389: {  	[tilespmem:s18], [sflag:$0x1] =	stream.indirect_vreg.gather [hbm4b:s1+s19], $0x80, v4, vm0, $0xb8;
	[tilespmem:$0x18080] =	vst v63  }
0x38a: {  	s21 =	simm.s32 $0xC880;
	v3 =	vadd.s32 v1, v3  }
0x38b: {  	[tilespmem:s21], [sflag:$0x1] =	stream.indirect_vreg.gather [hbm4b:s6+s19], $0x80, v4, vm0, $0xb8;
	[tilespmem:$0x18080] =	vst v63  }
0x38c: {  	s22 =	simm.s32 $0xD080  }
0x38d: {  	[tilespmem:s22], [sflag:$0x1] =	stream.indirect_vreg.gather [hbm4b:s7+s19], $0x80, v4, vm0, $0xb8;
	[tilespmem:$0x18080] =	vst v63  }
0x38e: {  	s23 =	simm.s32 $0xD880  }
0x38f: {  	[tilespmem:s23], [sflag:$0x1] =	stream.indirect_vreg.gather [hbm4b:s1+s19], $0x80, v3, vm0, $0xb8;
	[tilespmem:$0x18080] =	vst v63  }
0x390: {  	s21 =	simm.s32 $0xE080  }
0x391: {  	[tilespmem:s21], [sflag:$0x1] =	stream.indirect_vreg.gather [hbm4b:s6+s19], $0x80, v3, vm0, $0xb8;
	[tilespmem:$0x18080] =	vst v63  }
0x392: {  	s22 =	simm.s32 $0xE880  }
0x393: {  	[tilespmem:s22], [sflag:$0x1] =	stream.indirect_vreg.gather [hbm4b:s7+s19], $0x80, v3, vm0, $0xb8;
	[tilespmem:$0x18080] =	vst v63  }
0x394: {  	v3 =	vld [tilespmem:$0x10];
	_ =	sdelay $0x4  }
0x395: {  	v4 =	vshrl.u32 v3, $0x3  }
0x396: {  	v4 =	vmul.u32 $0x30, v4  }
0x397: {  	v3 =	vand.u32 $0x7, v3  }
0x398: {  	v3 =	vor.u32 v3, v4  }
0x399: {  	v4 =	vperm.xlane v3, v0;
	_ =	sdelay $0x1  }
0x39a: {  	v4 =	vadd.s32 v1, v4;
	_ =	sdelay $0x3  }
0x39b: {  	v3 =	vperm.xlane v3, v2  }
0x39c: {  	[tilespmem:s24], [sflag:$0x1] =	stream.indirect_vreg.gather [hbm4b:s1+s19], $0x80, v4, vm0, $0xb8;
	[tilespmem:$0x18080] =	vst v63  }
0x39d: {  	v3 =	vadd.s32 v1, v3  }
0x39e: {  	[tilespmem:s25], [sflag:$0x1] =	stream.indirect_vreg.gather [hbm4b:s6+s19], $0x80, v4, vm0, $0xb8;
	[tilespmem:$0x18080] =	vst v63  }
0x39f: {  	_ = 	snop  }
0x3a0: {  	[tilespmem:s26], [sflag:$0x1] =	stream.indirect_vreg.gather [hbm4b:s7+s19], $0x80, v4, vm0, $0xb8;
	[tilespmem:$0x18080] =	vst v63  }
0x3a1: {  	_ = 	snop  }
0x3a2: {  	[tilespmem:s28], [sflag:$0x1] =	stream.indirect_vreg.gather [hbm4b:s1+s19], $0x80, v3, vm0, $0xb8;
	[tilespmem:$0x18080] =	vst v63  }
0x3a3: {  	_ = 	snop  }
0x3a4: {  	[tilespmem:s29], [sflag:$0x1] =	stream.indirect_vreg.gather [hbm4b:s6+s19], $0x80, v3, vm0, $0xb8;
	[tilespmem:$0x18080] =	vst v63  }
0x3a5: {  	_ = 	snop  }
0x3a6: {  	[tilespmem:s30], [sflag:$0x1] =	stream.indirect_vreg.gather [hbm4b:s7+s19], $0x80, v3, vm0, $0xb8;
	[tilespmem:$0x18080] =	vst v63  }
0x3a7: {  	v3 =	vld [tilespmem:$0x20];
	_ =	sdelay $0x4  }
0x3a8: {  	v4 =	vshrl.u32 v3, $0x3  }
0x3a9: {  	v4 =	vmul.u32 $0x30, v4  }
0x3aa: {  	v3 =	vand.u32 $0x7, v3  }
0x3ab: {  	v3 =	vor.u32 v3, v4  }
0x3ac: {  	v4 =	vperm.xlane v3, v0;
	_ =	sdelay $0x1  }
0x3ad: {  	v4 =	vadd.s32 v1, v4;
	_ =	sdelay $0x3  }
0x3ae: {  	v3 =	vperm.xlane v3, v2  }
0x3af: {  	[tilespmem:s31], [sflag:$0x1] =	stream.indirect_vreg.gather [hbm4b:s1+s19], $0x80, v4, vm0, $0xb8;
	[tilespmem:$0x18080] =	vst v63  }
0x3b0: {  	v3 =	vadd.s32 v1, v3  }
0x3b1: {  	[tilespmem:s2], [sflag:$0x1] =	stream.indirect_vreg.gather [hbm4b:s6+s19], $0x80, v4, vm0, $0xb8;
	[tilespmem:$0x18080] =	vst v63  }
0x3b2: {  	_ = 	snop  }
0x3b3: {  	[tilespmem:s0], [sflag:$0x1] =	stream.indirect_vreg.gather [hbm4b:s7+s19], $0x80, v4, vm0, $0xb8;
	[tilespmem:$0x18080] =	vst v63  }
0x3b4: {  	_ = 	snop  }
0x3b5: {  	[tilespmem:s16], [sflag:$0x1] =	stream.indirect_vreg.gather [hbm4b:s1+s19], $0x80, v3, vm0, $0xb8;
	[tilespmem:$0x18080] =	vst v63  }
0x3b6: {  	_ = 	snop  }
0x3b7: {  	[tilespmem:s4], [sflag:$0x1] =	stream.indirect_vreg.gather [hbm4b:s6+s19], $0x80, v3, vm0, $0xb8;
	[tilespmem:$0x18080] =	vst v63  }
0x3b8: {  	_ = 	snop  }
0x3b9: {  	[tilespmem:s9], [sflag:$0x1] =	stream.indirect_vreg.gather [hbm4b:s7+s19], $0x80, v3, vm0, $0xb8;
	[tilespmem:$0x18080] =	vst v63  }
0x3ba: {  	v3 =	vld [tilespmem:$0x30];
	_ =	sdelay $0x4  }
0x3bb: {  	v4 =	vshrl.u32 v3, $0x3  }
0x3bc: {  	v4 =	vmul.u32 $0x30, v4  }
0x3bd: {  	v3 =	vand.u32 $0x7, v3  }
0x3be: {  	v3 =	vor.u32 v3, v4  }
0x3bf: {  	v4 =	vperm.xlane v3, v0;
	_ =	sdelay $0x1  }
0x3c0: {  	v4 =	vadd.s32 v1, v4;
	_ =	sdelay $0x3  }
0x3c1: {  	v3 =	vperm.xlane v3, v2  }
0x3c2: {  	[tilespmem:s10], [sflag:$0x1] =	stream.indirect_vreg.gather [hbm4b:s1+s19], $0x80, v4, vm0, $0xb8;
	[tilespmem:$0x18080] =	vst v63  }
0x3c3: {  	v3 =	vadd.s32 v1, v3  }
0x3c4: {  	[tilespmem:s11], [sflag:$0x1] =	stream.indirect_vreg.gather [hbm4b:s6+s19], $0x80, v4, vm0, $0xb8;
	[tilespmem:$0x18080] =	vst v63  }
0x3c5: {  	_ = 	snop  }
0x3c6: {  	[tilespmem:s12], [sflag:$0x1] =	stream.indirect_vreg.gather [hbm4b:s7+s19], $0x80, v4, vm0, $0xb8;
	[tilespmem:$0x18080] =	vst v63  }
0x3c7: {  	_ = 	snop  }
0x3c8: {  	[tilespmem:s13], [sflag:$0x1] =	stream.indirect_vreg.gather [hbm4b:s1+s19], $0x80, v3, vm0, $0xb8;
	[tilespmem:$0x18080] =	vst v63  }
0x3c9: {  	_ = 	snop  }
0x3ca: {  	[tilespmem:s14], [sflag:$0x1] =	stream.indirect_vreg.gather [hbm4b:s6+s19], $0x80, v3, vm0, $0xb8;
	[tilespmem:$0x18080] =	vst v63  }
0x3cb: {  	s23 =	simm.s32 $0x0  }
0x3cc: {  	[tilespmem:s15], [sflag:$0x1] =	stream.indirect_vreg.gather [hbm4b:s7+s19], $0x80, v3, vm0, $0xb8;
	[tilespmem:$0x18080] =	vst v63  }
0x3cd: {  	s20 =	smul.u32 $0x1800, s23;
	_ =	swait.ge [sflag:s5], $0xC000  }
0x3ce: {  	s21 =	sand.u32 $0x380, s19;
	[sflag:s5] =	ssyncset.done $0x0  }
0x3cf: {  	s20 =	sor.u32 s21, s20;
	[sflag:s5] =	ssyncadd.s32 $0xFFFF4000  }
0x3d0: {  	v5 =	vld [tilespmem:s20+$0x80]  }
0x3d1: {  	v24 =	vld [tilespmem:s20+$0x90]  }
0x3d2: {  	v25 =	vld [tilespmem:s20+$0xA0]  }
0x3d3: {  	v26 =	vld [tilespmem:s20+$0xB0]  }
0x3d4: {  	v27 =	vld [tilespmem:s20+$0xC0]  }
0x3d5: {  	v28 =	vld [tilespmem:s20+$0xD0]  }
0x3d6: {  	v29 =	vld [tilespmem:s20+$0xE0]  }
0x3d7: {  	v30 =	vld [tilespmem:s20+$0xF0]  }
0x3d8: {  	v31 =	vld [tilespmem:s20+$0x480]  }
0x3d9: {  	v32 =	vld [tilespmem:s20+$0x490]  }
0x3da: {  	v33 =	vld [tilespmem:s20+$0x4A0]  }
0x3db: {  	v34 =	vld [tilespmem:s20+$0x4B0]  }
0x3dc: {  	v35 =	vld [tilespmem:s20+$0x4C0]  }
0x3dd: {  	v36 =	vld [tilespmem:s20+$0x4D0]  }
0x3de: {  	v37 =	vld [tilespmem:s20+$0x4E0]  }
0x3df: {  	v38 =	vld [tilespmem:s20+$0x4F0]  }
0x3e0: {  	v39 =	vld [tilespmem:s20+$0x880]  }
0x3e1: {  	v40 =	vld [tilespmem:s20+$0x890]  }
0x3e2: {  	v41 =	vld [tilespmem:s20+$0x8A0]  }
0x3e3: {  	v42 =	vld [tilespmem:s20+$0x8B0]  }
0x3e4: {  	v43 =	vld [tilespmem:s20+$0x8C0]  }
0x3e5: {  	v44 =	vld [tilespmem:s20+$0x8D0]  }
0x3e6: {  	v45 =	vld [tilespmem:s20+$0x8E0]  }
0x3e7: {  	v46 =	vld [tilespmem:s20+$0x8F0]  }
0x3e8: {  	v47 =	vld [tilespmem:s20+$0xC80]  }
0x3e9: {  	v23 =	vld [tilespmem:s20+$0xC90]  }
0x3ea: {  	v22 =	vld [tilespmem:s20+$0xCA0]  }
0x3eb: {  	v21 =	vld [tilespmem:s20+$0xCB0]  }
0x3ec: {  	v20 =	vld [tilespmem:s20+$0xCC0]  }
0x3ed: {  	v19 =	vld [tilespmem:s20+$0xCD0]  }
0x3ee: {  	v18 =	vld [tilespmem:s20+$0xCE0]  }
0x3ef: {  	v17 =	vld [tilespmem:s20+$0xCF0]  }
0x3f0: {  	v16 =	vld [tilespmem:s20+$0x1080]  }
0x3f1: {  	v15 =	vld [tilespmem:s20+$0x1090]  }
0x3f2: {  	v14 =	vld [tilespmem:s20+$0x10A0]  }
0x3f3: {  	v13 =	vld [tilespmem:s20+$0x10B0]  }
0x3f4: {  	v12 =	vld [tilespmem:s20+$0x10C0]  }
0x3f5: {  	v11 =	vld [tilespmem:s20+$0x10D0]  }
0x3f6: {  	v10 =	vld [tilespmem:s20+$0x10E0]  }
0x3f7: {  	v9 =	vld [tilespmem:s20+$0x10F0]  }
0x3f8: {  	v8 =	vld [tilespmem:s20+$0x1480]  }
0x3f9: {  	v7 =	vld [tilespmem:s20+$0x1490]  }
0x3fa: {  	v6 =	vld [tilespmem:s20+$0x14A0]  }
0x3fb: {  	v4 =	vld [tilespmem:s20+$0x14B0]  }
0x3fc: {  	v3 =	vld [tilespmem:s20+$0x14C0]  }
0x3fd: {  	v48 =	vld [tilespmem:s20+$0xC080]  }
0x3fe: {  	v49 =	vld [tilespmem:s20+$0xC090]  }
0x3ff: {  	v50 =	vld [tilespmem:s20+$0xC0A0]  }
0x400: {  	v51 =	vld [tilespmem:s20+$0xC0B0]  }
0x401: {  	v52 =	vld [tilespmem:s20+$0xC0C0]  }
0x402: {  	v53 =	vld [tilespmem:s20+$0xC0D0]  }
0x403: {  	v54 =	vld [tilespmem:s20+$0xC0E0];
	v48 =	vmul.f32 $2.771281240e+01, v48  }
0x404: {  	v55 =	vld [tilespmem:s20+$0xC0F0];
	v49 =	vmul.f32 $2.771281240e+01, v49  }
0x405: {  	v59 =	vld [tilespmem:s20+$0xC490];
	v50 =	vmul.f32 $2.771281240e+01, v50;
	v48 =	vadd.f32 v5, v48  }
0x406: {  	v63 =	vmul.f32 $2.771281240e+01, v51;
	v51 =	vld [tilespmem:s20+$0xC480];
	v24 =	vadd.f32 v24, v49  }
0x407: {  	v56 =	vmul.f32 $2.771281240e+01, v52;
	v58 =	vmul.f32 $2.771281240e+01, v53;
	v53 =	vld [tilespmem:s20+$0xC4B0];
	v25 =	vadd.f32 v25, v50;
	[tilespmem:s20+$0xC080] =	vst v48  }
0x408: {  	v61 =	vmul.f32 $2.771281240e+01, v54;
	v54 =	vld [tilespmem:s20+$0xC4C0];
	v57 =	vadd.f32 v26, v63;
	[tilespmem:s20+$0xC090] =	vst v24  }
0x409: {  	v5 =	vld [tilespmem:s20+$0x14D0];
	v60 =	vadd.f32 v27, v56;
	[tilespmem:s20+$0xC0A0] =	vst v25  }
0x40a: {  	v62 =	vadd.f32 v28, v58;
	v63 =	vmul.f32 $2.771281240e+01, v55;
	v55 =	vmul.f32 $2.771281240e+01, v59;
	v59 =	vld [tilespmem:s20+$0xC4E0];
	[tilespmem:s20+$0xC0B0] =	vst v57  }
0x40b: {  	v50 =	vadd.f32 v29, v61;
	v61 =	vld [tilespmem:s20+$0xC4F0];
	[tilespmem:s20+$0xC0C0] =	vst v60  }
0x40c: {  	v56 =	vld [tilespmem:s20+$0xC880];
	[tilespmem:s20+$0xC0D0] =	vst v62;
	v52 =	vadd.f32 v30, v63;
	v51 =	vmul.f32 $2.771281240e+01, v51  }
0x40d: {  	v48 =	vld [tilespmem:s20+$0xC4A0];
	[tilespmem:s20+$0xC0E0] =	vst v50;
	v29 =	vadd.f32 v32, v55;
	v26 =	vmul.f32 $2.771281240e+01, v53  }
0x40e: {  	v57 =	vld [tilespmem:s20+$0xC4D0];
	v25 =	vmul.f32 $2.771281240e+01, v54;
	[tilespmem:s20+$0xC0F0] =	vst v52;
	v27 =	vadd.f32 v31, v51  }
0x40f: {  	v58 =	vld [tilespmem:s20+$0xC890];
	[tilespmem:s20+$0xC490] =	vst v29;
	v26 =	vadd.f32 v34, v26;
	v31 =	vmul.f32 $2.771281240e+01, v59  }
0x410: {  	v60 =	vld [tilespmem:s20+$0xC8A0];
	v25 =	vadd.f32 v35, v25;
	v32 =	vmul.f32 $2.771281240e+01, v61;
	[tilespmem:s20+$0xC480] =	vst v27  }
0x411: {  	v63 =	vld [tilespmem:s20+$0xC8C0];
	v24 =	vmul.f32 $2.771281240e+01, v56;
	[tilespmem:s20+$0xC4B0] =	vst v26;
	v31 =	vadd.f32 v37, v31  }
0x412: {  	v55 =	vld [tilespmem:s20+$0xCCC0];
	v28 =	vmul.f32 $2.771281240e+01, v48;
	[tilespmem:s20+$0xC4C0] =	vst v25;
	v32 =	vadd.f32 v38, v32  }
0x413: {  	v50 =	vld [tilespmem:s20+$0xC8F0];
	v30 =	vmul.f32 $2.771281240e+01, v57;
	v24 =	vadd.f32 v39, v24;
	[tilespmem:s20+$0xC4E0] =	vst v31  }
0x414: {  	v52 =	vld [tilespmem:s20+$0xCC90];
	v27 =	vmul.f32 $2.771281240e+01, v58;
	v28 =	vadd.f32 v33, v28;
	[tilespmem:s20+$0xC4F0] =	vst v32  }
0x415: {  	v51 =	vld [tilespmem:s20+$0xCC80];
	v29 =	vmul.f32 $2.771281240e+01, v60;
	v30 =	vadd.f32 v36, v30;
	[tilespmem:s20+$0xC880] =	vst v24  }
0x416: {  	v53 =	vld [tilespmem:s20+$0xCCA0];
	v26 =	vmul.f32 $2.771281240e+01, v63;
	v27 =	vadd.f32 v40, v27;
	[tilespmem:s20+$0xC4A0] =	vst v28  }
0x417: {  	v48 =	vld [tilespmem:s20+$0xC8D0];
	v61 =	vmul.f32 $2.771281240e+01, v55;
	v29 =	vadd.f32 v41, v29;
	[tilespmem:s20+$0xC4D0] =	vst v30  }
0x418: {  	v54 =	vld [tilespmem:s20+$0xCCB0];
	v26 =	vadd.f32 v43, v26;
	v31 =	vmul.f32 $2.771281240e+01, v50;
	[tilespmem:s20+$0xC890] =	vst v27  }
0x419: {  	v56 =	vld [tilespmem:s20+$0xCCD0];
	v24 =	vmul.f32 $2.771281240e+01, v52;
	v20 =	vadd.f32 v20, v61;
	[tilespmem:s20+$0xC8A0] =	vst v29  }
0x41a: {  	v62 =	vld [tilespmem:s20+$0xC8B0];
	v32 =	vmul.f32 $2.771281240e+01, v51;
	[tilespmem:s20+$0xC8C0] =	vst v26;
	v31 =	vadd.f32 v46, v31  }
0x41b: {  	v57 =	vld [tilespmem:s20+$0xCCE0];
	v27 =	vmul.f32 $2.771281240e+01, v53;
	v23 =	vadd.f32 v23, v24;
	[tilespmem:s20+$0xCCC0] =	vst v20  }
0x41c: {  	v49 =	vld [tilespmem:s20+$0xC8E0];
	v25 =	vmul.f32 $2.771281240e+01, v48;
	v32 =	vadd.f32 v47, v32;
	[tilespmem:s20+$0xC8F0] =	vst v31  }
0x41d: {  	v59 =	vld [tilespmem:s20+$0xD080];
	v29 =	vmul.f32 $2.771281240e+01, v54;
	v22 =	vadd.f32 v22, v27;
	[tilespmem:s20+$0xCC90] =	vst v23  }
0x41e: {  	v58 =	vld [tilespmem:s20+$0xCCF0];
	v26 =	vmul.f32 $2.771281240e+01, v56;
	v25 =	vadd.f32 v44, v25;
	[tilespmem:s20+$0xCC80] =	vst v32  }
0x41f: {  	v60 =	vld [tilespmem:s20+$0xD090];
	v28 =	vmul.f32 $2.771281240e+01, v62;
	v21 =	vadd.f32 v21, v29;
	[tilespmem:s20+$0xCCA0] =	vst v22  }
0x420: {  	v23 =	vld [tilespmem:s20+$0xD0A0];
	v19 =	vadd.f32 v19, v26;
	[tilespmem:s20+$0xC8D0] =	vst v25;
	v25 =	vmul.f32 $2.771281240e+01, v57  }
0x421: {  	v30 =	vmul.f32 $2.771281240e+01, v49;
	v28 =	vadd.f32 v42, v28;
	v22 =	vld [tilespmem:s20+$0xD0B0];
	[tilespmem:s20+$0xCCB0] =	vst v21  }
0x422: {  	v21 =	vld [tilespmem:s20+$0xD0C0];
	[tilespmem:s20+$0xCCD0] =	vst v19;
	v19 =	vmul.f32 $2.771281240e+01, v59;
	v18 =	vadd.f32 v18, v25  }
0x423: {  	v20 =	vld [tilespmem:s20+$0xD0D0];
	v62 =	vmul.f32 $2.771281240e+01, v58;
	v30 =	vadd.f32 v45, v30;
	[tilespmem:s20+$0xC8B0] =	vst v28  }
0x424: {  	v63 =	vld [tilespmem:s20+$0xD0E0];
	v19 =	vadd.f32 v16, v19;
	[tilespmem:s20+$0xCCE0] =	vst v18;
	v18 =	vmul.f32 $2.771281240e+01, v60  }
0x425: {  	v26 =	vadd.f32 v17, v62;
	v17 =	vld [tilespmem:s20+$0xD0F0];
	[tilespmem:s20+$0xC8E0] =	vst v30;
	v23 =	vmul.f32 $2.771281240e+01, v23  }
0x426: {  	v16 =	vld [tilespmem:s20+$0xD480];
	[tilespmem:s20+$0xD080] =	vst v19;
	v19 =	vmul.f32 $2.771281240e+01, v22;
	v18 =	vadd.f32 v15, v18  }
0x427: {  	[tilespmem:s20+$0xCCF0] =	vst v26;
	v22 =	vadd.f32 v14, v23;
	v21 =	vmul.f32 $2.771281240e+01, v21;
	v15 =	vld [tilespmem:s20+$0xD490]  }
0x428: {  	v14 =	vld [tilespmem:s20+$0xD4A0];
	[tilespmem:s20+$0xD090] =	vst v18;
	v18 =	vadd.f32 v13, v19;
	v19 =	vmul.f32 $2.771281240e+01, v20  }
0x429: {  	s21 =	simm.s32 $0x1;
	[tilespmem:s20+$0xD0A0] =	vst v22;
	v20 =	vadd.f32 v12, v21;
	v13 =	vmul.f32 $2.771281240e+01, v63;
	v12 =	vld [tilespmem:s20+$0xD4B0]  }
.LBB2_8:
0x42a: {  	p0 =	sne.s32 s21, $0x3F;
	[tilespmem:s20+$0xD0B0] =	vst v18;
	v11 =	vadd.f32 v11, v19;
	v17 =	vmul.f32 $2.771281240e+01, v17;
	v18 =	vld [tilespmem:s20+$0xD4C0]  }
0x42b: {  	[tilespmem:s20+$0xD0C0] =	vst v20;
	v10 =	vadd.f32 v10, v13;
	v13 =	vmul.f32 $2.771281240e+01, v16;
	v16 =	vld [tilespmem:s20+$0xD4D0]  }
0x42c: {  	s22 =	sshrl.u32 s21, $0x3;
	[tilespmem:s20+$0xD0D0] =	vst v11;
	v9 =	vadd.f32 v9, v17;
	v11 =	vmul.f32 $2.771281240e+01, v15;
	v15 =	vld [tilespmem:s20+$0xD4E0]  }
0x42d: {  	s19 =	sadd.s32 $0x80, s19;
	s22 =	smul.u32 $0x1800, s22;
	[tilespmem:s20+$0xD0E0] =	vst v10;
	v8 =	vadd.f32 v8, v13;
	v10 =	vmul.f32 $2.771281240e+01, v14;
	v13 =	vld [tilespmem:s20+$0xD4F0]  }
0x42e: {  	s23 =	sand.u32 $0x380, s19;
	[tilespmem:s20+$0xD0F0] =	vst v9;
	v7 =	vadd.f32 v7, v11;
	v9 =	vmul.f32 $2.771281240e+01, v12;
	v11 =	vld [tilespmem:s20+$0x14E0]  }
0x42f: {  	s22 =	sor.u32 s23, s22;
	[tilespmem:s20+$0xD480] =	vst v8;
	v6 =	vadd.f32 v6, v10;
	v8 =	vmul.f32 $2.771281240e+01, v18;
	v10 =	vld [tilespmem:s20+$0x14F0]  }
0x430: {  	v41 =	vld [tilespmem:s22+$0x80];
	[tilespmem:s20+$0xD490] =	vst v7;
	v4 =	vadd.f32 v4, v9;
	v7 =	vmul.f32 $2.771281240e+01, v16  }
0x431: {  	v42 =	vld [tilespmem:s22+$0x90];
	[tilespmem:s20+$0xD4A0] =	vst v6;
	v3 =	vadd.f32 v3, v8;
	v6 =	vmul.f32 $2.771281240e+01, v15  }
0x432: {  	v43 =	vld [tilespmem:s22+$0xA0];
	[tilespmem:s20+$0xD4B0] =	vst v4;
	v4 =	vadd.f32 v5, v7;
	v5 =	vmul.f32 $2.771281240e+01, v13  }
0x433: {  	v44 =	vld [tilespmem:s22+$0xB0];
	[tilespmem:s20+$0xD4C0] =	vst v3;
	v3 =	vadd.f32 v11, v6  }
0x434: {  	v45 =	vld [tilespmem:s22+$0xC0];
	[tilespmem:s20+$0xD4D0] =	vst v4;
	v4 =	vadd.f32 v10, v5  }
0x435: {  	v46 =	vld [tilespmem:s22+$0xD0];
	[tilespmem:s20+$0xD4E0] =	vst v3  }
0x436: {  	v47 =	vld [tilespmem:s22+$0xE0];
	[tilespmem:s20+$0xD4F0] =	vst v4;
	s20 =	smov.u32 s22  }
0x437: {  	v48 =	vld [tilespmem:s20+$0xF0]  }
0x438: {  	v40 =	vld [tilespmem:s20+$0x480]  }
0x439: {  	v39 =	vld [tilespmem:s20+$0x490]  }
0x43a: {  	v38 =	vld [tilespmem:s20+$0x4A0]  }
0x43b: {  	v37 =	vld [tilespmem:s20+$0x4B0]  }
0x43c: {  	v36 =	vld [tilespmem:s20+$0x4C0]  }
0x43d: {  	v35 =	vld [tilespmem:s20+$0x4D0]  }
0x43e: {  	v34 =	vld [tilespmem:s20+$0x4E0]  }
0x43f: {  	v33 =	vld [tilespmem:s20+$0x4F0]  }
0x440: {  	v32 =	vld [tilespmem:s20+$0x880]  }
0x441: {  	v31 =	vld [tilespmem:s20+$0x890]  }
0x442: {  	v30 =	vld [tilespmem:s20+$0x8A0]  }
0x443: {  	v29 =	vld [tilespmem:s20+$0x8B0]  }
0x444: {  	v28 =	vld [tilespmem:s20+$0x8C0]  }
0x445: {  	v27 =	vld [tilespmem:s20+$0x8D0]  }
0x446: {  	v26 =	vld [tilespmem:s20+$0x8E0]  }
0x447: {  	v25 =	vld [tilespmem:s20+$0x8F0]  }
0x448: {  	v24 =	vld [tilespmem:s20+$0xC80]  }
0x449: {  	v23 =	vld [tilespmem:s20+$0xC90]  }
0x44a: {  	v22 =	vld [tilespmem:s20+$0xCA0]  }
0x44b: {  	v21 =	vld [tilespmem:s20+$0xCB0]  }
0x44c: {  	v20 =	vld [tilespmem:s20+$0xCC0]  }
0x44d: {  	v19 =	vld [tilespmem:s20+$0xCD0]  }
0x44e: {  	v18 =	vld [tilespmem:s20+$0xCE0]  }
0x44f: {  	v17 =	vld [tilespmem:s20+$0xCF0]  }
0x450: {  	v16 =	vld [tilespmem:s20+$0x1080]  }
0x451: {  	v15 =	vld [tilespmem:s20+$0x1090]  }
0x452: {  	v14 =	vld [tilespmem:s20+$0x10A0]  }
0x453: {  	v13 =	vld [tilespmem:s20+$0x10B0]  }
0x454: {  	v12 =	vld [tilespmem:s20+$0x10C0]  }
0x455: {  	v11 =	vld [tilespmem:s20+$0x10D0]  }
0x456: {  	v10 =	vld [tilespmem:s20+$0x10E0]  }
0x457: {  	v9 =	vld [tilespmem:s20+$0x10F0]  }
0x458: {  	v8 =	vld [tilespmem:s20+$0x1480]  }
0x459: {  	v7 =	vld [tilespmem:s20+$0x1490]  }
0x45a: {  	v6 =	vld [tilespmem:s20+$0x14A0]  }
0x45b: {  	v4 =	vld [tilespmem:s20+$0x14B0]  }
0x45c: {  	v3 =	vld [tilespmem:s20+$0x14C0]  }
0x45d: {  	v5 =	vld [tilespmem:s20+$0x14D0]  }
0x45e: {  	v49 =	vld [tilespmem:s20+$0xC080]  }
0x45f: {  	v50 =	vld [tilespmem:s20+$0xC090]  }
0x460: {  	v51 =	vld [tilespmem:s20+$0xC0A0]  }
0x461: {  	v52 =	vld [tilespmem:s20+$0xC0B0]  }
0x462: {  	v53 =	vld [tilespmem:s20+$0xC0C0]  }
0x463: {  	v49 =	vmul.f32 $2.771281240e+01, v49;
	v54 =	vld [tilespmem:s20+$0xC0D0]  }
0x464: {  	v50 =	vmul.f32 $2.771281240e+01, v50;
	v55 =	vld [tilespmem:s20+$0xC0E0]  }
0x465: {  	v41 =	vadd.f32 v41, v49;
	v49 =	vmul.f32 $2.771281240e+01, v51;
	v51 =	vld [tilespmem:s20+$0xC0F0]  }
0x466: {  	v42 =	vadd.f32 v42, v50;
	v50 =	vmul.f32 $2.771281240e+01, v52;
	v52 =	vld [tilespmem:s20+$0xC480]  }
0x467: {  	[tilespmem:s20+$0xC080] =	vst v41;
	v41 =	vadd.f32 v43, v49;
	v43 =	vmul.f32 $2.771281240e+01, v53;
	v49 =	vld [tilespmem:s20+$0xC490]  }
0x468: {  	[tilespmem:s20+$0xC090] =	vst v42;
	v42 =	vadd.f32 v44, v50;
	v44 =	vmul.f32 $2.771281240e+01, v54;
	v50 =	vld [tilespmem:s20+$0xC4A0]  }
0x469: {  	[tilespmem:s20+$0xC0A0] =	vst v41;
	v41 =	vadd.f32 v45, v43;
	v43 =	vmul.f32 $2.771281240e+01, v55;
	v45 =	vld [tilespmem:s20+$0xC4B0]  }
0x46a: {  	[tilespmem:s20+$0xC0B0] =	vst v42;
	v42 =	vadd.f32 v46, v44;
	v44 =	vmul.f32 $2.771281240e+01, v51;
	v46 =	vld [tilespmem:s20+$0xC4C0]  }
0x46b: {  	[tilespmem:s20+$0xC0C0] =	vst v41;
	v41 =	vadd.f32 v47, v43;
	v43 =	vmul.f32 $2.771281240e+01, v52;
	v47 =	vld [tilespmem:s20+$0xC4D0]  }
0x46c: {  	[tilespmem:s20+$0xC0D0] =	vst v42;
	v42 =	vadd.f32 v48, v44;
	v44 =	vmul.f32 $2.771281240e+01, v49;
	v48 =	vld [tilespmem:s20+$0xC4E0]  }
0x46d: {  	[tilespmem:s20+$0xC0E0] =	vst v41;
	v40 =	vadd.f32 v40, v43;
	v41 =	vmul.f32 $2.771281240e+01, v50;
	v43 =	vld [tilespmem:s20+$0xC4F0]  }
0x46e: {  	[tilespmem:s20+$0xC0F0] =	vst v42;
	v39 =	vadd.f32 v39, v44;
	v42 =	vmul.f32 $2.771281240e+01, v45;
	v44 =	vld [tilespmem:s20+$0xC880]  }
0x46f: {  	[tilespmem:s20+$0xC480] =	vst v40;
	v38 =	vadd.f32 v38, v41;
	v40 =	vmul.f32 $2.771281240e+01, v46;
	v41 =	vld [tilespmem:s20+$0xC890]  }
0x470: {  	[tilespmem:s20+$0xC490] =	vst v39;
	v37 =	vadd.f32 v37, v42;
	v39 =	vmul.f32 $2.771281240e+01, v47;
	v42 =	vld [tilespmem:s20+$0xC8A0]  }
0x471: {  	[tilespmem:s20+$0xC4A0] =	vst v38;
	v36 =	vadd.f32 v36, v40;
	v38 =	vmul.f32 $2.771281240e+01, v48;
	v40 =	vld [tilespmem:s20+$0xC8B0]  }
0x472: {  	[tilespmem:s20+$0xC4B0] =	vst v37;
	v35 =	vadd.f32 v35, v39;
	v37 =	vmul.f32 $2.771281240e+01, v43;
	v39 =	vld [tilespmem:s20+$0xC8C0]  }
0x473: {  	[tilespmem:s20+$0xC4C0] =	vst v36;
	v34 =	vadd.f32 v34, v38;
	v36 =	vmul.f32 $2.771281240e+01, v44;
	v38 =	vld [tilespmem:s20+$0xC8D0]  }
0x474: {  	[tilespmem:s20+$0xC4D0] =	vst v35;
	v33 =	vadd.f32 v33, v37;
	v35 =	vmul.f32 $2.771281240e+01, v41;
	v37 =	vld [tilespmem:s20+$0xC8E0]  }
0x475: {  	[tilespmem:s20+$0xC4E0] =	vst v34;
	v32 =	vadd.f32 v32, v36;
	v34 =	vmul.f32 $2.771281240e+01, v42;
	v36 =	vld [tilespmem:s20+$0xC8F0]  }
0x476: {  	[tilespmem:s20+$0xC4F0] =	vst v33;
	v31 =	vadd.f32 v31, v35;
	v33 =	vmul.f32 $2.771281240e+01, v40;
	v35 =	vld [tilespmem:s20+$0xCC80]  }
0x477: {  	[tilespmem:s20+$0xC880] =	vst v32;
	v30 =	vadd.f32 v30, v34;
	v32 =	vmul.f32 $2.771281240e+01, v39;
	v34 =	vld [tilespmem:s20+$0xCC90]  }
0x478: {  	[tilespmem:s20+$0xC890] =	vst v31;
	v29 =	vadd.f32 v29, v33;
	v31 =	vmul.f32 $2.771281240e+01, v38;
	v33 =	vld [tilespmem:s20+$0xCCA0]  }
0x479: {  	[tilespmem:s20+$0xC8A0] =	vst v30;
	v28 =	vadd.f32 v28, v32;
	v30 =	vmul.f32 $2.771281240e+01, v37;
	v32 =	vld [tilespmem:s20+$0xCCB0]  }
0x47a: {  	[tilespmem:s20+$0xC8B0] =	vst v29;
	v27 =	vadd.f32 v27, v31;
	v29 =	vmul.f32 $2.771281240e+01, v36;
	v31 =	vld [tilespmem:s20+$0xCCC0]  }
0x47b: {  	[tilespmem:s20+$0xC8C0] =	vst v28;
	v26 =	vadd.f32 v26, v30;
	v28 =	vmul.f32 $2.771281240e+01, v35;
	v30 =	vld [tilespmem:s20+$0xCCD0]  }
0x47c: {  	[tilespmem:s20+$0xC8D0] =	vst v27;
	v25 =	vadd.f32 v25, v29;
	v27 =	vmul.f32 $2.771281240e+01, v34;
	v29 =	vld [tilespmem:s20+$0xCCE0]  }
0x47d: {  	[tilespmem:s20+$0xC8E0] =	vst v26;
	v24 =	vadd.f32 v24, v28;
	v26 =	vmul.f32 $2.771281240e+01, v33;
	v28 =	vld [tilespmem:s20+$0xCCF0]  }
0x47e: {  	[tilespmem:s20+$0xC8F0] =	vst v25;
	v23 =	vadd.f32 v23, v27;
	v25 =	vmul.f32 $2.771281240e+01, v32;
	v27 =	vld [tilespmem:s20+$0xD080]  }
0x47f: {  	[tilespmem:s20+$0xCC80] =	vst v24;
	v22 =	vadd.f32 v22, v26;
	v24 =	vmul.f32 $2.771281240e+01, v31;
	v26 =	vld [tilespmem:s20+$0xD090]  }
0x480: {  	[tilespmem:s20+$0xCC90] =	vst v23;
	v21 =	vadd.f32 v21, v25;
	v23 =	vmul.f32 $2.771281240e+01, v30;
	v25 =	vld [tilespmem:s20+$0xD0A0]  }
0x481: {  	[tilespmem:s20+$0xCCA0] =	vst v22;
	v20 =	vadd.f32 v20, v24;
	v22 =	vmul.f32 $2.771281240e+01, v29;
	v24 =	vld [tilespmem:s20+$0xD0B0]  }
0x482: {  	[tilespmem:s20+$0xCCB0] =	vst v21;
	v19 =	vadd.f32 v19, v23;
	v21 =	vmul.f32 $2.771281240e+01, v28;
	v23 =	vld [tilespmem:s20+$0xD0C0]  }
0x483: {  	[tilespmem:s20+$0xCCC0] =	vst v20;
	v18 =	vadd.f32 v18, v22;
	v20 =	vmul.f32 $2.771281240e+01, v27;
	v22 =	vld [tilespmem:s20+$0xD0D0]  }
0x484: {  	[tilespmem:s20+$0xCCD0] =	vst v19;
	v19 =	vadd.f32 v17, v21;
	v21 =	vmul.f32 $2.771281240e+01, v26;
	v26 =	vld [tilespmem:s20+$0xD0E0]  }
.Ltmp3:
0x485: {  	[tilespmem:s20+$0xCCE0] =	vst v18;
	v18 =	vadd.f32 v16, v20;
	v20 =	vmul.f32 $2.771281240e+01, v25;
	v17 =	vld [tilespmem:s20+$0xD0F0];
	(pc) =	sbr.rel @p0 .LBB2_8-.Ltmp3, $4  }
0x486: {  	[tilespmem:s20+$0xCCF0] =	vst v19;
	v19 =	vadd.f32 v15, v21;
	v21 =	vmul.f32 $2.771281240e+01, v24;
	v16 =	vld [tilespmem:s20+$0xD480]  }
0x487: {  	[tilespmem:s20+$0xD080] =	vst v18;
	v20 =	vadd.f32 v14, v20;
	v23 =	vmul.f32 $2.771281240e+01, v23;
	v15 =	vld [tilespmem:s20+$0xD490]  }
0x488: {  	[tilespmem:s20+$0xD090] =	vst v19;
	v18 =	vadd.f32 v13, v21;
	v19 =	vmul.f32 $2.771281240e+01, v22;
	v14 =	vld [tilespmem:s20+$0xD4A0]  }
0x489: {  	s21 =	sadd.s32 $0x1, s21;
	[tilespmem:s20+$0xD0A0] =	vst v20;
	v20 =	vadd.f32 v12, v23;
	v13 =	vmul.f32 $2.771281240e+01, v26;
	v12 =	vld [tilespmem:s20+$0xD4B0]  }
0x48a: {  	[tilespmem:s20+$0xD0B0] =	vst v18;
	v50 =	vld [tilespmem:s20+$0xD4C0];
	v11 =	vadd.f32 v11, v19;
	v17 =	vmul.f32 $2.771281240e+01, v17  }
0x48b: {  	v51 =	vld [tilespmem:s20+$0xD4D0];
	[tilespmem:s20+$0xD0C0] =	vst v20;
	v10 =	vadd.f32 v10, v13;
	v53 =	vmul.f32 $2.771281240e+01, v16  }
0x48c: {  	v54 =	vld [tilespmem:s20+$0xD4F0];
	[tilespmem:s20+$0xD0D0] =	vst v11;
	v9 =	vadd.f32 v9, v17;
	v15 =	vmul.f32 $2.771281240e+01, v15  }
0x48d: {  	v52 =	vld [tilespmem:s20+$0xD4E0];
	[tilespmem:s20+$0xD0E0] =	vst v10;
	v8 =	vadd.f32 v8, v53;
	v55 =	vmul.f32 $2.771281240e+01, v14  }
0x48e: {  	v58 =	vld [tilespmem:s20+$0x14F0];
	[tilespmem:s20+$0xD0F0] =	vst v9;
	v7 =	vadd.f32 v7, v15;
	v12 =	vmul.f32 $2.771281240e+01, v12  }
0x48f: {  	v56 =	vld [tilespmem:s20+$0x14E0];
	[tilespmem:s20+$0xD480] =	vst v8;
	v6 =	vadd.f32 v6, v55;
	v57 =	vmul.f32 $2.771281240e+01, v50  }
0x490: {  	v59 =	vmul.f32 $2.771281240e+01, v51;
	[tilespmem:s20+$0xD490] =	vst v7;
	v4 =	vadd.f32 v4, v12  }
0x491: {  	v62 =	vmul.f32 $2.771281240e+01, v54;
	[tilespmem:s20+$0xD4A0] =	vst v6;
	v3 =	vadd.f32 v3, v57  }
0x492: {  	v60 =	vmul.f32 $2.771281240e+01, v52;
	v61 =	vadd.f32 v5, v59;
	[tilespmem:s20+$0xD4B0] =	vst v4  }
0x493: {  	v63 =	vadd.f32 v58, v62;
	[tilespmem:s20+$0xD4C0] =	vst v3  }
0x494: {  	v3 =	vadd.f32 v56, v60;
	[tilespmem:s20+$0xD4D0] =	vst v61  }
0x495: {  	[tilespmem:s20+$0xD4F0] =	vst v63  }
0x496: {  	s19 =	rddreg [dreg:$0xd];
	[tilespmem:s20+$0xD4E0] =	vst v3  }
0x497: {  	[hbm4b:s19+s3] =	stream.linear.scatter [tilespmem:s18], [sflag:$0x2], $0xC000, $0x38;
	[tilespmem:$0x18080] =	vst v63  }
0x498: {  	_ =	swait.ge [sflag:s17], $0xC000  }
0x499: {  	s8 =	sadd.s32 $0x1, s8;
	s23 =	rddreg [dreg:$0xe]  }
0x49a: {  	p0 =	sne.s32 s8, s23  }
.Ltmp4:
0x49b: {  	_ = 	snop;
	(pc) =	sbr.rel @p0 .LBB2_1-.Ltmp4, $3  }
0x49c: {  	_ =	sdelay $0x1  }
0x49d: {  	[sflag:s17] =	ssyncset.done $0x0  }
0x49e: {  	[sflag:s17] =	ssyncadd.s32 $0xFFFF4000  }
0x49f: {  	_ =	sfence.sel $0x180000  }
0x4a0: {  	[bflag:$0x0] =	sbarrier.arrive $0xFFFF  }
0x4a1: {  	_ =	strace $0x90000047  }
0x4a2: {  	s0 =	stileid.u32;
	[bflag:$0x2] =	sbarrier.arrive $0xFFFF  }
0x4a3: {  	p0 =	sne.s32 s0, $0x0;
	s0 =	rddreg [dreg:$0x4]  }
0x4a4: {  	s0 =	sadd.s32 @!p0 $0x100000, s0  }
0x4a5: {  	[sflag:s0] =	ssyncadd.tile.s32 @!p0 $0x1;
	_ =	shalt  }
.Lfunc_end2:
_tile_overlayer_lowered:
.L_overlay_start_2:
0x4a6: {  	(tag) =	ssettag $0x2  }
0x4a7: {  	s0 =	rddreg [dreg:$0x0];
	s2 =	stileid.u32  }
0x4a8: {  	s1 =	rddreg [dreg:$0x1];
	p0 =	sne.s32 s2, $0x0  }
0x4a9: {  	s3 =	rddreg [dreg:$0x2];
	[bflag:$0x3] =	sbarrier.arrive $0xFFFF;
	s2 =	simm.s32 @!p0 $0x1C02  }
0x4aa: {  	[timem:s3], [sflag:s2] =	dma.local @!p0 [hbm:s0], s1  }
0x4ab: {  	s0 =	simm.s32 @!p0 $0x2  }
0x4ac: {  	_ =	swait.ge @!p0 [sflag:s0], s1  }
0x4ad: {  	s1 =	ssub.s32 @!p0 $0x0, s1;
	[sflag:s0] =	ssyncset.done @!p0 $0x0  }
0x4ae: {  	[sflag:s0] =	ssyncadd.s32 @!p0 s1  }
0x4af: {  	[bflag:$0x3] =	sbarrier.arrive $0xFFFF  }
0x4b0: {  	_ =	shalt  }

</sc_bundles>
